<compile_context>
chip_gen: v7x
topology: tpu7x:2x2x1
jax: 0.10.2.dev20260603
libtpu: 0.0.44.dev20260713+nightly
codegen_flags: <defaults>
</compile_context>

<pallas_src>
import functools

import jax
import jax.numpy as jnp
from jax import lax
from jax.experimental import pallas as pl
from jax.experimental.pallas import tpu as pltpu
from jax.experimental.pallas import tpu_sc as plsc

VOCAB = 1000000
SEQ_LEN = 2048
EMBED_DIM = 64
BATCH = 4
TOTAL = BATCH * SEQ_LEN
NUM_WORKERS = 32
ROWS_PER_W = TOTAL // NUM_WORKERS
LANES = 16
BCOL = 128
DEPTH = 8
N_HALF = ROWS_PER_W // DEPTH


def _body(idx_hbm, tok_hbm, pos_hbm, out_hbm,
          idx_v, blocks_v, pos_v, out2_v, *sems):
    sem_out = sems[DEPTH:]
    wid = lax.axis_index("s") * 2 + lax.axis_index("c")
    base = wid * ROWS_PER_W
    pos_base = lax.rem(base, SEQ_LEN)

    pltpu.sync_copy(idx_hbm.at[pl.ds(base, ROWS_PER_W)],
                    idx_v.at[pl.ds(0, ROWS_PER_W)])
    pltpu.sync_copy(pos_hbm.at[pl.ds(pos_base, ROWS_PER_W)], pos_v)

    lanes_c = lax.iota(jnp.int32, LANES)

    def fire(i, slot):
        b = lax.shift_right_logical(i, 7)
        pltpu.async_copy(tok_hbm.at[:, pl.ds(b * BCOL, BCOL)],
                         blocks_v.at[slot], sems[slot])

    def extract(j, jj, i, buf):
        col = lax.bitwise_and(i, BCOL - 1)
        pltpu.make_async_copy(tok_hbm.at[:, pl.ds(0, BCOL)],
                              blocks_v.at[jj], sems[jj]).wait()
        colv = lax.broadcast(col, (LANES,))
        slotv = lax.broadcast(jnp.int32(jj), (LANES,))
        for c in range(EMBED_DIM // LANES):
            sl = pl.ds(c * LANES, LANES)
            vals = plsc.load_gather(
                blocks_v, [slotv, lanes_c + c * LANES, colv])
            out2_v[buf, jj, sl] = vals + pos_v[j, sl]

    def flush(h, buf):
        pltpu.async_copy(out2_v.at[buf],
                         out_hbm.at[pl.ds(base + h * DEPTH, DEPTH)],
                         sem_out[buf])

    def drain_flush(buf):
        pltpu.make_async_copy(out2_v.at[buf],
                              out_hbm.at[pl.ds(0, DEPTH)],
                              sem_out[buf]).wait()

    idx16 = idx_v[pl.ds(0, LANES)]
    for jj in range(DEPTH):
        fire(idx16[jj], jj)

    def run_half(h, buf):
        j0 = h * DEPTH
        cur16 = idx_v[pl.ds(j0, LANES)]
        nxt16 = idx_v[pl.ds(j0 + DEPTH, LANES)]
        for jj in range(DEPTH):
            extract(j0 + jj, jj, cur16[jj], buf)
            fire(nxt16[jj], jj)
        flush(h, buf)

    def pair_fn(h2, carry):
        @pl.when(h2 >= 1)
        def _():
            drain_flush(0)
        run_half(2 * h2, 0)

        @pl.when(h2 >= 1)
        def _():
            drain_flush(1)
        run_half(2 * h2 + 1, 1)
        return carry

    lax.fori_loop(0, (N_HALF - 2) // 2, pair_fn, 0)

    h = N_HALF - 2
    drain_flush(0)
    run_half(h, 0)

    h = N_HALF - 1
    j0 = h * DEPTH
    last16 = idx_v[pl.ds(j0, LANES)]
    drain_flush(1)
    for jj in range(DEPTH):
        extract(j0 + jj, jj, last16[jj], 1)
    flush(h, 1)
    drain_flush(0)
    drain_flush(1)


@jax.jit
def _run(idx, tok_t, position_table):
    mesh = plsc.VectorSubcoreMesh(core_axis_name="c", subcore_axis_name="s")
    f = functools.partial(
        pl.kernel,
        out_type=jax.ShapeDtypeStruct((TOTAL, EMBED_DIM), jnp.float32),
        mesh=mesh,
        scratch_types=[
            pltpu.VMEM((ROWS_PER_W + LANES,), jnp.int32),
            pltpu.VMEM((DEPTH, EMBED_DIM, BCOL), jnp.float32),
            pltpu.VMEM((ROWS_PER_W, EMBED_DIM), jnp.float32),
            pltpu.VMEM((2, DEPTH, EMBED_DIM), jnp.float32),
        ] + [pltpu.SemaphoreType.DMA] * (DEPTH + 2),
        compiler_params=pltpu.CompilerParams(needs_layout_passes=False),
    )(_body)
    return f(idx, tok_t, position_table)


def kernel(inputs, token_table, position_table):
    idx = inputs.astype(jnp.int32).reshape(TOTAL)
    tok_t = token_table.T
    out = _run(idx, tok_t, position_table)
    return out.reshape(BATCH, SEQ_LEN, EMBED_DIM)

# --- scband reference (transcript-rebuilt; emitter-appended) ---
"""Pipeline reference for scband-positional-embedding-1245540516187 (READ-ONLY COPY).

The authoritative reference and input builder live on the scoring server;
editing this copy changes nothing except your own understanding.
"""

import jax, jax.numpy as jnp
import numpy as np

VOCAB = 1000000
SEQ_LEN = 2048
EMBED_DIM = 64

def setup_inputs(seed: int = 0) -> dict:
    key = jax.random.key(seed)
    k1, k2, k3 = jax.random.split(key, 3)
    inputs = jax.random.randint(k1, (4, 2048), 0, VOCAB, dtype=jnp.int64 if jax.config.jax_enable_x64 else jnp.int32)
    token_table = jax.random.normal(k2, (VOCAB, EMBED_DIM), dtype=jnp.float32) * 0.02
    position_table = jax.random.normal(k3, (SEQ_LEN, EMBED_DIM), dtype=jnp.float32) * 0.02
    return {"inputs": inputs, "token_table": token_table, "position_table": position_table}

def reference(inputs, token_table, position_table):
    length = inputs.shape[-1]
    positions = jnp.arange(0, length)
    embedded_tokens = jnp.take(token_table, inputs, axis=0)
    embedded_positions = jnp.take(position_table, positions, axis=0)
    return embedded_tokens + embedded_positions

if __name__ == "__main__":
    import jax
    _d = setup_inputs()
    print(jax.jit(kernel)(*tuple(_d.values())))

</pallas_src>

<mosaic_0001>
#map = affine_map<(d0, d1) -> (0)>
#map1 = affine_map<(d0, d1) -> (0, 0)>
module attributes {stable_mosaic.version = 14 : i64} {
  func.func @_body(%arg0: i32, %arg1: i32, %arg2: memref<8192xi32, #tpu.memory_space<hbm>>, %arg3: memref<64x1000000xf32, #tpu.memory_space<hbm>>, %arg4: memref<2048x64xf32, #tpu.memory_space<hbm>>, %arg5: memref<8192x64xf32, #tpu.memory_space<hbm>>, %arg6: memref<272xi32, #tpu.memory_space<vmem>>, %arg7: memref<8x64x128xf32, #tpu.memory_space<vmem>>, %arg8: memref<256x64xf32, #tpu.memory_space<vmem>>, %arg9: memref<2x8x64xf32, #tpu.memory_space<vmem>>, %arg10: memref<!tpu.dma_semaphore, #tpu.memory_space<semaphore_mem>>, %arg11: memref<!tpu.dma_semaphore, #tpu.memory_space<semaphore_mem>>, %arg12: memref<!tpu.dma_semaphore, #tpu.memory_space<semaphore_mem>>, %arg13: memref<!tpu.dma_semaphore, #tpu.memory_space<semaphore_mem>>, %arg14: memref<!tpu.dma_semaphore, #tpu.memory_space<semaphore_mem>>, %arg15: memref<!tpu.dma_semaphore, #tpu.memory_space<semaphore_mem>>, %arg16: memref<!tpu.dma_semaphore, #tpu.memory_space<semaphore_mem>>, %arg17: memref<!tpu.dma_semaphore, #tpu.memory_space<semaphore_mem>>, %arg18: memref<!tpu.dma_semaphore, #tpu.memory_space<semaphore_mem>>, %arg19: memref<!tpu.dma_semaphore, #tpu.memory_space<semaphore_mem>>) attributes {dimension_semantics = [#tpu.dimension_semantics<core_parallel>, #tpu.dimension_semantics<subcore_parallel>], iteration_bounds = array<i64: 2, 16>, scalar_prefetch = 0 : i64, scratch_operands = 14 : i64, tpu.core_type = #tpu.core_type<sc_vector_subcore>, window_params = [{transform_indices = #map}, {transform_indices = #map1}, {transform_indices = #map1}, {transform_indices = #map1}]} {
    %mul3A = arith.constant 2 : i32
    %mul3A_0 = arith.muli %arg1, %mul3A : i32
    %add3A = arith.addi %mul3A_0, %arg0 : i32
    %mul3A_1 = arith.constant 256 : i32
    %mul3A_2 = arith.muli %add3A, %mul3A_1 : i32
    %rem3A = arith.constant 2048 : i32
    %rem3A_3 = arith.remsi %mul3A_2, %rem3A : i32
    "tpu.region"() ({
      %run_scoped3A = tpu.sem_alloc : memref<!tpu.dma_semaphore, #tpu.memory_space<semaphore_mem>>
      %dma_start3A_1713 = arith.constant 0 : i32
      %dma_start3A_1714 = tpu.memref_slice %arg6[%dma_start3A_1713] : memref<272xi32, #tpu.memory_space<vmem>> -> memref<256xi32, #tpu.memory_space<vmem>>
      %dma_start3A_1715 = tpu.memref_slice %arg2[%mul3A_2] : memref<8192xi32, #tpu.memory_space<hbm>> -> memref<256xi32, #tpu.memory_space<hbm>>
      %dma_start3A_1716 = arith.constant 0 : i32
      %dma_start3A_1717 = tpu.memref_slice %arg6[%dma_start3A_1716] : memref<272xi32, #tpu.memory_space<vmem>> -> memref<256xi32, #tpu.memory_space<vmem>>
      %dma_start3A_1718 = tpu.memref_slice %arg2[%mul3A_2] : memref<8192xi32, #tpu.memory_space<hbm>> -> memref<256xi32, #tpu.memory_space<hbm>>
      tpu.enqueue_dma source(%dma_start3A_1718 : memref<256xi32, #tpu.memory_space<hbm>>) target(%dma_start3A_1717 : memref<256xi32, #tpu.memory_space<vmem>>) target_semaphore(%run_scoped3A : memref<!tpu.dma_semaphore, #tpu.memory_space<semaphore_mem>>)
      %dma_wait3A_1719 = arith.constant 0 : i32
      %dma_wait3A_1720 = tpu.memref_slice %arg6[%dma_wait3A_1719] : memref<272xi32, #tpu.memory_space<vmem>> -> memref<256xi32, #tpu.memory_space<vmem>>
      %dma_wait3A_1721 = tpu.memref_slice %arg2[%mul3A_2] : memref<8192xi32, #tpu.memory_space<hbm>> -> memref<256xi32, #tpu.memory_space<hbm>>
      %dma_wait3A_1722 = arith.constant 0 : i32
      %dma_wait3A_1723 = tpu.memref_slice %arg6[%dma_wait3A_1722] : memref<272xi32, #tpu.memory_space<vmem>> -> memref<256xi32, #tpu.memory_space<vmem>>
      %dma_wait3A_1724 = tpu.memref_slice %arg2[%mul3A_2] : memref<8192xi32, #tpu.memory_space<hbm>> -> memref<256xi32, #tpu.memory_space<hbm>>
      tpu.wait_dma2 semaphore(%run_scoped3A : memref<!tpu.dma_semaphore, #tpu.memory_space<semaphore_mem>>) src(%dma_wait3A_1724 : memref<256xi32, #tpu.memory_space<hbm>>) dst(%dma_wait3A_1723 : memref<256xi32, #tpu.memory_space<vmem>>)
      tpu.yield
    }) : () -> ()
    "tpu.region"() ({
      %run_scoped3A = tpu.sem_alloc : memref<!tpu.dma_semaphore, #tpu.memory_space<semaphore_mem>>
      %dma_start3A_1713 = arith.constant 0 : i32
      %dma_start3A_1714 = tpu.memref_slice %arg4[%rem3A_3, %dma_start3A_1713] : memref<2048x64xf32, #tpu.memory_space<hbm>> -> memref<256x64xf32, #tpu.memory_space<hbm>>
      %dma_start3A_1715 = arith.constant 0 : i32
      %dma_start3A_1716 = tpu.memref_slice %arg4[%rem3A_3, %dma_start3A_1715] : memref<2048x64xf32, #tpu.memory_space<hbm>> -> memref<256x64xf32, #tpu.memory_space<hbm>>
      tpu.enqueue_dma source(%dma_start3A_1716 : memref<256x64xf32, #tpu.memory_space<hbm>>) target(%arg8 : memref<256x64xf32, #tpu.memory_space<vmem>>) target_semaphore(%run_scoped3A : memref<!tpu.dma_semaphore, #tpu.memory_space<semaphore_mem>>)
      %dma_wait3A_1717 = arith.constant 0 : i32
      %dma_wait3A_1718 = tpu.memref_slice %arg4[%rem3A_3, %dma_wait3A_1717] : memref<2048x64xf32, #tpu.memory_space<hbm>> -> memref<256x64xf32, #tpu.memory_space<hbm>>
      %dma_wait3A_1719 = arith.constant 0 : i32
      %dma_wait3A_1720 = tpu.memref_slice %arg4[%rem3A_3, %dma_wait3A_1719] : memref<2048x64xf32, #tpu.memory_space<hbm>> -> memref<256x64xf32, #tpu.memory_space<hbm>>
      tpu.wait_dma2 semaphore(%run_scoped3A : memref<!tpu.dma_semaphore, #tpu.memory_space<semaphore_mem>>) src(%dma_wait3A_1720 : memref<256x64xf32, #tpu.memory_space<hbm>>) dst(%arg8 : memref<256x64xf32, #tpu.memory_space<vmem>>)
      tpu.yield
    }) : () -> ()
    %iota3A = tpu.iota {dimensions = array<i32: 0>} : vector<16xi32>
    %get3A = arith.constant 0 : index
    %get3A_4 = tpu.vector_load %arg6[%get3A] {strides = array<i32>} : memref<272xi32, #tpu.memory_space<vmem>>, vector<16xi32>,
    %slice3A = vector.extract_strided_slice %get3A_4 {offsets = [0], sizes = [1], strides = [1]} : vector<16xi32> to vector<1xi32>
    %squeeze3A = vector.extract %slice3A[0] : i32 from vector<1xi32>
    %shift_right_logical3A = arith.constant 7 : i32
    %shift_right_logical3A_5 = arith.shrui %squeeze3A, %shift_right_logical3A : i32
    %mul3A_6 = arith.constant 128 : i32
    %mul3A_7 = arith.muli %shift_right_logical3A_5, %mul3A_6 : i32
    %dma_start3A = arith.constant 0 : i32
    %dma_start3A_8 = arith.constant 0 : i32
    %dma_start3A_9 = arith.constant 0 : i32
    %dma_start3A_10 = tpu.memref_slice %arg7[%dma_start3A, %dma_start3A_8, %dma_start3A_9] : memref<8x64x128xf32, #tpu.memory_space<vmem>> -> memref<1x64x128xf32, #tpu.memory_space<vmem>>
    %dma_start3A_11 = tpu.memref_squeeze %dma_start3A_10 : memref<1x64x128xf32, #tpu.memory_space<vmem>> -> memref<64x128xf32, #tpu.memory_space<vmem>>
    %dma_start3A_12 = arith.constant 0 : i32
    %dma_start3A_13 = tpu.memref_slice %arg3[%dma_start3A_12, %mul3A_7] : memref<64x1000000xf32, #tpu.memory_space<hbm>> -> memref<64x128xf32, #tpu.memory_space<hbm>>
    %dma_start3A_14 = arith.constant 0 : i32
    %dma_start3A_15 = arith.constant 0 : i32
    %dma_start3A_16 = tpu.memref_slice %arg7[%dma_start3A, %dma_start3A_14, %dma_start3A_15] : memref<8x64x128xf32, #tpu.memory_space<vmem>> -> memref<1x64x128xf32, #tpu.memory_space<vmem>>
    %dma_start3A_17 = tpu.memref_squeeze %dma_start3A_16 : memref<1x64x128xf32, #tpu.memory_space<vmem>> -> memref<64x128xf32, #tpu.memory_space<vmem>>
    %dma_start3A_18 = arith.constant 0 : i32
    %dma_start3A_19 = tpu.memref_slice %arg3[%dma_start3A_18, %mul3A_7] : memref<64x1000000xf32, #tpu.memory_space<hbm>> -> memref<64x128xf32, #tpu.memory_space<hbm>>
    tpu.enqueue_dma source(%dma_start3A_19 : memref<64x128xf32, #tpu.memory_space<hbm>>) target(%dma_start3A_17 : memref<64x128xf32, #tpu.memory_space<vmem>>) target_semaphore(%arg10 : memref<!tpu.dma_semaphore, #tpu.memory_space<semaphore_mem>>)
    %slice3A_20 = vector.extract_strided_slice %get3A_4 {offsets = [1], sizes = [1], strides = [1]} : vector<16xi32> to vector<1xi32>
    %squeeze3A_21 = vector.extract %slice3A_20[0] : i32 from vector<1xi32>
    %shift_right_logical3A_22 = arith.constant 7 : i32
    %shift_right_logical3A_23 = arith.shrui %squeeze3A_21, %shift_right_logical3A_22 : i32
    %mul3A_24 = arith.constant 128 : i32
    %mul3A_25 = arith.muli %shift_right_logical3A_23, %mul3A_24 : i32
    %dma_start3A_26 = arith.constant 1 : i32
    %dma_start3A_27 = arith.constant 0 : i32
    %dma_start3A_28 = arith.constant 0 : i32
    %dma_start3A_29 = tpu.memref_slice %arg7[%dma_start3A_26, %dma_start3A_27, %dma_start3A_28] : memref<8x64x128xf32, #tpu.memory_space<vmem>> -> memref<1x64x128xf32, #tpu.memory_space<vmem>>
    %dma_start3A_30 = tpu.memref_squeeze %dma_start3A_29 : memref<1x64x128xf32, #tpu.memory_space<vmem>> -> memref<64x128xf32, #tpu.memory_space<vmem>>
    %dma_start3A_31 = arith.constant 0 : i32
    %dma_start3A_32 = tpu.memref_slice %arg3[%dma_start3A_31, %mul3A_25] : memref<64x1000000xf32, #tpu.memory_space<hbm>> -> memref<64x128xf32, #tpu.memory_space<hbm>>
    %dma_start3A_33 = arith.constant 0 : i32
    %dma_start3A_34 = arith.constant 0 : i32
    %dma_start3A_35 = tpu.memref_slice %arg7[%dma_start3A_26, %dma_start3A_33, %dma_start3A_34] : memref<8x64x128xf32, #tpu.memory_space<vmem>> -> memref<1x64x128xf32, #tpu.memory_space<vmem>>
    %dma_start3A_36 = tpu.memref_squeeze %dma_start3A_35 : memref<1x64x128xf32, #tpu.memory_space<vmem>> -> memref<64x128xf32, #tpu.memory_space<vmem>>
    %dma_start3A_37 = arith.constant 0 : i32
    %dma_start3A_38 = tpu.memref_slice %arg3[%dma_start3A_37, %mul3A_25] : memref<64x1000000xf32, #tpu.memory_space<hbm>> -> memref<64x128xf32, #tpu.memory_space<hbm>>
    tpu.enqueue_dma source(%dma_start3A_38 : memref<64x128xf32, #tpu.memory_space<hbm>>) target(%dma_start3A_36 : memref<64x128xf32, #tpu.memory_space<vmem>>) target_semaphore(%arg11 : memref<!tpu.dma_semaphore, #tpu.memory_space<semaphore_mem>>)
    %slice3A_39 = vector.extract_strided_slice %get3A_4 {offsets = [2], sizes = [1], strides = [1]} : vector<16xi32> to vector<1xi32>
    %squeeze3A_40 = vector.extract %slice3A_39[0] : i32 from vector<1xi32>
    %shift_right_logical3A_41 = arith.constant 7 : i32
    %shift_right_logical3A_42 = arith.shrui %squeeze3A_40, %shift_right_logical3A_41 : i32
    %mul3A_43 = arith.constant 128 : i32
    %mul3A_44 = arith.muli %shift_right_logical3A_42, %mul3A_43 : i32
    %dma_start3A_45 = arith.constant 2 : i32
    %dma_start3A_46 = arith.constant 0 : i32
    %dma_start3A_47 = arith.constant 0 : i32
    %dma_start3A_48 = tpu.memref_slice %arg7[%dma_start3A_45, %dma_start3A_46, %dma_start3A_47] : memref<8x64x128xf32, #tpu.memory_space<vmem>> -> memref<1x64x128xf32, #tpu.memory_space<vmem>>
    %dma_start3A_49 = tpu.memref_squeeze %dma_start3A_48 : memref<1x64x128xf32, #tpu.memory_space<vmem>> -> memref<64x128xf32, #tpu.memory_space<vmem>>
    %dma_start3A_50 = arith.constant 0 : i32
    %dma_start3A_51 = tpu.memref_slice %arg3[%dma_start3A_50, %mul3A_44] : memref<64x1000000xf32, #tpu.memory_space<hbm>> -> memref<64x128xf32, #tpu.memory_space<hbm>>
    %dma_start3A_52 = arith.constant 0 : i32
    %dma_start3A_53 = arith.constant 0 : i32
    %dma_start3A_54 = tpu.memref_slice %arg7[%dma_start3A_45, %dma_start3A_52, %dma_start3A_53] : memref<8x64x128xf32, #tpu.memory_space<vmem>> -> memref<1x64x128xf32, #tpu.memory_space<vmem>>
    %dma_start3A_55 = tpu.memref_squeeze %dma_start3A_54 : memref<1x64x128xf32, #tpu.memory_space<vmem>> -> memref<64x128xf32, #tpu.memory_space<vmem>>
    %dma_start3A_56 = arith.constant 0 : i32
    %dma_start3A_57 = tpu.memref_slice %arg3[%dma_start3A_56, %mul3A_44] : memref<64x1000000xf32, #tpu.memory_space<hbm>> -> memref<64x128xf32, #tpu.memory_space<hbm>>
    tpu.enqueue_dma source(%dma_start3A_57 : memref<64x128xf32, #tpu.memory_space<hbm>>) target(%dma_start3A_55 : memref<64x128xf32, #tpu.memory_space<vmem>>) target_semaphore(%arg12 : memref<!tpu.dma_semaphore, #tpu.memory_space<semaphore_mem>>)
    %slice3A_58 = vector.extract_strided_slice %get3A_4 {offsets = [3], sizes = [1], strides = [1]} : vector<16xi32> to vector<1xi32>
    %squeeze3A_59 = vector.extract %slice3A_58[0] : i32 from vector<1xi32>
    %shift_right_logical3A_60 = arith.constant 7 : i32
    %shift_right_logical3A_61 = arith.shrui %squeeze3A_59, %shift_right_logical3A_60 : i32
    %mul3A_62 = arith.constant 128 : i32
    %mul3A_63 = arith.muli %shift_right_logical3A_61, %mul3A_62 : i32
    %dma_start3A_64 = arith.constant 3 : i32
    %dma_start3A_65 = arith.constant 0 : i32
    %dma_start3A_66 = arith.constant 0 : i32
    %dma_start3A_67 = tpu.memref_slice %arg7[%dma_start3A_64, %dma_start3A_65, %dma_start3A_66] : memref<8x64x128xf32, #tpu.memory_space<vmem>> -> memref<1x64x128xf32, #tpu.memory_space<vmem>>
    %dma_start3A_68 = tpu.memref_squeeze %dma_start3A_67 : memref<1x64x128xf32, #tpu.memory_space<vmem>> -> memref<64x128xf32, #tpu.memory_space<vmem>>
    %dma_start3A_69 = arith.constant 0 : i32
    %dma_start3A_70 = tpu.memref_slice %arg3[%dma_start3A_69, %mul3A_63] : memref<64x1000000xf32, #tpu.memory_space<hbm>> -> memref<64x128xf32, #tpu.memory_space<hbm>>
    %dma_start3A_71 = arith.constant 0 : i32
    %dma_start3A_72 = arith.constant 0 : i32
    %dma_start3A_73 = tpu.memref_slice %arg7[%dma_start3A_64, %dma_start3A_71, %dma_start3A_72] : memref<8x64x128xf32, #tpu.memory_space<vmem>> -> memref<1x64x128xf32, #tpu.memory_space<vmem>>
    %dma_start3A_74 = tpu.memref_squeeze %dma_start3A_73 : memref<1x64x128xf32, #tpu.memory_space<vmem>> -> memref<64x128xf32, #tpu.memory_space<vmem>>
    %dma_start3A_75 = arith.constant 0 : i32
    %dma_start3A_76 = tpu.memref_slice %arg3[%dma_start3A_75, %mul3A_63] : memref<64x1000000xf32, #tpu.memory_space<hbm>> -> memref<64x128xf32, #tpu.memory_space<hbm>>
    tpu.enqueue_dma source(%dma_start3A_76 : memref<64x128xf32, #tpu.memory_space<hbm>>) target(%dma_start3A_74 : memref<64x128xf32, #tpu.memory_space<vmem>>) target_semaphore(%arg13 : memref<!tpu.dma_semaphore, #tpu.memory_space<semaphore_mem>>)
    %slice3A_77 = vector.extract_strided_slice %get3A_4 {offsets = [4], sizes = [1], strides = [1]} : vector<16xi32> to vector<1xi32>
    %squeeze3A_78 = vector.extract %slice3A_77[0] : i32 from vector<1xi32>
    %shift_right_logical3A_79 = arith.constant 7 : i32
    %shift_right_logical3A_80 = arith.shrui %squeeze3A_78, %shift_right_logical3A_79 : i32
    %mul3A_81 = arith.constant 128 : i32
    %mul3A_82 = arith.muli %shift_right_logical3A_80, %mul3A_81 : i32
    %dma_start3A_83 = arith.constant 4 : i32
    %dma_start3A_84 = arith.constant 0 : i32
    %dma_start3A_85 = arith.constant 0 : i32
    %dma_start3A_86 = tpu.memref_slice %arg7[%dma_start3A_83, %dma_start3A_84, %dma_start3A_85] : memref<8x64x128xf32, #tpu.memory_space<vmem>> -> memref<1x64x128xf32, #tpu.memory_space<vmem>>
    %dma_start3A_87 = tpu.memref_squeeze %dma_start3A_86 : memref<1x64x128xf32, #tpu.memory_space<vmem>> -> memref<64x128xf32, #tpu.memory_space<vmem>>
    %dma_start3A_88 = arith.constant 0 : i32
    %dma_start3A_89 = tpu.memref_slice %arg3[%dma_start3A_88, %mul3A_82] : memref<64x1000000xf32, #tpu.memory_space<hbm>> -> memref<64x128xf32, #tpu.memory_space<hbm>>
    %dma_start3A_90 = arith.constant 0 : i32
    %dma_start3A_91 = arith.constant 0 : i32
    %dma_start3A_92 = tpu.memref_slice %arg7[%dma_start3A_83, %dma_start3A_90, %dma_start3A_91] : memref<8x64x128xf32, #tpu.memory_space<vmem>> -> memref<1x64x128xf32, #tpu.memory_space<vmem>>
    %dma_start3A_93 = tpu.memref_squeeze %dma_start3A_92 : memref<1x64x128xf32, #tpu.memory_space<vmem>> -> memref<64x128xf32, #tpu.memory_space<vmem>>
    %dma_start3A_94 = arith.constant 0 : i32
    %dma_start3A_95 = tpu.memref_slice %arg3[%dma_start3A_94, %mul3A_82] : memref<64x1000000xf32, #tpu.memory_space<hbm>> -> memref<64x128xf32, #tpu.memory_space<hbm>>
    tpu.enqueue_dma source(%dma_start3A_95 : memref<64x128xf32, #tpu.memory_space<hbm>>) target(%dma_start3A_93 : memref<64x128xf32, #tpu.memory_space<vmem>>) target_semaphore(%arg14 : memref<!tpu.dma_semaphore, #tpu.memory_space<semaphore_mem>>)
    %slice3A_96 = vector.extract_strided_slice %get3A_4 {offsets = [5], sizes = [1], strides = [1]} : vector<16xi32> to vector<1xi32>
    %squeeze3A_97 = vector.extract %slice3A_96[0] : i32 from vector<1xi32>
    %shift_right_logical3A_98 = arith.constant 7 : i32
    %shift_right_logical3A_99 = arith.shrui %squeeze3A_97, %shift_right_logical3A_98 : i32
    %mul3A_100 = arith.constant 128 : i32
    %mul3A_101 = arith.muli %shift_right_logical3A_99, %mul3A_100 : i32
    %dma_start3A_102 = arith.constant 5 : i32
    %dma_start3A_103 = arith.constant 0 : i32
    %dma_start3A_104 = arith.constant 0 : i32
    %dma_start3A_105 = tpu.memref_slice %arg7[%dma_start3A_102, %dma_start3A_103, %dma_start3A_104] : memref<8x64x128xf32, #tpu.memory_space<vmem>> -> memref<1x64x128xf32, #tpu.memory_space<vmem>>
    %dma_start3A_106 = tpu.memref_squeeze %dma_start3A_105 : memref<1x64x128xf32, #tpu.memory_space<vmem>> -> memref<64x128xf32, #tpu.memory_space<vmem>>
    %dma_start3A_107 = arith.constant 0 : i32
    %dma_start3A_108 = tpu.memref_slice %arg3[%dma_start3A_107, %mul3A_101] : memref<64x1000000xf32, #tpu.memory_space<hbm>> -> memref<64x128xf32, #tpu.memory_space<hbm>>
    %dma_start3A_109 = arith.constant 0 : i32
    %dma_start3A_110 = arith.constant 0 : i32
    %dma_start3A_111 = tpu.memref_slice %arg7[%dma_start3A_102, %dma_start3A_109, %dma_start3A_110] : memref<8x64x128xf32, #tpu.memory_space<vmem>> -> memref<1x64x128xf32, #tpu.memory_space<vmem>>
    %dma_start3A_112 = tpu.memref_squeeze %dma_start3A_111 : memref<1x64x128xf32, #tpu.memory_space<vmem>> -> memref<64x128xf32, #tpu.memory_space<vmem>>
    %dma_start3A_113 = arith.constant 0 : i32
    %dma_start3A_114 = tpu.memref_slice %arg3[%dma_start3A_113, %mul3A_101] : memref<64x1000000xf32, #tpu.memory_space<hbm>> -> memref<64x128xf32, #tpu.memory_space<hbm>>
    tpu.enqueue_dma source(%dma_start3A_114 : memref<64x128xf32, #tpu.memory_space<hbm>>) target(%dma_start3A_112 : memref<64x128xf32, #tpu.memory_space<vmem>>) target_semaphore(%arg15 : memref<!tpu.dma_semaphore, #tpu.memory_space<semaphore_mem>>)
    %slice3A_115 = vector.extract_strided_slice %get3A_4 {offsets = [6], sizes = [1], strides = [1]} : vector<16xi32> to vector<1xi32>
    %squeeze3A_116 = vector.extract %slice3A_115[0] : i32 from vector<1xi32>
    %shift_right_logical3A_117 = arith.constant 7 : i32
    %shift_right_logical3A_118 = arith.shrui %squeeze3A_116, %shift_right_logical3A_117 : i32
    %mul3A_119 = arith.constant 128 : i32
    %mul3A_120 = arith.muli %shift_right_logical3A_118, %mul3A_119 : i32
    %dma_start3A_121 = arith.constant 6 : i32
    %dma_start3A_122 = arith.constant 0 : i32
    %dma_start3A_123 = arith.constant 0 : i32
    %dma_start3A_124 = tpu.memref_slice %arg7[%dma_start3A_121, %dma_start3A_122, %dma_start3A_123] : memref<8x64x128xf32, #tpu.memory_space<vmem>> -> memref<1x64x128xf32, #tpu.memory_space<vmem>>
    %dma_start3A_125 = tpu.memref_squeeze %dma_start3A_124 : memref<1x64x128xf32, #tpu.memory_space<vmem>> -> memref<64x128xf32, #tpu.memory_space<vmem>>
    %dma_start3A_126 = arith.constant 0 : i32
    %dma_start3A_127 = tpu.memref_slice %arg3[%dma_start3A_126, %mul3A_120] : memref<64x1000000xf32, #tpu.memory_space<hbm>> -> memref<64x128xf32, #tpu.memory_space<hbm>>
    %dma_start3A_128 = arith.constant 0 : i32
    %dma_start3A_129 = arith.constant 0 : i32
    %dma_start3A_130 = tpu.memref_slice %arg7[%dma_start3A_121, %dma_start3A_128, %dma_start3A_129] : memref<8x64x128xf32, #tpu.memory_space<vmem>> -> memref<1x64x128xf32, #tpu.memory_space<vmem>>
    %dma_start3A_131 = tpu.memref_squeeze %dma_start3A_130 : memref<1x64x128xf32, #tpu.memory_space<vmem>> -> memref<64x128xf32, #tpu.memory_space<vmem>>
    %dma_start3A_132 = arith.constant 0 : i32
    %dma_start3A_133 = tpu.memref_slice %arg3[%dma_start3A_132, %mul3A_120] : memref<64x1000000xf32, #tpu.memory_space<hbm>> -> memref<64x128xf32, #tpu.memory_space<hbm>>
    tpu.enqueue_dma source(%dma_start3A_133 : memref<64x128xf32, #tpu.memory_space<hbm>>) target(%dma_start3A_131 : memref<64x128xf32, #tpu.memory_space<vmem>>) target_semaphore(%arg16 : memref<!tpu.dma_semaphore, #tpu.memory_space<semaphore_mem>>)
    %slice3A_134 = vector.extract_strided_slice %get3A_4 {offsets = [7], sizes = [1], strides = [1]} : vector<16xi32> to vector<1xi32>
    %squeeze3A_135 = vector.extract %slice3A_134[0] : i32 from vector<1xi32>
    %shift_right_logical3A_136 = arith.constant 7 : i32
    %shift_right_logical3A_137 = arith.shrui %squeeze3A_135, %shift_right_logical3A_136 : i32
    %mul3A_138 = arith.constant 128 : i32
    %mul3A_139 = arith.muli %shift_right_logical3A_137, %mul3A_138 : i32
    %dma_start3A_140 = arith.constant 7 : i32
    %dma_start3A_141 = arith.constant 0 : i32
    %dma_start3A_142 = arith.constant 0 : i32
    %dma_start3A_143 = tpu.memref_slice %arg7[%dma_start3A_140, %dma_start3A_141, %dma_start3A_142] : memref<8x64x128xf32, #tpu.memory_space<vmem>> -> memref<1x64x128xf32, #tpu.memory_space<vmem>>
    %dma_start3A_144 = tpu.memref_squeeze %dma_start3A_143 : memref<1x64x128xf32, #tpu.memory_space<vmem>> -> memref<64x128xf32, #tpu.memory_space<vmem>>
    %dma_start3A_145 = arith.constant 0 : i32
    %dma_start3A_146 = tpu.memref_slice %arg3[%dma_start3A_145, %mul3A_139] : memref<64x1000000xf32, #tpu.memory_space<hbm>> -> memref<64x128xf32, #tpu.memory_space<hbm>>
    %dma_start3A_147 = arith.constant 0 : i32
    %dma_start3A_148 = arith.constant 0 : i32
    %dma_start3A_149 = tpu.memref_slice %arg7[%dma_start3A_140, %dma_start3A_147, %dma_start3A_148] : memref<8x64x128xf32, #tpu.memory_space<vmem>> -> memref<1x64x128xf32, #tpu.memory_space<vmem>>
    %dma_start3A_150 = tpu.memref_squeeze %dma_start3A_149 : memref<1x64x128xf32, #tpu.memory_space<vmem>> -> memref<64x128xf32, #tpu.memory_space<vmem>>
    %dma_start3A_151 = arith.constant 0 : i32
    %dma_start3A_152 = tpu.memref_slice %arg3[%dma_start3A_151, %mul3A_139] : memref<64x1000000xf32, #tpu.memory_space<hbm>> -> memref<64x128xf32, #tpu.memory_space<hbm>>
    tpu.enqueue_dma source(%dma_start3A_152 : memref<64x128xf32, #tpu.memory_space<hbm>>) target(%dma_start3A_150 : memref<64x128xf32, #tpu.memory_space<vmem>>) target_semaphore(%arg17 : memref<!tpu.dma_semaphore, #tpu.memory_space<semaphore_mem>>)
    %scan3A = arith.constant 0 : i32
    %scan3A_153 = arith.constant 0 : i32
    %scan3A_154 = arith.constant 15 : i32
    %scan3A_155 = arith.addi %scan3A_153, %scan3A_154 : i32
    %scan3A_156 = arith.constant 1 : i32
    scf.for %scan3A_1713 = %scan3A_153 to %scan3A_155 step %scan3A_156  : i32 {
      %ge3A = arith.constant 1 : i32
      %ge3A_1714 = arith.cmpi sge, %scan3A_1713, %ge3A : i32
      %convert_element_type3A = arith.extui %ge3A_1714 : i1 to i32
      %cond3A = arith.constant 0 : i32
      %cond3A_1715 = arith.cmpi ne, %convert_element_type3A, %cond3A : i32
      scf.if %cond3A_1715 {
        %dma_wait3A_3359 = arith.constant 0 : i32
        %dma_wait3A_3360 = arith.constant 0 : i32
        %dma_wait3A_3361 = arith.constant 0 : i32
        %dma_wait3A_3362 = tpu.memref_slice %arg9[%dma_wait3A_3359, %dma_wait3A_3360, %dma_wait3A_3361] : memref<2x8x64xf32, #tpu.memory_space<vmem>> -> memref<1x8x64xf32, #tpu.memory_space<vmem>>
        %dma_wait3A_3363 = tpu.memref_squeeze %dma_wait3A_3362 : memref<1x8x64xf32, #tpu.memory_space<vmem>> -> memref<8x64xf32, #tpu.memory_space<vmem>>
        %dma_wait3A_3364 = arith.constant 0 : i32
        %dma_wait3A_3365 = arith.constant 0 : i32
        %dma_wait3A_3366 = tpu.memref_slice %arg5[%dma_wait3A_3364, %dma_wait3A_3365] : memref<8192x64xf32, #tpu.memory_space<hbm>> -> memref<8x64xf32, #tpu.memory_space<hbm>>
        %dma_wait3A_3367 = arith.constant 0 : i32
        %dma_wait3A_3368 = arith.constant 0 : i32
        %dma_wait3A_3369 = tpu.memref_slice %arg5[%dma_wait3A_3367, %dma_wait3A_3368] : memref<8192x64xf32, #tpu.memory_space<hbm>> -> memref<8x64xf32, #tpu.memory_space<hbm>>
        %dma_wait3A_3370 = arith.constant 0 : i32
        %dma_wait3A_3371 = arith.constant 0 : i32
        %dma_wait3A_3372 = tpu.memref_slice %arg9[%dma_wait3A_3359, %dma_wait3A_3370, %dma_wait3A_3371] : memref<2x8x64xf32, #tpu.memory_space<vmem>> -> memref<1x8x64xf32, #tpu.memory_space<vmem>>
        %dma_wait3A_3373 = tpu.memref_squeeze %dma_wait3A_3372 : memref<1x8x64xf32, #tpu.memory_space<vmem>> -> memref<8x64xf32, #tpu.memory_space<vmem>>
        tpu.wait_dma2 semaphore(%arg18 : memref<!tpu.dma_semaphore, #tpu.memory_space<semaphore_mem>>) src(%dma_wait3A_3373 : memref<8x64xf32, #tpu.memory_space<vmem>>) dst(%dma_wait3A_3369 : memref<8x64xf32, #tpu.memory_space<hbm>>)
      } else {
      }
      %mul3A_1716 = arith.constant 2 : i32
      %mul3A_1717 = arith.muli %mul3A_1716, %scan3A_1713 : i32
      %mul3A_1718 = arith.constant 8 : i32
      %mul3A_1719 = arith.muli %mul3A_1717, %mul3A_1718 : i32
      %get3A_1720 = arith.index_cast %mul3A_1719 : i32 to index
      %get3A_1721 = tpu.vector_load %arg6[%get3A_1720] {strides = array<i32>} : memref<272xi32, #tpu.memory_space<vmem>>, vector<16xi32>,
      %add3A_1722 = arith.constant 8 : i32
      %add3A_1723 = arith.addi %mul3A_1719, %add3A_1722 : i32
      %get3A_1724 = arith.index_cast %add3A_1723 : i32 to index
      %get3A_1725 = tpu.vector_load %arg6[%get3A_1724] {strides = array<i32>} : memref<272xi32, #tpu.memory_space<vmem>>, vector<16xi32>,
      %add3A_1726 = arith.constant 0 : i32
      %add3A_1727 = arith.addi %mul3A_1719, %add3A_1726 : i32
      %slice3A_1728 = vector.extract_strided_slice %get3A_1721 {offsets = [0], sizes = [1], strides = [1]} : vector<16xi32> to vector<1xi32>
      %squeeze3A_1729 = vector.extract %slice3A_1728[0] : i32 from vector<1xi32>
      %and3A_1730 = arith.constant 127 : i32
      %and3A_1731 = arith.andi %squeeze3A_1729, %and3A_1730 : i32
      %dma_wait3A_1732 = arith.constant 0 : i32
      %dma_wait3A_1733 = arith.constant 0 : i32
      %dma_wait3A_1734 = arith.constant 0 : i32
      %dma_wait3A_1735 = tpu.memref_slice %arg7[%dma_wait3A_1732, %dma_wait3A_1733, %dma_wait3A_1734] : memref<8x64x128xf32, #tpu.memory_space<vmem>> -> memref<1x64x128xf32, #tpu.memory_space<vmem>>
      %dma_wait3A_1736 = tpu.memref_squeeze %dma_wait3A_1735 : memref<1x64x128xf32, #tpu.memory_space<vmem>> -> memref<64x128xf32, #tpu.memory_space<vmem>>
      %dma_wait3A_1737 = arith.constant 0 : i32
      %dma_wait3A_1738 = arith.constant 0 : i32
      %dma_wait3A_1739 = tpu.memref_slice %arg3[%dma_wait3A_1737, %dma_wait3A_1738] : memref<64x1000000xf32, #tpu.memory_space<hbm>> -> memref<64x128xf32, #tpu.memory_space<hbm>>
      %dma_wait3A_1740 = arith.constant 0 : i32
      %dma_wait3A_1741 = arith.constant 0 : i32
      %dma_wait3A_1742 = tpu.memref_slice %arg7[%dma_wait3A_1732, %dma_wait3A_1740, %dma_wait3A_1741] : memref<8x64x128xf32, #tpu.memory_space<vmem>> -> memref<1x64x128xf32, #tpu.memory_space<vmem>>
      %dma_wait3A_1743 = tpu.memref_squeeze %dma_wait3A_1742 : memref<1x64x128xf32, #tpu.memory_space<vmem>> -> memref<64x128xf32, #tpu.memory_space<vmem>>
      %dma_wait3A_1744 = arith.constant 0 : i32
      %dma_wait3A_1745 = arith.constant 0 : i32
      %dma_wait3A_1746 = tpu.memref_slice %arg3[%dma_wait3A_1744, %dma_wait3A_1745] : memref<64x1000000xf32, #tpu.memory_space<hbm>> -> memref<64x128xf32, #tpu.memory_space<hbm>>
      tpu.wait_dma2 semaphore(%arg10 : memref<!tpu.dma_semaphore, #tpu.memory_space<semaphore_mem>>) src(%dma_wait3A_1746 : memref<64x128xf32, #tpu.memory_space<hbm>>) dst(%dma_wait3A_1743 : memref<64x128xf32, #tpu.memory_space<vmem>>)
      %broadcast_in_dim3A_1747 = vector.broadcast %and3A_1731 : i32 to vector<16xi32>
      %broadcast_in_dim3A_1748 = arith.constant 0 : i32
      %broadcast_in_dim3A_1749 = vector.broadcast %broadcast_in_dim3A_1748 : i32 to vector<16xi32>
      %add3A_1750 = arith.constant 0 : i32
      %add3A_1751 = vector.broadcast %add3A_1750 : i32 to vector<16xi32>
      %add3A_1752 = arith.addi %iota3A, %add3A_1751 : vector<16xi32>
      %gather3A_1753 = tpu.vector_load_idx %arg7[%broadcast_in_dim3A_1749, %add3A_1752, %broadcast_in_dim3A_1747] : memref<8x64x128xf32, #tpu.memory_space<vmem>>[vector<16xi32>, vector<16xi32>, vector<16xi32>], vector<16xf32>,
      %get3A_1754 = arith.index_cast %add3A_1727 : i32 to index
      %get3A_1755 = arith.constant 0 : index
      %get3A_1756 = tpu.vector_load %arg8[%get3A_1754, %get3A_1755] {strides = array<i32>} : memref<256x64xf32, #tpu.memory_space<vmem>>, vector<16xf32>,
      %add3A_1757 = arith.addf %gather3A_1753, %get3A_1756 : vector<16xf32>
      %swap3A_1758 = arith.constant 0 : i32
      %swap3A_1759 = arith.constant 0 : i32
      %swap3A_1760 = arith.index_cast %swap3A_1758 : i32 to index
      %swap3A_1761 = arith.index_cast %swap3A_1759 : i32 to index
      %swap3A_1762 = arith.constant 0 : index
      %swap3A_1763 = tpu.vector_load %arg9[%swap3A_1760, %swap3A_1761, %swap3A_1762] {strides = array<i32>} : memref<2x8x64xf32, #tpu.memory_space<vmem>>, vector<16xf32>,
      tpu.vector_store %arg9[%swap3A_1760, %swap3A_1761, %swap3A_1762], %add3A_1757 {strides = array<i32>} : memref<2x8x64xf32, #tpu.memory_space<vmem>>, vector<16xf32>,
      %add3A_1764 = arith.constant 16 : i32
      %add3A_1765 = vector.broadcast %add3A_1764 : i32 to vector<16xi32>
      %add3A_1766 = arith.addi %iota3A, %add3A_1765 : vector<16xi32>
      %gather3A_1767 = tpu.vector_load_idx %arg7[%broadcast_in_dim3A_1749, %add3A_1766, %broadcast_in_dim3A_1747] : memref<8x64x128xf32, #tpu.memory_space<vmem>>[vector<16xi32>, vector<16xi32>, vector<16xi32>], vector<16xf32>,
      %get3A_1768 = arith.index_cast %add3A_1727 : i32 to index
      %get3A_1769 = arith.constant 16 : index
      %get3A_1770 = tpu.vector_load %arg8[%get3A_1768, %get3A_1769] {strides = array<i32>} : memref<256x64xf32, #tpu.memory_space<vmem>>, vector<16xf32>,
      %add3A_1771 = arith.addf %gather3A_1767, %get3A_1770 : vector<16xf32>
      %swap3A_1772 = arith.constant 0 : i32
      %swap3A_1773 = arith.constant 0 : i32
      %swap3A_1774 = arith.index_cast %swap3A_1772 : i32 to index
      %swap3A_1775 = arith.index_cast %swap3A_1773 : i32 to index
      %swap3A_1776 = arith.constant 16 : index
      %swap3A_1777 = tpu.vector_load %arg9[%swap3A_1774, %swap3A_1775, %swap3A_1776] {strides = array<i32>} : memref<2x8x64xf32, #tpu.memory_space<vmem>>, vector<16xf32>,
      tpu.vector_store %arg9[%swap3A_1774, %swap3A_1775, %swap3A_1776], %add3A_1771 {strides = array<i32>} : memref<2x8x64xf32, #tpu.memory_space<vmem>>, vector<16xf32>,
      %add3A_1778 = arith.constant 32 : i32
      %add3A_1779 = vector.broadcast %add3A_1778 : i32 to vector<16xi32>
      %add3A_1780 = arith.addi %iota3A, %add3A_1779 : vector<16xi32>
      %gather3A_1781 = tpu.vector_load_idx %arg7[%broadcast_in_dim3A_1749, %add3A_1780, %broadcast_in_dim3A_1747] : memref<8x64x128xf32, #tpu.memory_space<vmem>>[vector<16xi32>, vector<16xi32>, vector<16xi32>], vector<16xf32>,
      %get3A_1782 = arith.index_cast %add3A_1727 : i32 to index
      %get3A_1783 = arith.constant 32 : index
      %get3A_1784 = tpu.vector_load %arg8[%get3A_1782, %get3A_1783] {strides = array<i32>} : memref<256x64xf32, #tpu.memory_space<vmem>>, vector<16xf32>,
      %add3A_1785 = arith.addf %gather3A_1781, %get3A_1784 : vector<16xf32>
      %swap3A_1786 = arith.constant 0 : i32
      %swap3A_1787 = arith.constant 0 : i32
      %swap3A_1788 = arith.index_cast %swap3A_1786 : i32 to index
      %swap3A_1789 = arith.index_cast %swap3A_1787 : i32 to index
      %swap3A_1790 = arith.constant 32 : index
      %swap3A_1791 = tpu.vector_load %arg9[%swap3A_1788, %swap3A_1789, %swap3A_1790] {strides = array<i32>} : memref<2x8x64xf32, #tpu.memory_space<vmem>>, vector<16xf32>,
      tpu.vector_store %arg9[%swap3A_1788, %swap3A_1789, %swap3A_1790], %add3A_1785 {strides = array<i32>} : memref<2x8x64xf32, #tpu.memory_space<vmem>>, vector<16xf32>,
      %add3A_1792 = arith.constant 48 : i32
      %add3A_1793 = vector.broadcast %add3A_1792 : i32 to vector<16xi32>
      %add3A_1794 = arith.addi %iota3A, %add3A_1793 : vector<16xi32>
      %gather3A_1795 = tpu.vector_load_idx %arg7[%broadcast_in_dim3A_1749, %add3A_1794, %broadcast_in_dim3A_1747] : memref<8x64x128xf32, #tpu.memory_space<vmem>>[vector<16xi32>, vector<16xi32>, vector<16xi32>], vector<16xf32>,
      %get3A_1796 = arith.index_cast %add3A_1727 : i32 to index
      %get3A_1797 = arith.constant 48 : index
      %get3A_1798 = tpu.vector_load %arg8[%get3A_1796, %get3A_1797] {strides = array<i32>} : memref<256x64xf32, #tpu.memory_space<vmem>>, vector<16xf32>,
      %add3A_1799 = arith.addf %gather3A_1795, %get3A_1798 : vector<16xf32>
      %swap3A_1800 = arith.constant 0 : i32
      %swap3A_1801 = arith.constant 0 : i32
      %swap3A_1802 = arith.index_cast %swap3A_1800 : i32 to index
      %swap3A_1803 = arith.index_cast %swap3A_1801 : i32 to index
      %swap3A_1804 = arith.constant 48 : index
      %swap3A_1805 = tpu.vector_load %arg9[%swap3A_1802, %swap3A_1803, %swap3A_1804] {strides = array<i32>} : memref<2x8x64xf32, #tpu.memory_space<vmem>>, vector<16xf32>,
      tpu.vector_store %arg9[%swap3A_1802, %swap3A_1803, %swap3A_1804], %add3A_1799 {strides = array<i32>} : memref<2x8x64xf32, #tpu.memory_space<vmem>>, vector<16xf32>,
      %slice3A_1806 = vector.extract_strided_slice %get3A_1725 {offsets = [0], sizes = [1], strides = [1]} : vector<16xi32> to vector<1xi32>
      %squeeze3A_1807 = vector.extract %slice3A_1806[0] : i32 from vector<1xi32>
      %shift_right_logical3A_1808 = arith.constant 7 : i32
      %shift_right_logical3A_1809 = arith.shrui %squeeze3A_1807, %shift_right_logical3A_1808 : i32
      %mul3A_1810 = arith.constant 128 : i32
      %mul3A_1811 = arith.muli %shift_right_logical3A_1809, %mul3A_1810 : i32
      %dma_start3A_1812 = arith.constant 0 : i32
      %dma_start3A_1813 = arith.constant 0 : i32
      %dma_start3A_1814 = arith.constant 0 : i32
      %dma_start3A_1815 = tpu.memref_slice %arg7[%dma_start3A_1812, %dma_start3A_1813, %dma_start3A_1814] : memref<8x64x128xf32, #tpu.memory_space<vmem>> -> memref<1x64x128xf32, #tpu.memory_space<vmem>>
      %dma_start3A_1816 = tpu.memref_squeeze %dma_start3A_1815 : memref<1x64x128xf32, #tpu.memory_space<vmem>> -> memref<64x128xf32, #tpu.memory_space<vmem>>
      %dma_start3A_1817 = arith.constant 0 : i32
      %dma_start3A_1818 = tpu.memref_slice %arg3[%dma_start3A_1817, %mul3A_1811] : memref<64x1000000xf32, #tpu.memory_space<hbm>> -> memref<64x128xf32, #tpu.memory_space<hbm>>
      %dma_start3A_1819 = arith.constant 0 : i32
      %dma_start3A_1820 = arith.constant 0 : i32
      %dma_start3A_1821 = tpu.memref_slice %arg7[%dma_start3A_1812, %dma_start3A_1819, %dma_start3A_1820] : memref<8x64x128xf32, #tpu.memory_space<vmem>> -> memref<1x64x128xf32, #tpu.memory_space<vmem>>
      %dma_start3A_1822 = tpu.memref_squeeze %dma_start3A_1821 : memref<1x64x128xf32, #tpu.memory_space<vmem>> -> memref<64x128xf32, #tpu.memory_space<vmem>>
      %dma_start3A_1823 = arith.constant 0 : i32
      %dma_start3A_1824 = tpu.memref_slice %arg3[%dma_start3A_1823, %mul3A_1811] : memref<64x1000000xf32, #tpu.memory_space<hbm>> -> memref<64x128xf32, #tpu.memory_space<hbm>>
      tpu.enqueue_dma source(%dma_start3A_1824 : memref<64x128xf32, #tpu.memory_space<hbm>>) target(%dma_start3A_1822 : memref<64x128xf32, #tpu.memory_space<vmem>>) target_semaphore(%arg10 : memref<!tpu.dma_semaphore, #tpu.memory_space<semaphore_mem>>)
      %add3A_1825 = arith.constant 1 : i32
      %add3A_1826 = arith.addi %mul3A_1719, %add3A_1825 : i32
      %slice3A_1827 = vector.extract_strided_slice %get3A_1721 {offsets = [1], sizes = [1], strides = [1]} : vector<16xi32> to vector<1xi32>
      %squeeze3A_1828 = vector.extract %slice3A_1827[0] : i32 from vector<1xi32>
      %and3A_1829 = arith.constant 127 : i32
      %and3A_1830 = arith.andi %squeeze3A_1828, %and3A_1829 : i32
      %dma_wait3A_1831 = arith.constant 1 : i32
      %dma_wait3A_1832 = arith.constant 0 : i32
      %dma_wait3A_1833 = arith.constant 0 : i32
      %dma_wait3A_1834 = tpu.memref_slice %arg7[%dma_wait3A_1831, %dma_wait3A_1832, %dma_wait3A_1833] : memref<8x64x128xf32, #tpu.memory_space<vmem>> -> memref<1x64x128xf32, #tpu.memory_space<vmem>>
      %dma_wait3A_1835 = tpu.memref_squeeze %dma_wait3A_1834 : memref<1x64x128xf32, #tpu.memory_space<vmem>> -> memref<64x128xf32, #tpu.memory_space<vmem>>
      %dma_wait3A_1836 = arith.constant 0 : i32
      %dma_wait3A_1837 = arith.constant 0 : i32
      %dma_wait3A_1838 = tpu.memref_slice %arg3[%dma_wait3A_1836, %dma_wait3A_1837] : memref<64x1000000xf32, #tpu.memory_space<hbm>> -> memref<64x128xf32, #tpu.memory_space<hbm>>
      %dma_wait3A_1839 = arith.constant 0 : i32
      %dma_wait3A_1840 = arith.constant 0 : i32
      %dma_wait3A_1841 = tpu.memref_slice %arg7[%dma_wait3A_1831, %dma_wait3A_1839, %dma_wait3A_1840] : memref<8x64x128xf32, #tpu.memory_space<vmem>> -> memref<1x64x128xf32, #tpu.memory_space<vmem>>
      %dma_wait3A_1842 = tpu.memref_squeeze %dma_wait3A_1841 : memref<1x64x128xf32, #tpu.memory_space<vmem>> -> memref<64x128xf32, #tpu.memory_space<vmem>>
      %dma_wait3A_1843 = arith.constant 0 : i32
      %dma_wait3A_1844 = arith.constant 0 : i32
      %dma_wait3A_1845 = tpu.memref_slice %arg3[%dma_wait3A_1843, %dma_wait3A_1844] : memref<64x1000000xf32, #tpu.memory_space<hbm>> -> memref<64x128xf32, #tpu.memory_space<hbm>>
      tpu.wait_dma2 semaphore(%arg11 : memref<!tpu.dma_semaphore, #tpu.memory_space<semaphore_mem>>) src(%dma_wait3A_1845 : memref<64x128xf32, #tpu.memory_space<hbm>>) dst(%dma_wait3A_1842 : memref<64x128xf32, #tpu.memory_space<vmem>>)
      %broadcast_in_dim3A_1846 = vector.broadcast %and3A_1830 : i32 to vector<16xi32>
      %broadcast_in_dim3A_1847 = arith.constant 1 : i32
      %broadcast_in_dim3A_1848 = vector.broadcast %broadcast_in_dim3A_1847 : i32 to vector<16xi32>
      %add3A_1849 = arith.constant 0 : i32
      %add3A_1850 = vector.broadcast %add3A_1849 : i32 to vector<16xi32>
      %add3A_1851 = arith.addi %iota3A, %add3A_1850 : vector<16xi32>
      %gather3A_1852 = tpu.vector_load_idx %arg7[%broadcast_in_dim3A_1848, %add3A_1851, %broadcast_in_dim3A_1846] : memref<8x64x128xf32, #tpu.memory_space<vmem>>[vector<16xi32>, vector<16xi32>, vector<16xi32>], vector<16xf32>,
      %get3A_1853 = arith.index_cast %add3A_1826 : i32 to index
      %get3A_1854 = arith.constant 0 : index
      %get3A_1855 = tpu.vector_load %arg8[%get3A_1853, %get3A_1854] {strides = array<i32>} : memref<256x64xf32, #tpu.memory_space<vmem>>, vector<16xf32>,
      %add3A_1856 = arith.addf %gather3A_1852, %get3A_1855 : vector<16xf32>
      %swap3A_1857 = arith.constant 0 : i32
      %swap3A_1858 = arith.constant 1 : i32
      %swap3A_1859 = arith.index_cast %swap3A_1857 : i32 to index
      %swap3A_1860 = arith.index_cast %swap3A_1858 : i32 to index
      %swap3A_1861 = arith.constant 0 : index
      %swap3A_1862 = tpu.vector_load %arg9[%swap3A_1859, %swap3A_1860, %swap3A_1861] {strides = array<i32>} : memref<2x8x64xf32, #tpu.memory_space<vmem>>, vector<16xf32>,
      tpu.vector_store %arg9[%swap3A_1859, %swap3A_1860, %swap3A_1861], %add3A_1856 {strides = array<i32>} : memref<2x8x64xf32, #tpu.memory_space<vmem>>, vector<16xf32>,
      %add3A_1863 = arith.constant 16 : i32
      %add3A_1864 = vector.broadcast %add3A_1863 : i32 to vector<16xi32>
      %add3A_1865 = arith.addi %iota3A, %add3A_1864 : vector<16xi32>
      %gather3A_1866 = tpu.vector_load_idx %arg7[%broadcast_in_dim3A_1848, %add3A_1865, %broadcast_in_dim3A_1846] : memref<8x64x128xf32, #tpu.memory_space<vmem>>[vector<16xi32>, vector<16xi32>, vector<16xi32>], vector<16xf32>,
      %get3A_1867 = arith.index_cast %add3A_1826 : i32 to index
      %get3A_1868 = arith.constant 16 : index
      %get3A_1869 = tpu.vector_load %arg8[%get3A_1867, %get3A_1868] {strides = array<i32>} : memref<256x64xf32, #tpu.memory_space<vmem>>, vector<16xf32>,
      %add3A_1870 = arith.addf %gather3A_1866, %get3A_1869 : vector<16xf32>
      %swap3A_1871 = arith.constant 0 : i32
      %swap3A_1872 = arith.constant 1 : i32
      %swap3A_1873 = arith.index_cast %swap3A_1871 : i32 to index
      %swap3A_1874 = arith.index_cast %swap3A_1872 : i32 to index
      %swap3A_1875 = arith.constant 16 : index
      %swap3A_1876 = tpu.vector_load %arg9[%swap3A_1873, %swap3A_1874, %swap3A_1875] {strides = array<i32>} : memref<2x8x64xf32, #tpu.memory_space<vmem>>, vector<16xf32>,
      tpu.vector_store %arg9[%swap3A_1873, %swap3A_1874, %swap3A_1875], %add3A_1870 {strides = array<i32>} : memref<2x8x64xf32, #tpu.memory_space<vmem>>, vector<16xf32>,
      %add3A_1877 = arith.constant 32 : i32
      %add3A_1878 = vector.broadcast %add3A_1877 : i32 to vector<16xi32>
      %add3A_1879 = arith.addi %iota3A, %add3A_1878 : vector<16xi32>
      %gather3A_1880 = tpu.vector_load_idx %arg7[%broadcast_in_dim3A_1848, %add3A_1879, %broadcast_in_dim3A_1846] : memref<8x64x128xf32, #tpu.memory_space<vmem>>[vector<16xi32>, vector<16xi32>, vector<16xi32>], vector<16xf32>,
      %get3A_1881 = arith.index_cast %add3A_1826 : i32 to index
      %get3A_1882 = arith.constant 32 : index
      %get3A_1883 = tpu.vector_load %arg8[%get3A_1881, %get3A_1882] {strides = array<i32>} : memref<256x64xf32, #tpu.memory_space<vmem>>, vector<16xf32>,
      %add3A_1884 = arith.addf %gather3A_1880, %get3A_1883 : vector<16xf32>
      %swap3A_1885 = arith.constant 0 : i32
      %swap3A_1886 = arith.constant 1 : i32
      %swap3A_1887 = arith.index_cast %swap3A_1885 : i32 to index
      %swap3A_1888 = arith.index_cast %swap3A_1886 : i32 to index
      %swap3A_1889 = arith.constant 32 : index
      %swap3A_1890 = tpu.vector_load %arg9[%swap3A_1887, %swap3A_1888, %swap3A_1889] {strides = array<i32>} : memref<2x8x64xf32, #tpu.memory_space<vmem>>, vector<16xf32>,
      tpu.vector_store %arg9[%swap3A_1887, %swap3A_1888, %swap3A_1889], %add3A_1884 {strides = array<i32>} : memref<2x8x64xf32, #tpu.memory_space<vmem>>, vector<16xf32>,
      %add3A_1891 = arith.constant 48 : i32
      %add3A_1892 = vector.broadcast %add3A_1891 : i32 to vector<16xi32>
      %add3A_1893 = arith.addi %iota3A, %add3A_1892 : vector<16xi32>
      %gather3A_1894 = tpu.vector_load_idx %arg7[%broadcast_in_dim3A_1848, %add3A_1893, %broadcast_in_dim3A_1846] : memref<8x64x128xf32, #tpu.memory_space<vmem>>[vector<16xi32>, vector<16xi32>, vector<16xi32>], vector<16xf32>,
      %get3A_1895 = arith.index_cast %add3A_1826 : i32 to index
      %get3A_1896 = arith.constant 48 : index
      %get3A_1897 = tpu.vector_load %arg8[%get3A_1895, %get3A_1896] {strides = array<i32>} : memref<256x64xf32, #tpu.memory_space<vmem>>, vector<16xf32>,
      %add3A_1898 = arith.addf %gather3A_1894, %get3A_1897 : vector<16xf32>
      %swap3A_1899 = arith.constant 0 : i32
      %swap3A_1900 = arith.constant 1 : i32
      %swap3A_1901 = arith.index_cast %swap3A_1899 : i32 to index
      %swap3A_1902 = arith.index_cast %swap3A_1900 : i32 to index
      %swap3A_1903 = arith.constant 48 : index
      %swap3A_1904 = tpu.vector_load %arg9[%swap3A_1901, %swap3A_1902, %swap3A_1903] {strides = array<i32>} : memref<2x8x64xf32, #tpu.memory_space<vmem>>, vector<16xf32>,
      tpu.vector_store %arg9[%swap3A_1901, %swap3A_1902, %swap3A_1903], %add3A_1898 {strides = array<i32>} : memref<2x8x64xf32, #tpu.memory_space<vmem>>, vector<16xf32>,
      %slice3A_1905 = vector.extract_strided_slice %get3A_1725 {offsets = [1], sizes = [1], strides = [1]} : vector<16xi32> to vector<1xi32>
      %squeeze3A_1906 = vector.extract %slice3A_1905[0] : i32 from vector<1xi32>
      %shift_right_logical3A_1907 = arith.constant 7 : i32
      %shift_right_logical3A_1908 = arith.shrui %squeeze3A_1906, %shift_right_logical3A_1907 : i32
      %mul3A_1909 = arith.constant 128 : i32
      %mul3A_1910 = arith.muli %shift_right_logical3A_1908, %mul3A_1909 : i32
      %dma_start3A_1911 = arith.constant 1 : i32
      %dma_start3A_1912 = arith.constant 0 : i32
      %dma_start3A_1913 = arith.constant 0 : i32
      %dma_start3A_1914 = tpu.memref_slice %arg7[%dma_start3A_1911, %dma_start3A_1912, %dma_start3A_1913] : memref<8x64x128xf32, #tpu.memory_space<vmem>> -> memref<1x64x128xf32, #tpu.memory_space<vmem>>
      %dma_start3A_1915 = tpu.memref_squeeze %dma_start3A_1914 : memref<1x64x128xf32, #tpu.memory_space<vmem>> -> memref<64x128xf32, #tpu.memory_space<vmem>>
      %dma_start3A_1916 = arith.constant 0 : i32
      %dma_start3A_1917 = tpu.memref_slice %arg3[%dma_start3A_1916, %mul3A_1910] : memref<64x1000000xf32, #tpu.memory_space<hbm>> -> memref<64x128xf32, #tpu.memory_space<hbm>>
      %dma_start3A_1918 = arith.constant 0 : i32
      %dma_start3A_1919 = arith.constant 0 : i32
      %dma_start3A_1920 = tpu.memref_slice %arg7[%dma_start3A_1911, %dma_start3A_1918, %dma_start3A_1919] : memref<8x64x128xf32, #tpu.memory_space<vmem>> -> memref<1x64x128xf32, #tpu.memory_space<vmem>>
      %dma_start3A_1921 = tpu.memref_squeeze %dma_start3A_1920 : memref<1x64x128xf32, #tpu.memory_space<vmem>> -> memref<64x128xf32, #tpu.memory_space<vmem>>
      %dma_start3A_1922 = arith.constant 0 : i32
      %dma_start3A_1923 = tpu.memref_slice %arg3[%dma_start3A_1922, %mul3A_1910] : memref<64x1000000xf32, #tpu.memory_space<hbm>> -> memref<64x128xf32, #tpu.memory_space<hbm>>
      tpu.enqueue_dma source(%dma_start3A_1923 : memref<64x128xf32, #tpu.memory_space<hbm>>) target(%dma_start3A_1921 : memref<64x128xf32, #tpu.memory_space<vmem>>) target_semaphore(%arg11 : memref<!tpu.dma_semaphore, #tpu.memory_space<semaphore_mem>>)
      %add3A_1924 = arith.constant 2 : i32
      %add3A_1925 = arith.addi %mul3A_1719, %add3A_1924 : i32
      %slice3A_1926 = vector.extract_strided_slice %get3A_1721 {offsets = [2], sizes = [1], strides = [1]} : vector<16xi32> to vector<1xi32>
      %squeeze3A_1927 = vector.extract %slice3A_1926[0] : i32 from vector<1xi32>
      %and3A_1928 = arith.constant 127 : i32
      %and3A_1929 = arith.andi %squeeze3A_1927, %and3A_1928 : i32
      %dma_wait3A_1930 = arith.constant 2 : i32
      %dma_wait3A_1931 = arith.constant 0 : i32
      %dma_wait3A_1932 = arith.constant 0 : i32
      %dma_wait3A_1933 = tpu.memref_slice %arg7[%dma_wait3A_1930, %dma_wait3A_1931, %dma_wait3A_1932] : memref<8x64x128xf32, #tpu.memory_space<vmem>> -> memref<1x64x128xf32, #tpu.memory_space<vmem>>
      %dma_wait3A_1934 = tpu.memref_squeeze %dma_wait3A_1933 : memref<1x64x128xf32, #tpu.memory_space<vmem>> -> memref<64x128xf32, #tpu.memory_space<vmem>>
      %dma_wait3A_1935 = arith.constant 0 : i32
      %dma_wait3A_1936 = arith.constant 0 : i32
      %dma_wait3A_1937 = tpu.memref_slice %arg3[%dma_wait3A_1935, %dma_wait3A_1936] : memref<64x1000000xf32, #tpu.memory_space<hbm>> -> memref<64x128xf32, #tpu.memory_space<hbm>>
      %dma_wait3A_1938 = arith.constant 0 : i32
      %dma_wait3A_1939 = arith.constant 0 : i32
      %dma_wait3A_1940 = tpu.memref_slice %arg7[%dma_wait3A_1930, %dma_wait3A_1938, %dma_wait3A_1939] : memref<8x64x128xf32, #tpu.memory_space<vmem>> -> memref<1x64x128xf32, #tpu.memory_space<vmem>>
      %dma_wait3A_1941 = tpu.memref_squeeze %dma_wait3A_1940 : memref<1x64x128xf32, #tpu.memory_space<vmem>> -> memref<64x128xf32, #tpu.memory_space<vmem>>
      %dma_wait3A_1942 = arith.constant 0 : i32
      %dma_wait3A_1943 = arith.constant 0 : i32
      %dma_wait3A_1944 = tpu.memref_slice %arg3[%dma_wait3A_1942, %dma_wait3A_1943] : memref<64x1000000xf32, #tpu.memory_space<hbm>> -> memref<64x128xf32, #tpu.memory_space<hbm>>
      tpu.wait_dma2 semaphore(%arg12 : memref<!tpu.dma_semaphore, #tpu.memory_space<semaphore_mem>>) src(%dma_wait3A_1944 : memref<64x128xf32, #tpu.memory_space<hbm>>) dst(%dma_wait3A_1941 : memref<64x128xf32, #tpu.memory_space<vmem>>)
      %broadcast_in_dim3A_1945 = vector.broadcast %and3A_1929 : i32 to vector<16xi32>
      %broadcast_in_dim3A_1946 = arith.constant 2 : i32
      %broadcast_in_dim3A_1947 = vector.broadcast %broadcast_in_dim3A_1946 : i32 to vector<16xi32>
      %add3A_1948 = arith.constant 0 : i32
      %add3A_1949 = vector.broadcast %add3A_1948 : i32 to vector<16xi32>
      %add3A_1950 = arith.addi %iota3A, %add3A_1949 : vector<16xi32>
      %gather3A_1951 = tpu.vector_load_idx %arg7[%broadcast_in_dim3A_1947, %add3A_1950, %broadcast_in_dim3A_1945] : memref<8x64x128xf32, #tpu.memory_space<vmem>>[vector<16xi32>, vector<16xi32>, vector<16xi32>], vector<16xf32>,
      %get3A_1952 = arith.index_cast %add3A_1925 : i32 to index
      %get3A_1953 = arith.constant 0 : index
      %get3A_1954 = tpu.vector_load %arg8[%get3A_1952, %get3A_1953] {strides = array<i32>} : memref<256x64xf32, #tpu.memory_space<vmem>>, vector<16xf32>,
      %add3A_1955 = arith.addf %gather3A_1951, %get3A_1954 : vector<16xf32>
      %swap3A_1956 = arith.constant 0 : i32
      %swap3A_1957 = arith.constant 2 : i32
      %swap3A_1958 = arith.index_cast %swap3A_1956 : i32 to index
      %swap3A_1959 = arith.index_cast %swap3A_1957 : i32 to index
      %swap3A_1960 = arith.constant 0 : index
      %swap3A_1961 = tpu.vector_load %arg9[%swap3A_1958, %swap3A_1959, %swap3A_1960] {strides = array<i32>} : memref<2x8x64xf32, #tpu.memory_space<vmem>>, vector<16xf32>,
      tpu.vector_store %arg9[%swap3A_1958, %swap3A_1959, %swap3A_1960], %add3A_1955 {strides = array<i32>} : memref<2x8x64xf32, #tpu.memory_space<vmem>>, vector<16xf32>,
      %add3A_1962 = arith.constant 16 : i32
      %add3A_1963 = vector.broadcast %add3A_1962 : i32 to vector<16xi32>
      %add3A_1964 = arith.addi %iota3A, %add3A_1963 : vector<16xi32>
      %gather3A_1965 = tpu.vector_load_idx %arg7[%broadcast_in_dim3A_1947, %add3A_1964, %broadcast_in_dim3A_1945] : memref<8x64x128xf32, #tpu.memory_space<vmem>>[vector<16xi32>, vector<16xi32>, vector<16xi32>], vector<16xf32>,
      %get3A_1966 = arith.index_cast %add3A_1925 : i32 to index
      %get3A_1967 = arith.constant 16 : index
      %get3A_1968 = tpu.vector_load %arg8[%get3A_1966, %get3A_1967] {strides = array<i32>} : memref<256x64xf32, #tpu.memory_space<vmem>>, vector<16xf32>,
      %add3A_1969 = arith.addf %gather3A_1965, %get3A_1968 : vector<16xf32>
      %swap3A_1970 = arith.constant 0 : i32
      %swap3A_1971 = arith.constant 2 : i32
      %swap3A_1972 = arith.index_cast %swap3A_1970 : i32 to index
      %swap3A_1973 = arith.index_cast %swap3A_1971 : i32 to index
      %swap3A_1974 = arith.constant 16 : index
      %swap3A_1975 = tpu.vector_load %arg9[%swap3A_1972, %swap3A_1973, %swap3A_1974] {strides = array<i32>} : memref<2x8x64xf32, #tpu.memory_space<vmem>>, vector<16xf32>,
      tpu.vector_store %arg9[%swap3A_1972, %swap3A_1973, %swap3A_1974], %add3A_1969 {strides = array<i32>} : memref<2x8x64xf32, #tpu.memory_space<vmem>>, vector<16xf32>,
      %add3A_1976 = arith.constant 32 : i32
      %add3A_1977 = vector.broadcast %add3A_1976 : i32 to vector<16xi32>
      %add3A_1978 = arith.addi %iota3A, %add3A_1977 : vector<16xi32>
      %gather3A_1979 = tpu.vector_load_idx %arg7[%broadcast_in_dim3A_1947, %add3A_1978, %broadcast_in_dim3A_1945] : memref<8x64x128xf32, #tpu.memory_space<vmem>>[vector<16xi32>, vector<16xi32>, vector<16xi32>], vector<16xf32>,
      %get3A_1980 = arith.index_cast %add3A_1925 : i32 to index
      %get3A_1981 = arith.constant 32 : index
      %get3A_1982 = tpu.vector_load %arg8[%get3A_1980, %get3A_1981] {strides = array<i32>} : memref<256x64xf32, #tpu.memory_space<vmem>>, vector<16xf32>,
      %add3A_1983 = arith.addf %gather3A_1979, %get3A_1982 : vector<16xf32>
      %swap3A_1984 = arith.constant 0 : i32
      %swap3A_1985 = arith.constant 2 : i32
      %swap3A_1986 = arith.index_cast %swap3A_1984 : i32 to index
      %swap3A_1987 = arith.index_cast %swap3A_1985 : i32 to index
      %swap3A_1988 = arith.constant 32 : index
      %swap3A_1989 = tpu.vector_load %arg9[%swap3A_1986, %swap3A_1987, %swap3A_1988] {strides = array<i32>} : memref<2x8x64xf32, #tpu.memory_space<vmem>>, vector<16xf32>,
      tpu.vector_store %arg9[%swap3A_1986, %swap3A_1987, %swap3A_1988], %add3A_1983 {strides = array<i32>} : memref<2x8x64xf32, #tpu.memory_space<vmem>>, vector<16xf32>,
      %add3A_1990 = arith.constant 48 : i32
      %add3A_1991 = vector.broadcast %add3A_1990 : i32 to vector<16xi32>
      %add3A_1992 = arith.addi %iota3A, %add3A_1991 : vector<16xi32>
      %gather3A_1993 = tpu.vector_load_idx %arg7[%broadcast_in_dim3A_1947, %add3A_1992, %broadcast_in_dim3A_1945] : memref<8x64x128xf32, #tpu.memory_space<vmem>>[vector<16xi32>, vector<16xi32>, vector<16xi32>], vector<16xf32>,
      %get3A_1994 = arith.index_cast %add3A_1925 : i32 to index
      %get3A_1995 = arith.constant 48 : index
      %get3A_1996 = tpu.vector_load %arg8[%get3A_1994, %get3A_1995] {strides = array<i32>} : memref<256x64xf32, #tpu.memory_space<vmem>>, vector<16xf32>,
      %add3A_1997 = arith.addf %gather3A_1993, %get3A_1996 : vector<16xf32>
      %swap3A_1998 = arith.constant 0 : i32
      %swap3A_1999 = arith.constant 2 : i32
      %swap3A_2000 = arith.index_cast %swap3A_1998 : i32 to index
      %swap3A_2001 = arith.index_cast %swap3A_1999 : i32 to index
      %swap3A_2002 = arith.constant 48 : index
      %swap3A_2003 = tpu.vector_load %arg9[%swap3A_2000, %swap3A_2001, %swap3A_2002] {strides = array<i32>} : memref<2x8x64xf32, #tpu.memory_space<vmem>>, vector<16xf32>,
      tpu.vector_store %arg9[%swap3A_2000, %swap3A_2001, %swap3A_2002], %add3A_1997 {strides = array<i32>} : memref<2x8x64xf32, #tpu.memory_space<vmem>>, vector<16xf32>,
      %slice3A_2004 = vector.extract_strided_slice %get3A_1725 {offsets = [2], sizes = [1], strides = [1]} : vector<16xi32> to vector<1xi32>
      %squeeze3A_2005 = vector.extract %slice3A_2004[0] : i32 from vector<1xi32>
      %shift_right_logical3A_2006 = arith.constant 7 : i32
      %shift_right_logical3A_2007 = arith.shrui %squeeze3A_2005, %shift_right_logical3A_2006 : i32
      %mul3A_2008 = arith.constant 128 : i32
      %mul3A_2009 = arith.muli %shift_right_logical3A_2007, %mul3A_2008 : i32
      %dma_start3A_2010 = arith.constant 2 : i32
      %dma_start3A_2011 = arith.constant 0 : i32
      %dma_start3A_2012 = arith.constant 0 : i32
      %dma_start3A_2013 = tpu.memref_slice %arg7[%dma_start3A_2010, %dma_start3A_2011, %dma_start3A_2012] : memref<8x64x128xf32, #tpu.memory_space<vmem>> -> memref<1x64x128xf32, #tpu.memory_space<vmem>>
      %dma_start3A_2014 = tpu.memref_squeeze %dma_start3A_2013 : memref<1x64x128xf32, #tpu.memory_space<vmem>> -> memref<64x128xf32, #tpu.memory_space<vmem>>
      %dma_start3A_2015 = arith.constant 0 : i32
      %dma_start3A_2016 = tpu.memref_slice %arg3[%dma_start3A_2015, %mul3A_2009] : memref<64x1000000xf32, #tpu.memory_space<hbm>> -> memref<64x128xf32, #tpu.memory_space<hbm>>
      %dma_start3A_2017 = arith.constant 0 : i32
      %dma_start3A_2018 = arith.constant 0 : i32
      %dma_start3A_2019 = tpu.memref_slice %arg7[%dma_start3A_2010, %dma_start3A_2017, %dma_start3A_2018] : memref<8x64x128xf32, #tpu.memory_space<vmem>> -> memref<1x64x128xf32, #tpu.memory_space<vmem>>
      %dma_start3A_2020 = tpu.memref_squeeze %dma_start3A_2019 : memref<1x64x128xf32, #tpu.memory_space<vmem>> -> memref<64x128xf32, #tpu.memory_space<vmem>>
      %dma_start3A_2021 = arith.constant 0 : i32
      %dma_start3A_2022 = tpu.memref_slice %arg3[%dma_start3A_2021, %mul3A_2009] : memref<64x1000000xf32, #tpu.memory_space<hbm>> -> memref<64x128xf32, #tpu.memory_space<hbm>>
      tpu.enqueue_dma source(%dma_start3A_2022 : memref<64x128xf32, #tpu.memory_space<hbm>>) target(%dma_start3A_2020 : memref<64x128xf32, #tpu.memory_space<vmem>>) target_semaphore(%arg12 : memref<!tpu.dma_semaphore, #tpu.memory_space<semaphore_mem>>)
      %add3A_2023 = arith.constant 3 : i32
      %add3A_2024 = arith.addi %mul3A_1719, %add3A_2023 : i32
      %slice3A_2025 = vector.extract_strided_slice %get3A_1721 {offsets = [3], sizes = [1], strides = [1]} : vector<16xi32> to vector<1xi32>
      %squeeze3A_2026 = vector.extract %slice3A_2025[0] : i32 from vector<1xi32>
      %and3A_2027 = arith.constant 127 : i32
      %and3A_2028 = arith.andi %squeeze3A_2026, %and3A_2027 : i32
      %dma_wait3A_2029 = arith.constant 3 : i32
      %dma_wait3A_2030 = arith.constant 0 : i32
      %dma_wait3A_2031 = arith.constant 0 : i32
      %dma_wait3A_2032 = tpu.memref_slice %arg7[%dma_wait3A_2029, %dma_wait3A_2030, %dma_wait3A_2031] : memref<8x64x128xf32, #tpu.memory_space<vmem>> -> memref<1x64x128xf32, #tpu.memory_space<vmem>>
      %dma_wait3A_2033 = tpu.memref_squeeze %dma_wait3A_2032 : memref<1x64x128xf32, #tpu.memory_space<vmem>> -> memref<64x128xf32, #tpu.memory_space<vmem>>
      %dma_wait3A_2034 = arith.constant 0 : i32
      %dma_wait3A_2035 = arith.constant 0 : i32
      %dma_wait3A_2036 = tpu.memref_slice %arg3[%dma_wait3A_2034, %dma_wait3A_2035] : memref<64x1000000xf32, #tpu.memory_space<hbm>> -> memref<64x128xf32, #tpu.memory_space<hbm>>
      %dma_wait3A_2037 = arith.constant 0 : i32
      %dma_wait3A_2038 = arith.constant 0 : i32
      %dma_wait3A_2039 = tpu.memref_slice %arg7[%dma_wait3A_2029, %dma_wait3A_2037, %dma_wait3A_2038] : memref<8x64x128xf32, #tpu.memory_space<vmem>> -> memref<1x64x128xf32, #tpu.memory_space<vmem>>
      %dma_wait3A_2040 = tpu.memref_squeeze %dma_wait3A_2039 : memref<1x64x128xf32, #tpu.memory_space<vmem>> -> memref<64x128xf32, #tpu.memory_space<vmem>>
      %dma_wait3A_2041 = arith.constant 0 : i32
      %dma_wait3A_2042 = arith.constant 0 : i32
      %dma_wait3A_2043 = tpu.memref_slice %arg3[%dma_wait3A_2041, %dma_wait3A_2042] : memref<64x1000000xf32, #tpu.memory_space<hbm>> -> memref<64x128xf32, #tpu.memory_space<hbm>>
      tpu.wait_dma2 semaphore(%arg13 : memref<!tpu.dma_semaphore, #tpu.memory_space<semaphore_mem>>) src(%dma_wait3A_2043 : memref<64x128xf32, #tpu.memory_space<hbm>>) dst(%dma_wait3A_2040 : memref<64x128xf32, #tpu.memory_space<vmem>>)
      %broadcast_in_dim3A_2044 = vector.broadcast %and3A_2028 : i32 to vector<16xi32>
      %broadcast_in_dim3A_2045 = arith.constant 3 : i32
      %broadcast_in_dim3A_2046 = vector.broadcast %broadcast_in_dim3A_2045 : i32 to vector<16xi32>
      %add3A_2047 = arith.constant 0 : i32
      %add3A_2048 = vector.broadcast %add3A_2047 : i32 to vector<16xi32>
      %add3A_2049 = arith.addi %iota3A, %add3A_2048 : vector<16xi32>
      %gather3A_2050 = tpu.vector_load_idx %arg7[%broadcast_in_dim3A_2046, %add3A_2049, %broadcast_in_dim3A_2044] : memref<8x64x128xf32, #tpu.memory_space<vmem>>[vector<16xi32>, vector<16xi32>, vector<16xi32>], vector<16xf32>,
      %get3A_2051 = arith.index_cast %add3A_2024 : i32 to index
      %get3A_2052 = arith.constant 0 : index
      %get3A_2053 = tpu.vector_load %arg8[%get3A_2051, %get3A_2052] {strides = array<i32>} : memref<256x64xf32, #tpu.memory_space<vmem>>, vector<16xf32>,
      %add3A_2054 = arith.addf %gather3A_2050, %get3A_2053 : vector<16xf32>
      %swap3A_2055 = arith.constant 0 : i32
      %swap3A_2056 = arith.constant 3 : i32
      %swap3A_2057 = arith.index_cast %swap3A_2055 : i32 to index
      %swap3A_2058 = arith.index_cast %swap3A_2056 : i32 to index
      %swap3A_2059 = arith.constant 0 : index
      %swap3A_2060 = tpu.vector_load %arg9[%swap3A_2057, %swap3A_2058, %swap3A_2059] {strides = array<i32>} : memref<2x8x64xf32, #tpu.memory_space<vmem>>, vector<16xf32>,
      tpu.vector_store %arg9[%swap3A_2057, %swap3A_2058, %swap3A_2059], %add3A_2054 {strides = array<i32>} : memref<2x8x64xf32, #tpu.memory_space<vmem>>, vector<16xf32>,
      %add3A_2061 = arith.constant 16 : i32
      %add3A_2062 = vector.broadcast %add3A_2061 : i32 to vector<16xi32>
      %add3A_2063 = arith.addi %iota3A, %add3A_2062 : vector<16xi32>
      %gather3A_2064 = tpu.vector_load_idx %arg7[%broadcast_in_dim3A_2046, %add3A_2063, %broadcast_in_dim3A_2044] : memref<8x64x128xf32, #tpu.memory_space<vmem>>[vector<16xi32>, vector<16xi32>, vector<16xi32>], vector<16xf32>,
      %get3A_2065 = arith.index_cast %add3A_2024 : i32 to index
      %get3A_2066 = arith.constant 16 : index
      %get3A_2067 = tpu.vector_load %arg8[%get3A_2065, %get3A_2066] {strides = array<i32>} : memref<256x64xf32, #tpu.memory_space<vmem>>, vector<16xf32>,
      %add3A_2068 = arith.addf %gather3A_2064, %get3A_2067 : vector<16xf32>
      %swap3A_2069 = arith.constant 0 : i32
      %swap3A_2070 = arith.constant 3 : i32
      %swap3A_2071 = arith.index_cast %swap3A_2069 : i32 to index
      %swap3A_2072 = arith.index_cast %swap3A_2070 : i32 to index
      %swap3A_2073 = arith.constant 16 : index
      %swap3A_2074 = tpu.vector_load %arg9[%swap3A_2071, %swap3A_2072, %swap3A_2073] {strides = array<i32>} : memref<2x8x64xf32, #tpu.memory_space<vmem>>, vector<16xf32>,
      tpu.vector_store %arg9[%swap3A_2071, %swap3A_2072, %swap3A_2073], %add3A_2068 {strides = array<i32>} : memref<2x8x64xf32, #tpu.memory_space<vmem>>, vector<16xf32>,
      %add3A_2075 = arith.constant 32 : i32
      %add3A_2076 = vector.broadcast %add3A_2075 : i32 to vector<16xi32>
      %add3A_2077 = arith.addi %iota3A, %add3A_2076 : vector<16xi32>
      %gather3A_2078 = tpu.vector_load_idx %arg7[%broadcast_in_dim3A_2046, %add3A_2077, %broadcast_in_dim3A_2044] : memref<8x64x128xf32, #tpu.memory_space<vmem>>[vector<16xi32>, vector<16xi32>, vector<16xi32>], vector<16xf32>,
      %get3A_2079 = arith.index_cast %add3A_2024 : i32 to index
      %get3A_2080 = arith.constant 32 : index
      %get3A_2081 = tpu.vector_load %arg8[%get3A_2079, %get3A_2080] {strides = array<i32>} : memref<256x64xf32, #tpu.memory_space<vmem>>, vector<16xf32>,
      %add3A_2082 = arith.addf %gather3A_2078, %get3A_2081 : vector<16xf32>
      %swap3A_2083 = arith.constant 0 : i32
      %swap3A_2084 = arith.constant 3 : i32
      %swap3A_2085 = arith.index_cast %swap3A_2083 : i32 to index
      %swap3A_2086 = arith.index_cast %swap3A_2084 : i32 to index
      %swap3A_2087 = arith.constant 32 : index
      %swap3A_2088 = tpu.vector_load %arg9[%swap3A_2085, %swap3A_2086, %swap3A_2087] {strides = array<i32>} : memref<2x8x64xf32, #tpu.memory_space<vmem>>, vector<16xf32>,
      tpu.vector_store %arg9[%swap3A_2085, %swap3A_2086, %swap3A_2087], %add3A_2082 {strides = array<i32>} : memref<2x8x64xf32, #tpu.memory_space<vmem>>, vector<16xf32>,
      %add3A_2089 = arith.constant 48 : i32
      %add3A_2090 = vector.broadcast %add3A_2089 : i32 to vector<16xi32>
      %add3A_2091 = arith.addi %iota3A, %add3A_2090 : vector<16xi32>
      %gather3A_2092 = tpu.vector_load_idx %arg7[%broadcast_in_dim3A_2046, %add3A_2091, %broadcast_in_dim3A_2044] : memref<8x64x128xf32, #tpu.memory_space<vmem>>[vector<16xi32>, vector<16xi32>, vector<16xi32>], vector<16xf32>,
      %get3A_2093 = arith.index_cast %add3A_2024 : i32 to index
      %get3A_2094 = arith.constant 48 : index
      %get3A_2095 = tpu.vector_load %arg8[%get3A_2093, %get3A_2094] {strides = array<i32>} : memref<256x64xf32, #tpu.memory_space<vmem>>, vector<16xf32>,
      %add3A_2096 = arith.addf %gather3A_2092, %get3A_2095 : vector<16xf32>
      %swap3A_2097 = arith.constant 0 : i32
      %swap3A_2098 = arith.constant 3 : i32
      %swap3A_2099 = arith.index_cast %swap3A_2097 : i32 to index
      %swap3A_2100 = arith.index_cast %swap3A_2098 : i32 to index
      %swap3A_2101 = arith.constant 48 : index
      %swap3A_2102 = tpu.vector_load %arg9[%swap3A_2099, %swap3A_2100, %swap3A_2101] {strides = array<i32>} : memref<2x8x64xf32, #tpu.memory_space<vmem>>, vector<16xf32>,
      tpu.vector_store %arg9[%swap3A_2099, %swap3A_2100, %swap3A_2101], %add3A_2096 {strides = array<i32>} : memref<2x8x64xf32, #tpu.memory_space<vmem>>, vector<16xf32>,
      %slice3A_2103 = vector.extract_strided_slice %get3A_1725 {offsets = [3], sizes = [1], strides = [1]} : vector<16xi32> to vector<1xi32>
      %squeeze3A_2104 = vector.extract %slice3A_2103[0] : i32 from vector<1xi32>
      %shift_right_logical3A_2105 = arith.constant 7 : i32
      %shift_right_logical3A_2106 = arith.shrui %squeeze3A_2104, %shift_right_logical3A_2105 : i32
      %mul3A_2107 = arith.constant 128 : i32
      %mul3A_2108 = arith.muli %shift_right_logical3A_2106, %mul3A_2107 : i32
      %dma_start3A_2109 = arith.constant 3 : i32
      %dma_start3A_2110 = arith.constant 0 : i32
      %dma_start3A_2111 = arith.constant 0 : i32
      %dma_start3A_2112 = tpu.memref_slice %arg7[%dma_start3A_2109, %dma_start3A_2110, %dma_start3A_2111] : memref<8x64x128xf32, #tpu.memory_space<vmem>> -> memref<1x64x128xf32, #tpu.memory_space<vmem>>
      %dma_start3A_2113 = tpu.memref_squeeze %dma_start3A_2112 : memref<1x64x128xf32, #tpu.memory_space<vmem>> -> memref<64x128xf32, #tpu.memory_space<vmem>>
      %dma_start3A_2114 = arith.constant 0 : i32
      %dma_start3A_2115 = tpu.memref_slice %arg3[%dma_start3A_2114, %mul3A_2108] : memref<64x1000000xf32, #tpu.memory_space<hbm>> -> memref<64x128xf32, #tpu.memory_space<hbm>>
      %dma_start3A_2116 = arith.constant 0 : i32
      %dma_start3A_2117 = arith.constant 0 : i32
      %dma_start3A_2118 = tpu.memref_slice %arg7[%dma_start3A_2109, %dma_start3A_2116, %dma_start3A_2117] : memref<8x64x128xf32, #tpu.memory_space<vmem>> -> memref<1x64x128xf32, #tpu.memory_space<vmem>>
      %dma_start3A_2119 = tpu.memref_squeeze %dma_start3A_2118 : memref<1x64x128xf32, #tpu.memory_space<vmem>> -> memref<64x128xf32, #tpu.memory_space<vmem>>
      %dma_start3A_2120 = arith.constant 0 : i32
      %dma_start3A_2121 = tpu.memref_slice %arg3[%dma_start3A_2120, %mul3A_2108] : memref<64x1000000xf32, #tpu.memory_space<hbm>> -> memref<64x128xf32, #tpu.memory_space<hbm>>
      tpu.enqueue_dma source(%dma_start3A_2121 : memref<64x128xf32, #tpu.memory_space<hbm>>) target(%dma_start3A_2119 : memref<64x128xf32, #tpu.memory_space<vmem>>) target_semaphore(%arg13 : memref<!tpu.dma_semaphore, #tpu.memory_space<semaphore_mem>>)
      %add3A_2122 = arith.constant 4 : i32
      %add3A_2123 = arith.addi %mul3A_1719, %add3A_2122 : i32
      %slice3A_2124 = vector.extract_strided_slice %get3A_1721 {offsets = [4], sizes = [1], strides = [1]} : vector<16xi32> to vector<1xi32>
      %squeeze3A_2125 = vector.extract %slice3A_2124[0] : i32 from vector<1xi32>
      %and3A_2126 = arith.constant 127 : i32
      %and3A_2127 = arith.andi %squeeze3A_2125, %and3A_2126 : i32
      %dma_wait3A_2128 = arith.constant 4 : i32
      %dma_wait3A_2129 = arith.constant 0 : i32
      %dma_wait3A_2130 = arith.constant 0 : i32
      %dma_wait3A_2131 = tpu.memref_slice %arg7[%dma_wait3A_2128, %dma_wait3A_2129, %dma_wait3A_2130] : memref<8x64x128xf32, #tpu.memory_space<vmem>> -> memref<1x64x128xf32, #tpu.memory_space<vmem>>
      %dma_wait3A_2132 = tpu.memref_squeeze %dma_wait3A_2131 : memref<1x64x128xf32, #tpu.memory_space<vmem>> -> memref<64x128xf32, #tpu.memory_space<vmem>>
      %dma_wait3A_2133 = arith.constant 0 : i32
      %dma_wait3A_2134 = arith.constant 0 : i32
      %dma_wait3A_2135 = tpu.memref_slice %arg3[%dma_wait3A_2133, %dma_wait3A_2134] : memref<64x1000000xf32, #tpu.memory_space<hbm>> -> memref<64x128xf32, #tpu.memory_space<hbm>>
      %dma_wait3A_2136 = arith.constant 0 : i32
      %dma_wait3A_2137 = arith.constant 0 : i32
      %dma_wait3A_2138 = tpu.memref_slice %arg7[%dma_wait3A_2128, %dma_wait3A_2136, %dma_wait3A_2137] : memref<8x64x128xf32, #tpu.memory_space<vmem>> -> memref<1x64x128xf32, #tpu.memory_space<vmem>>
      %dma_wait3A_2139 = tpu.memref_squeeze %dma_wait3A_2138 : memref<1x64x128xf32, #tpu.memory_space<vmem>> -> memref<64x128xf32, #tpu.memory_space<vmem>>
      %dma_wait3A_2140 = arith.constant 0 : i32
      %dma_wait3A_2141 = arith.constant 0 : i32
      %dma_wait3A_2142 = tpu.memref_slice %arg3[%dma_wait3A_2140, %dma_wait3A_2141] : memref<64x1000000xf32, #tpu.memory_space<hbm>> -> memref<64x128xf32, #tpu.memory_space<hbm>>
      tpu.wait_dma2 semaphore(%arg14 : memref<!tpu.dma_semaphore, #tpu.memory_space<semaphore_mem>>) src(%dma_wait3A_2142 : memref<64x128xf32, #tpu.memory_space<hbm>>) dst(%dma_wait3A_2139 : memref<64x128xf32, #tpu.memory_space<vmem>>)
      %broadcast_in_dim3A_2143 = vector.broadcast %and3A_2127 : i32 to vector<16xi32>
      %broadcast_in_dim3A_2144 = arith.constant 4 : i32
      %broadcast_in_dim3A_2145 = vector.broadcast %broadcast_in_dim3A_2144 : i32 to vector<16xi32>
      %add3A_2146 = arith.constant 0 : i32
      %add3A_2147 = vector.broadcast %add3A_2146 : i32 to vector<16xi32>
      %add3A_2148 = arith.addi %iota3A, %add3A_2147 : vector<16xi32>
      %gather3A_2149 = tpu.vector_load_idx %arg7[%broadcast_in_dim3A_2145, %add3A_2148, %broadcast_in_dim3A_2143] : memref<8x64x128xf32, #tpu.memory_space<vmem>>[vector<16xi32>, vector<16xi32>, vector<16xi32>], vector<16xf32>,
      %get3A_2150 = arith.index_cast %add3A_2123 : i32 to index
      %get3A_2151 = arith.constant 0 : index
      %get3A_2152 = tpu.vector_load %arg8[%get3A_2150, %get3A_2151] {strides = array<i32>} : memref<256x64xf32, #tpu.memory_space<vmem>>, vector<16xf32>,
      %add3A_2153 = arith.addf %gather3A_2149, %get3A_2152 : vector<16xf32>
      %swap3A_2154 = arith.constant 0 : i32
      %swap3A_2155 = arith.constant 4 : i32
      %swap3A_2156 = arith.index_cast %swap3A_2154 : i32 to index
      %swap3A_2157 = arith.index_cast %swap3A_2155 : i32 to index
      %swap3A_2158 = arith.constant 0 : index
      %swap3A_2159 = tpu.vector_load %arg9[%swap3A_2156, %swap3A_2157, %swap3A_2158] {strides = array<i32>} : memref<2x8x64xf32, #tpu.memory_space<vmem>>, vector<16xf32>,
      tpu.vector_store %arg9[%swap3A_2156, %swap3A_2157, %swap3A_2158], %add3A_2153 {strides = array<i32>} : memref<2x8x64xf32, #tpu.memory_space<vmem>>, vector<16xf32>,
      %add3A_2160 = arith.constant 16 : i32
      %add3A_2161 = vector.broadcast %add3A_2160 : i32 to vector<16xi32>
      %add3A_2162 = arith.addi %iota3A, %add3A_2161 : vector<16xi32>
      %gather3A_2163 = tpu.vector_load_idx %arg7[%broadcast_in_dim3A_2145, %add3A_2162, %broadcast_in_dim3A_2143] : memref<8x64x128xf32, #tpu.memory_space<vmem>>[vector<16xi32>, vector<16xi32>, vector<16xi32>], vector<16xf32>,
      %get3A_2164 = arith.index_cast %add3A_2123 : i32 to index
      %get3A_2165 = arith.constant 16 : index
      %get3A_2166 = tpu.vector_load %arg8[%get3A_2164, %get3A_2165] {strides = array<i32>} : memref<256x64xf32, #tpu.memory_space<vmem>>, vector<16xf32>,
      %add3A_2167 = arith.addf %gather3A_2163, %get3A_2166 : vector<16xf32>
      %swap3A_2168 = arith.constant 0 : i32
      %swap3A_2169 = arith.constant 4 : i32
      %swap3A_2170 = arith.index_cast %swap3A_2168 : i32 to index
      %swap3A_2171 = arith.index_cast %swap3A_2169 : i32 to index
      %swap3A_2172 = arith.constant 16 : index
      %swap3A_2173 = tpu.vector_load %arg9[%swap3A_2170, %swap3A_2171, %swap3A_2172] {strides = array<i32>} : memref<2x8x64xf32, #tpu.memory_space<vmem>>, vector<16xf32>,
      tpu.vector_store %arg9[%swap3A_2170, %swap3A_2171, %swap3A_2172], %add3A_2167 {strides = array<i32>} : memref<2x8x64xf32, #tpu.memory_space<vmem>>, vector<16xf32>,
      %add3A_2174 = arith.constant 32 : i32
      %add3A_2175 = vector.broadcast %add3A_2174 : i32 to vector<16xi32>
      %add3A_2176 = arith.addi %iota3A, %add3A_2175 : vector<16xi32>
      %gather3A_2177 = tpu.vector_load_idx %arg7[%broadcast_in_dim3A_2145, %add3A_2176, %broadcast_in_dim3A_2143] : memref<8x64x128xf32, #tpu.memory_space<vmem>>[vector<16xi32>, vector<16xi32>, vector<16xi32>], vector<16xf32>,
      %get3A_2178 = arith.index_cast %add3A_2123 : i32 to index
      %get3A_2179 = arith.constant 32 : index
      %get3A_2180 = tpu.vector_load %arg8[%get3A_2178, %get3A_2179] {strides = array<i32>} : memref<256x64xf32, #tpu.memory_space<vmem>>, vector<16xf32>,
      %add3A_2181 = arith.addf %gather3A_2177, %get3A_2180 : vector<16xf32>
      %swap3A_2182 = arith.constant 0 : i32
      %swap3A_2183 = arith.constant 4 : i32
      %swap3A_2184 = arith.index_cast %swap3A_2182 : i32 to index
      %swap3A_2185 = arith.index_cast %swap3A_2183 : i32 to index
      %swap3A_2186 = arith.constant 32 : index
      %swap3A_2187 = tpu.vector_load %arg9[%swap3A_2184, %swap3A_2185, %swap3A_2186] {strides = array<i32>} : memref<2x8x64xf32, #tpu.memory_space<vmem>>, vector<16xf32>,
      tpu.vector_store %arg9[%swap3A_2184, %swap3A_2185, %swap3A_2186], %add3A_2181 {strides = array<i32>} : memref<2x8x64xf32, #tpu.memory_space<vmem>>, vector<16xf32>,
      %add3A_2188 = arith.constant 48 : i32
      %add3A_2189 = vector.broadcast %add3A_2188 : i32 to vector<16xi32>
      %add3A_2190 = arith.addi %iota3A, %add3A_2189 : vector<16xi32>
      %gather3A_2191 = tpu.vector_load_idx %arg7[%broadcast_in_dim3A_2145, %add3A_2190, %broadcast_in_dim3A_2143] : memref<8x64x128xf32, #tpu.memory_space<vmem>>[vector<16xi32>, vector<16xi32>, vector<16xi32>], vector<16xf32>,
      %get3A_2192 = arith.index_cast %add3A_2123 : i32 to index
      %get3A_2193 = arith.constant 48 : index
      %get3A_2194 = tpu.vector_load %arg8[%get3A_2192, %get3A_2193] {strides = array<i32>} : memref<256x64xf32, #tpu.memory_space<vmem>>, vector<16xf32>,
      %add3A_2195 = arith.addf %gather3A_2191, %get3A_2194 : vector<16xf32>
      %swap3A_2196 = arith.constant 0 : i32
      %swap3A_2197 = arith.constant 4 : i32
      %swap3A_2198 = arith.index_cast %swap3A_2196 : i32 to index
      %swap3A_2199 = arith.index_cast %swap3A_2197 : i32 to index
      %swap3A_2200 = arith.constant 48 : index
      %swap3A_2201 = tpu.vector_load %arg9[%swap3A_2198, %swap3A_2199, %swap3A_2200] {strides = array<i32>} : memref<2x8x64xf32, #tpu.memory_space<vmem>>, vector<16xf32>,
      tpu.vector_store %arg9[%swap3A_2198, %swap3A_2199, %swap3A_2200], %add3A_2195 {strides = array<i32>} : memref<2x8x64xf32, #tpu.memory_space<vmem>>, vector<16xf32>,
      %slice3A_2202 = vector.extract_strided_slice %get3A_1725 {offsets = [4], sizes = [1], strides = [1]} : vector<16xi32> to vector<1xi32>
      %squeeze3A_2203 = vector.extract %slice3A_2202[0] : i32 from vector<1xi32>
      %shift_right_logical3A_2204 = arith.constant 7 : i32
      %shift_right_logical3A_2205 = arith.shrui %squeeze3A_2203, %shift_right_logical3A_2204 : i32
      %mul3A_2206 = arith.constant 128 : i32
      %mul3A_2207 = arith.muli %shift_right_logical3A_2205, %mul3A_2206 : i32
      %dma_start3A_2208 = arith.constant 4 : i32
      %dma_start3A_2209 = arith.constant 0 : i32
      %dma_start3A_2210 = arith.constant 0 : i32
      %dma_start3A_2211 = tpu.memref_slice %arg7[%dma_start3A_2208, %dma_start3A_2209, %dma_start3A_2210] : memref<8x64x128xf32, #tpu.memory_space<vmem>> -> memref<1x64x128xf32, #tpu.memory_space<vmem>>
      %dma_start3A_2212 = tpu.memref_squeeze %dma_start3A_2211 : memref<1x64x128xf32, #tpu.memory_space<vmem>> -> memref<64x128xf32, #tpu.memory_space<vmem>>
      %dma_start3A_2213 = arith.constant 0 : i32
      %dma_start3A_2214 = tpu.memref_slice %arg3[%dma_start3A_2213, %mul3A_2207] : memref<64x1000000xf32, #tpu.memory_space<hbm>> -> memref<64x128xf32, #tpu.memory_space<hbm>>
      %dma_start3A_2215 = arith.constant 0 : i32
      %dma_start3A_2216 = arith.constant 0 : i32
      %dma_start3A_2217 = tpu.memref_slice %arg7[%dma_start3A_2208, %dma_start3A_2215, %dma_start3A_2216] : memref<8x64x128xf32, #tpu.memory_space<vmem>> -> memref<1x64x128xf32, #tpu.memory_space<vmem>>
      %dma_start3A_2218 = tpu.memref_squeeze %dma_start3A_2217 : memref<1x64x128xf32, #tpu.memory_space<vmem>> -> memref<64x128xf32, #tpu.memory_space<vmem>>
      %dma_start3A_2219 = arith.constant 0 : i32
      %dma_start3A_2220 = tpu.memref_slice %arg3[%dma_start3A_2219, %mul3A_2207] : memref<64x1000000xf32, #tpu.memory_space<hbm>> -> memref<64x128xf32, #tpu.memory_space<hbm>>
      tpu.enqueue_dma source(%dma_start3A_2220 : memref<64x128xf32, #tpu.memory_space<hbm>>) target(%dma_start3A_2218 : memref<64x128xf32, #tpu.memory_space<vmem>>) target_semaphore(%arg14 : memref<!tpu.dma_semaphore, #tpu.memory_space<semaphore_mem>>)
      %add3A_2221 = arith.constant 5 : i32
      %add3A_2222 = arith.addi %mul3A_1719, %add3A_2221 : i32
      %slice3A_2223 = vector.extract_strided_slice %get3A_1721 {offsets = [5], sizes = [1], strides = [1]} : vector<16xi32> to vector<1xi32>
      %squeeze3A_2224 = vector.extract %slice3A_2223[0] : i32 from vector<1xi32>
      %and3A_2225 = arith.constant 127 : i32
      %and3A_2226 = arith.andi %squeeze3A_2224, %and3A_2225 : i32
      %dma_wait3A_2227 = arith.constant 5 : i32
      %dma_wait3A_2228 = arith.constant 0 : i32
      %dma_wait3A_2229 = arith.constant 0 : i32
      %dma_wait3A_2230 = tpu.memref_slice %arg7[%dma_wait3A_2227, %dma_wait3A_2228, %dma_wait3A_2229] : memref<8x64x128xf32, #tpu.memory_space<vmem>> -> memref<1x64x128xf32, #tpu.memory_space<vmem>>
      %dma_wait3A_2231 = tpu.memref_squeeze %dma_wait3A_2230 : memref<1x64x128xf32, #tpu.memory_space<vmem>> -> memref<64x128xf32, #tpu.memory_space<vmem>>
      %dma_wait3A_2232 = arith.constant 0 : i32
      %dma_wait3A_2233 = arith.constant 0 : i32
      %dma_wait3A_2234 = tpu.memref_slice %arg3[%dma_wait3A_2232, %dma_wait3A_2233] : memref<64x1000000xf32, #tpu.memory_space<hbm>> -> memref<64x128xf32, #tpu.memory_space<hbm>>
      %dma_wait3A_2235 = arith.constant 0 : i32
      %dma_wait3A_2236 = arith.constant 0 : i32
      %dma_wait3A_2237 = tpu.memref_slice %arg7[%dma_wait3A_2227, %dma_wait3A_2235, %dma_wait3A_2236] : memref<8x64x128xf32, #tpu.memory_space<vmem>> -> memref<1x64x128xf32, #tpu.memory_space<vmem>>
      %dma_wait3A_2238 = tpu.memref_squeeze %dma_wait3A_2237 : memref<1x64x128xf32, #tpu.memory_space<vmem>> -> memref<64x128xf32, #tpu.memory_space<vmem>>
      %dma_wait3A_2239 = arith.constant 0 : i32
      %dma_wait3A_2240 = arith.constant 0 : i32
      %dma_wait3A_2241 = tpu.memref_slice %arg3[%dma_wait3A_2239, %dma_wait3A_2240] : memref<64x1000000xf32, #tpu.memory_space<hbm>> -> memref<64x128xf32, #tpu.memory_space<hbm>>
      tpu.wait_dma2 semaphore(%arg15 : memref<!tpu.dma_semaphore, #tpu.memory_space<semaphore_mem>>) src(%dma_wait3A_2241 : memref<64x128xf32, #tpu.memory_space<hbm>>) dst(%dma_wait3A_2238 : memref<64x128xf32, #tpu.memory_space<vmem>>)
      %broadcast_in_dim3A_2242 = vector.broadcast %and3A_2226 : i32 to vector<16xi32>
      %broadcast_in_dim3A_2243 = arith.constant 5 : i32
      %broadcast_in_dim3A_2244 = vector.broadcast %broadcast_in_dim3A_2243 : i32 to vector<16xi32>
      %add3A_2245 = arith.constant 0 : i32
      %add3A_2246 = vector.broadcast %add3A_2245 : i32 to vector<16xi32>
      %add3A_2247 = arith.addi %iota3A, %add3A_2246 : vector<16xi32>
      %gather3A_2248 = tpu.vector_load_idx %arg7[%broadcast_in_dim3A_2244, %add3A_2247, %broadcast_in_dim3A_2242] : memref<8x64x128xf32, #tpu.memory_space<vmem>>[vector<16xi32>, vector<16xi32>, vector<16xi32>], vector<16xf32>,
      %get3A_2249 = arith.index_cast %add3A_2222 : i32 to index
      %get3A_2250 = arith.constant 0 : index
      %get3A_2251 = tpu.vector_load %arg8[%get3A_2249, %get3A_2250] {strides = array<i32>} : memref<256x64xf32, #tpu.memory_space<vmem>>, vector<16xf32>,
      %add3A_2252 = arith.addf %gather3A_2248, %get3A_2251 : vector<16xf32>
      %swap3A_2253 = arith.constant 0 : i32
      %swap3A_2254 = arith.constant 5 : i32
      %swap3A_2255 = arith.index_cast %swap3A_2253 : i32 to index
      %swap3A_2256 = arith.index_cast %swap3A_2254 : i32 to index
      %swap3A_2257 = arith.constant 0 : index
      %swap3A_2258 = tpu.vector_load %arg9[%swap3A_2255, %swap3A_2256, %swap3A_2257] {strides = array<i32>} : memref<2x8x64xf32, #tpu.memory_space<vmem>>, vector<16xf32>,
      tpu.vector_store %arg9[%swap3A_2255, %swap3A_2256, %swap3A_2257], %add3A_2252 {strides = array<i32>} : memref<2x8x64xf32, #tpu.memory_space<vmem>>, vector<16xf32>,
      %add3A_2259 = arith.constant 16 : i32
      %add3A_2260 = vector.broadcast %add3A_2259 : i32 to vector<16xi32>
      %add3A_2261 = arith.addi %iota3A, %add3A_2260 : vector<16xi32>
      %gather3A_2262 = tpu.vector_load_idx %arg7[%broadcast_in_dim3A_2244, %add3A_2261, %broadcast_in_dim3A_2242] : memref<8x64x128xf32, #tpu.memory_space<vmem>>[vector<16xi32>, vector<16xi32>, vector<16xi32>], vector<16xf32>,
      %get3A_2263 = arith.index_cast %add3A_2222 : i32 to index
      %get3A_2264 = arith.constant 16 : index
      %get3A_2265 = tpu.vector_load %arg8[%get3A_2263, %get3A_2264] {strides = array<i32>} : memref<256x64xf32, #tpu.memory_space<vmem>>, vector<16xf32>,
      %add3A_2266 = arith.addf %gather3A_2262, %get3A_2265 : vector<16xf32>
      %swap3A_2267 = arith.constant 0 : i32
      %swap3A_2268 = arith.constant 5 : i32
      %swap3A_2269 = arith.index_cast %swap3A_2267 : i32 to index
      %swap3A_2270 = arith.index_cast %swap3A_2268 : i32 to index
      %swap3A_2271 = arith.constant 16 : index
      %swap3A_2272 = tpu.vector_load %arg9[%swap3A_2269, %swap3A_2270, %swap3A_2271] {strides = array<i32>} : memref<2x8x64xf32, #tpu.memory_space<vmem>>, vector<16xf32>,
      tpu.vector_store %arg9[%swap3A_2269, %swap3A_2270, %swap3A_2271], %add3A_2266 {strides = array<i32>} : memref<2x8x64xf32, #tpu.memory_space<vmem>>, vector<16xf32>,
      %add3A_2273 = arith.constant 32 : i32
      %add3A_2274 = vector.broadcast %add3A_2273 : i32 to vector<16xi32>
      %add3A_2275 = arith.addi %iota3A, %add3A_2274 : vector<16xi32>
      %gather3A_2276 = tpu.vector_load_idx %arg7[%broadcast_in_dim3A_2244, %add3A_2275, %broadcast_in_dim3A_2242] : memref<8x64x128xf32, #tpu.memory_space<vmem>>[vector<16xi32>, vector<16xi32>, vector<16xi32>], vector<16xf32>,
      %get3A_2277 = arith.index_cast %add3A_2222 : i32 to index
      %get3A_2278 = arith.constant 32 : index
      %get3A_2279 = tpu.vector_load %arg8[%get3A_2277, %get3A_2278] {strides = array<i32>} : memref<256x64xf32, #tpu.memory_space<vmem>>, vector<16xf32>,
      %add3A_2280 = arith.addf %gather3A_2276, %get3A_2279 : vector<16xf32>
      %swap3A_2281 = arith.constant 0 : i32
      %swap3A_2282 = arith.constant 5 : i32
      %swap3A_2283 = arith.index_cast %swap3A_2281 : i32 to index
      %swap3A_2284 = arith.index_cast %swap3A_2282 : i32 to index
      %swap3A_2285 = arith.constant 32 : index
      %swap3A_2286 = tpu.vector_load %arg9[%swap3A_2283, %swap3A_2284, %swap3A_2285] {strides = array<i32>} : memref<2x8x64xf32, #tpu.memory_space<vmem>>, vector<16xf32>,
      tpu.vector_store %arg9[%swap3A_2283, %swap3A_2284, %swap3A_2285], %add3A_2280 {strides = array<i32>} : memref<2x8x64xf32, #tpu.memory_space<vmem>>, vector<16xf32>,
      %add3A_2287 = arith.constant 48 : i32
      %add3A_2288 = vector.broadcast %add3A_2287 : i32 to vector<16xi32>
      %add3A_2289 = arith.addi %iota3A, %add3A_2288 : vector<16xi32>
      %gather3A_2290 = tpu.vector_load_idx %arg7[%broadcast_in_dim3A_2244, %add3A_2289, %broadcast_in_dim3A_2242] : memref<8x64x128xf32, #tpu.memory_space<vmem>>[vector<16xi32>, vector<16xi32>, vector<16xi32>], vector<16xf32>,
      %get3A_2291 = arith.index_cast %add3A_2222 : i32 to index
      %get3A_2292 = arith.constant 48 : index
      %get3A_2293 = tpu.vector_load %arg8[%get3A_2291, %get3A_2292] {strides = array<i32>} : memref<256x64xf32, #tpu.memory_space<vmem>>, vector<16xf32>,
      %add3A_2294 = arith.addf %gather3A_2290, %get3A_2293 : vector<16xf32>
      %swap3A_2295 = arith.constant 0 : i32
      %swap3A_2296 = arith.constant 5 : i32
      %swap3A_2297 = arith.index_cast %swap3A_2295 : i32 to index
      %swap3A_2298 = arith.index_cast %swap3A_2296 : i32 to index
      %swap3A_2299 = arith.constant 48 : index
      %swap3A_2300 = tpu.vector_load %arg9[%swap3A_2297, %swap3A_2298, %swap3A_2299] {strides = array<i32>} : memref<2x8x64xf32, #tpu.memory_space<vmem>>, vector<16xf32>,
      tpu.vector_store %arg9[%swap3A_2297, %swap3A_2298, %swap3A_2299], %add3A_2294 {strides = array<i32>} : memref<2x8x64xf32, #tpu.memory_space<vmem>>, vector<16xf32>,
      %slice3A_2301 = vector.extract_strided_slice %get3A_1725 {offsets = [5], sizes = [1], strides = [1]} : vector<16xi32> to vector<1xi32>
      %squeeze3A_2302 = vector.extract %slice3A_2301[0] : i32 from vector<1xi32>
      %shift_right_logical3A_2303 = arith.constant 7 : i32
      %shift_right_logical3A_2304 = arith.shrui %squeeze3A_2302, %shift_right_logical3A_2303 : i32
      %mul3A_2305 = arith.constant 128 : i32
      %mul3A_2306 = arith.muli %shift_right_logical3A_2304, %mul3A_2305 : i32
      %dma_start3A_2307 = arith.constant 5 : i32
      %dma_start3A_2308 = arith.constant 0 : i32
      %dma_start3A_2309 = arith.constant 0 : i32
      %dma_start3A_2310 = tpu.memref_slice %arg7[%dma_start3A_2307, %dma_start3A_2308, %dma_start3A_2309] : memref<8x64x128xf32, #tpu.memory_space<vmem>> -> memref<1x64x128xf32, #tpu.memory_space<vmem>>
      %dma_start3A_2311 = tpu.memref_squeeze %dma_start3A_2310 : memref<1x64x128xf32, #tpu.memory_space<vmem>> -> memref<64x128xf32, #tpu.memory_space<vmem>>
      %dma_start3A_2312 = arith.constant 0 : i32
      %dma_start3A_2313 = tpu.memref_slice %arg3[%dma_start3A_2312, %mul3A_2306] : memref<64x1000000xf32, #tpu.memory_space<hbm>> -> memref<64x128xf32, #tpu.memory_space<hbm>>
      %dma_start3A_2314 = arith.constant 0 : i32
      %dma_start3A_2315 = arith.constant 0 : i32
      %dma_start3A_2316 = tpu.memref_slice %arg7[%dma_start3A_2307, %dma_start3A_2314, %dma_start3A_2315] : memref<8x64x128xf32, #tpu.memory_space<vmem>> -> memref<1x64x128xf32, #tpu.memory_space<vmem>>
      %dma_start3A_2317 = tpu.memref_squeeze %dma_start3A_2316 : memref<1x64x128xf32, #tpu.memory_space<vmem>> -> memref<64x128xf32, #tpu.memory_space<vmem>>
      %dma_start3A_2318 = arith.constant 0 : i32
      %dma_start3A_2319 = tpu.memref_slice %arg3[%dma_start3A_2318, %mul3A_2306] : memref<64x1000000xf32, #tpu.memory_space<hbm>> -> memref<64x128xf32, #tpu.memory_space<hbm>>
      tpu.enqueue_dma source(%dma_start3A_2319 : memref<64x128xf32, #tpu.memory_space<hbm>>) target(%dma_start3A_2317 : memref<64x128xf32, #tpu.memory_space<vmem>>) target_semaphore(%arg15 : memref<!tpu.dma_semaphore, #tpu.memory_space<semaphore_mem>>)
      %add3A_2320 = arith.constant 6 : i32
      %add3A_2321 = arith.addi %mul3A_1719, %add3A_2320 : i32
      %slice3A_2322 = vector.extract_strided_slice %get3A_1721 {offsets = [6], sizes = [1], strides = [1]} : vector<16xi32> to vector<1xi32>
      %squeeze3A_2323 = vector.extract %slice3A_2322[0] : i32 from vector<1xi32>
      %and3A_2324 = arith.constant 127 : i32
      %and3A_2325 = arith.andi %squeeze3A_2323, %and3A_2324 : i32
      %dma_wait3A_2326 = arith.constant 6 : i32
      %dma_wait3A_2327 = arith.constant 0 : i32
      %dma_wait3A_2328 = arith.constant 0 : i32
      %dma_wait3A_2329 = tpu.memref_slice %arg7[%dma_wait3A_2326, %dma_wait3A_2327, %dma_wait3A_2328] : memref<8x64x128xf32, #tpu.memory_space<vmem>> -> memref<1x64x128xf32, #tpu.memory_space<vmem>>
      %dma_wait3A_2330 = tpu.memref_squeeze %dma_wait3A_2329 : memref<1x64x128xf32, #tpu.memory_space<vmem>> -> memref<64x128xf32, #tpu.memory_space<vmem>>
      %dma_wait3A_2331 = arith.constant 0 : i32
      %dma_wait3A_2332 = arith.constant 0 : i32
      %dma_wait3A_2333 = tpu.memref_slice %arg3[%dma_wait3A_2331, %dma_wait3A_2332] : memref<64x1000000xf32, #tpu.memory_space<hbm>> -> memref<64x128xf32, #tpu.memory_space<hbm>>
      %dma_wait3A_2334 = arith.constant 0 : i32
      %dma_wait3A_2335 = arith.constant 0 : i32
      %dma_wait3A_2336 = tpu.memref_slice %arg7[%dma_wait3A_2326, %dma_wait3A_2334, %dma_wait3A_2335] : memref<8x64x128xf32, #tpu.memory_space<vmem>> -> memref<1x64x128xf32, #tpu.memory_space<vmem>>
      %dma_wait3A_2337 = tpu.memref_squeeze %dma_wait3A_2336 : memref<1x64x128xf32, #tpu.memory_space<vmem>> -> memref<64x128xf32, #tpu.memory_space<vmem>>
      %dma_wait3A_2338 = arith.constant 0 : i32
      %dma_wait3A_2339 = arith.constant 0 : i32
      %dma_wait3A_2340 = tpu.memref_slice %arg3[%dma_wait3A_2338, %dma_wait3A_2339] : memref<64x1000000xf32, #tpu.memory_space<hbm>> -> memref<64x128xf32, #tpu.memory_space<hbm>>
      tpu.wait_dma2 semaphore(%arg16 : memref<!tpu.dma_semaphore, #tpu.memory_space<semaphore_mem>>) src(%dma_wait3A_2340 : memref<64x128xf32, #tpu.memory_space<hbm>>) dst(%dma_wait3A_2337 : memref<64x128xf32, #tpu.memory_space<vmem>>)
      %broadcast_in_dim3A_2341 = vector.broadcast %and3A_2325 : i32 to vector<16xi32>
      %broadcast_in_dim3A_2342 = arith.constant 6 : i32
      %broadcast_in_dim3A_2343 = vector.broadcast %broadcast_in_dim3A_2342 : i32 to vector<16xi32>
      %add3A_2344 = arith.constant 0 : i32
      %add3A_2345 = vector.broadcast %add3A_2344 : i32 to vector<16xi32>
      %add3A_2346 = arith.addi %iota3A, %add3A_2345 : vector<16xi32>
      %gather3A_2347 = tpu.vector_load_idx %arg7[%broadcast_in_dim3A_2343, %add3A_2346, %broadcast_in_dim3A_2341] : memref<8x64x128xf32, #tpu.memory_space<vmem>>[vector<16xi32>, vector<16xi32>, vector<16xi32>], vector<16xf32>,
      %get3A_2348 = arith.index_cast %add3A_2321 : i32 to index
      %get3A_2349 = arith.constant 0 : index
      %get3A_2350 = tpu.vector_load %arg8[%get3A_2348, %get3A_2349] {strides = array<i32>} : memref<256x64xf32, #tpu.memory_space<vmem>>, vector<16xf32>,
      %add3A_2351 = arith.addf %gather3A_2347, %get3A_2350 : vector<16xf32>
      %swap3A_2352 = arith.constant 0 : i32
      %swap3A_2353 = arith.constant 6 : i32
      %swap3A_2354 = arith.index_cast %swap3A_2352 : i32 to index
      %swap3A_2355 = arith.index_cast %swap3A_2353 : i32 to index
      %swap3A_2356 = arith.constant 0 : index
      %swap3A_2357 = tpu.vector_load %arg9[%swap3A_2354, %swap3A_2355, %swap3A_2356] {strides = array<i32>} : memref<2x8x64xf32, #tpu.memory_space<vmem>>, vector<16xf32>,
      tpu.vector_store %arg9[%swap3A_2354, %swap3A_2355, %swap3A_2356], %add3A_2351 {strides = array<i32>} : memref<2x8x64xf32, #tpu.memory_space<vmem>>, vector<16xf32>,
      %add3A_2358 = arith.constant 16 : i32
      %add3A_2359 = vector.broadcast %add3A_2358 : i32 to vector<16xi32>
      %add3A_2360 = arith.addi %iota3A, %add3A_2359 : vector<16xi32>
      %gather3A_2361 = tpu.vector_load_idx %arg7[%broadcast_in_dim3A_2343, %add3A_2360, %broadcast_in_dim3A_2341] : memref<8x64x128xf32, #tpu.memory_space<vmem>>[vector<16xi32>, vector<16xi32>, vector<16xi32>], vector<16xf32>,
      %get3A_2362 = arith.index_cast %add3A_2321 : i32 to index
      %get3A_2363 = arith.constant 16 : index
      %get3A_2364 = tpu.vector_load %arg8[%get3A_2362, %get3A_2363] {strides = array<i32>} : memref<256x64xf32, #tpu.memory_space<vmem>>, vector<16xf32>,
      %add3A_2365 = arith.addf %gather3A_2361, %get3A_2364 : vector<16xf32>
      %swap3A_2366 = arith.constant 0 : i32
      %swap3A_2367 = arith.constant 6 : i32
      %swap3A_2368 = arith.index_cast %swap3A_2366 : i32 to index
      %swap3A_2369 = arith.index_cast %swap3A_2367 : i32 to index
      %swap3A_2370 = arith.constant 16 : index
      %swap3A_2371 = tpu.vector_load %arg9[%swap3A_2368, %swap3A_2369, %swap3A_2370] {strides = array<i32>} : memref<2x8x64xf32, #tpu.memory_space<vmem>>, vector<16xf32>,
      tpu.vector_store %arg9[%swap3A_2368, %swap3A_2369, %swap3A_2370], %add3A_2365 {strides = array<i32>} : memref<2x8x64xf32, #tpu.memory_space<vmem>>, vector<16xf32>,
      %add3A_2372 = arith.constant 32 : i32
      %add3A_2373 = vector.broadcast %add3A_2372 : i32 to vector<16xi32>
      %add3A_2374 = arith.addi %iota3A, %add3A_2373 : vector<16xi32>
      %gather3A_2375 = tpu.vector_load_idx %arg7[%broadcast_in_dim3A_2343, %add3A_2374, %broadcast_in_dim3A_2341] : memref<8x64x128xf32, #tpu.memory_space<vmem>>[vector<16xi32>, vector<16xi32>, vector<16xi32>], vector<16xf32>,
      %get3A_2376 = arith.index_cast %add3A_2321 : i32 to index
      %get3A_2377 = arith.constant 32 : index
      %get3A_2378 = tpu.vector_load %arg8[%get3A_2376, %get3A_2377] {strides = array<i32>} : memref<256x64xf32, #tpu.memory_space<vmem>>, vector<16xf32>,
      %add3A_2379 = arith.addf %gather3A_2375, %get3A_2378 : vector<16xf32>
      %swap3A_2380 = arith.constant 0 : i32
      %swap3A_2381 = arith.constant 6 : i32
      %swap3A_2382 = arith.index_cast %swap3A_2380 : i32 to index
      %swap3A_2383 = arith.index_cast %swap3A_2381 : i32 to index
      %swap3A_2384 = arith.constant 32 : index
      %swap3A_2385 = tpu.vector_load %arg9[%swap3A_2382, %swap3A_2383, %swap3A_2384] {strides = array<i32>} : memref<2x8x64xf32, #tpu.memory_space<vmem>>, vector<16xf32>,
      tpu.vector_store %arg9[%swap3A_2382, %swap3A_2383, %swap3A_2384], %add3A_2379 {strides = array<i32>} : memref<2x8x64xf32, #tpu.memory_space<vmem>>, vector<16xf32>,
      %add3A_2386 = arith.constant 48 : i32
      %add3A_2387 = vector.broadcast %add3A_2386 : i32 to vector<16xi32>
      %add3A_2388 = arith.addi %iota3A, %add3A_2387 : vector<16xi32>
      %gather3A_2389 = tpu.vector_load_idx %arg7[%broadcast_in_dim3A_2343, %add3A_2388, %broadcast_in_dim3A_2341] : memref<8x64x128xf32, #tpu.memory_space<vmem>>[vector<16xi32>, vector<16xi32>, vector<16xi32>], vector<16xf32>,
      %get3A_2390 = arith.index_cast %add3A_2321 : i32 to index
      %get3A_2391 = arith.constant 48 : index
      %get3A_2392 = tpu.vector_load %arg8[%get3A_2390, %get3A_2391] {strides = array<i32>} : memref<256x64xf32, #tpu.memory_space<vmem>>, vector<16xf32>,
      %add3A_2393 = arith.addf %gather3A_2389, %get3A_2392 : vector<16xf32>
      %swap3A_2394 = arith.constant 0 : i32
      %swap3A_2395 = arith.constant 6 : i32
      %swap3A_2396 = arith.index_cast %swap3A_2394 : i32 to index
      %swap3A_2397 = arith.index_cast %swap3A_2395 : i32 to index
      %swap3A_2398 = arith.constant 48 : index
      %swap3A_2399 = tpu.vector_load %arg9[%swap3A_2396, %swap3A_2397, %swap3A_2398] {strides = array<i32>} : memref<2x8x64xf32, #tpu.memory_space<vmem>>, vector<16xf32>,
      tpu.vector_store %arg9[%swap3A_2396, %swap3A_2397, %swap3A_2398], %add3A_2393 {strides = array<i32>} : memref<2x8x64xf32, #tpu.memory_space<vmem>>, vector<16xf32>,
      %slice3A_2400 = vector.extract_strided_slice %get3A_1725 {offsets = [6], sizes = [1], strides = [1]} : vector<16xi32> to vector<1xi32>
      %squeeze3A_2401 = vector.extract %slice3A_2400[0] : i32 from vector<1xi32>
      %shift_right_logical3A_2402 = arith.constant 7 : i32
      %shift_right_logical3A_2403 = arith.shrui %squeeze3A_2401, %shift_right_logical3A_2402 : i32
      %mul3A_2404 = arith.constant 128 : i32
      %mul3A_2405 = arith.muli %shift_right_logical3A_2403, %mul3A_2404 : i32
      %dma_start3A_2406 = arith.constant 6 : i32
      %dma_start3A_2407 = arith.constant 0 : i32
      %dma_start3A_2408 = arith.constant 0 : i32
      %dma_start3A_2409 = tpu.memref_slice %arg7[%dma_start3A_2406, %dma_start3A_2407, %dma_start3A_2408] : memref<8x64x128xf32, #tpu.memory_space<vmem>> -> memref<1x64x128xf32, #tpu.memory_space<vmem>>
      %dma_start3A_2410 = tpu.memref_squeeze %dma_start3A_2409 : memref<1x64x128xf32, #tpu.memory_space<vmem>> -> memref<64x128xf32, #tpu.memory_space<vmem>>
      %dma_start3A_2411 = arith.constant 0 : i32
      %dma_start3A_2412 = tpu.memref_slice %arg3[%dma_start3A_2411, %mul3A_2405] : memref<64x1000000xf32, #tpu.memory_space<hbm>> -> memref<64x128xf32, #tpu.memory_space<hbm>>
      %dma_start3A_2413 = arith.constant 0 : i32
      %dma_start3A_2414 = arith.constant 0 : i32
      %dma_start3A_2415 = tpu.memref_slice %arg7[%dma_start3A_2406, %dma_start3A_2413, %dma_start3A_2414] : memref<8x64x128xf32, #tpu.memory_space<vmem>> -> memref<1x64x128xf32, #tpu.memory_space<vmem>>
      %dma_start3A_2416 = tpu.memref_squeeze %dma_start3A_2415 : memref<1x64x128xf32, #tpu.memory_space<vmem>> -> memref<64x128xf32, #tpu.memory_space<vmem>>
      %dma_start3A_2417 = arith.constant 0 : i32
      %dma_start3A_2418 = tpu.memref_slice %arg3[%dma_start3A_2417, %mul3A_2405] : memref<64x1000000xf32, #tpu.memory_space<hbm>> -> memref<64x128xf32, #tpu.memory_space<hbm>>
      tpu.enqueue_dma source(%dma_start3A_2418 : memref<64x128xf32, #tpu.memory_space<hbm>>) target(%dma_start3A_2416 : memref<64x128xf32, #tpu.memory_space<vmem>>) target_semaphore(%arg16 : memref<!tpu.dma_semaphore, #tpu.memory_space<semaphore_mem>>)
      %add3A_2419 = arith.constant 7 : i32
      %add3A_2420 = arith.addi %mul3A_1719, %add3A_2419 : i32
      %slice3A_2421 = vector.extract_strided_slice %get3A_1721 {offsets = [7], sizes = [1], strides = [1]} : vector<16xi32> to vector<1xi32>
      %squeeze3A_2422 = vector.extract %slice3A_2421[0] : i32 from vector<1xi32>
      %and3A_2423 = arith.constant 127 : i32
      %and3A_2424 = arith.andi %squeeze3A_2422, %and3A_2423 : i32
      %dma_wait3A_2425 = arith.constant 7 : i32
      %dma_wait3A_2426 = arith.constant 0 : i32
      %dma_wait3A_2427 = arith.constant 0 : i32
      %dma_wait3A_2428 = tpu.memref_slice %arg7[%dma_wait3A_2425, %dma_wait3A_2426, %dma_wait3A_2427] : memref<8x64x128xf32, #tpu.memory_space<vmem>> -> memref<1x64x128xf32, #tpu.memory_space<vmem>>
      %dma_wait3A_2429 = tpu.memref_squeeze %dma_wait3A_2428 : memref<1x64x128xf32, #tpu.memory_space<vmem>> -> memref<64x128xf32, #tpu.memory_space<vmem>>
      %dma_wait3A_2430 = arith.constant 0 : i32
      %dma_wait3A_2431 = arith.constant 0 : i32
      %dma_wait3A_2432 = tpu.memref_slice %arg3[%dma_wait3A_2430, %dma_wait3A_2431] : memref<64x1000000xf32, #tpu.memory_space<hbm>> -> memref<64x128xf32, #tpu.memory_space<hbm>>
      %dma_wait3A_2433 = arith.constant 0 : i32
      %dma_wait3A_2434 = arith.constant 0 : i32
      %dma_wait3A_2435 = tpu.memref_slice %arg7[%dma_wait3A_2425, %dma_wait3A_2433, %dma_wait3A_2434] : memref<8x64x128xf32, #tpu.memory_space<vmem>> -> memref<1x64x128xf32, #tpu.memory_space<vmem>>
      %dma_wait3A_2436 = tpu.memref_squeeze %dma_wait3A_2435 : memref<1x64x128xf32, #tpu.memory_space<vmem>> -> memref<64x128xf32, #tpu.memory_space<vmem>>
      %dma_wait3A_2437 = arith.constant 0 : i32
      %dma_wait3A_2438 = arith.constant 0 : i32
      %dma_wait3A_2439 = tpu.memref_slice %arg3[%dma_wait3A_2437, %dma_wait3A_2438] : memref<64x1000000xf32, #tpu.memory_space<hbm>> -> memref<64x128xf32, #tpu.memory_space<hbm>>
      tpu.wait_dma2 semaphore(%arg17 : memref<!tpu.dma_semaphore, #tpu.memory_space<semaphore_mem>>) src(%dma_wait3A_2439 : memref<64x128xf32, #tpu.memory_space<hbm>>) dst(%dma_wait3A_2436 : memref<64x128xf32, #tpu.memory_space<vmem>>)
      %broadcast_in_dim3A_2440 = vector.broadcast %and3A_2424 : i32 to vector<16xi32>
      %broadcast_in_dim3A_2441 = arith.constant 7 : i32
      %broadcast_in_dim3A_2442 = vector.broadcast %broadcast_in_dim3A_2441 : i32 to vector<16xi32>
      %add3A_2443 = arith.constant 0 : i32
      %add3A_2444 = vector.broadcast %add3A_2443 : i32 to vector<16xi32>
      %add3A_2445 = arith.addi %iota3A, %add3A_2444 : vector<16xi32>
      %gather3A_2446 = tpu.vector_load_idx %arg7[%broadcast_in_dim3A_2442, %add3A_2445, %broadcast_in_dim3A_2440] : memref<8x64x128xf32, #tpu.memory_space<vmem>>[vector<16xi32>, vector<16xi32>, vector<16xi32>], vector<16xf32>,
      %get3A_2447 = arith.index_cast %add3A_2420 : i32 to index
      %get3A_2448 = arith.constant 0 : index
      %get3A_2449 = tpu.vector_load %arg8[%get3A_2447, %get3A_2448] {strides = array<i32>} : memref<256x64xf32, #tpu.memory_space<vmem>>, vector<16xf32>,
      %add3A_2450 = arith.addf %gather3A_2446, %get3A_2449 : vector<16xf32>
      %swap3A_2451 = arith.constant 0 : i32
      %swap3A_2452 = arith.constant 7 : i32
      %swap3A_2453 = arith.index_cast %swap3A_2451 : i32 to index
      %swap3A_2454 = arith.index_cast %swap3A_2452 : i32 to index
      %swap3A_2455 = arith.constant 0 : index
      %swap3A_2456 = tpu.vector_load %arg9[%swap3A_2453, %swap3A_2454, %swap3A_2455] {strides = array<i32>} : memref<2x8x64xf32, #tpu.memory_space<vmem>>, vector<16xf32>,
      tpu.vector_store %arg9[%swap3A_2453, %swap3A_2454, %swap3A_2455], %add3A_2450 {strides = array<i32>} : memref<2x8x64xf32, #tpu.memory_space<vmem>>, vector<16xf32>,
      %add3A_2457 = arith.constant 16 : i32
      %add3A_2458 = vector.broadcast %add3A_2457 : i32 to vector<16xi32>
      %add3A_2459 = arith.addi %iota3A, %add3A_2458 : vector<16xi32>
      %gather3A_2460 = tpu.vector_load_idx %arg7[%broadcast_in_dim3A_2442, %add3A_2459, %broadcast_in_dim3A_2440] : memref<8x64x128xf32, #tpu.memory_space<vmem>>[vector<16xi32>, vector<16xi32>, vector<16xi32>], vector<16xf32>,
      %get3A_2461 = arith.index_cast %add3A_2420 : i32 to index
      %get3A_2462 = arith.constant 16 : index
      %get3A_2463 = tpu.vector_load %arg8[%get3A_2461, %get3A_2462] {strides = array<i32>} : memref<256x64xf32, #tpu.memory_space<vmem>>, vector<16xf32>,
      %add3A_2464 = arith.addf %gather3A_2460, %get3A_2463 : vector<16xf32>
      %swap3A_2465 = arith.constant 0 : i32
      %swap3A_2466 = arith.constant 7 : i32
      %swap3A_2467 = arith.index_cast %swap3A_2465 : i32 to index
      %swap3A_2468 = arith.index_cast %swap3A_2466 : i32 to index
      %swap3A_2469 = arith.constant 16 : index
      %swap3A_2470 = tpu.vector_load %arg9[%swap3A_2467, %swap3A_2468, %swap3A_2469] {strides = array<i32>} : memref<2x8x64xf32, #tpu.memory_space<vmem>>, vector<16xf32>,
      tpu.vector_store %arg9[%swap3A_2467, %swap3A_2468, %swap3A_2469], %add3A_2464 {strides = array<i32>} : memref<2x8x64xf32, #tpu.memory_space<vmem>>, vector<16xf32>,
      %add3A_2471 = arith.constant 32 : i32
      %add3A_2472 = vector.broadcast %add3A_2471 : i32 to vector<16xi32>
      %add3A_2473 = arith.addi %iota3A, %add3A_2472 : vector<16xi32>
      %gather3A_2474 = tpu.vector_load_idx %arg7[%broadcast_in_dim3A_2442, %add3A_2473, %broadcast_in_dim3A_2440] : memref<8x64x128xf32, #tpu.memory_space<vmem>>[vector<16xi32>, vector<16xi32>, vector<16xi32>], vector<16xf32>,
      %get3A_2475 = arith.index_cast %add3A_2420 : i32 to index
      %get3A_2476 = arith.constant 32 : index
      %get3A_2477 = tpu.vector_load %arg8[%get3A_2475, %get3A_2476] {strides = array<i32>} : memref<256x64xf32, #tpu.memory_space<vmem>>, vector<16xf32>,
      %add3A_2478 = arith.addf %gather3A_2474, %get3A_2477 : vector<16xf32>
      %swap3A_2479 = arith.constant 0 : i32
      %swap3A_2480 = arith.constant 7 : i32
      %swap3A_2481 = arith.index_cast %swap3A_2479 : i32 to index
      %swap3A_2482 = arith.index_cast %swap3A_2480 : i32 to index
      %swap3A_2483 = arith.constant 32 : index
      %swap3A_2484 = tpu.vector_load %arg9[%swap3A_2481, %swap3A_2482, %swap3A_2483] {strides = array<i32>} : memref<2x8x64xf32, #tpu.memory_space<vmem>>, vector<16xf32>,
      tpu.vector_store %arg9[%swap3A_2481, %swap3A_2482, %swap3A_2483], %add3A_2478 {strides = array<i32>} : memref<2x8x64xf32, #tpu.memory_space<vmem>>, vector<16xf32>,
      %add3A_2485 = arith.constant 48 : i32
      %add3A_2486 = vector.broadcast %add3A_2485 : i32 to vector<16xi32>
      %add3A_2487 = arith.addi %iota3A, %add3A_2486 : vector<16xi32>
      %gather3A_2488 = tpu.vector_load_idx %arg7[%broadcast_in_dim3A_2442, %add3A_2487, %broadcast_in_dim3A_2440] : memref<8x64x128xf32, #tpu.memory_space<vmem>>[vector<16xi32>, vector<16xi32>, vector<16xi32>], vector<16xf32>,
      %get3A_2489 = arith.index_cast %add3A_2420 : i32 to index
      %get3A_2490 = arith.constant 48 : index
      %get3A_2491 = tpu.vector_load %arg8[%get3A_2489, %get3A_2490] {strides = array<i32>} : memref<256x64xf32, #tpu.memory_space<vmem>>, vector<16xf32>,
      %add3A_2492 = arith.addf %gather3A_2488, %get3A_2491 : vector<16xf32>
      %swap3A_2493 = arith.constant 0 : i32
      %swap3A_2494 = arith.constant 7 : i32
      %swap3A_2495 = arith.index_cast %swap3A_2493 : i32 to index
      %swap3A_2496 = arith.index_cast %swap3A_2494 : i32 to index
      %swap3A_2497 = arith.constant 48 : index
      %swap3A_2498 = tpu.vector_load %arg9[%swap3A_2495, %swap3A_2496, %swap3A_2497] {strides = array<i32>} : memref<2x8x64xf32, #tpu.memory_space<vmem>>, vector<16xf32>,
      tpu.vector_store %arg9[%swap3A_2495, %swap3A_2496, %swap3A_2497], %add3A_2492 {strides = array<i32>} : memref<2x8x64xf32, #tpu.memory_space<vmem>>, vector<16xf32>,
      %slice3A_2499 = vector.extract_strided_slice %get3A_1725 {offsets = [7], sizes = [1], strides = [1]} : vector<16xi32> to vector<1xi32>
      %squeeze3A_2500 = vector.extract %slice3A_2499[0] : i32 from vector<1xi32>
      %shift_right_logical3A_2501 = arith.constant 7 : i32
      %shift_right_logical3A_2502 = arith.shrui %squeeze3A_2500, %shift_right_logical3A_2501 : i32
      %mul3A_2503 = arith.constant 128 : i32
      %mul3A_2504 = arith.muli %shift_right_logical3A_2502, %mul3A_2503 : i32
      %dma_start3A_2505 = arith.constant 7 : i32
      %dma_start3A_2506 = arith.constant 0 : i32
      %dma_start3A_2507 = arith.constant 0 : i32
      %dma_start3A_2508 = tpu.memref_slice %arg7[%dma_start3A_2505, %dma_start3A_2506, %dma_start3A_2507] : memref<8x64x128xf32, #tpu.memory_space<vmem>> -> memref<1x64x128xf32, #tpu.memory_space<vmem>>
      %dma_start3A_2509 = tpu.memref_squeeze %dma_start3A_2508 : memref<1x64x128xf32, #tpu.memory_space<vmem>> -> memref<64x128xf32, #tpu.memory_space<vmem>>
      %dma_start3A_2510 = arith.constant 0 : i32
      %dma_start3A_2511 = tpu.memref_slice %arg3[%dma_start3A_2510, %mul3A_2504] : memref<64x1000000xf32, #tpu.memory_space<hbm>> -> memref<64x128xf32, #tpu.memory_space<hbm>>
      %dma_start3A_2512 = arith.constant 0 : i32
      %dma_start3A_2513 = arith.constant 0 : i32
      %dma_start3A_2514 = tpu.memref_slice %arg7[%dma_start3A_2505, %dma_start3A_2512, %dma_start3A_2513] : memref<8x64x128xf32, #tpu.memory_space<vmem>> -> memref<1x64x128xf32, #tpu.memory_space<vmem>>
      %dma_start3A_2515 = tpu.memref_squeeze %dma_start3A_2514 : memref<1x64x128xf32, #tpu.memory_space<vmem>> -> memref<64x128xf32, #tpu.memory_space<vmem>>
      %dma_start3A_2516 = arith.constant 0 : i32
      %dma_start3A_2517 = tpu.memref_slice %arg3[%dma_start3A_2516, %mul3A_2504] : memref<64x1000000xf32, #tpu.memory_space<hbm>> -> memref<64x128xf32, #tpu.memory_space<hbm>>
      tpu.enqueue_dma source(%dma_start3A_2517 : memref<64x128xf32, #tpu.memory_space<hbm>>) target(%dma_start3A_2515 : memref<64x128xf32, #tpu.memory_space<vmem>>) target_semaphore(%arg17 : memref<!tpu.dma_semaphore, #tpu.memory_space<semaphore_mem>>)
      %mul3A_2518 = arith.constant 8 : i32
      %mul3A_2519 = arith.muli %mul3A_1717, %mul3A_2518 : i32
      %add3A_2520 = arith.addi %mul3A_2, %mul3A_2519 : i32
      %dma_start3A_2521 = arith.constant 0 : i32
      %dma_start3A_2522 = arith.constant 0 : i32
      %dma_start3A_2523 = arith.constant 0 : i32
      %dma_start3A_2524 = tpu.memref_slice %arg9[%dma_start3A_2521, %dma_start3A_2522, %dma_start3A_2523] : memref<2x8x64xf32, #tpu.memory_space<vmem>> -> memref<1x8x64xf32, #tpu.memory_space<vmem>>
      %dma_start3A_2525 = tpu.memref_squeeze %dma_start3A_2524 : memref<1x8x64xf32, #tpu.memory_space<vmem>> -> memref<8x64xf32, #tpu.memory_space<vmem>>
      %dma_start3A_2526 = arith.constant 0 : i32
      %dma_start3A_2527 = tpu.memref_slice %arg5[%add3A_2520, %dma_start3A_2526] : memref<8192x64xf32, #tpu.memory_space<hbm>> -> memref<8x64xf32, #tpu.memory_space<hbm>>
      %dma_start3A_2528 = arith.constant 0 : i32
      %dma_start3A_2529 = tpu.memref_slice %arg5[%add3A_2520, %dma_start3A_2528] : memref<8192x64xf32, #tpu.memory_space<hbm>> -> memref<8x64xf32, #tpu.memory_space<hbm>>
      %dma_start3A_2530 = arith.constant 0 : i32
      %dma_start3A_2531 = arith.constant 0 : i32
      %dma_start3A_2532 = tpu.memref_slice %arg9[%dma_start3A_2521, %dma_start3A_2530, %dma_start3A_2531] : memref<2x8x64xf32, #tpu.memory_space<vmem>> -> memref<1x8x64xf32, #tpu.memory_space<vmem>>
      %dma_start3A_2533 = tpu.memref_squeeze %dma_start3A_2532 : memref<1x8x64xf32, #tpu.memory_space<vmem>> -> memref<8x64xf32, #tpu.memory_space<vmem>>
      tpu.enqueue_dma source(%dma_start3A_2533 : memref<8x64xf32, #tpu.memory_space<vmem>>) target(%dma_start3A_2529 : memref<8x64xf32, #tpu.memory_space<hbm>>) target_semaphore(%arg18 : memref<!tpu.dma_semaphore, #tpu.memory_space<semaphore_mem>>)
      %ge3A_2534 = arith.constant 1 : i32
      %ge3A_2535 = arith.cmpi sge, %scan3A_1713, %ge3A_2534 : i32
      %convert_element_type3A_2536 = arith.extui %ge3A_2535 : i1 to i32
      %cond3A_2537 = arith.constant 0 : i32
      %cond3A_2538 = arith.cmpi ne, %convert_element_type3A_2536, %cond3A_2537 : i32
      scf.if %cond3A_2538 {
        %dma_wait3A_3359 = arith.constant 1 : i32
        %dma_wait3A_3360 = arith.constant 0 : i32
        %dma_wait3A_3361 = arith.constant 0 : i32
        %dma_wait3A_3362 = tpu.memref_slice %arg9[%dma_wait3A_3359, %dma_wait3A_3360, %dma_wait3A_3361] : memref<2x8x64xf32, #tpu.memory_space<vmem>> -> memref<1x8x64xf32, #tpu.memory_space<vmem>>
        %dma_wait3A_3363 = tpu.memref_squeeze %dma_wait3A_3362 : memref<1x8x64xf32, #tpu.memory_space<vmem>> -> memref<8x64xf32, #tpu.memory_space<vmem>>
        %dma_wait3A_3364 = arith.constant 0 : i32
        %dma_wait3A_3365 = arith.constant 0 : i32
        %dma_wait3A_3366 = tpu.memref_slice %arg5[%dma_wait3A_3364, %dma_wait3A_3365] : memref<8192x64xf32, #tpu.memory_space<hbm>> -> memref<8x64xf32, #tpu.memory_space<hbm>>
        %dma_wait3A_3367 = arith.constant 0 : i32
        %dma_wait3A_3368 = arith.constant 0 : i32
        %dma_wait3A_3369 = tpu.memref_slice %arg5[%dma_wait3A_3367, %dma_wait3A_3368] : memref<8192x64xf32, #tpu.memory_space<hbm>> -> memref<8x64xf32, #tpu.memory_space<hbm>>
        %dma_wait3A_3370 = arith.constant 0 : i32
        %dma_wait3A_3371 = arith.constant 0 : i32
        %dma_wait3A_3372 = tpu.memref_slice %arg9[%dma_wait3A_3359, %dma_wait3A_3370, %dma_wait3A_3371] : memref<2x8x64xf32, #tpu.memory_space<vmem>> -> memref<1x8x64xf32, #tpu.memory_space<vmem>>
        %dma_wait3A_3373 = tpu.memref_squeeze %dma_wait3A_3372 : memref<1x8x64xf32, #tpu.memory_space<vmem>> -> memref<8x64xf32, #tpu.memory_space<vmem>>
        tpu.wait_dma2 semaphore(%arg19 : memref<!tpu.dma_semaphore, #tpu.memory_space<semaphore_mem>>) src(%dma_wait3A_3373 : memref<8x64xf32, #tpu.memory_space<vmem>>) dst(%dma_wait3A_3369 : memref<8x64xf32, #tpu.memory_space<hbm>>)
      } else {
      }
      %mul3A_2539 = arith.constant 2 : i32
      %mul3A_2540 = arith.muli %mul3A_2539, %scan3A_1713 : i32
      %add3A_2541 = arith.constant 1 : i32
      %add3A_2542 = arith.addi %mul3A_2540, %add3A_2541 : i32
      %mul3A_2543 = arith.constant 8 : i32
      %mul3A_2544 = arith.muli %add3A_2542, %mul3A_2543 : i32
      %get3A_2545 = arith.index_cast %mul3A_2544 : i32 to index
      %get3A_2546 = tpu.vector_load %arg6[%get3A_2545] {strides = array<i32>} : memref<272xi32, #tpu.memory_space<vmem>>, vector<16xi32>,
      %add3A_2547 = arith.constant 8 : i32
      %add3A_2548 = arith.addi %mul3A_2544, %add3A_2547 : i32
      %get3A_2549 = arith.index_cast %add3A_2548 : i32 to index
      %get3A_2550 = tpu.vector_load %arg6[%get3A_2549] {strides = array<i32>} : memref<272xi32, #tpu.memory_space<vmem>>, vector<16xi32>,
      %add3A_2551 = arith.constant 0 : i32
      %add3A_2552 = arith.addi %mul3A_2544, %add3A_2551 : i32
      %slice3A_2553 = vector.extract_strided_slice %get3A_2546 {offsets = [0], sizes = [1], strides = [1]} : vector<16xi32> to vector<1xi32>
      %squeeze3A_2554 = vector.extract %slice3A_2553[0] : i32 from vector<1xi32>
      %and3A_2555 = arith.constant 127 : i32
      %and3A_2556 = arith.andi %squeeze3A_2554, %and3A_2555 : i32
      %dma_wait3A_2557 = arith.constant 0 : i32
      %dma_wait3A_2558 = arith.constant 0 : i32
      %dma_wait3A_2559 = arith.constant 0 : i32
      %dma_wait3A_2560 = tpu.memref_slice %arg7[%dma_wait3A_2557, %dma_wait3A_2558, %dma_wait3A_2559] : memref<8x64x128xf32, #tpu.memory_space<vmem>> -> memref<1x64x128xf32, #tpu.memory_space<vmem>>
      %dma_wait3A_2561 = tpu.memref_squeeze %dma_wait3A_2560 : memref<1x64x128xf32, #tpu.memory_space<vmem>> -> memref<64x128xf32, #tpu.memory_space<vmem>>
      %dma_wait3A_2562 = arith.constant 0 : i32
      %dma_wait3A_2563 = arith.constant 0 : i32
      %dma_wait3A_2564 = tpu.memref_slice %arg3[%dma_wait3A_2562, %dma_wait3A_2563] : memref<64x1000000xf32, #tpu.memory_space<hbm>> -> memref<64x128xf32, #tpu.memory_space<hbm>>
      %dma_wait3A_2565 = arith.constant 0 : i32
      %dma_wait3A_2566 = arith.constant 0 : i32
      %dma_wait3A_2567 = tpu.memref_slice %arg7[%dma_wait3A_2557, %dma_wait3A_2565, %dma_wait3A_2566] : memref<8x64x128xf32, #tpu.memory_space<vmem>> -> memref<1x64x128xf32, #tpu.memory_space<vmem>>
      %dma_wait3A_2568 = tpu.memref_squeeze %dma_wait3A_2567 : memref<1x64x128xf32, #tpu.memory_space<vmem>> -> memref<64x128xf32, #tpu.memory_space<vmem>>
      %dma_wait3A_2569 = arith.constant 0 : i32
      %dma_wait3A_2570 = arith.constant 0 : i32
      %dma_wait3A_2571 = tpu.memref_slice %arg3[%dma_wait3A_2569, %dma_wait3A_2570] : memref<64x1000000xf32, #tpu.memory_space<hbm>> -> memref<64x128xf32, #tpu.memory_space<hbm>>
      tpu.wait_dma2 semaphore(%arg10 : memref<!tpu.dma_semaphore, #tpu.memory_space<semaphore_mem>>) src(%dma_wait3A_2571 : memref<64x128xf32, #tpu.memory_space<hbm>>) dst(%dma_wait3A_2568 : memref<64x128xf32, #tpu.memory_space<vmem>>)
      %broadcast_in_dim3A_2572 = vector.broadcast %and3A_2556 : i32 to vector<16xi32>
      %broadcast_in_dim3A_2573 = arith.constant 0 : i32
      %broadcast_in_dim3A_2574 = vector.broadcast %broadcast_in_dim3A_2573 : i32 to vector<16xi32>
      %add3A_2575 = arith.constant 0 : i32
      %add3A_2576 = vector.broadcast %add3A_2575 : i32 to vector<16xi32>
      %add3A_2577 = arith.addi %iota3A, %add3A_2576 : vector<16xi32>
      %gather3A_2578 = tpu.vector_load_idx %arg7[%broadcast_in_dim3A_2574, %add3A_2577, %broadcast_in_dim3A_2572] : memref<8x64x128xf32, #tpu.memory_space<vmem>>[vector<16xi32>, vector<16xi32>, vector<16xi32>], vector<16xf32>,
      %get3A_2579 = arith.index_cast %add3A_2552 : i32 to index
      %get3A_2580 = arith.constant 0 : index
      %get3A_2581 = tpu.vector_load %arg8[%get3A_2579, %get3A_2580] {strides = array<i32>} : memref<256x64xf32, #tpu.memory_space<vmem>>, vector<16xf32>,
      %add3A_2582 = arith.addf %gather3A_2578, %get3A_2581 : vector<16xf32>
      %swap3A_2583 = arith.constant 1 : i32
      %swap3A_2584 = arith.constant 0 : i32
      %swap3A_2585 = arith.index_cast %swap3A_2583 : i32 to index
      %swap3A_2586 = arith.index_cast %swap3A_2584 : i32 to index
      %swap3A_2587 = arith.constant 0 : index
      %swap3A_2588 = tpu.vector_load %arg9[%swap3A_2585, %swap3A_2586, %swap3A_2587] {strides = array<i32>} : memref<2x8x64xf32, #tpu.memory_space<vmem>>, vector<16xf32>,
      tpu.vector_store %arg9[%swap3A_2585, %swap3A_2586, %swap3A_2587], %add3A_2582 {strides = array<i32>} : memref<2x8x64xf32, #tpu.memory_space<vmem>>, vector<16xf32>,
      %add3A_2589 = arith.constant 16 : i32
      %add3A_2590 = vector.broadcast %add3A_2589 : i32 to vector<16xi32>
      %add3A_2591 = arith.addi %iota3A, %add3A_2590 : vector<16xi32>
      %gather3A_2592 = tpu.vector_load_idx %arg7[%broadcast_in_dim3A_2574, %add3A_2591, %broadcast_in_dim3A_2572] : memref<8x64x128xf32, #tpu.memory_space<vmem>>[vector<16xi32>, vector<16xi32>, vector<16xi32>], vector<16xf32>,
      %get3A_2593 = arith.index_cast %add3A_2552 : i32 to index
      %get3A_2594 = arith.constant 16 : index
      %get3A_2595 = tpu.vector_load %arg8[%get3A_2593, %get3A_2594] {strides = array<i32>} : memref<256x64xf32, #tpu.memory_space<vmem>>, vector<16xf32>,
      %add3A_2596 = arith.addf %gather3A_2592, %get3A_2595 : vector<16xf32>
      %swap3A_2597 = arith.constant 1 : i32
      %swap3A_2598 = arith.constant 0 : i32
      %swap3A_2599 = arith.index_cast %swap3A_2597 : i32 to index
      %swap3A_2600 = arith.index_cast %swap3A_2598 : i32 to index
      %swap3A_2601 = arith.constant 16 : index
      %swap3A_2602 = tpu.vector_load %arg9[%swap3A_2599, %swap3A_2600, %swap3A_2601] {strides = array<i32>} : memref<2x8x64xf32, #tpu.memory_space<vmem>>, vector<16xf32>,
      tpu.vector_store %arg9[%swap3A_2599, %swap3A_2600, %swap3A_2601], %add3A_2596 {strides = array<i32>} : memref<2x8x64xf32, #tpu.memory_space<vmem>>, vector<16xf32>,
      %add3A_2603 = arith.constant 32 : i32
      %add3A_2604 = vector.broadcast %add3A_2603 : i32 to vector<16xi32>
      %add3A_2605 = arith.addi %iota3A, %add3A_2604 : vector<16xi32>
      %gather3A_2606 = tpu.vector_load_idx %arg7[%broadcast_in_dim3A_2574, %add3A_2605, %broadcast_in_dim3A_2572] : memref<8x64x128xf32, #tpu.memory_space<vmem>>[vector<16xi32>, vector<16xi32>, vector<16xi32>], vector<16xf32>,
      %get3A_2607 = arith.index_cast %add3A_2552 : i32 to index
      %get3A_2608 = arith.constant 32 : index
      %get3A_2609 = tpu.vector_load %arg8[%get3A_2607, %get3A_2608] {strides = array<i32>} : memref<256x64xf32, #tpu.memory_space<vmem>>, vector<16xf32>,
      %add3A_2610 = arith.addf %gather3A_2606, %get3A_2609 : vector<16xf32>
      %swap3A_2611 = arith.constant 1 : i32
      %swap3A_2612 = arith.constant 0 : i32
      %swap3A_2613 = arith.index_cast %swap3A_2611 : i32 to index
      %swap3A_2614 = arith.index_cast %swap3A_2612 : i32 to index
      %swap3A_2615 = arith.constant 32 : index
      %swap3A_2616 = tpu.vector_load %arg9[%swap3A_2613, %swap3A_2614, %swap3A_2615] {strides = array<i32>} : memref<2x8x64xf32, #tpu.memory_space<vmem>>, vector<16xf32>,
      tpu.vector_store %arg9[%swap3A_2613, %swap3A_2614, %swap3A_2615], %add3A_2610 {strides = array<i32>} : memref<2x8x64xf32, #tpu.memory_space<vmem>>, vector<16xf32>,
      %add3A_2617 = arith.constant 48 : i32
      %add3A_2618 = vector.broadcast %add3A_2617 : i32 to vector<16xi32>
      %add3A_2619 = arith.addi %iota3A, %add3A_2618 : vector<16xi32>
      %gather3A_2620 = tpu.vector_load_idx %arg7[%broadcast_in_dim3A_2574, %add3A_2619, %broadcast_in_dim3A_2572] : memref<8x64x128xf32, #tpu.memory_space<vmem>>[vector<16xi32>, vector<16xi32>, vector<16xi32>], vector<16xf32>,
      %get3A_2621 = arith.index_cast %add3A_2552 : i32 to index
      %get3A_2622 = arith.constant 48 : index
      %get3A_2623 = tpu.vector_load %arg8[%get3A_2621, %get3A_2622] {strides = array<i32>} : memref<256x64xf32, #tpu.memory_space<vmem>>, vector<16xf32>,
      %add3A_2624 = arith.addf %gather3A_2620, %get3A_2623 : vector<16xf32>
      %swap3A_2625 = arith.constant 1 : i32
      %swap3A_2626 = arith.constant 0 : i32
      %swap3A_2627 = arith.index_cast %swap3A_2625 : i32 to index
      %swap3A_2628 = arith.index_cast %swap3A_2626 : i32 to index
      %swap3A_2629 = arith.constant 48 : index
      %swap3A_2630 = tpu.vector_load %arg9[%swap3A_2627, %swap3A_2628, %swap3A_2629] {strides = array<i32>} : memref<2x8x64xf32, #tpu.memory_space<vmem>>, vector<16xf32>,
      tpu.vector_store %arg9[%swap3A_2627, %swap3A_2628, %swap3A_2629], %add3A_2624 {strides = array<i32>} : memref<2x8x64xf32, #tpu.memory_space<vmem>>, vector<16xf32>,
      %slice3A_2631 = vector.extract_strided_slice %get3A_2550 {offsets = [0], sizes = [1], strides = [1]} : vector<16xi32> to vector<1xi32>
      %squeeze3A_2632 = vector.extract %slice3A_2631[0] : i32 from vector<1xi32>
      %shift_right_logical3A_2633 = arith.constant 7 : i32
      %shift_right_logical3A_2634 = arith.shrui %squeeze3A_2632, %shift_right_logical3A_2633 : i32
      %mul3A_2635 = arith.constant 128 : i32
      %mul3A_2636 = arith.muli %shift_right_logical3A_2634, %mul3A_2635 : i32
      %dma_start3A_2637 = arith.constant 0 : i32
      %dma_start3A_2638 = arith.constant 0 : i32
      %dma_start3A_2639 = arith.constant 0 : i32
      %dma_start3A_2640 = tpu.memref_slice %arg7[%dma_start3A_2637, %dma_start3A_2638, %dma_start3A_2639] : memref<8x64x128xf32, #tpu.memory_space<vmem>> -> memref<1x64x128xf32, #tpu.memory_space<vmem>>
      %dma_start3A_2641 = tpu.memref_squeeze %dma_start3A_2640 : memref<1x64x128xf32, #tpu.memory_space<vmem>> -> memref<64x128xf32, #tpu.memory_space<vmem>>
      %dma_start3A_2642 = arith.constant 0 : i32
      %dma_start3A_2643 = tpu.memref_slice %arg3[%dma_start3A_2642, %mul3A_2636] : memref<64x1000000xf32, #tpu.memory_space<hbm>> -> memref<64x128xf32, #tpu.memory_space<hbm>>
      %dma_start3A_2644 = arith.constant 0 : i32
      %dma_start3A_2645 = arith.constant 0 : i32
      %dma_start3A_2646 = tpu.memref_slice %arg7[%dma_start3A_2637, %dma_start3A_2644, %dma_start3A_2645] : memref<8x64x128xf32, #tpu.memory_space<vmem>> -> memref<1x64x128xf32, #tpu.memory_space<vmem>>
      %dma_start3A_2647 = tpu.memref_squeeze %dma_start3A_2646 : memref<1x64x128xf32, #tpu.memory_space<vmem>> -> memref<64x128xf32, #tpu.memory_space<vmem>>
      %dma_start3A_2648 = arith.constant 0 : i32
      %dma_start3A_2649 = tpu.memref_slice %arg3[%dma_start3A_2648, %mul3A_2636] : memref<64x1000000xf32, #tpu.memory_space<hbm>> -> memref<64x128xf32, #tpu.memory_space<hbm>>
      tpu.enqueue_dma source(%dma_start3A_2649 : memref<64x128xf32, #tpu.memory_space<hbm>>) target(%dma_start3A_2647 : memref<64x128xf32, #tpu.memory_space<vmem>>) target_semaphore(%arg10 : memref<!tpu.dma_semaphore, #tpu.memory_space<semaphore_mem>>)
      %add3A_2650 = arith.constant 1 : i32
      %add3A_2651 = arith.addi %mul3A_2544, %add3A_2650 : i32
      %slice3A_2652 = vector.extract_strided_slice %get3A_2546 {offsets = [1], sizes = [1], strides = [1]} : vector<16xi32> to vector<1xi32>
      %squeeze3A_2653 = vector.extract %slice3A_2652[0] : i32 from vector<1xi32>
      %and3A_2654 = arith.constant 127 : i32
      %and3A_2655 = arith.andi %squeeze3A_2653, %and3A_2654 : i32
      %dma_wait3A_2656 = arith.constant 1 : i32
      %dma_wait3A_2657 = arith.constant 0 : i32
      %dma_wait3A_2658 = arith.constant 0 : i32
      %dma_wait3A_2659 = tpu.memref_slice %arg7[%dma_wait3A_2656, %dma_wait3A_2657, %dma_wait3A_2658] : memref<8x64x128xf32, #tpu.memory_space<vmem>> -> memref<1x64x128xf32, #tpu.memory_space<vmem>>
      %dma_wait3A_2660 = tpu.memref_squeeze %dma_wait3A_2659 : memref<1x64x128xf32, #tpu.memory_space<vmem>> -> memref<64x128xf32, #tpu.memory_space<vmem>>
      %dma_wait3A_2661 = arith.constant 0 : i32
      %dma_wait3A_2662 = arith.constant 0 : i32
      %dma_wait3A_2663 = tpu.memref_slice %arg3[%dma_wait3A_2661, %dma_wait3A_2662] : memref<64x1000000xf32, #tpu.memory_space<hbm>> -> memref<64x128xf32, #tpu.memory_space<hbm>>
      %dma_wait3A_2664 = arith.constant 0 : i32
      %dma_wait3A_2665 = arith.constant 0 : i32
      %dma_wait3A_2666 = tpu.memref_slice %arg7[%dma_wait3A_2656, %dma_wait3A_2664, %dma_wait3A_2665] : memref<8x64x128xf32, #tpu.memory_space<vmem>> -> memref<1x64x128xf32, #tpu.memory_space<vmem>>
      %dma_wait3A_2667 = tpu.memref_squeeze %dma_wait3A_2666 : memref<1x64x128xf32, #tpu.memory_space<vmem>> -> memref<64x128xf32, #tpu.memory_space<vmem>>
      %dma_wait3A_2668 = arith.constant 0 : i32
      %dma_wait3A_2669 = arith.constant 0 : i32
      %dma_wait3A_2670 = tpu.memref_slice %arg3[%dma_wait3A_2668, %dma_wait3A_2669] : memref<64x1000000xf32, #tpu.memory_space<hbm>> -> memref<64x128xf32, #tpu.memory_space<hbm>>
      tpu.wait_dma2 semaphore(%arg11 : memref<!tpu.dma_semaphore, #tpu.memory_space<semaphore_mem>>) src(%dma_wait3A_2670 : memref<64x128xf32, #tpu.memory_space<hbm>>) dst(%dma_wait3A_2667 : memref<64x128xf32, #tpu.memory_space<vmem>>)
      %broadcast_in_dim3A_2671 = vector.broadcast %and3A_2655 : i32 to vector<16xi32>
      %broadcast_in_dim3A_2672 = arith.constant 1 : i32
      %broadcast_in_dim3A_2673 = vector.broadcast %broadcast_in_dim3A_2672 : i32 to vector<16xi32>
      %add3A_2674 = arith.constant 0 : i32
      %add3A_2675 = vector.broadcast %add3A_2674 : i32 to vector<16xi32>
      %add3A_2676 = arith.addi %iota3A, %add3A_2675 : vector<16xi32>
      %gather3A_2677 = tpu.vector_load_idx %arg7[%broadcast_in_dim3A_2673, %add3A_2676, %broadcast_in_dim3A_2671] : memref<8x64x128xf32, #tpu.memory_space<vmem>>[vector<16xi32>, vector<16xi32>, vector<16xi32>], vector<16xf32>,
      %get3A_2678 = arith.index_cast %add3A_2651 : i32 to index
      %get3A_2679 = arith.constant 0 : index
      %get3A_2680 = tpu.vector_load %arg8[%get3A_2678, %get3A_2679] {strides = array<i32>} : memref<256x64xf32, #tpu.memory_space<vmem>>, vector<16xf32>,
      %add3A_2681 = arith.addf %gather3A_2677, %get3A_2680 : vector<16xf32>
      %swap3A_2682 = arith.constant 1 : i32
      %swap3A_2683 = arith.constant 1 : i32
      %swap3A_2684 = arith.index_cast %swap3A_2682 : i32 to index
      %swap3A_2685 = arith.index_cast %swap3A_2683 : i32 to index
      %swap3A_2686 = arith.constant 0 : index
      %swap3A_2687 = tpu.vector_load %arg9[%swap3A_2684, %swap3A_2685, %swap3A_2686] {strides = array<i32>} : memref<2x8x64xf32, #tpu.memory_space<vmem>>, vector<16xf32>,
      tpu.vector_store %arg9[%swap3A_2684, %swap3A_2685, %swap3A_2686], %add3A_2681 {strides = array<i32>} : memref<2x8x64xf32, #tpu.memory_space<vmem>>, vector<16xf32>,
      %add3A_2688 = arith.constant 16 : i32
      %add3A_2689 = vector.broadcast %add3A_2688 : i32 to vector<16xi32>
      %add3A_2690 = arith.addi %iota3A, %add3A_2689 : vector<16xi32>
      %gather3A_2691 = tpu.vector_load_idx %arg7[%broadcast_in_dim3A_2673, %add3A_2690, %broadcast_in_dim3A_2671] : memref<8x64x128xf32, #tpu.memory_space<vmem>>[vector<16xi32>, vector<16xi32>, vector<16xi32>], vector<16xf32>,
      %get3A_2692 = arith.index_cast %add3A_2651 : i32 to index
      %get3A_2693 = arith.constant 16 : index
      %get3A_2694 = tpu.vector_load %arg8[%get3A_2692, %get3A_2693] {strides = array<i32>} : memref<256x64xf32, #tpu.memory_space<vmem>>, vector<16xf32>,
      %add3A_2695 = arith.addf %gather3A_2691, %get3A_2694 : vector<16xf32>
      %swap3A_2696 = arith.constant 1 : i32
      %swap3A_2697 = arith.constant 1 : i32
      %swap3A_2698 = arith.index_cast %swap3A_2696 : i32 to index
      %swap3A_2699 = arith.index_cast %swap3A_2697 : i32 to index
      %swap3A_2700 = arith.constant 16 : index
      %swap3A_2701 = tpu.vector_load %arg9[%swap3A_2698, %swap3A_2699, %swap3A_2700] {strides = array<i32>} : memref<2x8x64xf32, #tpu.memory_space<vmem>>, vector<16xf32>,
      tpu.vector_store %arg9[%swap3A_2698, %swap3A_2699, %swap3A_2700], %add3A_2695 {strides = array<i32>} : memref<2x8x64xf32, #tpu.memory_space<vmem>>, vector<16xf32>,
      %add3A_2702 = arith.constant 32 : i32
      %add3A_2703 = vector.broadcast %add3A_2702 : i32 to vector<16xi32>
      %add3A_2704 = arith.addi %iota3A, %add3A_2703 : vector<16xi32>
      %gather3A_2705 = tpu.vector_load_idx %arg7[%broadcast_in_dim3A_2673, %add3A_2704, %broadcast_in_dim3A_2671] : memref<8x64x128xf32, #tpu.memory_space<vmem>>[vector<16xi32>, vector<16xi32>, vector<16xi32>], vector<16xf32>,
      %get3A_2706 = arith.index_cast %add3A_2651 : i32 to index
      %get3A_2707 = arith.constant 32 : index
      %get3A_2708 = tpu.vector_load %arg8[%get3A_2706, %get3A_2707] {strides = array<i32>} : memref<256x64xf32, #tpu.memory_space<vmem>>, vector<16xf32>,
      %add3A_2709 = arith.addf %gather3A_2705, %get3A_2708 : vector<16xf32>
      %swap3A_2710 = arith.constant 1 : i32
      %swap3A_2711 = arith.constant 1 : i32
      %swap3A_2712 = arith.index_cast %swap3A_2710 : i32 to index
      %swap3A_2713 = arith.index_cast %swap3A_2711 : i32 to index
      %swap3A_2714 = arith.constant 32 : index
      %swap3A_2715 = tpu.vector_load %arg9[%swap3A_2712, %swap3A_2713, %swap3A_2714] {strides = array<i32>} : memref<2x8x64xf32, #tpu.memory_space<vmem>>, vector<16xf32>,
      tpu.vector_store %arg9[%swap3A_2712, %swap3A_2713, %swap3A_2714], %add3A_2709 {strides = array<i32>} : memref<2x8x64xf32, #tpu.memory_space<vmem>>, vector<16xf32>,
      %add3A_2716 = arith.constant 48 : i32
      %add3A_2717 = vector.broadcast %add3A_2716 : i32 to vector<16xi32>
      %add3A_2718 = arith.addi %iota3A, %add3A_2717 : vector<16xi32>
      %gather3A_2719 = tpu.vector_load_idx %arg7[%broadcast_in_dim3A_2673, %add3A_2718, %broadcast_in_dim3A_2671] : memref<8x64x128xf32, #tpu.memory_space<vmem>>[vector<16xi32>, vector<16xi32>, vector<16xi32>], vector<16xf32>,
      %get3A_2720 = arith.index_cast %add3A_2651 : i32 to index
      %get3A_2721 = arith.constant 48 : index
      %get3A_2722 = tpu.vector_load %arg8[%get3A_2720, %get3A_2721] {strides = array<i32>} : memref<256x64xf32, #tpu.memory_space<vmem>>, vector<16xf32>,
      %add3A_2723 = arith.addf %gather3A_2719, %get3A_2722 : vector<16xf32>
      %swap3A_2724 = arith.constant 1 : i32
      %swap3A_2725 = arith.constant 1 : i32
      %swap3A_2726 = arith.index_cast %swap3A_2724 : i32 to index
      %swap3A_2727 = arith.index_cast %swap3A_2725 : i32 to index
      %swap3A_2728 = arith.constant 48 : index
      %swap3A_2729 = tpu.vector_load %arg9[%swap3A_2726, %swap3A_2727, %swap3A_2728] {strides = array<i32>} : memref<2x8x64xf32, #tpu.memory_space<vmem>>, vector<16xf32>,
      tpu.vector_store %arg9[%swap3A_2726, %swap3A_2727, %swap3A_2728], %add3A_2723 {strides = array<i32>} : memref<2x8x64xf32, #tpu.memory_space<vmem>>, vector<16xf32>,
      %slice3A_2730 = vector.extract_strided_slice %get3A_2550 {offsets = [1], sizes = [1], strides = [1]} : vector<16xi32> to vector<1xi32>
      %squeeze3A_2731 = vector.extract %slice3A_2730[0] : i32 from vector<1xi32>
      %shift_right_logical3A_2732 = arith.constant 7 : i32
      %shift_right_logical3A_2733 = arith.shrui %squeeze3A_2731, %shift_right_logical3A_2732 : i32
      %mul3A_2734 = arith.constant 128 : i32
      %mul3A_2735 = arith.muli %shift_right_logical3A_2733, %mul3A_2734 : i32
      %dma_start3A_2736 = arith.constant 1 : i32
      %dma_start3A_2737 = arith.constant 0 : i32
      %dma_start3A_2738 = arith.constant 0 : i32
      %dma_start3A_2739 = tpu.memref_slice %arg7[%dma_start3A_2736, %dma_start3A_2737, %dma_start3A_2738] : memref<8x64x128xf32, #tpu.memory_space<vmem>> -> memref<1x64x128xf32, #tpu.memory_space<vmem>>
      %dma_start3A_2740 = tpu.memref_squeeze %dma_start3A_2739 : memref<1x64x128xf32, #tpu.memory_space<vmem>> -> memref<64x128xf32, #tpu.memory_space<vmem>>
      %dma_start3A_2741 = arith.constant 0 : i32
      %dma_start3A_2742 = tpu.memref_slice %arg3[%dma_start3A_2741, %mul3A_2735] : memref<64x1000000xf32, #tpu.memory_space<hbm>> -> memref<64x128xf32, #tpu.memory_space<hbm>>
      %dma_start3A_2743 = arith.constant 0 : i32
      %dma_start3A_2744 = arith.constant 0 : i32
      %dma_start3A_2745 = tpu.memref_slice %arg7[%dma_start3A_2736, %dma_start3A_2743, %dma_start3A_2744] : memref<8x64x128xf32, #tpu.memory_space<vmem>> -> memref<1x64x128xf32, #tpu.memory_space<vmem>>
      %dma_start3A_2746 = tpu.memref_squeeze %dma_start3A_2745 : memref<1x64x128xf32, #tpu.memory_space<vmem>> -> memref<64x128xf32, #tpu.memory_space<vmem>>
      %dma_start3A_2747 = arith.constant 0 : i32
      %dma_start3A_2748 = tpu.memref_slice %arg3[%dma_start3A_2747, %mul3A_2735] : memref<64x1000000xf32, #tpu.memory_space<hbm>> -> memref<64x128xf32, #tpu.memory_space<hbm>>
      tpu.enqueue_dma source(%dma_start3A_2748 : memref<64x128xf32, #tpu.memory_space<hbm>>) target(%dma_start3A_2746 : memref<64x128xf32, #tpu.memory_space<vmem>>) target_semaphore(%arg11 : memref<!tpu.dma_semaphore, #tpu.memory_space<semaphore_mem>>)
      %add3A_2749 = arith.constant 2 : i32
      %add3A_2750 = arith.addi %mul3A_2544, %add3A_2749 : i32
      %slice3A_2751 = vector.extract_strided_slice %get3A_2546 {offsets = [2], sizes = [1], strides = [1]} : vector<16xi32> to vector<1xi32>
      %squeeze3A_2752 = vector.extract %slice3A_2751[0] : i32 from vector<1xi32>
      %and3A_2753 = arith.constant 127 : i32
      %and3A_2754 = arith.andi %squeeze3A_2752, %and3A_2753 : i32
      %dma_wait3A_2755 = arith.constant 2 : i32
      %dma_wait3A_2756 = arith.constant 0 : i32
      %dma_wait3A_2757 = arith.constant 0 : i32
      %dma_wait3A_2758 = tpu.memref_slice %arg7[%dma_wait3A_2755, %dma_wait3A_2756, %dma_wait3A_2757] : memref<8x64x128xf32, #tpu.memory_space<vmem>> -> memref<1x64x128xf32, #tpu.memory_space<vmem>>
      %dma_wait3A_2759 = tpu.memref_squeeze %dma_wait3A_2758 : memref<1x64x128xf32, #tpu.memory_space<vmem>> -> memref<64x128xf32, #tpu.memory_space<vmem>>
      %dma_wait3A_2760 = arith.constant 0 : i32
      %dma_wait3A_2761 = arith.constant 0 : i32
      %dma_wait3A_2762 = tpu.memref_slice %arg3[%dma_wait3A_2760, %dma_wait3A_2761] : memref<64x1000000xf32, #tpu.memory_space<hbm>> -> memref<64x128xf32, #tpu.memory_space<hbm>>
      %dma_wait3A_2763 = arith.constant 0 : i32
      %dma_wait3A_2764 = arith.constant 0 : i32
      %dma_wait3A_2765 = tpu.memref_slice %arg7[%dma_wait3A_2755, %dma_wait3A_2763, %dma_wait3A_2764] : memref<8x64x128xf32, #tpu.memory_space<vmem>> -> memref<1x64x128xf32, #tpu.memory_space<vmem>>
      %dma_wait3A_2766 = tpu.memref_squeeze %dma_wait3A_2765 : memref<1x64x128xf32, #tpu.memory_space<vmem>> -> memref<64x128xf32, #tpu.memory_space<vmem>>
      %dma_wait3A_2767 = arith.constant 0 : i32
      %dma_wait3A_2768 = arith.constant 0 : i32
      %dma_wait3A_2769 = tpu.memref_slice %arg3[%dma_wait3A_2767, %dma_wait3A_2768] : memref<64x1000000xf32, #tpu.memory_space<hbm>> -> memref<64x128xf32, #tpu.memory_space<hbm>>
      tpu.wait_dma2 semaphore(%arg12 : memref<!tpu.dma_semaphore, #tpu.memory_space<semaphore_mem>>) src(%dma_wait3A_2769 : memref<64x128xf32, #tpu.memory_space<hbm>>) dst(%dma_wait3A_2766 : memref<64x128xf32, #tpu.memory_space<vmem>>)
      %broadcast_in_dim3A_2770 = vector.broadcast %and3A_2754 : i32 to vector<16xi32>
      %broadcast_in_dim3A_2771 = arith.constant 2 : i32
      %broadcast_in_dim3A_2772 = vector.broadcast %broadcast_in_dim3A_2771 : i32 to vector<16xi32>
      %add3A_2773 = arith.constant 0 : i32
      %add3A_2774 = vector.broadcast %add3A_2773 : i32 to vector<16xi32>
      %add3A_2775 = arith.addi %iota3A, %add3A_2774 : vector<16xi32>
      %gather3A_2776 = tpu.vector_load_idx %arg7[%broadcast_in_dim3A_2772, %add3A_2775, %broadcast_in_dim3A_2770] : memref<8x64x128xf32, #tpu.memory_space<vmem>>[vector<16xi32>, vector<16xi32>, vector<16xi32>], vector<16xf32>,
      %get3A_2777 = arith.index_cast %add3A_2750 : i32 to index
      %get3A_2778 = arith.constant 0 : index
      %get3A_2779 = tpu.vector_load %arg8[%get3A_2777, %get3A_2778] {strides = array<i32>} : memref<256x64xf32, #tpu.memory_space<vmem>>, vector<16xf32>,
      %add3A_2780 = arith.addf %gather3A_2776, %get3A_2779 : vector<16xf32>
      %swap3A_2781 = arith.constant 1 : i32
      %swap3A_2782 = arith.constant 2 : i32
      %swap3A_2783 = arith.index_cast %swap3A_2781 : i32 to index
      %swap3A_2784 = arith.index_cast %swap3A_2782 : i32 to index
      %swap3A_2785 = arith.constant 0 : index
      %swap3A_2786 = tpu.vector_load %arg9[%swap3A_2783, %swap3A_2784, %swap3A_2785] {strides = array<i32>} : memref<2x8x64xf32, #tpu.memory_space<vmem>>, vector<16xf32>,
      tpu.vector_store %arg9[%swap3A_2783, %swap3A_2784, %swap3A_2785], %add3A_2780 {strides = array<i32>} : memref<2x8x64xf32, #tpu.memory_space<vmem>>, vector<16xf32>,
      %add3A_2787 = arith.constant 16 : i32
      %add3A_2788 = vector.broadcast %add3A_2787 : i32 to vector<16xi32>
      %add3A_2789 = arith.addi %iota3A, %add3A_2788 : vector<16xi32>
      %gather3A_2790 = tpu.vector_load_idx %arg7[%broadcast_in_dim3A_2772, %add3A_2789, %broadcast_in_dim3A_2770] : memref<8x64x128xf32, #tpu.memory_space<vmem>>[vector<16xi32>, vector<16xi32>, vector<16xi32>], vector<16xf32>,
      %get3A_2791 = arith.index_cast %add3A_2750 : i32 to index
      %get3A_2792 = arith.constant 16 : index
      %get3A_2793 = tpu.vector_load %arg8[%get3A_2791, %get3A_2792] {strides = array<i32>} : memref<256x64xf32, #tpu.memory_space<vmem>>, vector<16xf32>,
      %add3A_2794 = arith.addf %gather3A_2790, %get3A_2793 : vector<16xf32>
      %swap3A_2795 = arith.constant 1 : i32
      %swap3A_2796 = arith.constant 2 : i32
      %swap3A_2797 = arith.index_cast %swap3A_2795 : i32 to index
      %swap3A_2798 = arith.index_cast %swap3A_2796 : i32 to index
      %swap3A_2799 = arith.constant 16 : index
      %swap3A_2800 = tpu.vector_load %arg9[%swap3A_2797, %swap3A_2798, %swap3A_2799] {strides = array<i32>} : memref<2x8x64xf32, #tpu.memory_space<vmem>>, vector<16xf32>,
      tpu.vector_store %arg9[%swap3A_2797, %swap3A_2798, %swap3A_2799], %add3A_2794 {strides = array<i32>} : memref<2x8x64xf32, #tpu.memory_space<vmem>>, vector<16xf32>,
      %add3A_2801 = arith.constant 32 : i32
      %add3A_2802 = vector.broadcast %add3A_2801 : i32 to vector<16xi32>
      %add3A_2803 = arith.addi %iota3A, %add3A_2802 : vector<16xi32>
      %gather3A_2804 = tpu.vector_load_idx %arg7[%broadcast_in_dim3A_2772, %add3A_2803, %broadcast_in_dim3A_2770] : memref<8x64x128xf32, #tpu.memory_space<vmem>>[vector<16xi32>, vector<16xi32>, vector<16xi32>], vector<16xf32>,
      %get3A_2805 = arith.index_cast %add3A_2750 : i32 to index
      %get3A_2806 = arith.constant 32 : index
      %get3A_2807 = tpu.vector_load %arg8[%get3A_2805, %get3A_2806] {strides = array<i32>} : memref<256x64xf32, #tpu.memory_space<vmem>>, vector<16xf32>,
      %add3A_2808 = arith.addf %gather3A_2804, %get3A_2807 : vector<16xf32>
      %swap3A_2809 = arith.constant 1 : i32
      %swap3A_2810 = arith.constant 2 : i32
      %swap3A_2811 = arith.index_cast %swap3A_2809 : i32 to index
      %swap3A_2812 = arith.index_cast %swap3A_2810 : i32 to index
      %swap3A_2813 = arith.constant 32 : index
      %swap3A_2814 = tpu.vector_load %arg9[%swap3A_2811, %swap3A_2812, %swap3A_2813] {strides = array<i32>} : memref<2x8x64xf32, #tpu.memory_space<vmem>>, vector<16xf32>,
      tpu.vector_store %arg9[%swap3A_2811, %swap3A_2812, %swap3A_2813], %add3A_2808 {strides = array<i32>} : memref<2x8x64xf32, #tpu.memory_space<vmem>>, vector<16xf32>,
      %add3A_2815 = arith.constant 48 : i32
      %add3A_2816 = vector.broadcast %add3A_2815 : i32 to vector<16xi32>
      %add3A_2817 = arith.addi %iota3A, %add3A_2816 : vector<16xi32>
      %gather3A_2818 = tpu.vector_load_idx %arg7[%broadcast_in_dim3A_2772, %add3A_2817, %broadcast_in_dim3A_2770] : memref<8x64x128xf32, #tpu.memory_space<vmem>>[vector<16xi32>, vector<16xi32>, vector<16xi32>], vector<16xf32>,
      %get3A_2819 = arith.index_cast %add3A_2750 : i32 to index
      %get3A_2820 = arith.constant 48 : index
      %get3A_2821 = tpu.vector_load %arg8[%get3A_2819, %get3A_2820] {strides = array<i32>} : memref<256x64xf32, #tpu.memory_space<vmem>>, vector<16xf32>,
      %add3A_2822 = arith.addf %gather3A_2818, %get3A_2821 : vector<16xf32>
      %swap3A_2823 = arith.constant 1 : i32
      %swap3A_2824 = arith.constant 2 : i32
      %swap3A_2825 = arith.index_cast %swap3A_2823 : i32 to index
      %swap3A_2826 = arith.index_cast %swap3A_2824 : i32 to index
      %swap3A_2827 = arith.constant 48 : index
      %swap3A_2828 = tpu.vector_load %arg9[%swap3A_2825, %swap3A_2826, %swap3A_2827] {strides = array<i32>} : memref<2x8x64xf32, #tpu.memory_space<vmem>>, vector<16xf32>,
      tpu.vector_store %arg9[%swap3A_2825, %swap3A_2826, %swap3A_2827], %add3A_2822 {strides = array<i32>} : memref<2x8x64xf32, #tpu.memory_space<vmem>>, vector<16xf32>,
      %slice3A_2829 = vector.extract_strided_slice %get3A_2550 {offsets = [2], sizes = [1], strides = [1]} : vector<16xi32> to vector<1xi32>
      %squeeze3A_2830 = vector.extract %slice3A_2829[0] : i32 from vector<1xi32>
      %shift_right_logical3A_2831 = arith.constant 7 : i32
      %shift_right_logical3A_2832 = arith.shrui %squeeze3A_2830, %shift_right_logical3A_2831 : i32
      %mul3A_2833 = arith.constant 128 : i32
      %mul3A_2834 = arith.muli %shift_right_logical3A_2832, %mul3A_2833 : i32
      %dma_start3A_2835 = arith.constant 2 : i32
      %dma_start3A_2836 = arith.constant 0 : i32
      %dma_start3A_2837 = arith.constant 0 : i32
      %dma_start3A_2838 = tpu.memref_slice %arg7[%dma_start3A_2835, %dma_start3A_2836, %dma_start3A_2837] : memref<8x64x128xf32, #tpu.memory_space<vmem>> -> memref<1x64x128xf32, #tpu.memory_space<vmem>>
      %dma_start3A_2839 = tpu.memref_squeeze %dma_start3A_2838 : memref<1x64x128xf32, #tpu.memory_space<vmem>> -> memref<64x128xf32, #tpu.memory_space<vmem>>
      %dma_start3A_2840 = arith.constant 0 : i32
      %dma_start3A_2841 = tpu.memref_slice %arg3[%dma_start3A_2840, %mul3A_2834] : memref<64x1000000xf32, #tpu.memory_space<hbm>> -> memref<64x128xf32, #tpu.memory_space<hbm>>
      %dma_start3A_2842 = arith.constant 0 : i32
      %dma_start3A_2843 = arith.constant 0 : i32
      %dma_start3A_2844 = tpu.memref_slice %arg7[%dma_start3A_2835, %dma_start3A_2842, %dma_start3A_2843] : memref<8x64x128xf32, #tpu.memory_space<vmem>> -> memref<1x64x128xf32, #tpu.memory_space<vmem>>
      %dma_start3A_2845 = tpu.memref_squeeze %dma_start3A_2844 : memref<1x64x128xf32, #tpu.memory_space<vmem>> -> memref<64x128xf32, #tpu.memory_space<vmem>>
      %dma_start3A_2846 = arith.constant 0 : i32
      %dma_start3A_2847 = tpu.memref_slice %arg3[%dma_start3A_2846, %mul3A_2834] : memref<64x1000000xf32, #tpu.memory_space<hbm>> -> memref<64x128xf32, #tpu.memory_space<hbm>>
      tpu.enqueue_dma source(%dma_start3A_2847 : memref<64x128xf32, #tpu.memory_space<hbm>>) target(%dma_start3A_2845 : memref<64x128xf32, #tpu.memory_space<vmem>>) target_semaphore(%arg12 : memref<!tpu.dma_semaphore, #tpu.memory_space<semaphore_mem>>)
      %add3A_2848 = arith.constant 3 : i32
      %add3A_2849 = arith.addi %mul3A_2544, %add3A_2848 : i32
      %slice3A_2850 = vector.extract_strided_slice %get3A_2546 {offsets = [3], sizes = [1], strides = [1]} : vector<16xi32> to vector<1xi32>
      %squeeze3A_2851 = vector.extract %slice3A_2850[0] : i32 from vector<1xi32>
      %and3A_2852 = arith.constant 127 : i32
      %and3A_2853 = arith.andi %squeeze3A_2851, %and3A_2852 : i32
      %dma_wait3A_2854 = arith.constant 3 : i32
      %dma_wait3A_2855 = arith.constant 0 : i32
      %dma_wait3A_2856 = arith.constant 0 : i32
      %dma_wait3A_2857 = tpu.memref_slice %arg7[%dma_wait3A_2854, %dma_wait3A_2855, %dma_wait3A_2856] : memref<8x64x128xf32, #tpu.memory_space<vmem>> -> memref<1x64x128xf32, #tpu.memory_space<vmem>>
      %dma_wait3A_2858 = tpu.memref_squeeze %dma_wait3A_2857 : memref<1x64x128xf32, #tpu.memory_space<vmem>> -> memref<64x128xf32, #tpu.memory_space<vmem>>
      %dma_wait3A_2859 = arith.constant 0 : i32
      %dma_wait3A_2860 = arith.constant 0 : i32
      %dma_wait3A_2861 = tpu.memref_slice %arg3[%dma_wait3A_2859, %dma_wait3A_2860] : memref<64x1000000xf32, #tpu.memory_space<hbm>> -> memref<64x128xf32, #tpu.memory_space<hbm>>
      %dma_wait3A_2862 = arith.constant 0 : i32
      %dma_wait3A_2863 = arith.constant 0 : i32
      %dma_wait3A_2864 = tpu.memref_slice %arg7[%dma_wait3A_2854, %dma_wait3A_2862, %dma_wait3A_2863] : memref<8x64x128xf32, #tpu.memory_space<vmem>> -> memref<1x64x128xf32, #tpu.memory_space<vmem>>
      %dma_wait3A_2865 = tpu.memref_squeeze %dma_wait3A_2864 : memref<1x64x128xf32, #tpu.memory_space<vmem>> -> memref<64x128xf32, #tpu.memory_space<vmem>>
      %dma_wait3A_2866 = arith.constant 0 : i32
      %dma_wait3A_2867 = arith.constant 0 : i32
      %dma_wait3A_2868 = tpu.memref_slice %arg3[%dma_wait3A_2866, %dma_wait3A_2867] : memref<64x1000000xf32, #tpu.memory_space<hbm>> -> memref<64x128xf32, #tpu.memory_space<hbm>>
      tpu.wait_dma2 semaphore(%arg13 : memref<!tpu.dma_semaphore, #tpu.memory_space<semaphore_mem>>) src(%dma_wait3A_2868 : memref<64x128xf32, #tpu.memory_space<hbm>>) dst(%dma_wait3A_2865 : memref<64x128xf32, #tpu.memory_space<vmem>>)
      %broadcast_in_dim3A_2869 = vector.broadcast %and3A_2853 : i32 to vector<16xi32>
      %broadcast_in_dim3A_2870 = arith.constant 3 : i32
      %broadcast_in_dim3A_2871 = vector.broadcast %broadcast_in_dim3A_2870 : i32 to vector<16xi32>
      %add3A_2872 = arith.constant 0 : i32
      %add3A_2873 = vector.broadcast %add3A_2872 : i32 to vector<16xi32>
      %add3A_2874 = arith.addi %iota3A, %add3A_2873 : vector<16xi32>
      %gather3A_2875 = tpu.vector_load_idx %arg7[%broadcast_in_dim3A_2871, %add3A_2874, %broadcast_in_dim3A_2869] : memref<8x64x128xf32, #tpu.memory_space<vmem>>[vector<16xi32>, vector<16xi32>, vector<16xi32>], vector<16xf32>,
      %get3A_2876 = arith.index_cast %add3A_2849 : i32 to index
      %get3A_2877 = arith.constant 0 : index
      %get3A_2878 = tpu.vector_load %arg8[%get3A_2876, %get3A_2877] {strides = array<i32>} : memref<256x64xf32, #tpu.memory_space<vmem>>, vector<16xf32>,
      %add3A_2879 = arith.addf %gather3A_2875, %get3A_2878 : vector<16xf32>
      %swap3A_2880 = arith.constant 1 : i32
      %swap3A_2881 = arith.constant 3 : i32
      %swap3A_2882 = arith.index_cast %swap3A_2880 : i32 to index
      %swap3A_2883 = arith.index_cast %swap3A_2881 : i32 to index
      %swap3A_2884 = arith.constant 0 : index
      %swap3A_2885 = tpu.vector_load %arg9[%swap3A_2882, %swap3A_2883, %swap3A_2884] {strides = array<i32>} : memref<2x8x64xf32, #tpu.memory_space<vmem>>, vector<16xf32>,
      tpu.vector_store %arg9[%swap3A_2882, %swap3A_2883, %swap3A_2884], %add3A_2879 {strides = array<i32>} : memref<2x8x64xf32, #tpu.memory_space<vmem>>, vector<16xf32>,
      %add3A_2886 = arith.constant 16 : i32
      %add3A_2887 = vector.broadcast %add3A_2886 : i32 to vector<16xi32>
      %add3A_2888 = arith.addi %iota3A, %add3A_2887 : vector<16xi32>
      %gather3A_2889 = tpu.vector_load_idx %arg7[%broadcast_in_dim3A_2871, %add3A_2888, %broadcast_in_dim3A_2869] : memref<8x64x128xf32, #tpu.memory_space<vmem>>[vector<16xi32>, vector<16xi32>, vector<16xi32>], vector<16xf32>,
      %get3A_2890 = arith.index_cast %add3A_2849 : i32 to index
      %get3A_2891 = arith.constant 16 : index
      %get3A_2892 = tpu.vector_load %arg8[%get3A_2890, %get3A_2891] {strides = array<i32>} : memref<256x64xf32, #tpu.memory_space<vmem>>, vector<16xf32>,
      %add3A_2893 = arith.addf %gather3A_2889, %get3A_2892 : vector<16xf32>
      %swap3A_2894 = arith.constant 1 : i32
      %swap3A_2895 = arith.constant 3 : i32
      %swap3A_2896 = arith.index_cast %swap3A_2894 : i32 to index
      %swap3A_2897 = arith.index_cast %swap3A_2895 : i32 to index
      %swap3A_2898 = arith.constant 16 : index
      %swap3A_2899 = tpu.vector_load %arg9[%swap3A_2896, %swap3A_2897, %swap3A_2898] {strides = array<i32>} : memref<2x8x64xf32, #tpu.memory_space<vmem>>, vector<16xf32>,
      tpu.vector_store %arg9[%swap3A_2896, %swap3A_2897, %swap3A_2898], %add3A_2893 {strides = array<i32>} : memref<2x8x64xf32, #tpu.memory_space<vmem>>, vector<16xf32>,
      %add3A_2900 = arith.constant 32 : i32
      %add3A_2901 = vector.broadcast %add3A_2900 : i32 to vector<16xi32>
      %add3A_2902 = arith.addi %iota3A, %add3A_2901 : vector<16xi32>
      %gather3A_2903 = tpu.vector_load_idx %arg7[%broadcast_in_dim3A_2871, %add3A_2902, %broadcast_in_dim3A_2869] : memref<8x64x128xf32, #tpu.memory_space<vmem>>[vector<16xi32>, vector<16xi32>, vector<16xi32>], vector<16xf32>,
      %get3A_2904 = arith.index_cast %add3A_2849 : i32 to index
      %get3A_2905 = arith.constant 32 : index
      %get3A_2906 = tpu.vector_load %arg8[%get3A_2904, %get3A_2905] {strides = array<i32>} : memref<256x64xf32, #tpu.memory_space<vmem>>, vector<16xf32>,
      %add3A_2907 = arith.addf %gather3A_2903, %get3A_2906 : vector<16xf32>
      %swap3A_2908 = arith.constant 1 : i32
      %swap3A_2909 = arith.constant 3 : i32
      %swap3A_2910 = arith.index_cast %swap3A_2908 : i32 to index
      %swap3A_2911 = arith.index_cast %swap3A_2909 : i32 to index
      %swap3A_2912 = arith.constant 32 : index
      %swap3A_2913 = tpu.vector_load %arg9[%swap3A_2910, %swap3A_2911, %swap3A_2912] {strides = array<i32>} : memref<2x8x64xf32, #tpu.memory_space<vmem>>, vector<16xf32>,
      tpu.vector_store %arg9[%swap3A_2910, %swap3A_2911, %swap3A_2912], %add3A_2907 {strides = array<i32>} : memref<2x8x64xf32, #tpu.memory_space<vmem>>, vector<16xf32>,
      %add3A_2914 = arith.constant 48 : i32
      %add3A_2915 = vector.broadcast %add3A_2914 : i32 to vector<16xi32>
      %add3A_2916 = arith.addi %iota3A, %add3A_2915 : vector<16xi32>
      %gather3A_2917 = tpu.vector_load_idx %arg7[%broadcast_in_dim3A_2871, %add3A_2916, %broadcast_in_dim3A_2869] : memref<8x64x128xf32, #tpu.memory_space<vmem>>[vector<16xi32>, vector<16xi32>, vector<16xi32>], vector<16xf32>,
      %get3A_2918 = arith.index_cast %add3A_2849 : i32 to index
      %get3A_2919 = arith.constant 48 : index
      %get3A_2920 = tpu.vector_load %arg8[%get3A_2918, %get3A_2919] {strides = array<i32>} : memref<256x64xf32, #tpu.memory_space<vmem>>, vector<16xf32>,
      %add3A_2921 = arith.addf %gather3A_2917, %get3A_2920 : vector<16xf32>
      %swap3A_2922 = arith.constant 1 : i32
      %swap3A_2923 = arith.constant 3 : i32
      %swap3A_2924 = arith.index_cast %swap3A_2922 : i32 to index
      %swap3A_2925 = arith.index_cast %swap3A_2923 : i32 to index
      %swap3A_2926 = arith.constant 48 : index
      %swap3A_2927 = tpu.vector_load %arg9[%swap3A_2924, %swap3A_2925, %swap3A_2926] {strides = array<i32>} : memref<2x8x64xf32, #tpu.memory_space<vmem>>, vector<16xf32>,
      tpu.vector_store %arg9[%swap3A_2924, %swap3A_2925, %swap3A_2926], %add3A_2921 {strides = array<i32>} : memref<2x8x64xf32, #tpu.memory_space<vmem>>, vector<16xf32>,
      %slice3A_2928 = vector.extract_strided_slice %get3A_2550 {offsets = [3], sizes = [1], strides = [1]} : vector<16xi32> to vector<1xi32>
      %squeeze3A_2929 = vector.extract %slice3A_2928[0] : i32 from vector<1xi32>
      %shift_right_logical3A_2930 = arith.constant 7 : i32
      %shift_right_logical3A_2931 = arith.shrui %squeeze3A_2929, %shift_right_logical3A_2930 : i32
      %mul3A_2932 = arith.constant 128 : i32
      %mul3A_2933 = arith.muli %shift_right_logical3A_2931, %mul3A_2932 : i32
      %dma_start3A_2934 = arith.constant 3 : i32
      %dma_start3A_2935 = arith.constant 0 : i32
      %dma_start3A_2936 = arith.constant 0 : i32
      %dma_start3A_2937 = tpu.memref_slice %arg7[%dma_start3A_2934, %dma_start3A_2935, %dma_start3A_2936] : memref<8x64x128xf32, #tpu.memory_space<vmem>> -> memref<1x64x128xf32, #tpu.memory_space<vmem>>
      %dma_start3A_2938 = tpu.memref_squeeze %dma_start3A_2937 : memref<1x64x128xf32, #tpu.memory_space<vmem>> -> memref<64x128xf32, #tpu.memory_space<vmem>>
      %dma_start3A_2939 = arith.constant 0 : i32
      %dma_start3A_2940 = tpu.memref_slice %arg3[%dma_start3A_2939, %mul3A_2933] : memref<64x1000000xf32, #tpu.memory_space<hbm>> -> memref<64x128xf32, #tpu.memory_space<hbm>>
      %dma_start3A_2941 = arith.constant 0 : i32
      %dma_start3A_2942 = arith.constant 0 : i32
      %dma_start3A_2943 = tpu.memref_slice %arg7[%dma_start3A_2934, %dma_start3A_2941, %dma_start3A_2942] : memref<8x64x128xf32, #tpu.memory_space<vmem>> -> memref<1x64x128xf32, #tpu.memory_space<vmem>>
      %dma_start3A_2944 = tpu.memref_squeeze %dma_start3A_2943 : memref<1x64x128xf32, #tpu.memory_space<vmem>> -> memref<64x128xf32, #tpu.memory_space<vmem>>
      %dma_start3A_2945 = arith.constant 0 : i32
      %dma_start3A_2946 = tpu.memref_slice %arg3[%dma_start3A_2945, %mul3A_2933] : memref<64x1000000xf32, #tpu.memory_space<hbm>> -> memref<64x128xf32, #tpu.memory_space<hbm>>
      tpu.enqueue_dma source(%dma_start3A_2946 : memref<64x128xf32, #tpu.memory_space<hbm>>) target(%dma_start3A_2944 : memref<64x128xf32, #tpu.memory_space<vmem>>) target_semaphore(%arg13 : memref<!tpu.dma_semaphore, #tpu.memory_space<semaphore_mem>>)
      %add3A_2947 = arith.constant 4 : i32
      %add3A_2948 = arith.addi %mul3A_2544, %add3A_2947 : i32
      %slice3A_2949 = vector.extract_strided_slice %get3A_2546 {offsets = [4], sizes = [1], strides = [1]} : vector<16xi32> to vector<1xi32>
      %squeeze3A_2950 = vector.extract %slice3A_2949[0] : i32 from vector<1xi32>
      %and3A_2951 = arith.constant 127 : i32
      %and3A_2952 = arith.andi %squeeze3A_2950, %and3A_2951 : i32
      %dma_wait3A_2953 = arith.constant 4 : i32
      %dma_wait3A_2954 = arith.constant 0 : i32
      %dma_wait3A_2955 = arith.constant 0 : i32
      %dma_wait3A_2956 = tpu.memref_slice %arg7[%dma_wait3A_2953, %dma_wait3A_2954, %dma_wait3A_2955] : memref<8x64x128xf32, #tpu.memory_space<vmem>> -> memref<1x64x128xf32, #tpu.memory_space<vmem>>
      %dma_wait3A_2957 = tpu.memref_squeeze %dma_wait3A_2956 : memref<1x64x128xf32, #tpu.memory_space<vmem>> -> memref<64x128xf32, #tpu.memory_space<vmem>>
      %dma_wait3A_2958 = arith.constant 0 : i32
      %dma_wait3A_2959 = arith.constant 0 : i32
      %dma_wait3A_2960 = tpu.memref_slice %arg3[%dma_wait3A_2958, %dma_wait3A_2959] : memref<64x1000000xf32, #tpu.memory_space<hbm>> -> memref<64x128xf32, #tpu.memory_space<hbm>>
      %dma_wait3A_2961 = arith.constant 0 : i32
      %dma_wait3A_2962 = arith.constant 0 : i32
      %dma_wait3A_2963 = tpu.memref_slice %arg7[%dma_wait3A_2953, %dma_wait3A_2961, %dma_wait3A_2962] : memref<8x64x128xf32, #tpu.memory_space<vmem>> -> memref<1x64x128xf32, #tpu.memory_space<vmem>>
      %dma_wait3A_2964 = tpu.memref_squeeze %dma_wait3A_2963 : memref<1x64x128xf32, #tpu.memory_space<vmem>> -> memref<64x128xf32, #tpu.memory_space<vmem>>
      %dma_wait3A_2965 = arith.constant 0 : i32
      %dma_wait3A_2966 = arith.constant 0 : i32
      %dma_wait3A_2967 = tpu.memref_slice %arg3[%dma_wait3A_2965, %dma_wait3A_2966] : memref<64x1000000xf32, #tpu.memory_space<hbm>> -> memref<64x128xf32, #tpu.memory_space<hbm>>
      tpu.wait_dma2 semaphore(%arg14 : memref<!tpu.dma_semaphore, #tpu.memory_space<semaphore_mem>>) src(%dma_wait3A_2967 : memref<64x128xf32, #tpu.memory_space<hbm>>) dst(%dma_wait3A_2964 : memref<64x128xf32, #tpu.memory_space<vmem>>)
      %broadcast_in_dim3A_2968 = vector.broadcast %and3A_2952 : i32 to vector<16xi32>
      %broadcast_in_dim3A_2969 = arith.constant 4 : i32
      %broadcast_in_dim3A_2970 = vector.broadcast %broadcast_in_dim3A_2969 : i32 to vector<16xi32>
      %add3A_2971 = arith.constant 0 : i32
      %add3A_2972 = vector.broadcast %add3A_2971 : i32 to vector<16xi32>
      %add3A_2973 = arith.addi %iota3A, %add3A_2972 : vector<16xi32>
      %gather3A_2974 = tpu.vector_load_idx %arg7[%broadcast_in_dim3A_2970, %add3A_2973, %broadcast_in_dim3A_2968] : memref<8x64x128xf32, #tpu.memory_space<vmem>>[vector<16xi32>, vector<16xi32>, vector<16xi32>], vector<16xf32>,
      %get3A_2975 = arith.index_cast %add3A_2948 : i32 to index
      %get3A_2976 = arith.constant 0 : index
      %get3A_2977 = tpu.vector_load %arg8[%get3A_2975, %get3A_2976] {strides = array<i32>} : memref<256x64xf32, #tpu.memory_space<vmem>>, vector<16xf32>,
      %add3A_2978 = arith.addf %gather3A_2974, %get3A_2977 : vector<16xf32>
      %swap3A_2979 = arith.constant 1 : i32
      %swap3A_2980 = arith.constant 4 : i32
      %swap3A_2981 = arith.index_cast %swap3A_2979 : i32 to index
      %swap3A_2982 = arith.index_cast %swap3A_2980 : i32 to index
      %swap3A_2983 = arith.constant 0 : index
      %swap3A_2984 = tpu.vector_load %arg9[%swap3A_2981, %swap3A_2982, %swap3A_2983] {strides = array<i32>} : memref<2x8x64xf32, #tpu.memory_space<vmem>>, vector<16xf32>,
      tpu.vector_store %arg9[%swap3A_2981, %swap3A_2982, %swap3A_2983], %add3A_2978 {strides = array<i32>} : memref<2x8x64xf32, #tpu.memory_space<vmem>>, vector<16xf32>,
      %add3A_2985 = arith.constant 16 : i32
      %add3A_2986 = vector.broadcast %add3A_2985 : i32 to vector<16xi32>
      %add3A_2987 = arith.addi %iota3A, %add3A_2986 : vector<16xi32>
      %gather3A_2988 = tpu.vector_load_idx %arg7[%broadcast_in_dim3A_2970, %add3A_2987, %broadcast_in_dim3A_2968] : memref<8x64x128xf32, #tpu.memory_space<vmem>>[vector<16xi32>, vector<16xi32>, vector<16xi32>], vector<16xf32>,
      %get3A_2989 = arith.index_cast %add3A_2948 : i32 to index
      %get3A_2990 = arith.constant 16 : index
      %get3A_2991 = tpu.vector_load %arg8[%get3A_2989, %get3A_2990] {strides = array<i32>} : memref<256x64xf32, #tpu.memory_space<vmem>>, vector<16xf32>,
      %add3A_2992 = arith.addf %gather3A_2988, %get3A_2991 : vector<16xf32>
      %swap3A_2993 = arith.constant 1 : i32
      %swap3A_2994 = arith.constant 4 : i32
      %swap3A_2995 = arith.index_cast %swap3A_2993 : i32 to index
      %swap3A_2996 = arith.index_cast %swap3A_2994 : i32 to index
      %swap3A_2997 = arith.constant 16 : index
      %swap3A_2998 = tpu.vector_load %arg9[%swap3A_2995, %swap3A_2996, %swap3A_2997] {strides = array<i32>} : memref<2x8x64xf32, #tpu.memory_space<vmem>>, vector<16xf32>,
      tpu.vector_store %arg9[%swap3A_2995, %swap3A_2996, %swap3A_2997], %add3A_2992 {strides = array<i32>} : memref<2x8x64xf32, #tpu.memory_space<vmem>>, vector<16xf32>,
      %add3A_2999 = arith.constant 32 : i32
      %add3A_3000 = vector.broadcast %add3A_2999 : i32 to vector<16xi32>
      %add3A_3001 = arith.addi %iota3A, %add3A_3000 : vector<16xi32>
      %gather3A_3002 = tpu.vector_load_idx %arg7[%broadcast_in_dim3A_2970, %add3A_3001, %broadcast_in_dim3A_2968] : memref<8x64x128xf32, #tpu.memory_space<vmem>>[vector<16xi32>, vector<16xi32>, vector<16xi32>], vector<16xf32>,
      %get3A_3003 = arith.index_cast %add3A_2948 : i32 to index
      %get3A_3004 = arith.constant 32 : index
      %get3A_3005 = tpu.vector_load %arg8[%get3A_3003, %get3A_3004] {strides = array<i32>} : memref<256x64xf32, #tpu.memory_space<vmem>>, vector<16xf32>,
      %add3A_3006 = arith.addf %gather3A_3002, %get3A_3005 : vector<16xf32>
      %swap3A_3007 = arith.constant 1 : i32
      %swap3A_3008 = arith.constant 4 : i32
      %swap3A_3009 = arith.index_cast %swap3A_3007 : i32 to index
      %swap3A_3010 = arith.index_cast %swap3A_3008 : i32 to index
      %swap3A_3011 = arith.constant 32 : index
      %swap3A_3012 = tpu.vector_load %arg9[%swap3A_3009, %swap3A_3010, %swap3A_3011] {strides = array<i32>} : memref<2x8x64xf32, #tpu.memory_space<vmem>>, vector<16xf32>,
      tpu.vector_store %arg9[%swap3A_3009, %swap3A_3010, %swap3A_3011], %add3A_3006 {strides = array<i32>} : memref<2x8x64xf32, #tpu.memory_space<vmem>>, vector<16xf32>,
      %add3A_3013 = arith.constant 48 : i32
      %add3A_3014 = vector.broadcast %add3A_3013 : i32 to vector<16xi32>
      %add3A_3015 = arith.addi %iota3A, %add3A_3014 : vector<16xi32>
      %gather3A_3016 = tpu.vector_load_idx %arg7[%broadcast_in_dim3A_2970, %add3A_3015, %broadcast_in_dim3A_2968] : memref<8x64x128xf32, #tpu.memory_space<vmem>>[vector<16xi32>, vector<16xi32>, vector<16xi32>], vector<16xf32>,
      %get3A_3017 = arith.index_cast %add3A_2948 : i32 to index
      %get3A_3018 = arith.constant 48 : index
      %get3A_3019 = tpu.vector_load %arg8[%get3A_3017, %get3A_3018] {strides = array<i32>} : memref<256x64xf32, #tpu.memory_space<vmem>>, vector<16xf32>,
      %add3A_3020 = arith.addf %gather3A_3016, %get3A_3019 : vector<16xf32>
      %swap3A_3021 = arith.constant 1 : i32
      %swap3A_3022 = arith.constant 4 : i32
      %swap3A_3023 = arith.index_cast %swap3A_3021 : i32 to index
      %swap3A_3024 = arith.index_cast %swap3A_3022 : i32 to index
      %swap3A_3025 = arith.constant 48 : index
      %swap3A_3026 = tpu.vector_load %arg9[%swap3A_3023, %swap3A_3024, %swap3A_3025] {strides = array<i32>} : memref<2x8x64xf32, #tpu.memory_space<vmem>>, vector<16xf32>,
      tpu.vector_store %arg9[%swap3A_3023, %swap3A_3024, %swap3A_3025], %add3A_3020 {strides = array<i32>} : memref<2x8x64xf32, #tpu.memory_space<vmem>>, vector<16xf32>,
      %slice3A_3027 = vector.extract_strided_slice %get3A_2550 {offsets = [4], sizes = [1], strides = [1]} : vector<16xi32> to vector<1xi32>
      %squeeze3A_3028 = vector.extract %slice3A_3027[0] : i32 from vector<1xi32>
      %shift_right_logical3A_3029 = arith.constant 7 : i32
      %shift_right_logical3A_3030 = arith.shrui %squeeze3A_3028, %shift_right_logical3A_3029 : i32
      %mul3A_3031 = arith.constant 128 : i32
      %mul3A_3032 = arith.muli %shift_right_logical3A_3030, %mul3A_3031 : i32
      %dma_start3A_3033 = arith.constant 4 : i32
      %dma_start3A_3034 = arith.constant 0 : i32
      %dma_start3A_3035 = arith.constant 0 : i32
      %dma_start3A_3036 = tpu.memref_slice %arg7[%dma_start3A_3033, %dma_start3A_3034, %dma_start3A_3035] : memref<8x64x128xf32, #tpu.memory_space<vmem>> -> memref<1x64x128xf32, #tpu.memory_space<vmem>>
      %dma_start3A_3037 = tpu.memref_squeeze %dma_start3A_3036 : memref<1x64x128xf32, #tpu.memory_space<vmem>> -> memref<64x128xf32, #tpu.memory_space<vmem>>
      %dma_start3A_3038 = arith.constant 0 : i32
      %dma_start3A_3039 = tpu.memref_slice %arg3[%dma_start3A_3038, %mul3A_3032] : memref<64x1000000xf32, #tpu.memory_space<hbm>> -> memref<64x128xf32, #tpu.memory_space<hbm>>
      %dma_start3A_3040 = arith.constant 0 : i32
      %dma_start3A_3041 = arith.constant 0 : i32
      %dma_start3A_3042 = tpu.memref_slice %arg7[%dma_start3A_3033, %dma_start3A_3040, %dma_start3A_3041] : memref<8x64x128xf32, #tpu.memory_space<vmem>> -> memref<1x64x128xf32, #tpu.memory_space<vmem>>
      %dma_start3A_3043 = tpu.memref_squeeze %dma_start3A_3042 : memref<1x64x128xf32, #tpu.memory_space<vmem>> -> memref<64x128xf32, #tpu.memory_space<vmem>>
      %dma_start3A_3044 = arith.constant 0 : i32
      %dma_start3A_3045 = tpu.memref_slice %arg3[%dma_start3A_3044, %mul3A_3032] : memref<64x1000000xf32, #tpu.memory_space<hbm>> -> memref<64x128xf32, #tpu.memory_space<hbm>>
      tpu.enqueue_dma source(%dma_start3A_3045 : memref<64x128xf32, #tpu.memory_space<hbm>>) target(%dma_start3A_3043 : memref<64x128xf32, #tpu.memory_space<vmem>>) target_semaphore(%arg14 : memref<!tpu.dma_semaphore, #tpu.memory_space<semaphore_mem>>)
      %add3A_3046 = arith.constant 5 : i32
      %add3A_3047 = arith.addi %mul3A_2544, %add3A_3046 : i32
      %slice3A_3048 = vector.extract_strided_slice %get3A_2546 {offsets = [5], sizes = [1], strides = [1]} : vector<16xi32> to vector<1xi32>
      %squeeze3A_3049 = vector.extract %slice3A_3048[0] : i32 from vector<1xi32>
      %and3A_3050 = arith.constant 127 : i32
      %and3A_3051 = arith.andi %squeeze3A_3049, %and3A_3050 : i32
      %dma_wait3A_3052 = arith.constant 5 : i32
      %dma_wait3A_3053 = arith.constant 0 : i32
      %dma_wait3A_3054 = arith.constant 0 : i32
      %dma_wait3A_3055 = tpu.memref_slice %arg7[%dma_wait3A_3052, %dma_wait3A_3053, %dma_wait3A_3054] : memref<8x64x128xf32, #tpu.memory_space<vmem>> -> memref<1x64x128xf32, #tpu.memory_space<vmem>>
      %dma_wait3A_3056 = tpu.memref_squeeze %dma_wait3A_3055 : memref<1x64x128xf32, #tpu.memory_space<vmem>> -> memref<64x128xf32, #tpu.memory_space<vmem>>
      %dma_wait3A_3057 = arith.constant 0 : i32
      %dma_wait3A_3058 = arith.constant 0 : i32
      %dma_wait3A_3059 = tpu.memref_slice %arg3[%dma_wait3A_3057, %dma_wait3A_3058] : memref<64x1000000xf32, #tpu.memory_space<hbm>> -> memref<64x128xf32, #tpu.memory_space<hbm>>
      %dma_wait3A_3060 = arith.constant 0 : i32
      %dma_wait3A_3061 = arith.constant 0 : i32
      %dma_wait3A_3062 = tpu.memref_slice %arg7[%dma_wait3A_3052, %dma_wait3A_3060, %dma_wait3A_3061] : memref<8x64x128xf32, #tpu.memory_space<vmem>> -> memref<1x64x128xf32, #tpu.memory_space<vmem>>
      %dma_wait3A_3063 = tpu.memref_squeeze %dma_wait3A_3062 : memref<1x64x128xf32, #tpu.memory_space<vmem>> -> memref<64x128xf32, #tpu.memory_space<vmem>>
      %dma_wait3A_3064 = arith.constant 0 : i32
      %dma_wait3A_3065 = arith.constant 0 : i32
      %dma_wait3A_3066 = tpu.memref_slice %arg3[%dma_wait3A_3064, %dma_wait3A_3065] : memref<64x1000000xf32, #tpu.memory_space<hbm>> -> memref<64x128xf32, #tpu.memory_space<hbm>>
      tpu.wait_dma2 semaphore(%arg15 : memref<!tpu.dma_semaphore, #tpu.memory_space<semaphore_mem>>) src(%dma_wait3A_3066 : memref<64x128xf32, #tpu.memory_space<hbm>>) dst(%dma_wait3A_3063 : memref<64x128xf32, #tpu.memory_space<vmem>>)
      %broadcast_in_dim3A_3067 = vector.broadcast %and3A_3051 : i32 to vector<16xi32>
      %broadcast_in_dim3A_3068 = arith.constant 5 : i32
      %broadcast_in_dim3A_3069 = vector.broadcast %broadcast_in_dim3A_3068 : i32 to vector<16xi32>
      %add3A_3070 = arith.constant 0 : i32
      %add3A_3071 = vector.broadcast %add3A_3070 : i32 to vector<16xi32>
      %add3A_3072 = arith.addi %iota3A, %add3A_3071 : vector<16xi32>
      %gather3A_3073 = tpu.vector_load_idx %arg7[%broadcast_in_dim3A_3069, %add3A_3072, %broadcast_in_dim3A_3067] : memref<8x64x128xf32, #tpu.memory_space<vmem>>[vector<16xi32>, vector<16xi32>, vector<16xi32>], vector<16xf32>,
      %get3A_3074 = arith.index_cast %add3A_3047 : i32 to index
      %get3A_3075 = arith.constant 0 : index
      %get3A_3076 = tpu.vector_load %arg8[%get3A_3074, %get3A_3075] {strides = array<i32>} : memref<256x64xf32, #tpu.memory_space<vmem>>, vector<16xf32>,
      %add3A_3077 = arith.addf %gather3A_3073, %get3A_3076 : vector<16xf32>
      %swap3A_3078 = arith.constant 1 : i32
      %swap3A_3079 = arith.constant 5 : i32
      %swap3A_3080 = arith.index_cast %swap3A_3078 : i32 to index
      %swap3A_3081 = arith.index_cast %swap3A_3079 : i32 to index
      %swap3A_3082 = arith.constant 0 : index
      %swap3A_3083 = tpu.vector_load %arg9[%swap3A_3080, %swap3A_3081, %swap3A_3082] {strides = array<i32>} : memref<2x8x64xf32, #tpu.memory_space<vmem>>, vector<16xf32>,
      tpu.vector_store %arg9[%swap3A_3080, %swap3A_3081, %swap3A_3082], %add3A_3077 {strides = array<i32>} : memref<2x8x64xf32, #tpu.memory_space<vmem>>, vector<16xf32>,
      %add3A_3084 = arith.constant 16 : i32
      %add3A_3085 = vector.broadcast %add3A_3084 : i32 to vector<16xi32>
      %add3A_3086 = arith.addi %iota3A, %add3A_3085 : vector<16xi32>
      %gather3A_3087 = tpu.vector_load_idx %arg7[%broadcast_in_dim3A_3069, %add3A_3086, %broadcast_in_dim3A_3067] : memref<8x64x128xf32, #tpu.memory_space<vmem>>[vector<16xi32>, vector<16xi32>, vector<16xi32>], vector<16xf32>,
      %get3A_3088 = arith.index_cast %add3A_3047 : i32 to index
      %get3A_3089 = arith.constant 16 : index
      %get3A_3090 = tpu.vector_load %arg8[%get3A_3088, %get3A_3089] {strides = array<i32>} : memref<256x64xf32, #tpu.memory_space<vmem>>, vector<16xf32>,
      %add3A_3091 = arith.addf %gather3A_3087, %get3A_3090 : vector<16xf32>
      %swap3A_3092 = arith.constant 1 : i32
      %swap3A_3093 = arith.constant 5 : i32
      %swap3A_3094 = arith.index_cast %swap3A_3092 : i32 to index
      %swap3A_3095 = arith.index_cast %swap3A_3093 : i32 to index
      %swap3A_3096 = arith.constant 16 : index
      %swap3A_3097 = tpu.vector_load %arg9[%swap3A_3094, %swap3A_3095, %swap3A_3096] {strides = array<i32>} : memref<2x8x64xf32, #tpu.memory_space<vmem>>, vector<16xf32>,
      tpu.vector_store %arg9[%swap3A_3094, %swap3A_3095, %swap3A_3096], %add3A_3091 {strides = array<i32>} : memref<2x8x64xf32, #tpu.memory_space<vmem>>, vector<16xf32>,
      %add3A_3098 = arith.constant 32 : i32
      %add3A_3099 = vector.broadcast %add3A_3098 : i32 to vector<16xi32>
      %add3A_3100 = arith.addi %iota3A, %add3A_3099 : vector<16xi32>
      %gather3A_3101 = tpu.vector_load_idx %arg7[%broadcast_in_dim3A_3069, %add3A_3100, %broadcast_in_dim3A_3067] : memref<8x64x128xf32, #tpu.memory_space<vmem>>[vector<16xi32>, vector<16xi32>, vector<16xi32>], vector<16xf32>,
      %get3A_3102 = arith.index_cast %add3A_3047 : i32 to index
      %get3A_3103 = arith.constant 32 : index
      %get3A_3104 = tpu.vector_load %arg8[%get3A_3102, %get3A_3103] {strides = array<i32>} : memref<256x64xf32, #tpu.memory_space<vmem>>, vector<16xf32>,
      %add3A_3105 = arith.addf %gather3A_3101, %get3A_3104 : vector<16xf32>
      %swap3A_3106 = arith.constant 1 : i32
      %swap3A_3107 = arith.constant 5 : i32
      %swap3A_3108 = arith.index_cast %swap3A_3106 : i32 to index
      %swap3A_3109 = arith.index_cast %swap3A_3107 : i32 to index
      %swap3A_3110 = arith.constant 32 : index
      %swap3A_3111 = tpu.vector_load %arg9[%swap3A_3108, %swap3A_3109, %swap3A_3110] {strides = array<i32>} : memref<2x8x64xf32, #tpu.memory_space<vmem>>, vector<16xf32>,
      tpu.vector_store %arg9[%swap3A_3108, %swap3A_3109, %swap3A_3110], %add3A_3105 {strides = array<i32>} : memref<2x8x64xf32, #tpu.memory_space<vmem>>, vector<16xf32>,
      %add3A_3112 = arith.constant 48 : i32
      %add3A_3113 = vector.broadcast %add3A_3112 : i32 to vector<16xi32>
      %add3A_3114 = arith.addi %iota3A, %add3A_3113 : vector<16xi32>
      %gather3A_3115 = tpu.vector_load_idx %arg7[%broadcast_in_dim3A_3069, %add3A_3114, %broadcast_in_dim3A_3067] : memref<8x64x128xf32, #tpu.memory_space<vmem>>[vector<16xi32>, vector<16xi32>, vector<16xi32>], vector<16xf32>,
      %get3A_3116 = arith.index_cast %add3A_3047 : i32 to index
      %get3A_3117 = arith.constant 48 : index
      %get3A_3118 = tpu.vector_load %arg8[%get3A_3116, %get3A_3117] {strides = array<i32>} : memref<256x64xf32, #tpu.memory_space<vmem>>, vector<16xf32>,
      %add3A_3119 = arith.addf %gather3A_3115, %get3A_3118 : vector<16xf32>
      %swap3A_3120 = arith.constant 1 : i32
      %swap3A_3121 = arith.constant 5 : i32
      %swap3A_3122 = arith.index_cast %swap3A_3120 : i32 to index
      %swap3A_3123 = arith.index_cast %swap3A_3121 : i32 to index
      %swap3A_3124 = arith.constant 48 : index
      %swap3A_3125 = tpu.vector_load %arg9[%swap3A_3122, %swap3A_3123, %swap3A_3124] {strides = array<i32>} : memref<2x8x64xf32, #tpu.memory_space<vmem>>, vector<16xf32>,
      tpu.vector_store %arg9[%swap3A_3122, %swap3A_3123, %swap3A_3124], %add3A_3119 {strides = array<i32>} : memref<2x8x64xf32, #tpu.memory_space<vmem>>, vector<16xf32>,
      %slice3A_3126 = vector.extract_strided_slice %get3A_2550 {offsets = [5], sizes = [1], strides = [1]} : vector<16xi32> to vector<1xi32>
      %squeeze3A_3127 = vector.extract %slice3A_3126[0] : i32 from vector<1xi32>
      %shift_right_logical3A_3128 = arith.constant 7 : i32
      %shift_right_logical3A_3129 = arith.shrui %squeeze3A_3127, %shift_right_logical3A_3128 : i32
      %mul3A_3130 = arith.constant 128 : i32
      %mul3A_3131 = arith.muli %shift_right_logical3A_3129, %mul3A_3130 : i32
      %dma_start3A_3132 = arith.constant 5 : i32
      %dma_start3A_3133 = arith.constant 0 : i32
      %dma_start3A_3134 = arith.constant 0 : i32
      %dma_start3A_3135 = tpu.memref_slice %arg7[%dma_start3A_3132, %dma_start3A_3133, %dma_start3A_3134] : memref<8x64x128xf32, #tpu.memory_space<vmem>> -> memref<1x64x128xf32, #tpu.memory_space<vmem>>
      %dma_start3A_3136 = tpu.memref_squeeze %dma_start3A_3135 : memref<1x64x128xf32, #tpu.memory_space<vmem>> -> memref<64x128xf32, #tpu.memory_space<vmem>>
      %dma_start3A_3137 = arith.constant 0 : i32
      %dma_start3A_3138 = tpu.memref_slice %arg3[%dma_start3A_3137, %mul3A_3131] : memref<64x1000000xf32, #tpu.memory_space<hbm>> -> memref<64x128xf32, #tpu.memory_space<hbm>>
      %dma_start3A_3139 = arith.constant 0 : i32
      %dma_start3A_3140 = arith.constant 0 : i32
      %dma_start3A_3141 = tpu.memref_slice %arg7[%dma_start3A_3132, %dma_start3A_3139, %dma_start3A_3140] : memref<8x64x128xf32, #tpu.memory_space<vmem>> -> memref<1x64x128xf32, #tpu.memory_space<vmem>>
      %dma_start3A_3142 = tpu.memref_squeeze %dma_start3A_3141 : memref<1x64x128xf32, #tpu.memory_space<vmem>> -> memref<64x128xf32, #tpu.memory_space<vmem>>
      %dma_start3A_3143 = arith.constant 0 : i32
      %dma_start3A_3144 = tpu.memref_slice %arg3[%dma_start3A_3143, %mul3A_3131] : memref<64x1000000xf32, #tpu.memory_space<hbm>> -> memref<64x128xf32, #tpu.memory_space<hbm>>
      tpu.enqueue_dma source(%dma_start3A_3144 : memref<64x128xf32, #tpu.memory_space<hbm>>) target(%dma_start3A_3142 : memref<64x128xf32, #tpu.memory_space<vmem>>) target_semaphore(%arg15 : memref<!tpu.dma_semaphore, #tpu.memory_space<semaphore_mem>>)
      %add3A_3145 = arith.constant 6 : i32
      %add3A_3146 = arith.addi %mul3A_2544, %add3A_3145 : i32
      %slice3A_3147 = vector.extract_strided_slice %get3A_2546 {offsets = [6], sizes = [1], strides = [1]} : vector<16xi32> to vector<1xi32>
      %squeeze3A_3148 = vector.extract %slice3A_3147[0] : i32 from vector<1xi32>
      %and3A_3149 = arith.constant 127 : i32
      %and3A_3150 = arith.andi %squeeze3A_3148, %and3A_3149 : i32
      %dma_wait3A_3151 = arith.constant 6 : i32
      %dma_wait3A_3152 = arith.constant 0 : i32
      %dma_wait3A_3153 = arith.constant 0 : i32
      %dma_wait3A_3154 = tpu.memref_slice %arg7[%dma_wait3A_3151, %dma_wait3A_3152, %dma_wait3A_3153] : memref<8x64x128xf32, #tpu.memory_space<vmem>> -> memref<1x64x128xf32, #tpu.memory_space<vmem>>
      %dma_wait3A_3155 = tpu.memref_squeeze %dma_wait3A_3154 : memref<1x64x128xf32, #tpu.memory_space<vmem>> -> memref<64x128xf32, #tpu.memory_space<vmem>>
      %dma_wait3A_3156 = arith.constant 0 : i32
      %dma_wait3A_3157 = arith.constant 0 : i32
      %dma_wait3A_3158 = tpu.memref_slice %arg3[%dma_wait3A_3156, %dma_wait3A_3157] : memref<64x1000000xf32, #tpu.memory_space<hbm>> -> memref<64x128xf32, #tpu.memory_space<hbm>>
      %dma_wait3A_3159 = arith.constant 0 : i32
      %dma_wait3A_3160 = arith.constant 0 : i32
      %dma_wait3A_3161 = tpu.memref_slice %arg7[%dma_wait3A_3151, %dma_wait3A_3159, %dma_wait3A_3160] : memref<8x64x128xf32, #tpu.memory_space<vmem>> -> memref<1x64x128xf32, #tpu.memory_space<vmem>>
      %dma_wait3A_3162 = tpu.memref_squeeze %dma_wait3A_3161 : memref<1x64x128xf32, #tpu.memory_space<vmem>> -> memref<64x128xf32, #tpu.memory_space<vmem>>
      %dma_wait3A_3163 = arith.constant 0 : i32
      %dma_wait3A_3164 = arith.constant 0 : i32
      %dma_wait3A_3165 = tpu.memref_slice %arg3[%dma_wait3A_3163, %dma_wait3A_3164] : memref<64x1000000xf32, #tpu.memory_space<hbm>> -> memref<64x128xf32, #tpu.memory_space<hbm>>
      tpu.wait_dma2 semaphore(%arg16 : memref<!tpu.dma_semaphore, #tpu.memory_space<semaphore_mem>>) src(%dma_wait3A_3165 : memref<64x128xf32, #tpu.memory_space<hbm>>) dst(%dma_wait3A_3162 : memref<64x128xf32, #tpu.memory_space<vmem>>)
      %broadcast_in_dim3A_3166 = vector.broadcast %and3A_3150 : i32 to vector<16xi32>
      %broadcast_in_dim3A_3167 = arith.constant 6 : i32
      %broadcast_in_dim3A_3168 = vector.broadcast %broadcast_in_dim3A_3167 : i32 to vector<16xi32>
      %add3A_3169 = arith.constant 0 : i32
      %add3A_3170 = vector.broadcast %add3A_3169 : i32 to vector<16xi32>
      %add3A_3171 = arith.addi %iota3A, %add3A_3170 : vector<16xi32>
      %gather3A_3172 = tpu.vector_load_idx %arg7[%broadcast_in_dim3A_3168, %add3A_3171, %broadcast_in_dim3A_3166] : memref<8x64x128xf32, #tpu.memory_space<vmem>>[vector<16xi32>, vector<16xi32>, vector<16xi32>], vector<16xf32>,
      %get3A_3173 = arith.index_cast %add3A_3146 : i32 to index
      %get3A_3174 = arith.constant 0 : index
      %get3A_3175 = tpu.vector_load %arg8[%get3A_3173, %get3A_3174] {strides = array<i32>} : memref<256x64xf32, #tpu.memory_space<vmem>>, vector<16xf32>,
      %add3A_3176 = arith.addf %gather3A_3172, %get3A_3175 : vector<16xf32>
      %swap3A_3177 = arith.constant 1 : i32
      %swap3A_3178 = arith.constant 6 : i32
      %swap3A_3179 = arith.index_cast %swap3A_3177 : i32 to index
      %swap3A_3180 = arith.index_cast %swap3A_3178 : i32 to index
      %swap3A_3181 = arith.constant 0 : index
      %swap3A_3182 = tpu.vector_load %arg9[%swap3A_3179, %swap3A_3180, %swap3A_3181] {strides = array<i32>} : memref<2x8x64xf32, #tpu.memory_space<vmem>>, vector<16xf32>,
      tpu.vector_store %arg9[%swap3A_3179, %swap3A_3180, %swap3A_3181], %add3A_3176 {strides = array<i32>} : memref<2x8x64xf32, #tpu.memory_space<vmem>>, vector<16xf32>,
      %add3A_3183 = arith.constant 16 : i32
      %add3A_3184 = vector.broadcast %add3A_3183 : i32 to vector<16xi32>
      %add3A_3185 = arith.addi %iota3A, %add3A_3184 : vector<16xi32>
      %gather3A_3186 = tpu.vector_load_idx %arg7[%broadcast_in_dim3A_3168, %add3A_3185, %broadcast_in_dim3A_3166] : memref<8x64x128xf32, #tpu.memory_space<vmem>>[vector<16xi32>, vector<16xi32>, vector<16xi32>], vector<16xf32>,
      %get3A_3187 = arith.index_cast %add3A_3146 : i32 to index
      %get3A_3188 = arith.constant 16 : index
      %get3A_3189 = tpu.vector_load %arg8[%get3A_3187, %get3A_3188] {strides = array<i32>} : memref<256x64xf32, #tpu.memory_space<vmem>>, vector<16xf32>,
      %add3A_3190 = arith.addf %gather3A_3186, %get3A_3189 : vector<16xf32>
      %swap3A_3191 = arith.constant 1 : i32
      %swap3A_3192 = arith.constant 6 : i32
      %swap3A_3193 = arith.index_cast %swap3A_3191 : i32 to index
      %swap3A_3194 = arith.index_cast %swap3A_3192 : i32 to index
      %swap3A_3195 = arith.constant 16 : index
      %swap3A_3196 = tpu.vector_load %arg9[%swap3A_3193, %swap3A_3194, %swap3A_3195] {strides = array<i32>} : memref<2x8x64xf32, #tpu.memory_space<vmem>>, vector<16xf32>,
      tpu.vector_store %arg9[%swap3A_3193, %swap3A_3194, %swap3A_3195], %add3A_3190 {strides = array<i32>} : memref<2x8x64xf32, #tpu.memory_space<vmem>>, vector<16xf32>,
      %add3A_3197 = arith.constant 32 : i32
      %add3A_3198 = vector.broadcast %add3A_3197 : i32 to vector<16xi32>
      %add3A_3199 = arith.addi %iota3A, %add3A_3198 : vector<16xi32>
      %gather3A_3200 = tpu.vector_load_idx %arg7[%broadcast_in_dim3A_3168, %add3A_3199, %broadcast_in_dim3A_3166] : memref<8x64x128xf32, #tpu.memory_space<vmem>>[vector<16xi32>, vector<16xi32>, vector<16xi32>], vector<16xf32>,
      %get3A_3201 = arith.index_cast %add3A_3146 : i32 to index
      %get3A_3202 = arith.constant 32 : index
      %get3A_3203 = tpu.vector_load %arg8[%get3A_3201, %get3A_3202] {strides = array<i32>} : memref<256x64xf32, #tpu.memory_space<vmem>>, vector<16xf32>,
      %add3A_3204 = arith.addf %gather3A_3200, %get3A_3203 : vector<16xf32>
      %swap3A_3205 = arith.constant 1 : i32
      %swap3A_3206 = arith.constant 6 : i32
      %swap3A_3207 = arith.index_cast %swap3A_3205 : i32 to index
      %swap3A_3208 = arith.index_cast %swap3A_3206 : i32 to index
      %swap3A_3209 = arith.constant 32 : index
      %swap3A_3210 = tpu.vector_load %arg9[%swap3A_3207, %swap3A_3208, %swap3A_3209] {strides = array<i32>} : memref<2x8x64xf32, #tpu.memory_space<vmem>>, vector<16xf32>,
      tpu.vector_store %arg9[%swap3A_3207, %swap3A_3208, %swap3A_3209], %add3A_3204 {strides = array<i32>} : memref<2x8x64xf32, #tpu.memory_space<vmem>>, vector<16xf32>,
      %add3A_3211 = arith.constant 48 : i32
      %add3A_3212 = vector.broadcast %add3A_3211 : i32 to vector<16xi32>
      %add3A_3213 = arith.addi %iota3A, %add3A_3212 : vector<16xi32>
      %gather3A_3214 = tpu.vector_load_idx %arg7[%broadcast_in_dim3A_3168, %add3A_3213, %broadcast_in_dim3A_3166] : memref<8x64x128xf32, #tpu.memory_space<vmem>>[vector<16xi32>, vector<16xi32>, vector<16xi32>], vector<16xf32>,
      %get3A_3215 = arith.index_cast %add3A_3146 : i32 to index
      %get3A_3216 = arith.constant 48 : index
      %get3A_3217 = tpu.vector_load %arg8[%get3A_3215, %get3A_3216] {strides = array<i32>} : memref<256x64xf32, #tpu.memory_space<vmem>>, vector<16xf32>,
      %add3A_3218 = arith.addf %gather3A_3214, %get3A_3217 : vector<16xf32>
      %swap3A_3219 = arith.constant 1 : i32
      %swap3A_3220 = arith.constant 6 : i32
      %swap3A_3221 = arith.index_cast %swap3A_3219 : i32 to index
      %swap3A_3222 = arith.index_cast %swap3A_3220 : i32 to index
      %swap3A_3223 = arith.constant 48 : index
      %swap3A_3224 = tpu.vector_load %arg9[%swap3A_3221, %swap3A_3222, %swap3A_3223] {strides = array<i32>} : memref<2x8x64xf32, #tpu.memory_space<vmem>>, vector<16xf32>,
      tpu.vector_store %arg9[%swap3A_3221, %swap3A_3222, %swap3A_3223], %add3A_3218 {strides = array<i32>} : memref<2x8x64xf32, #tpu.memory_space<vmem>>, vector<16xf32>,
      %slice3A_3225 = vector.extract_strided_slice %get3A_2550 {offsets = [6], sizes = [1], strides = [1]} : vector<16xi32> to vector<1xi32>
      %squeeze3A_3226 = vector.extract %slice3A_3225[0] : i32 from vector<1xi32>
      %shift_right_logical3A_3227 = arith.constant 7 : i32
      %shift_right_logical3A_3228 = arith.shrui %squeeze3A_3226, %shift_right_logical3A_3227 : i32
      %mul3A_3229 = arith.constant 128 : i32
      %mul3A_3230 = arith.muli %shift_right_logical3A_3228, %mul3A_3229 : i32
      %dma_start3A_3231 = arith.constant 6 : i32
      %dma_start3A_3232 = arith.constant 0 : i32
      %dma_start3A_3233 = arith.constant 0 : i32
      %dma_start3A_3234 = tpu.memref_slice %arg7[%dma_start3A_3231, %dma_start3A_3232, %dma_start3A_3233] : memref<8x64x128xf32, #tpu.memory_space<vmem>> -> memref<1x64x128xf32, #tpu.memory_space<vmem>>
      %dma_start3A_3235 = tpu.memref_squeeze %dma_start3A_3234 : memref<1x64x128xf32, #tpu.memory_space<vmem>> -> memref<64x128xf32, #tpu.memory_space<vmem>>
      %dma_start3A_3236 = arith.constant 0 : i32
      %dma_start3A_3237 = tpu.memref_slice %arg3[%dma_start3A_3236, %mul3A_3230] : memref<64x1000000xf32, #tpu.memory_space<hbm>> -> memref<64x128xf32, #tpu.memory_space<hbm>>
      %dma_start3A_3238 = arith.constant 0 : i32
      %dma_start3A_3239 = arith.constant 0 : i32
      %dma_start3A_3240 = tpu.memref_slice %arg7[%dma_start3A_3231, %dma_start3A_3238, %dma_start3A_3239] : memref<8x64x128xf32, #tpu.memory_space<vmem>> -> memref<1x64x128xf32, #tpu.memory_space<vmem>>
      %dma_start3A_3241 = tpu.memref_squeeze %dma_start3A_3240 : memref<1x64x128xf32, #tpu.memory_space<vmem>> -> memref<64x128xf32, #tpu.memory_space<vmem>>
      %dma_start3A_3242 = arith.constant 0 : i32
      %dma_start3A_3243 = tpu.memref_slice %arg3[%dma_start3A_3242, %mul3A_3230] : memref<64x1000000xf32, #tpu.memory_space<hbm>> -> memref<64x128xf32, #tpu.memory_space<hbm>>
      tpu.enqueue_dma source(%dma_start3A_3243 : memref<64x128xf32, #tpu.memory_space<hbm>>) target(%dma_start3A_3241 : memref<64x128xf32, #tpu.memory_space<vmem>>) target_semaphore(%arg16 : memref<!tpu.dma_semaphore, #tpu.memory_space<semaphore_mem>>)
      %add3A_3244 = arith.constant 7 : i32
      %add3A_3245 = arith.addi %mul3A_2544, %add3A_3244 : i32
      %slice3A_3246 = vector.extract_strided_slice %get3A_2546 {offsets = [7], sizes = [1], strides = [1]} : vector<16xi32> to vector<1xi32>
      %squeeze3A_3247 = vector.extract %slice3A_3246[0] : i32 from vector<1xi32>
      %and3A_3248 = arith.constant 127 : i32
      %and3A_3249 = arith.andi %squeeze3A_3247, %and3A_3248 : i32
      %dma_wait3A_3250 = arith.constant 7 : i32
      %dma_wait3A_3251 = arith.constant 0 : i32
      %dma_wait3A_3252 = arith.constant 0 : i32
      %dma_wait3A_3253 = tpu.memref_slice %arg7[%dma_wait3A_3250, %dma_wait3A_3251, %dma_wait3A_3252] : memref<8x64x128xf32, #tpu.memory_space<vmem>> -> memref<1x64x128xf32, #tpu.memory_space<vmem>>
      %dma_wait3A_3254 = tpu.memref_squeeze %dma_wait3A_3253 : memref<1x64x128xf32, #tpu.memory_space<vmem>> -> memref<64x128xf32, #tpu.memory_space<vmem>>
      %dma_wait3A_3255 = arith.constant 0 : i32
      %dma_wait3A_3256 = arith.constant 0 : i32
      %dma_wait3A_3257 = tpu.memref_slice %arg3[%dma_wait3A_3255, %dma_wait3A_3256] : memref<64x1000000xf32, #tpu.memory_space<hbm>> -> memref<64x128xf32, #tpu.memory_space<hbm>>
      %dma_wait3A_3258 = arith.constant 0 : i32
      %dma_wait3A_3259 = arith.constant 0 : i32
      %dma_wait3A_3260 = tpu.memref_slice %arg7[%dma_wait3A_3250, %dma_wait3A_3258, %dma_wait3A_3259] : memref<8x64x128xf32, #tpu.memory_space<vmem>> -> memref<1x64x128xf32, #tpu.memory_space<vmem>>
      %dma_wait3A_3261 = tpu.memref_squeeze %dma_wait3A_3260 : memref<1x64x128xf32, #tpu.memory_space<vmem>> -> memref<64x128xf32, #tpu.memory_space<vmem>>
      %dma_wait3A_3262 = arith.constant 0 : i32
      %dma_wait3A_3263 = arith.constant 0 : i32
      %dma_wait3A_3264 = tpu.memref_slice %arg3[%dma_wait3A_3262, %dma_wait3A_3263] : memref<64x1000000xf32, #tpu.memory_space<hbm>> -> memref<64x128xf32, #tpu.memory_space<hbm>>
      tpu.wait_dma2 semaphore(%arg17 : memref<!tpu.dma_semaphore, #tpu.memory_space<semaphore_mem>>) src(%dma_wait3A_3264 : memref<64x128xf32, #tpu.memory_space<hbm>>) dst(%dma_wait3A_3261 : memref<64x128xf32, #tpu.memory_space<vmem>>)
      %broadcast_in_dim3A_3265 = vector.broadcast %and3A_3249 : i32 to vector<16xi32>
      %broadcast_in_dim3A_3266 = arith.constant 7 : i32
      %broadcast_in_dim3A_3267 = vector.broadcast %broadcast_in_dim3A_3266 : i32 to vector<16xi32>
      %add3A_3268 = arith.constant 0 : i32
      %add3A_3269 = vector.broadcast %add3A_3268 : i32 to vector<16xi32>
      %add3A_3270 = arith.addi %iota3A, %add3A_3269 : vector<16xi32>
      %gather3A_3271 = tpu.vector_load_idx %arg7[%broadcast_in_dim3A_3267, %add3A_3270, %broadcast_in_dim3A_3265] : memref<8x64x128xf32, #tpu.memory_space<vmem>>[vector<16xi32>, vector<16xi32>, vector<16xi32>], vector<16xf32>,
      %get3A_3272 = arith.index_cast %add3A_3245 : i32 to index
      %get3A_3273 = arith.constant 0 : index
      %get3A_3274 = tpu.vector_load %arg8[%get3A_3272, %get3A_3273] {strides = array<i32>} : memref<256x64xf32, #tpu.memory_space<vmem>>, vector<16xf32>,
      %add3A_3275 = arith.addf %gather3A_3271, %get3A_3274 : vector<16xf32>
      %swap3A_3276 = arith.constant 1 : i32
      %swap3A_3277 = arith.constant 7 : i32
      %swap3A_3278 = arith.index_cast %swap3A_3276 : i32 to index
      %swap3A_3279 = arith.index_cast %swap3A_3277 : i32 to index
      %swap3A_3280 = arith.constant 0 : index
      %swap3A_3281 = tpu.vector_load %arg9[%swap3A_3278, %swap3A_3279, %swap3A_3280] {strides = array<i32>} : memref<2x8x64xf32, #tpu.memory_space<vmem>>, vector<16xf32>,
      tpu.vector_store %arg9[%swap3A_3278, %swap3A_3279, %swap3A_3280], %add3A_3275 {strides = array<i32>} : memref<2x8x64xf32, #tpu.memory_space<vmem>>, vector<16xf32>,
      %add3A_3282 = arith.constant 16 : i32
      %add3A_3283 = vector.broadcast %add3A_3282 : i32 to vector<16xi32>
      %add3A_3284 = arith.addi %iota3A, %add3A_3283 : vector<16xi32>
      %gather3A_3285 = tpu.vector_load_idx %arg7[%broadcast_in_dim3A_3267, %add3A_3284, %broadcast_in_dim3A_3265] : memref<8x64x128xf32, #tpu.memory_space<vmem>>[vector<16xi32>, vector<16xi32>, vector<16xi32>], vector<16xf32>,
      %get3A_3286 = arith.index_cast %add3A_3245 : i32 to index
      %get3A_3287 = arith.constant 16 : index
      %get3A_3288 = tpu.vector_load %arg8[%get3A_3286, %get3A_3287] {strides = array<i32>} : memref<256x64xf32, #tpu.memory_space<vmem>>, vector<16xf32>,
      %add3A_3289 = arith.addf %gather3A_3285, %get3A_3288 : vector<16xf32>
      %swap3A_3290 = arith.constant 1 : i32
      %swap3A_3291 = arith.constant 7 : i32
      %swap3A_3292 = arith.index_cast %swap3A_3290 : i32 to index
      %swap3A_3293 = arith.index_cast %swap3A_3291 : i32 to index
      %swap3A_3294 = arith.constant 16 : index
      %swap3A_3295 = tpu.vector_load %arg9[%swap3A_3292, %swap3A_3293, %swap3A_3294] {strides = array<i32>} : memref<2x8x64xf32, #tpu.memory_space<vmem>>, vector<16xf32>,
      tpu.vector_store %arg9[%swap3A_3292, %swap3A_3293, %swap3A_3294], %add3A_3289 {strides = array<i32>} : memref<2x8x64xf32, #tpu.memory_space<vmem>>, vector<16xf32>,
      %add3A_3296 = arith.constant 32 : i32
      %add3A_3297 = vector.broadcast %add3A_3296 : i32 to vector<16xi32>
      %add3A_3298 = arith.addi %iota3A, %add3A_3297 : vector<16xi32>
      %gather3A_3299 = tpu.vector_load_idx %arg7[%broadcast_in_dim3A_3267, %add3A_3298, %broadcast_in_dim3A_3265] : memref<8x64x128xf32, #tpu.memory_space<vmem>>[vector<16xi32>, vector<16xi32>, vector<16xi32>], vector<16xf32>,
      %get3A_3300 = arith.index_cast %add3A_3245 : i32 to index
      %get3A_3301 = arith.constant 32 : index
      %get3A_3302 = tpu.vector_load %arg8[%get3A_3300, %get3A_3301] {strides = array<i32>} : memref<256x64xf32, #tpu.memory_space<vmem>>, vector<16xf32>,
      %add3A_3303 = arith.addf %gather3A_3299, %get3A_3302 : vector<16xf32>
      %swap3A_3304 = arith.constant 1 : i32
      %swap3A_3305 = arith.constant 7 : i32
      %swap3A_3306 = arith.index_cast %swap3A_3304 : i32 to index
      %swap3A_3307 = arith.index_cast %swap3A_3305 : i32 to index
      %swap3A_3308 = arith.constant 32 : index
      %swap3A_3309 = tpu.vector_load %arg9[%swap3A_3306, %swap3A_3307, %swap3A_3308] {strides = array<i32>} : memref<2x8x64xf32, #tpu.memory_space<vmem>>, vector<16xf32>,
      tpu.vector_store %arg9[%swap3A_3306, %swap3A_3307, %swap3A_3308], %add3A_3303 {strides = array<i32>} : memref<2x8x64xf32, #tpu.memory_space<vmem>>, vector<16xf32>,
      %add3A_3310 = arith.constant 48 : i32
      %add3A_3311 = vector.broadcast %add3A_3310 : i32 to vector<16xi32>
      %add3A_3312 = arith.addi %iota3A, %add3A_3311 : vector<16xi32>
      %gather3A_3313 = tpu.vector_load_idx %arg7[%broadcast_in_dim3A_3267, %add3A_3312, %broadcast_in_dim3A_3265] : memref<8x64x128xf32, #tpu.memory_space<vmem>>[vector<16xi32>, vector<16xi32>, vector<16xi32>], vector<16xf32>,
      %get3A_3314 = arith.index_cast %add3A_3245 : i32 to index
      %get3A_3315 = arith.constant 48 : index
      %get3A_3316 = tpu.vector_load %arg8[%get3A_3314, %get3A_3315] {strides = array<i32>} : memref<256x64xf32, #tpu.memory_space<vmem>>, vector<16xf32>,
      %add3A_3317 = arith.addf %gather3A_3313, %get3A_3316 : vector<16xf32>
      %swap3A_3318 = arith.constant 1 : i32
      %swap3A_3319 = arith.constant 7 : i32
      %swap3A_3320 = arith.index_cast %swap3A_3318 : i32 to index
      %swap3A_3321 = arith.index_cast %swap3A_3319 : i32 to index
      %swap3A_3322 = arith.constant 48 : index
      %swap3A_3323 = tpu.vector_load %arg9[%swap3A_3320, %swap3A_3321, %swap3A_3322] {strides = array<i32>} : memref<2x8x64xf32, #tpu.memory_space<vmem>>, vector<16xf32>,
      tpu.vector_store %arg9[%swap3A_3320, %swap3A_3321, %swap3A_3322], %add3A_3317 {strides = array<i32>} : memref<2x8x64xf32, #tpu.memory_space<vmem>>, vector<16xf32>,
      %slice3A_3324 = vector.extract_strided_slice %get3A_2550 {offsets = [7], sizes = [1], strides = [1]} : vector<16xi32> to vector<1xi32>
      %squeeze3A_3325 = vector.extract %slice3A_3324[0] : i32 from vector<1xi32>
      %shift_right_logical3A_3326 = arith.constant 7 : i32
      %shift_right_logical3A_3327 = arith.shrui %squeeze3A_3325, %shift_right_logical3A_3326 : i32
      %mul3A_3328 = arith.constant 128 : i32
      %mul3A_3329 = arith.muli %shift_right_logical3A_3327, %mul3A_3328 : i32
      %dma_start3A_3330 = arith.constant 7 : i32
      %dma_start3A_3331 = arith.constant 0 : i32
      %dma_start3A_3332 = arith.constant 0 : i32
      %dma_start3A_3333 = tpu.memref_slice %arg7[%dma_start3A_3330, %dma_start3A_3331, %dma_start3A_3332] : memref<8x64x128xf32, #tpu.memory_space<vmem>> -> memref<1x64x128xf32, #tpu.memory_space<vmem>>
      %dma_start3A_3334 = tpu.memref_squeeze %dma_start3A_3333 : memref<1x64x128xf32, #tpu.memory_space<vmem>> -> memref<64x128xf32, #tpu.memory_space<vmem>>
      %dma_start3A_3335 = arith.constant 0 : i32
      %dma_start3A_3336 = tpu.memref_slice %arg3[%dma_start3A_3335, %mul3A_3329] : memref<64x1000000xf32, #tpu.memory_space<hbm>> -> memref<64x128xf32, #tpu.memory_space<hbm>>
      %dma_start3A_3337 = arith.constant 0 : i32
      %dma_start3A_3338 = arith.constant 0 : i32
      %dma_start3A_3339 = tpu.memref_slice %arg7[%dma_start3A_3330, %dma_start3A_3337, %dma_start3A_3338] : memref<8x64x128xf32, #tpu.memory_space<vmem>> -> memref<1x64x128xf32, #tpu.memory_space<vmem>>
      %dma_start3A_3340 = tpu.memref_squeeze %dma_start3A_3339 : memref<1x64x128xf32, #tpu.memory_space<vmem>> -> memref<64x128xf32, #tpu.memory_space<vmem>>
      %dma_start3A_3341 = arith.constant 0 : i32
      %dma_start3A_3342 = tpu.memref_slice %arg3[%dma_start3A_3341, %mul3A_3329] : memref<64x1000000xf32, #tpu.memory_space<hbm>> -> memref<64x128xf32, #tpu.memory_space<hbm>>
      tpu.enqueue_dma source(%dma_start3A_3342 : memref<64x128xf32, #tpu.memory_space<hbm>>) target(%dma_start3A_3340 : memref<64x128xf32, #tpu.memory_space<vmem>>) target_semaphore(%arg17 : memref<!tpu.dma_semaphore, #tpu.memory_space<semaphore_mem>>)
      %mul3A_3343 = arith.constant 8 : i32
      %mul3A_3344 = arith.muli %add3A_2542, %mul3A_3343 : i32
      %add3A_3345 = arith.addi %mul3A_2, %mul3A_3344 : i32
      %dma_start3A_3346 = arith.constant 1 : i32
      %dma_start3A_3347 = arith.constant 0 : i32
      %dma_start3A_3348 = arith.constant 0 : i32
      %dma_start3A_3349 = tpu.memref_slice %arg9[%dma_start3A_3346, %dma_start3A_3347, %dma_start3A_3348] : memref<2x8x64xf32, #tpu.memory_space<vmem>> -> memref<1x8x64xf32, #tpu.memory_space<vmem>>
      %dma_start3A_3350 = tpu.memref_squeeze %dma_start3A_3349 : memref<1x8x64xf32, #tpu.memory_space<vmem>> -> memref<8x64xf32, #tpu.memory_space<vmem>>
      %dma_start3A_3351 = arith.constant 0 : i32
      %dma_start3A_3352 = tpu.memref_slice %arg5[%add3A_3345, %dma_start3A_3351] : memref<8192x64xf32, #tpu.memory_space<hbm>> -> memref<8x64xf32, #tpu.memory_space<hbm>>
      %dma_start3A_3353 = arith.constant 0 : i32
      %dma_start3A_3354 = tpu.memref_slice %arg5[%add3A_3345, %dma_start3A_3353] : memref<8192x64xf32, #tpu.memory_space<hbm>> -> memref<8x64xf32, #tpu.memory_space<hbm>>
      %dma_start3A_3355 = arith.constant 0 : i32
      %dma_start3A_3356 = arith.constant 0 : i32
      %dma_start3A_3357 = tpu.memref_slice %arg9[%dma_start3A_3346, %dma_start3A_3355, %dma_start3A_3356] : memref<2x8x64xf32, #tpu.memory_space<vmem>> -> memref<1x8x64xf32, #tpu.memory_space<vmem>>
      %dma_start3A_3358 = tpu.memref_squeeze %dma_start3A_3357 : memref<1x8x64xf32, #tpu.memory_space<vmem>> -> memref<8x64xf32, #tpu.memory_space<vmem>>
      tpu.enqueue_dma source(%dma_start3A_3358 : memref<8x64xf32, #tpu.memory_space<vmem>>) target(%dma_start3A_3354 : memref<8x64xf32, #tpu.memory_space<hbm>>) target_semaphore(%arg19 : memref<!tpu.dma_semaphore, #tpu.memory_space<semaphore_mem>>)
    }
    %scan3A_157 = arith.constant 15 : i32
    %dma_wait3A = arith.constant 0 : i32
    %dma_wait3A_158 = arith.constant 0 : i32
    %dma_wait3A_159 = arith.constant 0 : i32
    %dma_wait3A_160 = tpu.memref_slice %arg9[%dma_wait3A, %dma_wait3A_158, %dma_wait3A_159] : memref<2x8x64xf32, #tpu.memory_space<vmem>> -> memref<1x8x64xf32, #tpu.memory_space<vmem>>
    %dma_wait3A_161 = tpu.memref_squeeze %dma_wait3A_160 : memref<1x8x64xf32, #tpu.memory_space<vmem>> -> memref<8x64xf32, #tpu.memory_space<vmem>>
    %dma_wait3A_162 = arith.constant 0 : i32
    %dma_wait3A_163 = arith.constant 0 : i32
    %dma_wait3A_164 = tpu.memref_slice %arg5[%dma_wait3A_162, %dma_wait3A_163] : memref<8192x64xf32, #tpu.memory_space<hbm>> -> memref<8x64xf32, #tpu.memory_space<hbm>>
    %dma_wait3A_165 = arith.constant 0 : i32
    %dma_wait3A_166 = arith.constant 0 : i32
    %dma_wait3A_167 = tpu.memref_slice %arg5[%dma_wait3A_165, %dma_wait3A_166] : memref<8192x64xf32, #tpu.memory_space<hbm>> -> memref<8x64xf32, #tpu.memory_space<hbm>>
    %dma_wait3A_168 = arith.constant 0 : i32
    %dma_wait3A_169 = arith.constant 0 : i32
    %dma_wait3A_170 = tpu.memref_slice %arg9[%dma_wait3A, %dma_wait3A_168, %dma_wait3A_169] : memref<2x8x64xf32, #tpu.memory_space<vmem>> -> memref<1x8x64xf32, #tpu.memory_space<vmem>>
    %dma_wait3A_171 = tpu.memref_squeeze %dma_wait3A_170 : memref<1x8x64xf32, #tpu.memory_space<vmem>> -> memref<8x64xf32, #tpu.memory_space<vmem>>
    tpu.wait_dma2 semaphore(%arg18 : memref<!tpu.dma_semaphore, #tpu.memory_space<semaphore_mem>>) src(%dma_wait3A_171 : memref<8x64xf32, #tpu.memory_space<vmem>>) dst(%dma_wait3A_167 : memref<8x64xf32, #tpu.memory_space<hbm>>)
    %get3A_172 = arith.constant 240 : index
    %get3A_173 = tpu.vector_load %arg6[%get3A_172] {strides = array<i32>} : memref<272xi32, #tpu.memory_space<vmem>>, vector<16xi32>,
    %get3A_174 = arith.constant 248 : index
    %get3A_175 = tpu.vector_load %arg6[%get3A_174] {strides = array<i32>} : memref<272xi32, #tpu.memory_space<vmem>>, vector<16xi32>,
    %slice3A_176 = vector.extract_strided_slice %get3A_173 {offsets = [0], sizes = [1], strides = [1]} : vector<16xi32> to vector<1xi32>
    %squeeze3A_177 = vector.extract %slice3A_176[0] : i32 from vector<1xi32>
    %and3A = arith.constant 127 : i32
    %and3A_178 = arith.andi %squeeze3A_177, %and3A : i32
    %dma_wait3A_179 = arith.constant 0 : i32
    %dma_wait3A_180 = arith.constant 0 : i32
    %dma_wait3A_181 = arith.constant 0 : i32
    %dma_wait3A_182 = tpu.memref_slice %arg7[%dma_wait3A_179, %dma_wait3A_180, %dma_wait3A_181] : memref<8x64x128xf32, #tpu.memory_space<vmem>> -> memref<1x64x128xf32, #tpu.memory_space<vmem>>
    %dma_wait3A_183 = tpu.memref_squeeze %dma_wait3A_182 : memref<1x64x128xf32, #tpu.memory_space<vmem>> -> memref<64x128xf32, #tpu.memory_space<vmem>>
    %dma_wait3A_184 = arith.constant 0 : i32
    %dma_wait3A_185 = arith.constant 0 : i32
    %dma_wait3A_186 = tpu.memref_slice %arg3[%dma_wait3A_184, %dma_wait3A_185] : memref<64x1000000xf32, #tpu.memory_space<hbm>> -> memref<64x128xf32, #tpu.memory_space<hbm>>
    %dma_wait3A_187 = arith.constant 0 : i32
    %dma_wait3A_188 = arith.constant 0 : i32
    %dma_wait3A_189 = tpu.memref_slice %arg7[%dma_wait3A_179, %dma_wait3A_187, %dma_wait3A_188] : memref<8x64x128xf32, #tpu.memory_space<vmem>> -> memref<1x64x128xf32, #tpu.memory_space<vmem>>
    %dma_wait3A_190 = tpu.memref_squeeze %dma_wait3A_189 : memref<1x64x128xf32, #tpu.memory_space<vmem>> -> memref<64x128xf32, #tpu.memory_space<vmem>>
    %dma_wait3A_191 = arith.constant 0 : i32
    %dma_wait3A_192 = arith.constant 0 : i32
    %dma_wait3A_193 = tpu.memref_slice %arg3[%dma_wait3A_191, %dma_wait3A_192] : memref<64x1000000xf32, #tpu.memory_space<hbm>> -> memref<64x128xf32, #tpu.memory_space<hbm>>
    tpu.wait_dma2 semaphore(%arg10 : memref<!tpu.dma_semaphore, #tpu.memory_space<semaphore_mem>>) src(%dma_wait3A_193 : memref<64x128xf32, #tpu.memory_space<hbm>>) dst(%dma_wait3A_190 : memref<64x128xf32, #tpu.memory_space<vmem>>)
    %broadcast_in_dim3A = vector.broadcast %and3A_178 : i32 to vector<16xi32>
    %broadcast_in_dim3A_194 = arith.constant 0 : i32
    %broadcast_in_dim3A_195 = vector.broadcast %broadcast_in_dim3A_194 : i32 to vector<16xi32>
    %add3A_196 = arith.constant 0 : i32
    %add3A_197 = vector.broadcast %add3A_196 : i32 to vector<16xi32>
    %add3A_198 = arith.addi %iota3A, %add3A_197 : vector<16xi32>
    %gather3A = tpu.vector_load_idx %arg7[%broadcast_in_dim3A_195, %add3A_198, %broadcast_in_dim3A] : memref<8x64x128xf32, #tpu.memory_space<vmem>>[vector<16xi32>, vector<16xi32>, vector<16xi32>], vector<16xf32>,
    %get3A_199 = arith.constant 240 : i32
    %get3A_200 = arith.index_cast %get3A_199 : i32 to index
    %get3A_201 = arith.constant 0 : index
    %get3A_202 = tpu.vector_load %arg8[%get3A_200, %get3A_201] {strides = array<i32>} : memref<256x64xf32, #tpu.memory_space<vmem>>, vector<16xf32>,
    %add3A_203 = arith.addf %gather3A, %get3A_202 : vector<16xf32>
    %swap3A = arith.constant 0 : i32
    %swap3A_204 = arith.constant 0 : i32
    %swap3A_205 = arith.index_cast %swap3A : i32 to index
    %swap3A_206 = arith.index_cast %swap3A_204 : i32 to index
    %swap3A_207 = arith.constant 0 : index
    %swap3A_208 = tpu.vector_load %arg9[%swap3A_205, %swap3A_206, %swap3A_207] {strides = array<i32>} : memref<2x8x64xf32, #tpu.memory_space<vmem>>, vector<16xf32>,
    tpu.vector_store %arg9[%swap3A_205, %swap3A_206, %swap3A_207], %add3A_203 {strides = array<i32>} : memref<2x8x64xf32, #tpu.memory_space<vmem>>, vector<16xf32>,
    %add3A_209 = arith.constant 16 : i32
    %add3A_210 = vector.broadcast %add3A_209 : i32 to vector<16xi32>
    %add3A_211 = arith.addi %iota3A, %add3A_210 : vector<16xi32>
    %gather3A_212 = tpu.vector_load_idx %arg7[%broadcast_in_dim3A_195, %add3A_211, %broadcast_in_dim3A] : memref<8x64x128xf32, #tpu.memory_space<vmem>>[vector<16xi32>, vector<16xi32>, vector<16xi32>], vector<16xf32>,
    %get3A_213 = arith.constant 240 : i32
    %get3A_214 = arith.index_cast %get3A_213 : i32 to index
    %get3A_215 = arith.constant 16 : index
    %get3A_216 = tpu.vector_load %arg8[%get3A_214, %get3A_215] {strides = array<i32>} : memref<256x64xf32, #tpu.memory_space<vmem>>, vector<16xf32>,
    %add3A_217 = arith.addf %gather3A_212, %get3A_216 : vector<16xf32>
    %swap3A_218 = arith.constant 0 : i32
    %swap3A_219 = arith.constant 0 : i32
    %swap3A_220 = arith.index_cast %swap3A_218 : i32 to index
    %swap3A_221 = arith.index_cast %swap3A_219 : i32 to index
    %swap3A_222 = arith.constant 16 : index
    %swap3A_223 = tpu.vector_load %arg9[%swap3A_220, %swap3A_221, %swap3A_222] {strides = array<i32>} : memref<2x8x64xf32, #tpu.memory_space<vmem>>, vector<16xf32>,
    tpu.vector_store %arg9[%swap3A_220, %swap3A_221, %swap3A_222], %add3A_217 {strides = array<i32>} : memref<2x8x64xf32, #tpu.memory_space<vmem>>, vector<16xf32>,
    %add3A_224 = arith.constant 32 : i32
    %add3A_225 = vector.broadcast %add3A_224 : i32 to vector<16xi32>
    %add3A_226 = arith.addi %iota3A, %add3A_225 : vector<16xi32>
    %gather3A_227 = tpu.vector_load_idx %arg7[%broadcast_in_dim3A_195, %add3A_226, %broadcast_in_dim3A] : memref<8x64x128xf32, #tpu.memory_space<vmem>>[vector<16xi32>, vector<16xi32>, vector<16xi32>], vector<16xf32>,
    %get3A_228 = arith.constant 240 : i32
    %get3A_229 = arith.index_cast %get3A_228 : i32 to index
    %get3A_230 = arith.constant 32 : index
    %get3A_231 = tpu.vector_load %arg8[%get3A_229, %get3A_230] {strides = array<i32>} : memref<256x64xf32, #tpu.memory_space<vmem>>, vector<16xf32>,
    %add3A_232 = arith.addf %gather3A_227, %get3A_231 : vector<16xf32>
    %swap3A_233 = arith.constant 0 : i32
    %swap3A_234 = arith.constant 0 : i32
    %swap3A_235 = arith.index_cast %swap3A_233 : i32 to index
    %swap3A_236 = arith.index_cast %swap3A_234 : i32 to index
    %swap3A_237 = arith.constant 32 : index
    %swap3A_238 = tpu.vector_load %arg9[%swap3A_235, %swap3A_236, %swap3A_237] {strides = array<i32>} : memref<2x8x64xf32, #tpu.memory_space<vmem>>, vector<16xf32>,
    tpu.vector_store %arg9[%swap3A_235, %swap3A_236, %swap3A_237], %add3A_232 {strides = array<i32>} : memref<2x8x64xf32, #tpu.memory_space<vmem>>, vector<16xf32>,
    %add3A_239 = arith.constant 48 : i32
    %add3A_240 = vector.broadcast %add3A_239 : i32 to vector<16xi32>
    %add3A_241 = arith.addi %iota3A, %add3A_240 : vector<16xi32>
    %gather3A_242 = tpu.vector_load_idx %arg7[%broadcast_in_dim3A_195, %add3A_241, %broadcast_in_dim3A] : memref<8x64x128xf32, #tpu.memory_space<vmem>>[vector<16xi32>, vector<16xi32>, vector<16xi32>], vector<16xf32>,
    %get3A_243 = arith.constant 240 : i32
    %get3A_244 = arith.index_cast %get3A_243 : i32 to index
    %get3A_245 = arith.constant 48 : index
    %get3A_246 = tpu.vector_load %arg8[%get3A_244, %get3A_245] {strides = array<i32>} : memref<256x64xf32, #tpu.memory_space<vmem>>, vector<16xf32>,
    %add3A_247 = arith.addf %gather3A_242, %get3A_246 : vector<16xf32>
    %swap3A_248 = arith.constant 0 : i32
    %swap3A_249 = arith.constant 0 : i32
    %swap3A_250 = arith.index_cast %swap3A_248 : i32 to index
    %swap3A_251 = arith.index_cast %swap3A_249 : i32 to index
    %swap3A_252 = arith.constant 48 : index
    %swap3A_253 = tpu.vector_load %arg9[%swap3A_250, %swap3A_251, %swap3A_252] {strides = array<i32>} : memref<2x8x64xf32, #tpu.memory_space<vmem>>, vector<16xf32>,
    tpu.vector_store %arg9[%swap3A_250, %swap3A_251, %swap3A_252], %add3A_247 {strides = array<i32>} : memref<2x8x64xf32, #tpu.memory_space<vmem>>, vector<16xf32>,
    %slice3A_254 = vector.extract_strided_slice %get3A_175 {offsets = [0], sizes = [1], strides = [1]} : vector<16xi32> to vector<1xi32>
    %squeeze3A_255 = vector.extract %slice3A_254[0] : i32 from vector<1xi32>
    %shift_right_logical3A_256 = arith.constant 7 : i32
    %shift_right_logical3A_257 = arith.shrui %squeeze3A_255, %shift_right_logical3A_256 : i32
    %mul3A_258 = arith.constant 128 : i32
    %mul3A_259 = arith.muli %shift_right_logical3A_257, %mul3A_258 : i32
    %dma_start3A_260 = arith.constant 0 : i32
    %dma_start3A_261 = arith.constant 0 : i32
    %dma_start3A_262 = arith.constant 0 : i32
    %dma_start3A_263 = tpu.memref_slice %arg7[%dma_start3A_260, %dma_start3A_261, %dma_start3A_262] : memref<8x64x128xf32, #tpu.memory_space<vmem>> -> memref<1x64x128xf32, #tpu.memory_space<vmem>>
    %dma_start3A_264 = tpu.memref_squeeze %dma_start3A_263 : memref<1x64x128xf32, #tpu.memory_space<vmem>> -> memref<64x128xf32, #tpu.memory_space<vmem>>
    %dma_start3A_265 = arith.constant 0 : i32
    %dma_start3A_266 = tpu.memref_slice %arg3[%dma_start3A_265, %mul3A_259] : memref<64x1000000xf32, #tpu.memory_space<hbm>> -> memref<64x128xf32, #tpu.memory_space<hbm>>
    %dma_start3A_267 = arith.constant 0 : i32
    %dma_start3A_268 = arith.constant 0 : i32
    %dma_start3A_269 = tpu.memref_slice %arg7[%dma_start3A_260, %dma_start3A_267, %dma_start3A_268] : memref<8x64x128xf32, #tpu.memory_space<vmem>> -> memref<1x64x128xf32, #tpu.memory_space<vmem>>
    %dma_start3A_270 = tpu.memref_squeeze %dma_start3A_269 : memref<1x64x128xf32, #tpu.memory_space<vmem>> -> memref<64x128xf32, #tpu.memory_space<vmem>>
    %dma_start3A_271 = arith.constant 0 : i32
    %dma_start3A_272 = tpu.memref_slice %arg3[%dma_start3A_271, %mul3A_259] : memref<64x1000000xf32, #tpu.memory_space<hbm>> -> memref<64x128xf32, #tpu.memory_space<hbm>>
    tpu.enqueue_dma source(%dma_start3A_272 : memref<64x128xf32, #tpu.memory_space<hbm>>) target(%dma_start3A_270 : memref<64x128xf32, #tpu.memory_space<vmem>>) target_semaphore(%arg10 : memref<!tpu.dma_semaphore, #tpu.memory_space<semaphore_mem>>)
    %slice3A_273 = vector.extract_strided_slice %get3A_173 {offsets = [1], sizes = [1], strides = [1]} : vector<16xi32> to vector<1xi32>
    %squeeze3A_274 = vector.extract %slice3A_273[0] : i32 from vector<1xi32>
    %and3A_275 = arith.constant 127 : i32
    %and3A_276 = arith.andi %squeeze3A_274, %and3A_275 : i32
    %dma_wait3A_277 = arith.constant 1 : i32
    %dma_wait3A_278 = arith.constant 0 : i32
    %dma_wait3A_279 = arith.constant 0 : i32
    %dma_wait3A_280 = tpu.memref_slice %arg7[%dma_wait3A_277, %dma_wait3A_278, %dma_wait3A_279] : memref<8x64x128xf32, #tpu.memory_space<vmem>> -> memref<1x64x128xf32, #tpu.memory_space<vmem>>
    %dma_wait3A_281 = tpu.memref_squeeze %dma_wait3A_280 : memref<1x64x128xf32, #tpu.memory_space<vmem>> -> memref<64x128xf32, #tpu.memory_space<vmem>>
    %dma_wait3A_282 = arith.constant 0 : i32
    %dma_wait3A_283 = arith.constant 0 : i32
    %dma_wait3A_284 = tpu.memref_slice %arg3[%dma_wait3A_282, %dma_wait3A_283] : memref<64x1000000xf32, #tpu.memory_space<hbm>> -> memref<64x128xf32, #tpu.memory_space<hbm>>
    %dma_wait3A_285 = arith.constant 0 : i32
    %dma_wait3A_286 = arith.constant 0 : i32
    %dma_wait3A_287 = tpu.memref_slice %arg7[%dma_wait3A_277, %dma_wait3A_285, %dma_wait3A_286] : memref<8x64x128xf32, #tpu.memory_space<vmem>> -> memref<1x64x128xf32, #tpu.memory_space<vmem>>
    %dma_wait3A_288 = tpu.memref_squeeze %dma_wait3A_287 : memref<1x64x128xf32, #tpu.memory_space<vmem>> -> memref<64x128xf32, #tpu.memory_space<vmem>>
    %dma_wait3A_289 = arith.constant 0 : i32
    %dma_wait3A_290 = arith.constant 0 : i32
    %dma_wait3A_291 = tpu.memref_slice %arg3[%dma_wait3A_289, %dma_wait3A_290] : memref<64x1000000xf32, #tpu.memory_space<hbm>> -> memref<64x128xf32, #tpu.memory_space<hbm>>
    tpu.wait_dma2 semaphore(%arg11 : memref<!tpu.dma_semaphore, #tpu.memory_space<semaphore_mem>>) src(%dma_wait3A_291 : memref<64x128xf32, #tpu.memory_space<hbm>>) dst(%dma_wait3A_288 : memref<64x128xf32, #tpu.memory_space<vmem>>)
    %broadcast_in_dim3A_292 = vector.broadcast %and3A_276 : i32 to vector<16xi32>
    %broadcast_in_dim3A_293 = arith.constant 1 : i32
    %broadcast_in_dim3A_294 = vector.broadcast %broadcast_in_dim3A_293 : i32 to vector<16xi32>
    %add3A_295 = arith.constant 0 : i32
    %add3A_296 = vector.broadcast %add3A_295 : i32 to vector<16xi32>
    %add3A_297 = arith.addi %iota3A, %add3A_296 : vector<16xi32>
    %gather3A_298 = tpu.vector_load_idx %arg7[%broadcast_in_dim3A_294, %add3A_297, %broadcast_in_dim3A_292] : memref<8x64x128xf32, #tpu.memory_space<vmem>>[vector<16xi32>, vector<16xi32>, vector<16xi32>], vector<16xf32>,
    %get3A_299 = arith.constant 241 : i32
    %get3A_300 = arith.index_cast %get3A_299 : i32 to index
    %get3A_301 = arith.constant 0 : index
    %get3A_302 = tpu.vector_load %arg8[%get3A_300, %get3A_301] {strides = array<i32>} : memref<256x64xf32, #tpu.memory_space<vmem>>, vector<16xf32>,
    %add3A_303 = arith.addf %gather3A_298, %get3A_302 : vector<16xf32>
    %swap3A_304 = arith.constant 0 : i32
    %swap3A_305 = arith.constant 1 : i32
    %swap3A_306 = arith.index_cast %swap3A_304 : i32 to index
    %swap3A_307 = arith.index_cast %swap3A_305 : i32 to index
    %swap3A_308 = arith.constant 0 : index
    %swap3A_309 = tpu.vector_load %arg9[%swap3A_306, %swap3A_307, %swap3A_308] {strides = array<i32>} : memref<2x8x64xf32, #tpu.memory_space<vmem>>, vector<16xf32>,
    tpu.vector_store %arg9[%swap3A_306, %swap3A_307, %swap3A_308], %add3A_303 {strides = array<i32>} : memref<2x8x64xf32, #tpu.memory_space<vmem>>, vector<16xf32>,
    %add3A_310 = arith.constant 16 : i32
    %add3A_311 = vector.broadcast %add3A_310 : i32 to vector<16xi32>
    %add3A_312 = arith.addi %iota3A, %add3A_311 : vector<16xi32>
    %gather3A_313 = tpu.vector_load_idx %arg7[%broadcast_in_dim3A_294, %add3A_312, %broadcast_in_dim3A_292] : memref<8x64x128xf32, #tpu.memory_space<vmem>>[vector<16xi32>, vector<16xi32>, vector<16xi32>], vector<16xf32>,
    %get3A_314 = arith.constant 241 : i32
    %get3A_315 = arith.index_cast %get3A_314 : i32 to index
    %get3A_316 = arith.constant 16 : index
    %get3A_317 = tpu.vector_load %arg8[%get3A_315, %get3A_316] {strides = array<i32>} : memref<256x64xf32, #tpu.memory_space<vmem>>, vector<16xf32>,
    %add3A_318 = arith.addf %gather3A_313, %get3A_317 : vector<16xf32>
    %swap3A_319 = arith.constant 0 : i32
    %swap3A_320 = arith.constant 1 : i32
    %swap3A_321 = arith.index_cast %swap3A_319 : i32 to index
    %swap3A_322 = arith.index_cast %swap3A_320 : i32 to index
    %swap3A_323 = arith.constant 16 : index
    %swap3A_324 = tpu.vector_load %arg9[%swap3A_321, %swap3A_322, %swap3A_323] {strides = array<i32>} : memref<2x8x64xf32, #tpu.memory_space<vmem>>, vector<16xf32>,
    tpu.vector_store %arg9[%swap3A_321, %swap3A_322, %swap3A_323], %add3A_318 {strides = array<i32>} : memref<2x8x64xf32, #tpu.memory_space<vmem>>, vector<16xf32>,
    %add3A_325 = arith.constant 32 : i32
    %add3A_326 = vector.broadcast %add3A_325 : i32 to vector<16xi32>
    %add3A_327 = arith.addi %iota3A, %add3A_326 : vector<16xi32>
    %gather3A_328 = tpu.vector_load_idx %arg7[%broadcast_in_dim3A_294, %add3A_327, %broadcast_in_dim3A_292] : memref<8x64x128xf32, #tpu.memory_space<vmem>>[vector<16xi32>, vector<16xi32>, vector<16xi32>], vector<16xf32>,
    %get3A_329 = arith.constant 241 : i32
    %get3A_330 = arith.index_cast %get3A_329 : i32 to index
    %get3A_331 = arith.constant 32 : index
    %get3A_332 = tpu.vector_load %arg8[%get3A_330, %get3A_331] {strides = array<i32>} : memref<256x64xf32, #tpu.memory_space<vmem>>, vector<16xf32>,
    %add3A_333 = arith.addf %gather3A_328, %get3A_332 : vector<16xf32>
    %swap3A_334 = arith.constant 0 : i32
    %swap3A_335 = arith.constant 1 : i32
    %swap3A_336 = arith.index_cast %swap3A_334 : i32 to index
    %swap3A_337 = arith.index_cast %swap3A_335 : i32 to index
    %swap3A_338 = arith.constant 32 : index
    %swap3A_339 = tpu.vector_load %arg9[%swap3A_336, %swap3A_337, %swap3A_338] {strides = array<i32>} : memref<2x8x64xf32, #tpu.memory_space<vmem>>, vector<16xf32>,
    tpu.vector_store %arg9[%swap3A_336, %swap3A_337, %swap3A_338], %add3A_333 {strides = array<i32>} : memref<2x8x64xf32, #tpu.memory_space<vmem>>, vector<16xf32>,
    %add3A_340 = arith.constant 48 : i32
    %add3A_341 = vector.broadcast %add3A_340 : i32 to vector<16xi32>
    %add3A_342 = arith.addi %iota3A, %add3A_341 : vector<16xi32>
    %gather3A_343 = tpu.vector_load_idx %arg7[%broadcast_in_dim3A_294, %add3A_342, %broadcast_in_dim3A_292] : memref<8x64x128xf32, #tpu.memory_space<vmem>>[vector<16xi32>, vector<16xi32>, vector<16xi32>], vector<16xf32>,
    %get3A_344 = arith.constant 241 : i32
    %get3A_345 = arith.index_cast %get3A_344 : i32 to index
    %get3A_346 = arith.constant 48 : index
    %get3A_347 = tpu.vector_load %arg8[%get3A_345, %get3A_346] {strides = array<i32>} : memref<256x64xf32, #tpu.memory_space<vmem>>, vector<16xf32>,
    %add3A_348 = arith.addf %gather3A_343, %get3A_347 : vector<16xf32>
    %swap3A_349 = arith.constant 0 : i32
    %swap3A_350 = arith.constant 1 : i32
    %swap3A_351 = arith.index_cast %swap3A_349 : i32 to index
    %swap3A_352 = arith.index_cast %swap3A_350 : i32 to index
    %swap3A_353 = arith.constant 48 : index
    %swap3A_354 = tpu.vector_load %arg9[%swap3A_351, %swap3A_352, %swap3A_353] {strides = array<i32>} : memref<2x8x64xf32, #tpu.memory_space<vmem>>, vector<16xf32>,
    tpu.vector_store %arg9[%swap3A_351, %swap3A_352, %swap3A_353], %add3A_348 {strides = array<i32>} : memref<2x8x64xf32, #tpu.memory_space<vmem>>, vector<16xf32>,
    %slice3A_355 = vector.extract_strided_slice %get3A_175 {offsets = [1], sizes = [1], strides = [1]} : vector<16xi32> to vector<1xi32>
    %squeeze3A_356 = vector.extract %slice3A_355[0] : i32 from vector<1xi32>
    %shift_right_logical3A_357 = arith.constant 7 : i32
    %shift_right_logical3A_358 = arith.shrui %squeeze3A_356, %shift_right_logical3A_357 : i32
    %mul3A_359 = arith.constant 128 : i32
    %mul3A_360 = arith.muli %shift_right_logical3A_358, %mul3A_359 : i32
    %dma_start3A_361 = arith.constant 1 : i32
    %dma_start3A_362 = arith.constant 0 : i32
    %dma_start3A_363 = arith.constant 0 : i32
    %dma_start3A_364 = tpu.memref_slice %arg7[%dma_start3A_361, %dma_start3A_362, %dma_start3A_363] : memref<8x64x128xf32, #tpu.memory_space<vmem>> -> memref<1x64x128xf32, #tpu.memory_space<vmem>>
    %dma_start3A_365 = tpu.memref_squeeze %dma_start3A_364 : memref<1x64x128xf32, #tpu.memory_space<vmem>> -> memref<64x128xf32, #tpu.memory_space<vmem>>
    %dma_start3A_366 = arith.constant 0 : i32
    %dma_start3A_367 = tpu.memref_slice %arg3[%dma_start3A_366, %mul3A_360] : memref<64x1000000xf32, #tpu.memory_space<hbm>> -> memref<64x128xf32, #tpu.memory_space<hbm>>
    %dma_start3A_368 = arith.constant 0 : i32
    %dma_start3A_369 = arith.constant 0 : i32
    %dma_start3A_370 = tpu.memref_slice %arg7[%dma_start3A_361, %dma_start3A_368, %dma_start3A_369] : memref<8x64x128xf32, #tpu.memory_space<vmem>> -> memref<1x64x128xf32, #tpu.memory_space<vmem>>
    %dma_start3A_371 = tpu.memref_squeeze %dma_start3A_370 : memref<1x64x128xf32, #tpu.memory_space<vmem>> -> memref<64x128xf32, #tpu.memory_space<vmem>>
    %dma_start3A_372 = arith.constant 0 : i32
    %dma_start3A_373 = tpu.memref_slice %arg3[%dma_start3A_372, %mul3A_360] : memref<64x1000000xf32, #tpu.memory_space<hbm>> -> memref<64x128xf32, #tpu.memory_space<hbm>>
    tpu.enqueue_dma source(%dma_start3A_373 : memref<64x128xf32, #tpu.memory_space<hbm>>) target(%dma_start3A_371 : memref<64x128xf32, #tpu.memory_space<vmem>>) target_semaphore(%arg11 : memref<!tpu.dma_semaphore, #tpu.memory_space<semaphore_mem>>)
    %slice3A_374 = vector.extract_strided_slice %get3A_173 {offsets = [2], sizes = [1], strides = [1]} : vector<16xi32> to vector<1xi32>
    %squeeze3A_375 = vector.extract %slice3A_374[0] : i32 from vector<1xi32>
    %and3A_376 = arith.constant 127 : i32
    %and3A_377 = arith.andi %squeeze3A_375, %and3A_376 : i32
    %dma_wait3A_378 = arith.constant 2 : i32
    %dma_wait3A_379 = arith.constant 0 : i32
    %dma_wait3A_380 = arith.constant 0 : i32
    %dma_wait3A_381 = tpu.memref_slice %arg7[%dma_wait3A_378, %dma_wait3A_379, %dma_wait3A_380] : memref<8x64x128xf32, #tpu.memory_space<vmem>> -> memref<1x64x128xf32, #tpu.memory_space<vmem>>
    %dma_wait3A_382 = tpu.memref_squeeze %dma_wait3A_381 : memref<1x64x128xf32, #tpu.memory_space<vmem>> -> memref<64x128xf32, #tpu.memory_space<vmem>>
    %dma_wait3A_383 = arith.constant 0 : i32
    %dma_wait3A_384 = arith.constant 0 : i32
    %dma_wait3A_385 = tpu.memref_slice %arg3[%dma_wait3A_383, %dma_wait3A_384] : memref<64x1000000xf32, #tpu.memory_space<hbm>> -> memref<64x128xf32, #tpu.memory_space<hbm>>
    %dma_wait3A_386 = arith.constant 0 : i32
    %dma_wait3A_387 = arith.constant 0 : i32
    %dma_wait3A_388 = tpu.memref_slice %arg7[%dma_wait3A_378, %dma_wait3A_386, %dma_wait3A_387] : memref<8x64x128xf32, #tpu.memory_space<vmem>> -> memref<1x64x128xf32, #tpu.memory_space<vmem>>
    %dma_wait3A_389 = tpu.memref_squeeze %dma_wait3A_388 : memref<1x64x128xf32, #tpu.memory_space<vmem>> -> memref<64x128xf32, #tpu.memory_space<vmem>>
    %dma_wait3A_390 = arith.constant 0 : i32
    %dma_wait3A_391 = arith.constant 0 : i32
    %dma_wait3A_392 = tpu.memref_slice %arg3[%dma_wait3A_390, %dma_wait3A_391] : memref<64x1000000xf32, #tpu.memory_space<hbm>> -> memref<64x128xf32, #tpu.memory_space<hbm>>
    tpu.wait_dma2 semaphore(%arg12 : memref<!tpu.dma_semaphore, #tpu.memory_space<semaphore_mem>>) src(%dma_wait3A_392 : memref<64x128xf32, #tpu.memory_space<hbm>>) dst(%dma_wait3A_389 : memref<64x128xf32, #tpu.memory_space<vmem>>)
    %broadcast_in_dim3A_393 = vector.broadcast %and3A_377 : i32 to vector<16xi32>
    %broadcast_in_dim3A_394 = arith.constant 2 : i32
    %broadcast_in_dim3A_395 = vector.broadcast %broadcast_in_dim3A_394 : i32 to vector<16xi32>
    %add3A_396 = arith.constant 0 : i32
    %add3A_397 = vector.broadcast %add3A_396 : i32 to vector<16xi32>
    %add3A_398 = arith.addi %iota3A, %add3A_397 : vector<16xi32>
    %gather3A_399 = tpu.vector_load_idx %arg7[%broadcast_in_dim3A_395, %add3A_398, %broadcast_in_dim3A_393] : memref<8x64x128xf32, #tpu.memory_space<vmem>>[vector<16xi32>, vector<16xi32>, vector<16xi32>], vector<16xf32>,
    %get3A_400 = arith.constant 242 : i32
    %get3A_401 = arith.index_cast %get3A_400 : i32 to index
    %get3A_402 = arith.constant 0 : index
    %get3A_403 = tpu.vector_load %arg8[%get3A_401, %get3A_402] {strides = array<i32>} : memref<256x64xf32, #tpu.memory_space<vmem>>, vector<16xf32>,
    %add3A_404 = arith.addf %gather3A_399, %get3A_403 : vector<16xf32>
    %swap3A_405 = arith.constant 0 : i32
    %swap3A_406 = arith.constant 2 : i32
    %swap3A_407 = arith.index_cast %swap3A_405 : i32 to index
    %swap3A_408 = arith.index_cast %swap3A_406 : i32 to index
    %swap3A_409 = arith.constant 0 : index
    %swap3A_410 = tpu.vector_load %arg9[%swap3A_407, %swap3A_408, %swap3A_409] {strides = array<i32>} : memref<2x8x64xf32, #tpu.memory_space<vmem>>, vector<16xf32>,
    tpu.vector_store %arg9[%swap3A_407, %swap3A_408, %swap3A_409], %add3A_404 {strides = array<i32>} : memref<2x8x64xf32, #tpu.memory_space<vmem>>, vector<16xf32>,
    %add3A_411 = arith.constant 16 : i32
    %add3A_412 = vector.broadcast %add3A_411 : i32 to vector<16xi32>
    %add3A_413 = arith.addi %iota3A, %add3A_412 : vector<16xi32>
    %gather3A_414 = tpu.vector_load_idx %arg7[%broadcast_in_dim3A_395, %add3A_413, %broadcast_in_dim3A_393] : memref<8x64x128xf32, #tpu.memory_space<vmem>>[vector<16xi32>, vector<16xi32>, vector<16xi32>], vector<16xf32>,
    %get3A_415 = arith.constant 242 : i32
    %get3A_416 = arith.index_cast %get3A_415 : i32 to index
    %get3A_417 = arith.constant 16 : index
    %get3A_418 = tpu.vector_load %arg8[%get3A_416, %get3A_417] {strides = array<i32>} : memref<256x64xf32, #tpu.memory_space<vmem>>, vector<16xf32>,
    %add3A_419 = arith.addf %gather3A_414, %get3A_418 : vector<16xf32>
    %swap3A_420 = arith.constant 0 : i32
    %swap3A_421 = arith.constant 2 : i32
    %swap3A_422 = arith.index_cast %swap3A_420 : i32 to index
    %swap3A_423 = arith.index_cast %swap3A_421 : i32 to index
    %swap3A_424 = arith.constant 16 : index
    %swap3A_425 = tpu.vector_load %arg9[%swap3A_422, %swap3A_423, %swap3A_424] {strides = array<i32>} : memref<2x8x64xf32, #tpu.memory_space<vmem>>, vector<16xf32>,
    tpu.vector_store %arg9[%swap3A_422, %swap3A_423, %swap3A_424], %add3A_419 {strides = array<i32>} : memref<2x8x64xf32, #tpu.memory_space<vmem>>, vector<16xf32>,
    %add3A_426 = arith.constant 32 : i32
    %add3A_427 = vector.broadcast %add3A_426 : i32 to vector<16xi32>
    %add3A_428 = arith.addi %iota3A, %add3A_427 : vector<16xi32>
    %gather3A_429 = tpu.vector_load_idx %arg7[%broadcast_in_dim3A_395, %add3A_428, %broadcast_in_dim3A_393] : memref<8x64x128xf32, #tpu.memory_space<vmem>>[vector<16xi32>, vector<16xi32>, vector<16xi32>], vector<16xf32>,
    %get3A_430 = arith.constant 242 : i32
    %get3A_431 = arith.index_cast %get3A_430 : i32 to index
    %get3A_432 = arith.constant 32 : index
    %get3A_433 = tpu.vector_load %arg8[%get3A_431, %get3A_432] {strides = array<i32>} : memref<256x64xf32, #tpu.memory_space<vmem>>, vector<16xf32>,
    %add3A_434 = arith.addf %gather3A_429, %get3A_433 : vector<16xf32>
    %swap3A_435 = arith.constant 0 : i32
    %swap3A_436 = arith.constant 2 : i32
    %swap3A_437 = arith.index_cast %swap3A_435 : i32 to index
    %swap3A_438 = arith.index_cast %swap3A_436 : i32 to index
    %swap3A_439 = arith.constant 32 : index
    %swap3A_440 = tpu.vector_load %arg9[%swap3A_437, %swap3A_438, %swap3A_439] {strides = array<i32>} : memref<2x8x64xf32, #tpu.memory_space<vmem>>, vector<16xf32>,
    tpu.vector_store %arg9[%swap3A_437, %swap3A_438, %swap3A_439], %add3A_434 {strides = array<i32>} : memref<2x8x64xf32, #tpu.memory_space<vmem>>, vector<16xf32>,
    %add3A_441 = arith.constant 48 : i32
    %add3A_442 = vector.broadcast %add3A_441 : i32 to vector<16xi32>
    %add3A_443 = arith.addi %iota3A, %add3A_442 : vector<16xi32>
    %gather3A_444 = tpu.vector_load_idx %arg7[%broadcast_in_dim3A_395, %add3A_443, %broadcast_in_dim3A_393] : memref<8x64x128xf32, #tpu.memory_space<vmem>>[vector<16xi32>, vector<16xi32>, vector<16xi32>], vector<16xf32>,
    %get3A_445 = arith.constant 242 : i32
    %get3A_446 = arith.index_cast %get3A_445 : i32 to index
    %get3A_447 = arith.constant 48 : index
    %get3A_448 = tpu.vector_load %arg8[%get3A_446, %get3A_447] {strides = array<i32>} : memref<256x64xf32, #tpu.memory_space<vmem>>, vector<16xf32>,
    %add3A_449 = arith.addf %gather3A_444, %get3A_448 : vector<16xf32>
    %swap3A_450 = arith.constant 0 : i32
    %swap3A_451 = arith.constant 2 : i32
    %swap3A_452 = arith.index_cast %swap3A_450 : i32 to index
    %swap3A_453 = arith.index_cast %swap3A_451 : i32 to index
    %swap3A_454 = arith.constant 48 : index
    %swap3A_455 = tpu.vector_load %arg9[%swap3A_452, %swap3A_453, %swap3A_454] {strides = array<i32>} : memref<2x8x64xf32, #tpu.memory_space<vmem>>, vector<16xf32>,
    tpu.vector_store %arg9[%swap3A_452, %swap3A_453, %swap3A_454], %add3A_449 {strides = array<i32>} : memref<2x8x64xf32, #tpu.memory_space<vmem>>, vector<16xf32>,
    %slice3A_456 = vector.extract_strided_slice %get3A_175 {offsets = [2], sizes = [1], strides = [1]} : vector<16xi32> to vector<1xi32>
    %squeeze3A_457 = vector.extract %slice3A_456[0] : i32 from vector<1xi32>
    %shift_right_logical3A_458 = arith.constant 7 : i32
    %shift_right_logical3A_459 = arith.shrui %squeeze3A_457, %shift_right_logical3A_458 : i32
    %mul3A_460 = arith.constant 128 : i32
    %mul3A_461 = arith.muli %shift_right_logical3A_459, %mul3A_460 : i32
    %dma_start3A_462 = arith.constant 2 : i32
    %dma_start3A_463 = arith.constant 0 : i32
    %dma_start3A_464 = arith.constant 0 : i32
    %dma_start3A_465 = tpu.memref_slice %arg7[%dma_start3A_462, %dma_start3A_463, %dma_start3A_464] : memref<8x64x128xf32, #tpu.memory_space<vmem>> -> memref<1x64x128xf32, #tpu.memory_space<vmem>>
    %dma_start3A_466 = tpu.memref_squeeze %dma_start3A_465 : memref<1x64x128xf32, #tpu.memory_space<vmem>> -> memref<64x128xf32, #tpu.memory_space<vmem>>
    %dma_start3A_467 = arith.constant 0 : i32
    %dma_start3A_468 = tpu.memref_slice %arg3[%dma_start3A_467, %mul3A_461] : memref<64x1000000xf32, #tpu.memory_space<hbm>> -> memref<64x128xf32, #tpu.memory_space<hbm>>
    %dma_start3A_469 = arith.constant 0 : i32
    %dma_start3A_470 = arith.constant 0 : i32
    %dma_start3A_471 = tpu.memref_slice %arg7[%dma_start3A_462, %dma_start3A_469, %dma_start3A_470] : memref<8x64x128xf32, #tpu.memory_space<vmem>> -> memref<1x64x128xf32, #tpu.memory_space<vmem>>
    %dma_start3A_472 = tpu.memref_squeeze %dma_start3A_471 : memref<1x64x128xf32, #tpu.memory_space<vmem>> -> memref<64x128xf32, #tpu.memory_space<vmem>>
    %dma_start3A_473 = arith.constant 0 : i32
    %dma_start3A_474 = tpu.memref_slice %arg3[%dma_start3A_473, %mul3A_461] : memref<64x1000000xf32, #tpu.memory_space<hbm>> -> memref<64x128xf32, #tpu.memory_space<hbm>>
    tpu.enqueue_dma source(%dma_start3A_474 : memref<64x128xf32, #tpu.memory_space<hbm>>) target(%dma_start3A_472 : memref<64x128xf32, #tpu.memory_space<vmem>>) target_semaphore(%arg12 : memref<!tpu.dma_semaphore, #tpu.memory_space<semaphore_mem>>)
    %slice3A_475 = vector.extract_strided_slice %get3A_173 {offsets = [3], sizes = [1], strides = [1]} : vector<16xi32> to vector<1xi32>
    %squeeze3A_476 = vector.extract %slice3A_475[0] : i32 from vector<1xi32>
    %and3A_477 = arith.constant 127 : i32
    %and3A_478 = arith.andi %squeeze3A_476, %and3A_477 : i32
    %dma_wait3A_479 = arith.constant 3 : i32
    %dma_wait3A_480 = arith.constant 0 : i32
    %dma_wait3A_481 = arith.constant 0 : i32
    %dma_wait3A_482 = tpu.memref_slice %arg7[%dma_wait3A_479, %dma_wait3A_480, %dma_wait3A_481] : memref<8x64x128xf32, #tpu.memory_space<vmem>> -> memref<1x64x128xf32, #tpu.memory_space<vmem>>
    %dma_wait3A_483 = tpu.memref_squeeze %dma_wait3A_482 : memref<1x64x128xf32, #tpu.memory_space<vmem>> -> memref<64x128xf32, #tpu.memory_space<vmem>>
    %dma_wait3A_484 = arith.constant 0 : i32
    %dma_wait3A_485 = arith.constant 0 : i32
    %dma_wait3A_486 = tpu.memref_slice %arg3[%dma_wait3A_484, %dma_wait3A_485] : memref<64x1000000xf32, #tpu.memory_space<hbm>> -> memref<64x128xf32, #tpu.memory_space<hbm>>
    %dma_wait3A_487 = arith.constant 0 : i32
    %dma_wait3A_488 = arith.constant 0 : i32
    %dma_wait3A_489 = tpu.memref_slice %arg7[%dma_wait3A_479, %dma_wait3A_487, %dma_wait3A_488] : memref<8x64x128xf32, #tpu.memory_space<vmem>> -> memref<1x64x128xf32, #tpu.memory_space<vmem>>
    %dma_wait3A_490 = tpu.memref_squeeze %dma_wait3A_489 : memref<1x64x128xf32, #tpu.memory_space<vmem>> -> memref<64x128xf32, #tpu.memory_space<vmem>>
    %dma_wait3A_491 = arith.constant 0 : i32
    %dma_wait3A_492 = arith.constant 0 : i32
    %dma_wait3A_493 = tpu.memref_slice %arg3[%dma_wait3A_491, %dma_wait3A_492] : memref<64x1000000xf32, #tpu.memory_space<hbm>> -> memref<64x128xf32, #tpu.memory_space<hbm>>
    tpu.wait_dma2 semaphore(%arg13 : memref<!tpu.dma_semaphore, #tpu.memory_space<semaphore_mem>>) src(%dma_wait3A_493 : memref<64x128xf32, #tpu.memory_space<hbm>>) dst(%dma_wait3A_490 : memref<64x128xf32, #tpu.memory_space<vmem>>)
    %broadcast_in_dim3A_494 = vector.broadcast %and3A_478 : i32 to vector<16xi32>
    %broadcast_in_dim3A_495 = arith.constant 3 : i32
    %broadcast_in_dim3A_496 = vector.broadcast %broadcast_in_dim3A_495 : i32 to vector<16xi32>
    %add3A_497 = arith.constant 0 : i32
    %add3A_498 = vector.broadcast %add3A_497 : i32 to vector<16xi32>
    %add3A_499 = arith.addi %iota3A, %add3A_498 : vector<16xi32>
    %gather3A_500 = tpu.vector_load_idx %arg7[%broadcast_in_dim3A_496, %add3A_499, %broadcast_in_dim3A_494] : memref<8x64x128xf32, #tpu.memory_space<vmem>>[vector<16xi32>, vector<16xi32>, vector<16xi32>], vector<16xf32>,
    %get3A_501 = arith.constant 243 : i32
    %get3A_502 = arith.index_cast %get3A_501 : i32 to index
    %get3A_503 = arith.constant 0 : index
    %get3A_504 = tpu.vector_load %arg8[%get3A_502, %get3A_503] {strides = array<i32>} : memref<256x64xf32, #tpu.memory_space<vmem>>, vector<16xf32>,
    %add3A_505 = arith.addf %gather3A_500, %get3A_504 : vector<16xf32>
    %swap3A_506 = arith.constant 0 : i32
    %swap3A_507 = arith.constant 3 : i32
    %swap3A_508 = arith.index_cast %swap3A_506 : i32 to index
    %swap3A_509 = arith.index_cast %swap3A_507 : i32 to index
    %swap3A_510 = arith.constant 0 : index
    %swap3A_511 = tpu.vector_load %arg9[%swap3A_508, %swap3A_509, %swap3A_510] {strides = array<i32>} : memref<2x8x64xf32, #tpu.memory_space<vmem>>, vector<16xf32>,
    tpu.vector_store %arg9[%swap3A_508, %swap3A_509, %swap3A_510], %add3A_505 {strides = array<i32>} : memref<2x8x64xf32, #tpu.memory_space<vmem>>, vector<16xf32>,
    %add3A_512 = arith.constant 16 : i32
    %add3A_513 = vector.broadcast %add3A_512 : i32 to vector<16xi32>
    %add3A_514 = arith.addi %iota3A, %add3A_513 : vector<16xi32>
    %gather3A_515 = tpu.vector_load_idx %arg7[%broadcast_in_dim3A_496, %add3A_514, %broadcast_in_dim3A_494] : memref<8x64x128xf32, #tpu.memory_space<vmem>>[vector<16xi32>, vector<16xi32>, vector<16xi32>], vector<16xf32>,
    %get3A_516 = arith.constant 243 : i32
    %get3A_517 = arith.index_cast %get3A_516 : i32 to index
    %get3A_518 = arith.constant 16 : index
    %get3A_519 = tpu.vector_load %arg8[%get3A_517, %get3A_518] {strides = array<i32>} : memref<256x64xf32, #tpu.memory_space<vmem>>, vector<16xf32>,
    %add3A_520 = arith.addf %gather3A_515, %get3A_519 : vector<16xf32>
    %swap3A_521 = arith.constant 0 : i32
    %swap3A_522 = arith.constant 3 : i32
    %swap3A_523 = arith.index_cast %swap3A_521 : i32 to index
    %swap3A_524 = arith.index_cast %swap3A_522 : i32 to index
    %swap3A_525 = arith.constant 16 : index
    %swap3A_526 = tpu.vector_load %arg9[%swap3A_523, %swap3A_524, %swap3A_525] {strides = array<i32>} : memref<2x8x64xf32, #tpu.memory_space<vmem>>, vector<16xf32>,
    tpu.vector_store %arg9[%swap3A_523, %swap3A_524, %swap3A_525], %add3A_520 {strides = array<i32>} : memref<2x8x64xf32, #tpu.memory_space<vmem>>, vector<16xf32>,
    %add3A_527 = arith.constant 32 : i32
    %add3A_528 = vector.broadcast %add3A_527 : i32 to vector<16xi32>
    %add3A_529 = arith.addi %iota3A, %add3A_528 : vector<16xi32>
    %gather3A_530 = tpu.vector_load_idx %arg7[%broadcast_in_dim3A_496, %add3A_529, %broadcast_in_dim3A_494] : memref<8x64x128xf32, #tpu.memory_space<vmem>>[vector<16xi32>, vector<16xi32>, vector<16xi32>], vector<16xf32>,
    %get3A_531 = arith.constant 243 : i32
    %get3A_532 = arith.index_cast %get3A_531 : i32 to index
    %get3A_533 = arith.constant 32 : index
    %get3A_534 = tpu.vector_load %arg8[%get3A_532, %get3A_533] {strides = array<i32>} : memref<256x64xf32, #tpu.memory_space<vmem>>, vector<16xf32>,
    %add3A_535 = arith.addf %gather3A_530, %get3A_534 : vector<16xf32>
    %swap3A_536 = arith.constant 0 : i32
    %swap3A_537 = arith.constant 3 : i32
    %swap3A_538 = arith.index_cast %swap3A_536 : i32 to index
    %swap3A_539 = arith.index_cast %swap3A_537 : i32 to index
    %swap3A_540 = arith.constant 32 : index
    %swap3A_541 = tpu.vector_load %arg9[%swap3A_538, %swap3A_539, %swap3A_540] {strides = array<i32>} : memref<2x8x64xf32, #tpu.memory_space<vmem>>, vector<16xf32>,
    tpu.vector_store %arg9[%swap3A_538, %swap3A_539, %swap3A_540], %add3A_535 {strides = array<i32>} : memref<2x8x64xf32, #tpu.memory_space<vmem>>, vector<16xf32>,
    %add3A_542 = arith.constant 48 : i32
    %add3A_543 = vector.broadcast %add3A_542 : i32 to vector<16xi32>
    %add3A_544 = arith.addi %iota3A, %add3A_543 : vector<16xi32>
    %gather3A_545 = tpu.vector_load_idx %arg7[%broadcast_in_dim3A_496, %add3A_544, %broadcast_in_dim3A_494] : memref<8x64x128xf32, #tpu.memory_space<vmem>>[vector<16xi32>, vector<16xi32>, vector<16xi32>], vector<16xf32>,
    %get3A_546 = arith.constant 243 : i32
    %get3A_547 = arith.index_cast %get3A_546 : i32 to index
    %get3A_548 = arith.constant 48 : index
    %get3A_549 = tpu.vector_load %arg8[%get3A_547, %get3A_548] {strides = array<i32>} : memref<256x64xf32, #tpu.memory_space<vmem>>, vector<16xf32>,
    %add3A_550 = arith.addf %gather3A_545, %get3A_549 : vector<16xf32>
    %swap3A_551 = arith.constant 0 : i32
    %swap3A_552 = arith.constant 3 : i32
    %swap3A_553 = arith.index_cast %swap3A_551 : i32 to index
    %swap3A_554 = arith.index_cast %swap3A_552 : i32 to index
    %swap3A_555 = arith.constant 48 : index
    %swap3A_556 = tpu.vector_load %arg9[%swap3A_553, %swap3A_554, %swap3A_555] {strides = array<i32>} : memref<2x8x64xf32, #tpu.memory_space<vmem>>, vector<16xf32>,
    tpu.vector_store %arg9[%swap3A_553, %swap3A_554, %swap3A_555], %add3A_550 {strides = array<i32>} : memref<2x8x64xf32, #tpu.memory_space<vmem>>, vector<16xf32>,
    %slice3A_557 = vector.extract_strided_slice %get3A_175 {offsets = [3], sizes = [1], strides = [1]} : vector<16xi32> to vector<1xi32>
    %squeeze3A_558 = vector.extract %slice3A_557[0] : i32 from vector<1xi32>
    %shift_right_logical3A_559 = arith.constant 7 : i32
    %shift_right_logical3A_560 = arith.shrui %squeeze3A_558, %shift_right_logical3A_559 : i32
    %mul3A_561 = arith.constant 128 : i32
    %mul3A_562 = arith.muli %shift_right_logical3A_560, %mul3A_561 : i32
    %dma_start3A_563 = arith.constant 3 : i32
    %dma_start3A_564 = arith.constant 0 : i32
    %dma_start3A_565 = arith.constant 0 : i32
    %dma_start3A_566 = tpu.memref_slice %arg7[%dma_start3A_563, %dma_start3A_564, %dma_start3A_565] : memref<8x64x128xf32, #tpu.memory_space<vmem>> -> memref<1x64x128xf32, #tpu.memory_space<vmem>>
    %dma_start3A_567 = tpu.memref_squeeze %dma_start3A_566 : memref<1x64x128xf32, #tpu.memory_space<vmem>> -> memref<64x128xf32, #tpu.memory_space<vmem>>
    %dma_start3A_568 = arith.constant 0 : i32
    %dma_start3A_569 = tpu.memref_slice %arg3[%dma_start3A_568, %mul3A_562] : memref<64x1000000xf32, #tpu.memory_space<hbm>> -> memref<64x128xf32, #tpu.memory_space<hbm>>
    %dma_start3A_570 = arith.constant 0 : i32
    %dma_start3A_571 = arith.constant 0 : i32
    %dma_start3A_572 = tpu.memref_slice %arg7[%dma_start3A_563, %dma_start3A_570, %dma_start3A_571] : memref<8x64x128xf32, #tpu.memory_space<vmem>> -> memref<1x64x128xf32, #tpu.memory_space<vmem>>
    %dma_start3A_573 = tpu.memref_squeeze %dma_start3A_572 : memref<1x64x128xf32, #tpu.memory_space<vmem>> -> memref<64x128xf32, #tpu.memory_space<vmem>>
    %dma_start3A_574 = arith.constant 0 : i32
    %dma_start3A_575 = tpu.memref_slice %arg3[%dma_start3A_574, %mul3A_562] : memref<64x1000000xf32, #tpu.memory_space<hbm>> -> memref<64x128xf32, #tpu.memory_space<hbm>>
    tpu.enqueue_dma source(%dma_start3A_575 : memref<64x128xf32, #tpu.memory_space<hbm>>) target(%dma_start3A_573 : memref<64x128xf32, #tpu.memory_space<vmem>>) target_semaphore(%arg13 : memref<!tpu.dma_semaphore, #tpu.memory_space<semaphore_mem>>)
    %slice3A_576 = vector.extract_strided_slice %get3A_173 {offsets = [4], sizes = [1], strides = [1]} : vector<16xi32> to vector<1xi32>
    %squeeze3A_577 = vector.extract %slice3A_576[0] : i32 from vector<1xi32>
    %and3A_578 = arith.constant 127 : i32
    %and3A_579 = arith.andi %squeeze3A_577, %and3A_578 : i32
    %dma_wait3A_580 = arith.constant 4 : i32
    %dma_wait3A_581 = arith.constant 0 : i32
    %dma_wait3A_582 = arith.constant 0 : i32
    %dma_wait3A_583 = tpu.memref_slice %arg7[%dma_wait3A_580, %dma_wait3A_581, %dma_wait3A_582] : memref<8x64x128xf32, #tpu.memory_space<vmem>> -> memref<1x64x128xf32, #tpu.memory_space<vmem>>
    %dma_wait3A_584 = tpu.memref_squeeze %dma_wait3A_583 : memref<1x64x128xf32, #tpu.memory_space<vmem>> -> memref<64x128xf32, #tpu.memory_space<vmem>>
    %dma_wait3A_585 = arith.constant 0 : i32
    %dma_wait3A_586 = arith.constant 0 : i32
    %dma_wait3A_587 = tpu.memref_slice %arg3[%dma_wait3A_585, %dma_wait3A_586] : memref<64x1000000xf32, #tpu.memory_space<hbm>> -> memref<64x128xf32, #tpu.memory_space<hbm>>
    %dma_wait3A_588 = arith.constant 0 : i32
    %dma_wait3A_589 = arith.constant 0 : i32
    %dma_wait3A_590 = tpu.memref_slice %arg7[%dma_wait3A_580, %dma_wait3A_588, %dma_wait3A_589] : memref<8x64x128xf32, #tpu.memory_space<vmem>> -> memref<1x64x128xf32, #tpu.memory_space<vmem>>
    %dma_wait3A_591 = tpu.memref_squeeze %dma_wait3A_590 : memref<1x64x128xf32, #tpu.memory_space<vmem>> -> memref<64x128xf32, #tpu.memory_space<vmem>>
    %dma_wait3A_592 = arith.constant 0 : i32
    %dma_wait3A_593 = arith.constant 0 : i32
    %dma_wait3A_594 = tpu.memref_slice %arg3[%dma_wait3A_592, %dma_wait3A_593] : memref<64x1000000xf32, #tpu.memory_space<hbm>> -> memref<64x128xf32, #tpu.memory_space<hbm>>
    tpu.wait_dma2 semaphore(%arg14 : memref<!tpu.dma_semaphore, #tpu.memory_space<semaphore_mem>>) src(%dma_wait3A_594 : memref<64x128xf32, #tpu.memory_space<hbm>>) dst(%dma_wait3A_591 : memref<64x128xf32, #tpu.memory_space<vmem>>)
    %broadcast_in_dim3A_595 = vector.broadcast %and3A_579 : i32 to vector<16xi32>
    %broadcast_in_dim3A_596 = arith.constant 4 : i32
    %broadcast_in_dim3A_597 = vector.broadcast %broadcast_in_dim3A_596 : i32 to vector<16xi32>
    %add3A_598 = arith.constant 0 : i32
    %add3A_599 = vector.broadcast %add3A_598 : i32 to vector<16xi32>
    %add3A_600 = arith.addi %iota3A, %add3A_599 : vector<16xi32>
    %gather3A_601 = tpu.vector_load_idx %arg7[%broadcast_in_dim3A_597, %add3A_600, %broadcast_in_dim3A_595] : memref<8x64x128xf32, #tpu.memory_space<vmem>>[vector<16xi32>, vector<16xi32>, vector<16xi32>], vector<16xf32>,
    %get3A_602 = arith.constant 244 : i32
    %get3A_603 = arith.index_cast %get3A_602 : i32 to index
    %get3A_604 = arith.constant 0 : index
    %get3A_605 = tpu.vector_load %arg8[%get3A_603, %get3A_604] {strides = array<i32>} : memref<256x64xf32, #tpu.memory_space<vmem>>, vector<16xf32>,
    %add3A_606 = arith.addf %gather3A_601, %get3A_605 : vector<16xf32>
    %swap3A_607 = arith.constant 0 : i32
    %swap3A_608 = arith.constant 4 : i32
    %swap3A_609 = arith.index_cast %swap3A_607 : i32 to index
    %swap3A_610 = arith.index_cast %swap3A_608 : i32 to index
    %swap3A_611 = arith.constant 0 : index
    %swap3A_612 = tpu.vector_load %arg9[%swap3A_609, %swap3A_610, %swap3A_611] {strides = array<i32>} : memref<2x8x64xf32, #tpu.memory_space<vmem>>, vector<16xf32>,
    tpu.vector_store %arg9[%swap3A_609, %swap3A_610, %swap3A_611], %add3A_606 {strides = array<i32>} : memref<2x8x64xf32, #tpu.memory_space<vmem>>, vector<16xf32>,
    %add3A_613 = arith.constant 16 : i32
    %add3A_614 = vector.broadcast %add3A_613 : i32 to vector<16xi32>
    %add3A_615 = arith.addi %iota3A, %add3A_614 : vector<16xi32>
    %gather3A_616 = tpu.vector_load_idx %arg7[%broadcast_in_dim3A_597, %add3A_615, %broadcast_in_dim3A_595] : memref<8x64x128xf32, #tpu.memory_space<vmem>>[vector<16xi32>, vector<16xi32>, vector<16xi32>], vector<16xf32>,
    %get3A_617 = arith.constant 244 : i32
    %get3A_618 = arith.index_cast %get3A_617 : i32 to index
    %get3A_619 = arith.constant 16 : index
    %get3A_620 = tpu.vector_load %arg8[%get3A_618, %get3A_619] {strides = array<i32>} : memref<256x64xf32, #tpu.memory_space<vmem>>, vector<16xf32>,
    %add3A_621 = arith.addf %gather3A_616, %get3A_620 : vector<16xf32>
    %swap3A_622 = arith.constant 0 : i32
    %swap3A_623 = arith.constant 4 : i32
    %swap3A_624 = arith.index_cast %swap3A_622 : i32 to index
    %swap3A_625 = arith.index_cast %swap3A_623 : i32 to index
    %swap3A_626 = arith.constant 16 : index
    %swap3A_627 = tpu.vector_load %arg9[%swap3A_624, %swap3A_625, %swap3A_626] {strides = array<i32>} : memref<2x8x64xf32, #tpu.memory_space<vmem>>, vector<16xf32>,
    tpu.vector_store %arg9[%swap3A_624, %swap3A_625, %swap3A_626], %add3A_621 {strides = array<i32>} : memref<2x8x64xf32, #tpu.memory_space<vmem>>, vector<16xf32>,
    %add3A_628 = arith.constant 32 : i32
    %add3A_629 = vector.broadcast %add3A_628 : i32 to vector<16xi32>
    %add3A_630 = arith.addi %iota3A, %add3A_629 : vector<16xi32>
    %gather3A_631 = tpu.vector_load_idx %arg7[%broadcast_in_dim3A_597, %add3A_630, %broadcast_in_dim3A_595] : memref<8x64x128xf32, #tpu.memory_space<vmem>>[vector<16xi32>, vector<16xi32>, vector<16xi32>], vector<16xf32>,
    %get3A_632 = arith.constant 244 : i32
    %get3A_633 = arith.index_cast %get3A_632 : i32 to index
    %get3A_634 = arith.constant 32 : index
    %get3A_635 = tpu.vector_load %arg8[%get3A_633, %get3A_634] {strides = array<i32>} : memref<256x64xf32, #tpu.memory_space<vmem>>, vector<16xf32>,
    %add3A_636 = arith.addf %gather3A_631, %get3A_635 : vector<16xf32>
    %swap3A_637 = arith.constant 0 : i32
    %swap3A_638 = arith.constant 4 : i32
    %swap3A_639 = arith.index_cast %swap3A_637 : i32 to index
    %swap3A_640 = arith.index_cast %swap3A_638 : i32 to index
    %swap3A_641 = arith.constant 32 : index
    %swap3A_642 = tpu.vector_load %arg9[%swap3A_639, %swap3A_640, %swap3A_641] {strides = array<i32>} : memref<2x8x64xf32, #tpu.memory_space<vmem>>, vector<16xf32>,
    tpu.vector_store %arg9[%swap3A_639, %swap3A_640, %swap3A_641], %add3A_636 {strides = array<i32>} : memref<2x8x64xf32, #tpu.memory_space<vmem>>, vector<16xf32>,
    %add3A_643 = arith.constant 48 : i32
    %add3A_644 = vector.broadcast %add3A_643 : i32 to vector<16xi32>
    %add3A_645 = arith.addi %iota3A, %add3A_644 : vector<16xi32>
    %gather3A_646 = tpu.vector_load_idx %arg7[%broadcast_in_dim3A_597, %add3A_645, %broadcast_in_dim3A_595] : memref<8x64x128xf32, #tpu.memory_space<vmem>>[vector<16xi32>, vector<16xi32>, vector<16xi32>], vector<16xf32>,
    %get3A_647 = arith.constant 244 : i32
    %get3A_648 = arith.index_cast %get3A_647 : i32 to index
    %get3A_649 = arith.constant 48 : index
    %get3A_650 = tpu.vector_load %arg8[%get3A_648, %get3A_649] {strides = array<i32>} : memref<256x64xf32, #tpu.memory_space<vmem>>, vector<16xf32>,
    %add3A_651 = arith.addf %gather3A_646, %get3A_650 : vector<16xf32>
    %swap3A_652 = arith.constant 0 : i32
    %swap3A_653 = arith.constant 4 : i32
    %swap3A_654 = arith.index_cast %swap3A_652 : i32 to index
    %swap3A_655 = arith.index_cast %swap3A_653 : i32 to index
    %swap3A_656 = arith.constant 48 : index
    %swap3A_657 = tpu.vector_load %arg9[%swap3A_654, %swap3A_655, %swap3A_656] {strides = array<i32>} : memref<2x8x64xf32, #tpu.memory_space<vmem>>, vector<16xf32>,
    tpu.vector_store %arg9[%swap3A_654, %swap3A_655, %swap3A_656], %add3A_651 {strides = array<i32>} : memref<2x8x64xf32, #tpu.memory_space<vmem>>, vector<16xf32>,
    %slice3A_658 = vector.extract_strided_slice %get3A_175 {offsets = [4], sizes = [1], strides = [1]} : vector<16xi32> to vector<1xi32>
    %squeeze3A_659 = vector.extract %slice3A_658[0] : i32 from vector<1xi32>
    %shift_right_logical3A_660 = arith.constant 7 : i32
    %shift_right_logical3A_661 = arith.shrui %squeeze3A_659, %shift_right_logical3A_660 : i32
    %mul3A_662 = arith.constant 128 : i32
    %mul3A_663 = arith.muli %shift_right_logical3A_661, %mul3A_662 : i32
    %dma_start3A_664 = arith.constant 4 : i32
    %dma_start3A_665 = arith.constant 0 : i32
    %dma_start3A_666 = arith.constant 0 : i32
    %dma_start3A_667 = tpu.memref_slice %arg7[%dma_start3A_664, %dma_start3A_665, %dma_start3A_666] : memref<8x64x128xf32, #tpu.memory_space<vmem>> -> memref<1x64x128xf32, #tpu.memory_space<vmem>>
    %dma_start3A_668 = tpu.memref_squeeze %dma_start3A_667 : memref<1x64x128xf32, #tpu.memory_space<vmem>> -> memref<64x128xf32, #tpu.memory_space<vmem>>
    %dma_start3A_669 = arith.constant 0 : i32
    %dma_start3A_670 = tpu.memref_slice %arg3[%dma_start3A_669, %mul3A_663] : memref<64x1000000xf32, #tpu.memory_space<hbm>> -> memref<64x128xf32, #tpu.memory_space<hbm>>
    %dma_start3A_671 = arith.constant 0 : i32
    %dma_start3A_672 = arith.constant 0 : i32
    %dma_start3A_673 = tpu.memref_slice %arg7[%dma_start3A_664, %dma_start3A_671, %dma_start3A_672] : memref<8x64x128xf32, #tpu.memory_space<vmem>> -> memref<1x64x128xf32, #tpu.memory_space<vmem>>
    %dma_start3A_674 = tpu.memref_squeeze %dma_start3A_673 : memref<1x64x128xf32, #tpu.memory_space<vmem>> -> memref<64x128xf32, #tpu.memory_space<vmem>>
    %dma_start3A_675 = arith.constant 0 : i32
    %dma_start3A_676 = tpu.memref_slice %arg3[%dma_start3A_675, %mul3A_663] : memref<64x1000000xf32, #tpu.memory_space<hbm>> -> memref<64x128xf32, #tpu.memory_space<hbm>>
    tpu.enqueue_dma source(%dma_start3A_676 : memref<64x128xf32, #tpu.memory_space<hbm>>) target(%dma_start3A_674 : memref<64x128xf32, #tpu.memory_space<vmem>>) target_semaphore(%arg14 : memref<!tpu.dma_semaphore, #tpu.memory_space<semaphore_mem>>)
    %slice3A_677 = vector.extract_strided_slice %get3A_173 {offsets = [5], sizes = [1], strides = [1]} : vector<16xi32> to vector<1xi32>
    %squeeze3A_678 = vector.extract %slice3A_677[0] : i32 from vector<1xi32>
    %and3A_679 = arith.constant 127 : i32
    %and3A_680 = arith.andi %squeeze3A_678, %and3A_679 : i32
    %dma_wait3A_681 = arith.constant 5 : i32
    %dma_wait3A_682 = arith.constant 0 : i32
    %dma_wait3A_683 = arith.constant 0 : i32
    %dma_wait3A_684 = tpu.memref_slice %arg7[%dma_wait3A_681, %dma_wait3A_682, %dma_wait3A_683] : memref<8x64x128xf32, #tpu.memory_space<vmem>> -> memref<1x64x128xf32, #tpu.memory_space<vmem>>
    %dma_wait3A_685 = tpu.memref_squeeze %dma_wait3A_684 : memref<1x64x128xf32, #tpu.memory_space<vmem>> -> memref<64x128xf32, #tpu.memory_space<vmem>>
    %dma_wait3A_686 = arith.constant 0 : i32
    %dma_wait3A_687 = arith.constant 0 : i32
    %dma_wait3A_688 = tpu.memref_slice %arg3[%dma_wait3A_686, %dma_wait3A_687] : memref<64x1000000xf32, #tpu.memory_space<hbm>> -> memref<64x128xf32, #tpu.memory_space<hbm>>
    %dma_wait3A_689 = arith.constant 0 : i32
    %dma_wait3A_690 = arith.constant 0 : i32
    %dma_wait3A_691 = tpu.memref_slice %arg7[%dma_wait3A_681, %dma_wait3A_689, %dma_wait3A_690] : memref<8x64x128xf32, #tpu.memory_space<vmem>> -> memref<1x64x128xf32, #tpu.memory_space<vmem>>
    %dma_wait3A_692 = tpu.memref_squeeze %dma_wait3A_691 : memref<1x64x128xf32, #tpu.memory_space<vmem>> -> memref<64x128xf32, #tpu.memory_space<vmem>>
    %dma_wait3A_693 = arith.constant 0 : i32
    %dma_wait3A_694 = arith.constant 0 : i32
    %dma_wait3A_695 = tpu.memref_slice %arg3[%dma_wait3A_693, %dma_wait3A_694] : memref<64x1000000xf32, #tpu.memory_space<hbm>> -> memref<64x128xf32, #tpu.memory_space<hbm>>
    tpu.wait_dma2 semaphore(%arg15 : memref<!tpu.dma_semaphore, #tpu.memory_space<semaphore_mem>>) src(%dma_wait3A_695 : memref<64x128xf32, #tpu.memory_space<hbm>>) dst(%dma_wait3A_692 : memref<64x128xf32, #tpu.memory_space<vmem>>)
    %broadcast_in_dim3A_696 = vector.broadcast %and3A_680 : i32 to vector<16xi32>
    %broadcast_in_dim3A_697 = arith.constant 5 : i32
    %broadcast_in_dim3A_698 = vector.broadcast %broadcast_in_dim3A_697 : i32 to vector<16xi32>
    %add3A_699 = arith.constant 0 : i32
    %add3A_700 = vector.broadcast %add3A_699 : i32 to vector<16xi32>
    %add3A_701 = arith.addi %iota3A, %add3A_700 : vector<16xi32>
    %gather3A_702 = tpu.vector_load_idx %arg7[%broadcast_in_dim3A_698, %add3A_701, %broadcast_in_dim3A_696] : memref<8x64x128xf32, #tpu.memory_space<vmem>>[vector<16xi32>, vector<16xi32>, vector<16xi32>], vector<16xf32>,
    %get3A_703 = arith.constant 245 : i32
    %get3A_704 = arith.index_cast %get3A_703 : i32 to index
    %get3A_705 = arith.constant 0 : index
    %get3A_706 = tpu.vector_load %arg8[%get3A_704, %get3A_705] {strides = array<i32>} : memref<256x64xf32, #tpu.memory_space<vmem>>, vector<16xf32>,
    %add3A_707 = arith.addf %gather3A_702, %get3A_706 : vector<16xf32>
    %swap3A_708 = arith.constant 0 : i32
    %swap3A_709 = arith.constant 5 : i32
    %swap3A_710 = arith.index_cast %swap3A_708 : i32 to index
    %swap3A_711 = arith.index_cast %swap3A_709 : i32 to index
    %swap3A_712 = arith.constant 0 : index
    %swap3A_713 = tpu.vector_load %arg9[%swap3A_710, %swap3A_711, %swap3A_712] {strides = array<i32>} : memref<2x8x64xf32, #tpu.memory_space<vmem>>, vector<16xf32>,
    tpu.vector_store %arg9[%swap3A_710, %swap3A_711, %swap3A_712], %add3A_707 {strides = array<i32>} : memref<2x8x64xf32, #tpu.memory_space<vmem>>, vector<16xf32>,
    %add3A_714 = arith.constant 16 : i32
    %add3A_715 = vector.broadcast %add3A_714 : i32 to vector<16xi32>
    %add3A_716 = arith.addi %iota3A, %add3A_715 : vector<16xi32>
    %gather3A_717 = tpu.vector_load_idx %arg7[%broadcast_in_dim3A_698, %add3A_716, %broadcast_in_dim3A_696] : memref<8x64x128xf32, #tpu.memory_space<vmem>>[vector<16xi32>, vector<16xi32>, vector<16xi32>], vector<16xf32>,
    %get3A_718 = arith.constant 245 : i32
    %get3A_719 = arith.index_cast %get3A_718 : i32 to index
    %get3A_720 = arith.constant 16 : index
    %get3A_721 = tpu.vector_load %arg8[%get3A_719, %get3A_720] {strides = array<i32>} : memref<256x64xf32, #tpu.memory_space<vmem>>, vector<16xf32>,
    %add3A_722 = arith.addf %gather3A_717, %get3A_721 : vector<16xf32>
    %swap3A_723 = arith.constant 0 : i32
    %swap3A_724 = arith.constant 5 : i32
    %swap3A_725 = arith.index_cast %swap3A_723 : i32 to index
    %swap3A_726 = arith.index_cast %swap3A_724 : i32 to index
    %swap3A_727 = arith.constant 16 : index
    %swap3A_728 = tpu.vector_load %arg9[%swap3A_725, %swap3A_726, %swap3A_727] {strides = array<i32>} : memref<2x8x64xf32, #tpu.memory_space<vmem>>, vector<16xf32>,
    tpu.vector_store %arg9[%swap3A_725, %swap3A_726, %swap3A_727], %add3A_722 {strides = array<i32>} : memref<2x8x64xf32, #tpu.memory_space<vmem>>, vector<16xf32>,
    %add3A_729 = arith.constant 32 : i32
    %add3A_730 = vector.broadcast %add3A_729 : i32 to vector<16xi32>
    %add3A_731 = arith.addi %iota3A, %add3A_730 : vector<16xi32>
    %gather3A_732 = tpu.vector_load_idx %arg7[%broadcast_in_dim3A_698, %add3A_731, %broadcast_in_dim3A_696] : memref<8x64x128xf32, #tpu.memory_space<vmem>>[vector<16xi32>, vector<16xi32>, vector<16xi32>], vector<16xf32>,
    %get3A_733 = arith.constant 245 : i32
    %get3A_734 = arith.index_cast %get3A_733 : i32 to index
    %get3A_735 = arith.constant 32 : index
    %get3A_736 = tpu.vector_load %arg8[%get3A_734, %get3A_735] {strides = array<i32>} : memref<256x64xf32, #tpu.memory_space<vmem>>, vector<16xf32>,
    %add3A_737 = arith.addf %gather3A_732, %get3A_736 : vector<16xf32>
    %swap3A_738 = arith.constant 0 : i32
    %swap3A_739 = arith.constant 5 : i32
    %swap3A_740 = arith.index_cast %swap3A_738 : i32 to index
    %swap3A_741 = arith.index_cast %swap3A_739 : i32 to index
    %swap3A_742 = arith.constant 32 : index
    %swap3A_743 = tpu.vector_load %arg9[%swap3A_740, %swap3A_741, %swap3A_742] {strides = array<i32>} : memref<2x8x64xf32, #tpu.memory_space<vmem>>, vector<16xf32>,
    tpu.vector_store %arg9[%swap3A_740, %swap3A_741, %swap3A_742], %add3A_737 {strides = array<i32>} : memref<2x8x64xf32, #tpu.memory_space<vmem>>, vector<16xf32>,
    %add3A_744 = arith.constant 48 : i32
    %add3A_745 = vector.broadcast %add3A_744 : i32 to vector<16xi32>
    %add3A_746 = arith.addi %iota3A, %add3A_745 : vector<16xi32>
    %gather3A_747 = tpu.vector_load_idx %arg7[%broadcast_in_dim3A_698, %add3A_746, %broadcast_in_dim3A_696] : memref<8x64x128xf32, #tpu.memory_space<vmem>>[vector<16xi32>, vector<16xi32>, vector<16xi32>], vector<16xf32>,
    %get3A_748 = arith.constant 245 : i32
    %get3A_749 = arith.index_cast %get3A_748 : i32 to index
    %get3A_750 = arith.constant 48 : index
    %get3A_751 = tpu.vector_load %arg8[%get3A_749, %get3A_750] {strides = array<i32>} : memref<256x64xf32, #tpu.memory_space<vmem>>, vector<16xf32>,
    %add3A_752 = arith.addf %gather3A_747, %get3A_751 : vector<16xf32>
    %swap3A_753 = arith.constant 0 : i32
    %swap3A_754 = arith.constant 5 : i32
    %swap3A_755 = arith.index_cast %swap3A_753 : i32 to index
    %swap3A_756 = arith.index_cast %swap3A_754 : i32 to index
    %swap3A_757 = arith.constant 48 : index
    %swap3A_758 = tpu.vector_load %arg9[%swap3A_755, %swap3A_756, %swap3A_757] {strides = array<i32>} : memref<2x8x64xf32, #tpu.memory_space<vmem>>, vector<16xf32>,
    tpu.vector_store %arg9[%swap3A_755, %swap3A_756, %swap3A_757], %add3A_752 {strides = array<i32>} : memref<2x8x64xf32, #tpu.memory_space<vmem>>, vector<16xf32>,
    %slice3A_759 = vector.extract_strided_slice %get3A_175 {offsets = [5], sizes = [1], strides = [1]} : vector<16xi32> to vector<1xi32>
    %squeeze3A_760 = vector.extract %slice3A_759[0] : i32 from vector<1xi32>
    %shift_right_logical3A_761 = arith.constant 7 : i32
    %shift_right_logical3A_762 = arith.shrui %squeeze3A_760, %shift_right_logical3A_761 : i32
    %mul3A_763 = arith.constant 128 : i32
    %mul3A_764 = arith.muli %shift_right_logical3A_762, %mul3A_763 : i32
    %dma_start3A_765 = arith.constant 5 : i32
    %dma_start3A_766 = arith.constant 0 : i32
    %dma_start3A_767 = arith.constant 0 : i32
    %dma_start3A_768 = tpu.memref_slice %arg7[%dma_start3A_765, %dma_start3A_766, %dma_start3A_767] : memref<8x64x128xf32, #tpu.memory_space<vmem>> -> memref<1x64x128xf32, #tpu.memory_space<vmem>>
    %dma_start3A_769 = tpu.memref_squeeze %dma_start3A_768 : memref<1x64x128xf32, #tpu.memory_space<vmem>> -> memref<64x128xf32, #tpu.memory_space<vmem>>
    %dma_start3A_770 = arith.constant 0 : i32
    %dma_start3A_771 = tpu.memref_slice %arg3[%dma_start3A_770, %mul3A_764] : memref<64x1000000xf32, #tpu.memory_space<hbm>> -> memref<64x128xf32, #tpu.memory_space<hbm>>
    %dma_start3A_772 = arith.constant 0 : i32
    %dma_start3A_773 = arith.constant 0 : i32
    %dma_start3A_774 = tpu.memref_slice %arg7[%dma_start3A_765, %dma_start3A_772, %dma_start3A_773] : memref<8x64x128xf32, #tpu.memory_space<vmem>> -> memref<1x64x128xf32, #tpu.memory_space<vmem>>
    %dma_start3A_775 = tpu.memref_squeeze %dma_start3A_774 : memref<1x64x128xf32, #tpu.memory_space<vmem>> -> memref<64x128xf32, #tpu.memory_space<vmem>>
    %dma_start3A_776 = arith.constant 0 : i32
    %dma_start3A_777 = tpu.memref_slice %arg3[%dma_start3A_776, %mul3A_764] : memref<64x1000000xf32, #tpu.memory_space<hbm>> -> memref<64x128xf32, #tpu.memory_space<hbm>>
    tpu.enqueue_dma source(%dma_start3A_777 : memref<64x128xf32, #tpu.memory_space<hbm>>) target(%dma_start3A_775 : memref<64x128xf32, #tpu.memory_space<vmem>>) target_semaphore(%arg15 : memref<!tpu.dma_semaphore, #tpu.memory_space<semaphore_mem>>)
    %slice3A_778 = vector.extract_strided_slice %get3A_173 {offsets = [6], sizes = [1], strides = [1]} : vector<16xi32> to vector<1xi32>
    %squeeze3A_779 = vector.extract %slice3A_778[0] : i32 from vector<1xi32>
    %and3A_780 = arith.constant 127 : i32
    %and3A_781 = arith.andi %squeeze3A_779, %and3A_780 : i32
    %dma_wait3A_782 = arith.constant 6 : i32
    %dma_wait3A_783 = arith.constant 0 : i32
    %dma_wait3A_784 = arith.constant 0 : i32
    %dma_wait3A_785 = tpu.memref_slice %arg7[%dma_wait3A_782, %dma_wait3A_783, %dma_wait3A_784] : memref<8x64x128xf32, #tpu.memory_space<vmem>> -> memref<1x64x128xf32, #tpu.memory_space<vmem>>
    %dma_wait3A_786 = tpu.memref_squeeze %dma_wait3A_785 : memref<1x64x128xf32, #tpu.memory_space<vmem>> -> memref<64x128xf32, #tpu.memory_space<vmem>>
    %dma_wait3A_787 = arith.constant 0 : i32
    %dma_wait3A_788 = arith.constant 0 : i32
    %dma_wait3A_789 = tpu.memref_slice %arg3[%dma_wait3A_787, %dma_wait3A_788] : memref<64x1000000xf32, #tpu.memory_space<hbm>> -> memref<64x128xf32, #tpu.memory_space<hbm>>
    %dma_wait3A_790 = arith.constant 0 : i32
    %dma_wait3A_791 = arith.constant 0 : i32
    %dma_wait3A_792 = tpu.memref_slice %arg7[%dma_wait3A_782, %dma_wait3A_790, %dma_wait3A_791] : memref<8x64x128xf32, #tpu.memory_space<vmem>> -> memref<1x64x128xf32, #tpu.memory_space<vmem>>
    %dma_wait3A_793 = tpu.memref_squeeze %dma_wait3A_792 : memref<1x64x128xf32, #tpu.memory_space<vmem>> -> memref<64x128xf32, #tpu.memory_space<vmem>>
    %dma_wait3A_794 = arith.constant 0 : i32
    %dma_wait3A_795 = arith.constant 0 : i32
    %dma_wait3A_796 = tpu.memref_slice %arg3[%dma_wait3A_794, %dma_wait3A_795] : memref<64x1000000xf32, #tpu.memory_space<hbm>> -> memref<64x128xf32, #tpu.memory_space<hbm>>
    tpu.wait_dma2 semaphore(%arg16 : memref<!tpu.dma_semaphore, #tpu.memory_space<semaphore_mem>>) src(%dma_wait3A_796 : memref<64x128xf32, #tpu.memory_space<hbm>>) dst(%dma_wait3A_793 : memref<64x128xf32, #tpu.memory_space<vmem>>)
    %broadcast_in_dim3A_797 = vector.broadcast %and3A_781 : i32 to vector<16xi32>
    %broadcast_in_dim3A_798 = arith.constant 6 : i32
    %broadcast_in_dim3A_799 = vector.broadcast %broadcast_in_dim3A_798 : i32 to vector<16xi32>
    %add3A_800 = arith.constant 0 : i32
    %add3A_801 = vector.broadcast %add3A_800 : i32 to vector<16xi32>
    %add3A_802 = arith.addi %iota3A, %add3A_801 : vector<16xi32>
    %gather3A_803 = tpu.vector_load_idx %arg7[%broadcast_in_dim3A_799, %add3A_802, %broadcast_in_dim3A_797] : memref<8x64x128xf32, #tpu.memory_space<vmem>>[vector<16xi32>, vector<16xi32>, vector<16xi32>], vector<16xf32>,
    %get3A_804 = arith.constant 246 : i32
    %get3A_805 = arith.index_cast %get3A_804 : i32 to index
    %get3A_806 = arith.constant 0 : index
    %get3A_807 = tpu.vector_load %arg8[%get3A_805, %get3A_806] {strides = array<i32>} : memref<256x64xf32, #tpu.memory_space<vmem>>, vector<16xf32>,
    %add3A_808 = arith.addf %gather3A_803, %get3A_807 : vector<16xf32>
    %swap3A_809 = arith.constant 0 : i32
    %swap3A_810 = arith.constant 6 : i32
    %swap3A_811 = arith.index_cast %swap3A_809 : i32 to index
    %swap3A_812 = arith.index_cast %swap3A_810 : i32 to index
    %swap3A_813 = arith.constant 0 : index
    %swap3A_814 = tpu.vector_load %arg9[%swap3A_811, %swap3A_812, %swap3A_813] {strides = array<i32>} : memref<2x8x64xf32, #tpu.memory_space<vmem>>, vector<16xf32>,
    tpu.vector_store %arg9[%swap3A_811, %swap3A_812, %swap3A_813], %add3A_808 {strides = array<i32>} : memref<2x8x64xf32, #tpu.memory_space<vmem>>, vector<16xf32>,
    %add3A_815 = arith.constant 16 : i32
    %add3A_816 = vector.broadcast %add3A_815 : i32 to vector<16xi32>
    %add3A_817 = arith.addi %iota3A, %add3A_816 : vector<16xi32>
    %gather3A_818 = tpu.vector_load_idx %arg7[%broadcast_in_dim3A_799, %add3A_817, %broadcast_in_dim3A_797] : memref<8x64x128xf32, #tpu.memory_space<vmem>>[vector<16xi32>, vector<16xi32>, vector<16xi32>], vector<16xf32>,
    %get3A_819 = arith.constant 246 : i32
    %get3A_820 = arith.index_cast %get3A_819 : i32 to index
    %get3A_821 = arith.constant 16 : index
    %get3A_822 = tpu.vector_load %arg8[%get3A_820, %get3A_821] {strides = array<i32>} : memref<256x64xf32, #tpu.memory_space<vmem>>, vector<16xf32>,
    %add3A_823 = arith.addf %gather3A_818, %get3A_822 : vector<16xf32>
    %swap3A_824 = arith.constant 0 : i32
    %swap3A_825 = arith.constant 6 : i32
    %swap3A_826 = arith.index_cast %swap3A_824 : i32 to index
    %swap3A_827 = arith.index_cast %swap3A_825 : i32 to index
    %swap3A_828 = arith.constant 16 : index
    %swap3A_829 = tpu.vector_load %arg9[%swap3A_826, %swap3A_827, %swap3A_828] {strides = array<i32>} : memref<2x8x64xf32, #tpu.memory_space<vmem>>, vector<16xf32>,
    tpu.vector_store %arg9[%swap3A_826, %swap3A_827, %swap3A_828], %add3A_823 {strides = array<i32>} : memref<2x8x64xf32, #tpu.memory_space<vmem>>, vector<16xf32>,
    %add3A_830 = arith.constant 32 : i32
    %add3A_831 = vector.broadcast %add3A_830 : i32 to vector<16xi32>
    %add3A_832 = arith.addi %iota3A, %add3A_831 : vector<16xi32>
    %gather3A_833 = tpu.vector_load_idx %arg7[%broadcast_in_dim3A_799, %add3A_832, %broadcast_in_dim3A_797] : memref<8x64x128xf32, #tpu.memory_space<vmem>>[vector<16xi32>, vector<16xi32>, vector<16xi32>], vector<16xf32>,
    %get3A_834 = arith.constant 246 : i32
    %get3A_835 = arith.index_cast %get3A_834 : i32 to index
    %get3A_836 = arith.constant 32 : index
    %get3A_837 = tpu.vector_load %arg8[%get3A_835, %get3A_836] {strides = array<i32>} : memref<256x64xf32, #tpu.memory_space<vmem>>, vector<16xf32>,
    %add3A_838 = arith.addf %gather3A_833, %get3A_837 : vector<16xf32>
    %swap3A_839 = arith.constant 0 : i32
    %swap3A_840 = arith.constant 6 : i32
    %swap3A_841 = arith.index_cast %swap3A_839 : i32 to index
    %swap3A_842 = arith.index_cast %swap3A_840 : i32 to index
    %swap3A_843 = arith.constant 32 : index
    %swap3A_844 = tpu.vector_load %arg9[%swap3A_841, %swap3A_842, %swap3A_843] {strides = array<i32>} : memref<2x8x64xf32, #tpu.memory_space<vmem>>, vector<16xf32>,
    tpu.vector_store %arg9[%swap3A_841, %swap3A_842, %swap3A_843], %add3A_838 {strides = array<i32>} : memref<2x8x64xf32, #tpu.memory_space<vmem>>, vector<16xf32>,
    %add3A_845 = arith.constant 48 : i32
    %add3A_846 = vector.broadcast %add3A_845 : i32 to vector<16xi32>
    %add3A_847 = arith.addi %iota3A, %add3A_846 : vector<16xi32>
    %gather3A_848 = tpu.vector_load_idx %arg7[%broadcast_in_dim3A_799, %add3A_847, %broadcast_in_dim3A_797] : memref<8x64x128xf32, #tpu.memory_space<vmem>>[vector<16xi32>, vector<16xi32>, vector<16xi32>], vector<16xf32>,
    %get3A_849 = arith.constant 246 : i32
    %get3A_850 = arith.index_cast %get3A_849 : i32 to index
    %get3A_851 = arith.constant 48 : index
    %get3A_852 = tpu.vector_load %arg8[%get3A_850, %get3A_851] {strides = array<i32>} : memref<256x64xf32, #tpu.memory_space<vmem>>, vector<16xf32>,
    %add3A_853 = arith.addf %gather3A_848, %get3A_852 : vector<16xf32>
    %swap3A_854 = arith.constant 0 : i32
    %swap3A_855 = arith.constant 6 : i32
    %swap3A_856 = arith.index_cast %swap3A_854 : i32 to index
    %swap3A_857 = arith.index_cast %swap3A_855 : i32 to index
    %swap3A_858 = arith.constant 48 : index
    %swap3A_859 = tpu.vector_load %arg9[%swap3A_856, %swap3A_857, %swap3A_858] {strides = array<i32>} : memref<2x8x64xf32, #tpu.memory_space<vmem>>, vector<16xf32>,
    tpu.vector_store %arg9[%swap3A_856, %swap3A_857, %swap3A_858], %add3A_853 {strides = array<i32>} : memref<2x8x64xf32, #tpu.memory_space<vmem>>, vector<16xf32>,
    %slice3A_860 = vector.extract_strided_slice %get3A_175 {offsets = [6], sizes = [1], strides = [1]} : vector<16xi32> to vector<1xi32>
    %squeeze3A_861 = vector.extract %slice3A_860[0] : i32 from vector<1xi32>
    %shift_right_logical3A_862 = arith.constant 7 : i32
    %shift_right_logical3A_863 = arith.shrui %squeeze3A_861, %shift_right_logical3A_862 : i32
    %mul3A_864 = arith.constant 128 : i32
    %mul3A_865 = arith.muli %shift_right_logical3A_863, %mul3A_864 : i32
    %dma_start3A_866 = arith.constant 6 : i32
    %dma_start3A_867 = arith.constant 0 : i32
    %dma_start3A_868 = arith.constant 0 : i32
    %dma_start3A_869 = tpu.memref_slice %arg7[%dma_start3A_866, %dma_start3A_867, %dma_start3A_868] : memref<8x64x128xf32, #tpu.memory_space<vmem>> -> memref<1x64x128xf32, #tpu.memory_space<vmem>>
    %dma_start3A_870 = tpu.memref_squeeze %dma_start3A_869 : memref<1x64x128xf32, #tpu.memory_space<vmem>> -> memref<64x128xf32, #tpu.memory_space<vmem>>
    %dma_start3A_871 = arith.constant 0 : i32
    %dma_start3A_872 = tpu.memref_slice %arg3[%dma_start3A_871, %mul3A_865] : memref<64x1000000xf32, #tpu.memory_space<hbm>> -> memref<64x128xf32, #tpu.memory_space<hbm>>
    %dma_start3A_873 = arith.constant 0 : i32
    %dma_start3A_874 = arith.constant 0 : i32
    %dma_start3A_875 = tpu.memref_slice %arg7[%dma_start3A_866, %dma_start3A_873, %dma_start3A_874] : memref<8x64x128xf32, #tpu.memory_space<vmem>> -> memref<1x64x128xf32, #tpu.memory_space<vmem>>
    %dma_start3A_876 = tpu.memref_squeeze %dma_start3A_875 : memref<1x64x128xf32, #tpu.memory_space<vmem>> -> memref<64x128xf32, #tpu.memory_space<vmem>>
    %dma_start3A_877 = arith.constant 0 : i32
    %dma_start3A_878 = tpu.memref_slice %arg3[%dma_start3A_877, %mul3A_865] : memref<64x1000000xf32, #tpu.memory_space<hbm>> -> memref<64x128xf32, #tpu.memory_space<hbm>>
    tpu.enqueue_dma source(%dma_start3A_878 : memref<64x128xf32, #tpu.memory_space<hbm>>) target(%dma_start3A_876 : memref<64x128xf32, #tpu.memory_space<vmem>>) target_semaphore(%arg16 : memref<!tpu.dma_semaphore, #tpu.memory_space<semaphore_mem>>)
    %slice3A_879 = vector.extract_strided_slice %get3A_173 {offsets = [7], sizes = [1], strides = [1]} : vector<16xi32> to vector<1xi32>
    %squeeze3A_880 = vector.extract %slice3A_879[0] : i32 from vector<1xi32>
    %and3A_881 = arith.constant 127 : i32
    %and3A_882 = arith.andi %squeeze3A_880, %and3A_881 : i32
    %dma_wait3A_883 = arith.constant 7 : i32
    %dma_wait3A_884 = arith.constant 0 : i32
    %dma_wait3A_885 = arith.constant 0 : i32
    %dma_wait3A_886 = tpu.memref_slice %arg7[%dma_wait3A_883, %dma_wait3A_884, %dma_wait3A_885] : memref<8x64x128xf32, #tpu.memory_space<vmem>> -> memref<1x64x128xf32, #tpu.memory_space<vmem>>
    %dma_wait3A_887 = tpu.memref_squeeze %dma_wait3A_886 : memref<1x64x128xf32, #tpu.memory_space<vmem>> -> memref<64x128xf32, #tpu.memory_space<vmem>>
    %dma_wait3A_888 = arith.constant 0 : i32
    %dma_wait3A_889 = arith.constant 0 : i32
    %dma_wait3A_890 = tpu.memref_slice %arg3[%dma_wait3A_888, %dma_wait3A_889] : memref<64x1000000xf32, #tpu.memory_space<hbm>> -> memref<64x128xf32, #tpu.memory_space<hbm>>
    %dma_wait3A_891 = arith.constant 0 : i32
    %dma_wait3A_892 = arith.constant 0 : i32
    %dma_wait3A_893 = tpu.memref_slice %arg7[%dma_wait3A_883, %dma_wait3A_891, %dma_wait3A_892] : memref<8x64x128xf32, #tpu.memory_space<vmem>> -> memref<1x64x128xf32, #tpu.memory_space<vmem>>
    %dma_wait3A_894 = tpu.memref_squeeze %dma_wait3A_893 : memref<1x64x128xf32, #tpu.memory_space<vmem>> -> memref<64x128xf32, #tpu.memory_space<vmem>>
    %dma_wait3A_895 = arith.constant 0 : i32
    %dma_wait3A_896 = arith.constant 0 : i32
    %dma_wait3A_897 = tpu.memref_slice %arg3[%dma_wait3A_895, %dma_wait3A_896] : memref<64x1000000xf32, #tpu.memory_space<hbm>> -> memref<64x128xf32, #tpu.memory_space<hbm>>
    tpu.wait_dma2 semaphore(%arg17 : memref<!tpu.dma_semaphore, #tpu.memory_space<semaphore_mem>>) src(%dma_wait3A_897 : memref<64x128xf32, #tpu.memory_space<hbm>>) dst(%dma_wait3A_894 : memref<64x128xf32, #tpu.memory_space<vmem>>)
    %broadcast_in_dim3A_898 = vector.broadcast %and3A_882 : i32 to vector<16xi32>
    %broadcast_in_dim3A_899 = arith.constant 7 : i32
    %broadcast_in_dim3A_900 = vector.broadcast %broadcast_in_dim3A_899 : i32 to vector<16xi32>
    %add3A_901 = arith.constant 0 : i32
    %add3A_902 = vector.broadcast %add3A_901 : i32 to vector<16xi32>
    %add3A_903 = arith.addi %iota3A, %add3A_902 : vector<16xi32>
    %gather3A_904 = tpu.vector_load_idx %arg7[%broadcast_in_dim3A_900, %add3A_903, %broadcast_in_dim3A_898] : memref<8x64x128xf32, #tpu.memory_space<vmem>>[vector<16xi32>, vector<16xi32>, vector<16xi32>], vector<16xf32>,
    %get3A_905 = arith.constant 247 : i32
    %get3A_906 = arith.index_cast %get3A_905 : i32 to index
    %get3A_907 = arith.constant 0 : index
    %get3A_908 = tpu.vector_load %arg8[%get3A_906, %get3A_907] {strides = array<i32>} : memref<256x64xf32, #tpu.memory_space<vmem>>, vector<16xf32>,
    %add3A_909 = arith.addf %gather3A_904, %get3A_908 : vector<16xf32>
    %swap3A_910 = arith.constant 0 : i32
    %swap3A_911 = arith.constant 7 : i32
    %swap3A_912 = arith.index_cast %swap3A_910 : i32 to index
    %swap3A_913 = arith.index_cast %swap3A_911 : i32 to index
    %swap3A_914 = arith.constant 0 : index
    %swap3A_915 = tpu.vector_load %arg9[%swap3A_912, %swap3A_913, %swap3A_914] {strides = array<i32>} : memref<2x8x64xf32, #tpu.memory_space<vmem>>, vector<16xf32>,
    tpu.vector_store %arg9[%swap3A_912, %swap3A_913, %swap3A_914], %add3A_909 {strides = array<i32>} : memref<2x8x64xf32, #tpu.memory_space<vmem>>, vector<16xf32>,
    %add3A_916 = arith.constant 16 : i32
    %add3A_917 = vector.broadcast %add3A_916 : i32 to vector<16xi32>
    %add3A_918 = arith.addi %iota3A, %add3A_917 : vector<16xi32>
    %gather3A_919 = tpu.vector_load_idx %arg7[%broadcast_in_dim3A_900, %add3A_918, %broadcast_in_dim3A_898] : memref<8x64x128xf32, #tpu.memory_space<vmem>>[vector<16xi32>, vector<16xi32>, vector<16xi32>], vector<16xf32>,
    %get3A_920 = arith.constant 247 : i32
    %get3A_921 = arith.index_cast %get3A_920 : i32 to index
    %get3A_922 = arith.constant 16 : index
    %get3A_923 = tpu.vector_load %arg8[%get3A_921, %get3A_922] {strides = array<i32>} : memref<256x64xf32, #tpu.memory_space<vmem>>, vector<16xf32>,
    %add3A_924 = arith.addf %gather3A_919, %get3A_923 : vector<16xf32>
    %swap3A_925 = arith.constant 0 : i32
    %swap3A_926 = arith.constant 7 : i32
    %swap3A_927 = arith.index_cast %swap3A_925 : i32 to index
    %swap3A_928 = arith.index_cast %swap3A_926 : i32 to index
    %swap3A_929 = arith.constant 16 : index
    %swap3A_930 = tpu.vector_load %arg9[%swap3A_927, %swap3A_928, %swap3A_929] {strides = array<i32>} : memref<2x8x64xf32, #tpu.memory_space<vmem>>, vector<16xf32>,
    tpu.vector_store %arg9[%swap3A_927, %swap3A_928, %swap3A_929], %add3A_924 {strides = array<i32>} : memref<2x8x64xf32, #tpu.memory_space<vmem>>, vector<16xf32>,
    %add3A_931 = arith.constant 32 : i32
    %add3A_932 = vector.broadcast %add3A_931 : i32 to vector<16xi32>
    %add3A_933 = arith.addi %iota3A, %add3A_932 : vector<16xi32>
    %gather3A_934 = tpu.vector_load_idx %arg7[%broadcast_in_dim3A_900, %add3A_933, %broadcast_in_dim3A_898] : memref<8x64x128xf32, #tpu.memory_space<vmem>>[vector<16xi32>, vector<16xi32>, vector<16xi32>], vector<16xf32>,
    %get3A_935 = arith.constant 247 : i32
    %get3A_936 = arith.index_cast %get3A_935 : i32 to index
    %get3A_937 = arith.constant 32 : index
    %get3A_938 = tpu.vector_load %arg8[%get3A_936, %get3A_937] {strides = array<i32>} : memref<256x64xf32, #tpu.memory_space<vmem>>, vector<16xf32>,
    %add3A_939 = arith.addf %gather3A_934, %get3A_938 : vector<16xf32>
    %swap3A_940 = arith.constant 0 : i32
    %swap3A_941 = arith.constant 7 : i32
    %swap3A_942 = arith.index_cast %swap3A_940 : i32 to index
    %swap3A_943 = arith.index_cast %swap3A_941 : i32 to index
    %swap3A_944 = arith.constant 32 : index
    %swap3A_945 = tpu.vector_load %arg9[%swap3A_942, %swap3A_943, %swap3A_944] {strides = array<i32>} : memref<2x8x64xf32, #tpu.memory_space<vmem>>, vector<16xf32>,
    tpu.vector_store %arg9[%swap3A_942, %swap3A_943, %swap3A_944], %add3A_939 {strides = array<i32>} : memref<2x8x64xf32, #tpu.memory_space<vmem>>, vector<16xf32>,
    %add3A_946 = arith.constant 48 : i32
    %add3A_947 = vector.broadcast %add3A_946 : i32 to vector<16xi32>
    %add3A_948 = arith.addi %iota3A, %add3A_947 : vector<16xi32>
    %gather3A_949 = tpu.vector_load_idx %arg7[%broadcast_in_dim3A_900, %add3A_948, %broadcast_in_dim3A_898] : memref<8x64x128xf32, #tpu.memory_space<vmem>>[vector<16xi32>, vector<16xi32>, vector<16xi32>], vector<16xf32>,
    %get3A_950 = arith.constant 247 : i32
    %get3A_951 = arith.index_cast %get3A_950 : i32 to index
    %get3A_952 = arith.constant 48 : index
    %get3A_953 = tpu.vector_load %arg8[%get3A_951, %get3A_952] {strides = array<i32>} : memref<256x64xf32, #tpu.memory_space<vmem>>, vector<16xf32>,
    %add3A_954 = arith.addf %gather3A_949, %get3A_953 : vector<16xf32>
    %swap3A_955 = arith.constant 0 : i32
    %swap3A_956 = arith.constant 7 : i32
    %swap3A_957 = arith.index_cast %swap3A_955 : i32 to index
    %swap3A_958 = arith.index_cast %swap3A_956 : i32 to index
    %swap3A_959 = arith.constant 48 : index
    %swap3A_960 = tpu.vector_load %arg9[%swap3A_957, %swap3A_958, %swap3A_959] {strides = array<i32>} : memref<2x8x64xf32, #tpu.memory_space<vmem>>, vector<16xf32>,
    tpu.vector_store %arg9[%swap3A_957, %swap3A_958, %swap3A_959], %add3A_954 {strides = array<i32>} : memref<2x8x64xf32, #tpu.memory_space<vmem>>, vector<16xf32>,
    %slice3A_961 = vector.extract_strided_slice %get3A_175 {offsets = [7], sizes = [1], strides = [1]} : vector<16xi32> to vector<1xi32>
    %squeeze3A_962 = vector.extract %slice3A_961[0] : i32 from vector<1xi32>
    %shift_right_logical3A_963 = arith.constant 7 : i32
    %shift_right_logical3A_964 = arith.shrui %squeeze3A_962, %shift_right_logical3A_963 : i32
    %mul3A_965 = arith.constant 128 : i32
    %mul3A_966 = arith.muli %shift_right_logical3A_964, %mul3A_965 : i32
    %dma_start3A_967 = arith.constant 7 : i32
    %dma_start3A_968 = arith.constant 0 : i32
    %dma_start3A_969 = arith.constant 0 : i32
    %dma_start3A_970 = tpu.memref_slice %arg7[%dma_start3A_967, %dma_start3A_968, %dma_start3A_969] : memref<8x64x128xf32, #tpu.memory_space<vmem>> -> memref<1x64x128xf32, #tpu.memory_space<vmem>>
    %dma_start3A_971 = tpu.memref_squeeze %dma_start3A_970 : memref<1x64x128xf32, #tpu.memory_space<vmem>> -> memref<64x128xf32, #tpu.memory_space<vmem>>
    %dma_start3A_972 = arith.constant 0 : i32
    %dma_start3A_973 = tpu.memref_slice %arg3[%dma_start3A_972, %mul3A_966] : memref<64x1000000xf32, #tpu.memory_space<hbm>> -> memref<64x128xf32, #tpu.memory_space<hbm>>
    %dma_start3A_974 = arith.constant 0 : i32
    %dma_start3A_975 = arith.constant 0 : i32
    %dma_start3A_976 = tpu.memref_slice %arg7[%dma_start3A_967, %dma_start3A_974, %dma_start3A_975] : memref<8x64x128xf32, #tpu.memory_space<vmem>> -> memref<1x64x128xf32, #tpu.memory_space<vmem>>
    %dma_start3A_977 = tpu.memref_squeeze %dma_start3A_976 : memref<1x64x128xf32, #tpu.memory_space<vmem>> -> memref<64x128xf32, #tpu.memory_space<vmem>>
    %dma_start3A_978 = arith.constant 0 : i32
    %dma_start3A_979 = tpu.memref_slice %arg3[%dma_start3A_978, %mul3A_966] : memref<64x1000000xf32, #tpu.memory_space<hbm>> -> memref<64x128xf32, #tpu.memory_space<hbm>>
    tpu.enqueue_dma source(%dma_start3A_979 : memref<64x128xf32, #tpu.memory_space<hbm>>) target(%dma_start3A_977 : memref<64x128xf32, #tpu.memory_space<vmem>>) target_semaphore(%arg17 : memref<!tpu.dma_semaphore, #tpu.memory_space<semaphore_mem>>)
    %add3A_980 = arith.constant 240 : i32
    %add3A_981 = arith.addi %mul3A_2, %add3A_980 : i32
    %dma_start3A_982 = arith.constant 0 : i32
    %dma_start3A_983 = arith.constant 0 : i32
    %dma_start3A_984 = arith.constant 0 : i32
    %dma_start3A_985 = tpu.memref_slice %arg9[%dma_start3A_982, %dma_start3A_983, %dma_start3A_984] : memref<2x8x64xf32, #tpu.memory_space<vmem>> -> memref<1x8x64xf32, #tpu.memory_space<vmem>>
    %dma_start3A_986 = tpu.memref_squeeze %dma_start3A_985 : memref<1x8x64xf32, #tpu.memory_space<vmem>> -> memref<8x64xf32, #tpu.memory_space<vmem>>
    %dma_start3A_987 = arith.constant 0 : i32
    %dma_start3A_988 = tpu.memref_slice %arg5[%add3A_981, %dma_start3A_987] : memref<8192x64xf32, #tpu.memory_space<hbm>> -> memref<8x64xf32, #tpu.memory_space<hbm>>
    %dma_start3A_989 = arith.constant 0 : i32
    %dma_start3A_990 = tpu.memref_slice %arg5[%add3A_981, %dma_start3A_989] : memref<8192x64xf32, #tpu.memory_space<hbm>> -> memref<8x64xf32, #tpu.memory_space<hbm>>
    %dma_start3A_991 = arith.constant 0 : i32
    %dma_start3A_992 = arith.constant 0 : i32
    %dma_start3A_993 = tpu.memref_slice %arg9[%dma_start3A_982, %dma_start3A_991, %dma_start3A_992] : memref<2x8x64xf32, #tpu.memory_space<vmem>> -> memref<1x8x64xf32, #tpu.memory_space<vmem>>
    %dma_start3A_994 = tpu.memref_squeeze %dma_start3A_993 : memref<1x8x64xf32, #tpu.memory_space<vmem>> -> memref<8x64xf32, #tpu.memory_space<vmem>>
    tpu.enqueue_dma source(%dma_start3A_994 : memref<8x64xf32, #tpu.memory_space<vmem>>) target(%dma_start3A_990 : memref<8x64xf32, #tpu.memory_space<hbm>>) target_semaphore(%arg18 : memref<!tpu.dma_semaphore, #tpu.memory_space<semaphore_mem>>)
    %get3A_995 = arith.constant 248 : index
    %get3A_996 = tpu.vector_load %arg6[%get3A_995] {strides = array<i32>} : memref<272xi32, #tpu.memory_space<vmem>>, vector<16xi32>,
    %dma_wait3A_997 = arith.constant 1 : i32
    %dma_wait3A_998 = arith.constant 0 : i32
    %dma_wait3A_999 = arith.constant 0 : i32
    %dma_wait3A_1000 = tpu.memref_slice %arg9[%dma_wait3A_997, %dma_wait3A_998, %dma_wait3A_999] : memref<2x8x64xf32, #tpu.memory_space<vmem>> -> memref<1x8x64xf32, #tpu.memory_space<vmem>>
    %dma_wait3A_1001 = tpu.memref_squeeze %dma_wait3A_1000 : memref<1x8x64xf32, #tpu.memory_space<vmem>> -> memref<8x64xf32, #tpu.memory_space<vmem>>
    %dma_wait3A_1002 = arith.constant 0 : i32
    %dma_wait3A_1003 = arith.constant 0 : i32
    %dma_wait3A_1004 = tpu.memref_slice %arg5[%dma_wait3A_1002, %dma_wait3A_1003] : memref<8192x64xf32, #tpu.memory_space<hbm>> -> memref<8x64xf32, #tpu.memory_space<hbm>>
    %dma_wait3A_1005 = arith.constant 0 : i32
    %dma_wait3A_1006 = arith.constant 0 : i32
    %dma_wait3A_1007 = tpu.memref_slice %arg5[%dma_wait3A_1005, %dma_wait3A_1006] : memref<8192x64xf32, #tpu.memory_space<hbm>> -> memref<8x64xf32, #tpu.memory_space<hbm>>
    %dma_wait3A_1008 = arith.constant 0 : i32
    %dma_wait3A_1009 = arith.constant 0 : i32
    %dma_wait3A_1010 = tpu.memref_slice %arg9[%dma_wait3A_997, %dma_wait3A_1008, %dma_wait3A_1009] : memref<2x8x64xf32, #tpu.memory_space<vmem>> -> memref<1x8x64xf32, #tpu.memory_space<vmem>>
    %dma_wait3A_1011 = tpu.memref_squeeze %dma_wait3A_1010 : memref<1x8x64xf32, #tpu.memory_space<vmem>> -> memref<8x64xf32, #tpu.memory_space<vmem>>
    tpu.wait_dma2 semaphore(%arg19 : memref<!tpu.dma_semaphore, #tpu.memory_space<semaphore_mem>>) src(%dma_wait3A_1011 : memref<8x64xf32, #tpu.memory_space<vmem>>) dst(%dma_wait3A_1007 : memref<8x64xf32, #tpu.memory_space<hbm>>)
    %slice3A_1012 = vector.extract_strided_slice %get3A_996 {offsets = [0], sizes = [1], strides = [1]} : vector<16xi32> to vector<1xi32>
    %squeeze3A_1013 = vector.extract %slice3A_1012[0] : i32 from vector<1xi32>
    %and3A_1014 = arith.constant 127 : i32
    %and3A_1015 = arith.andi %squeeze3A_1013, %and3A_1014 : i32
    %dma_wait3A_1016 = arith.constant 0 : i32
    %dma_wait3A_1017 = arith.constant 0 : i32
    %dma_wait3A_1018 = arith.constant 0 : i32
    %dma_wait3A_1019 = tpu.memref_slice %arg7[%dma_wait3A_1016, %dma_wait3A_1017, %dma_wait3A_1018] : memref<8x64x128xf32, #tpu.memory_space<vmem>> -> memref<1x64x128xf32, #tpu.memory_space<vmem>>
    %dma_wait3A_1020 = tpu.memref_squeeze %dma_wait3A_1019 : memref<1x64x128xf32, #tpu.memory_space<vmem>> -> memref<64x128xf32, #tpu.memory_space<vmem>>
    %dma_wait3A_1021 = arith.constant 0 : i32
    %dma_wait3A_1022 = arith.constant 0 : i32
    %dma_wait3A_1023 = tpu.memref_slice %arg3[%dma_wait3A_1021, %dma_wait3A_1022] : memref<64x1000000xf32, #tpu.memory_space<hbm>> -> memref<64x128xf32, #tpu.memory_space<hbm>>
    %dma_wait3A_1024 = arith.constant 0 : i32
    %dma_wait3A_1025 = arith.constant 0 : i32
    %dma_wait3A_1026 = tpu.memref_slice %arg7[%dma_wait3A_1016, %dma_wait3A_1024, %dma_wait3A_1025] : memref<8x64x128xf32, #tpu.memory_space<vmem>> -> memref<1x64x128xf32, #tpu.memory_space<vmem>>
    %dma_wait3A_1027 = tpu.memref_squeeze %dma_wait3A_1026 : memref<1x64x128xf32, #tpu.memory_space<vmem>> -> memref<64x128xf32, #tpu.memory_space<vmem>>
    %dma_wait3A_1028 = arith.constant 0 : i32
    %dma_wait3A_1029 = arith.constant 0 : i32
    %dma_wait3A_1030 = tpu.memref_slice %arg3[%dma_wait3A_1028, %dma_wait3A_1029] : memref<64x1000000xf32, #tpu.memory_space<hbm>> -> memref<64x128xf32, #tpu.memory_space<hbm>>
    tpu.wait_dma2 semaphore(%arg10 : memref<!tpu.dma_semaphore, #tpu.memory_space<semaphore_mem>>) src(%dma_wait3A_1030 : memref<64x128xf32, #tpu.memory_space<hbm>>) dst(%dma_wait3A_1027 : memref<64x128xf32, #tpu.memory_space<vmem>>)
    %broadcast_in_dim3A_1031 = vector.broadcast %and3A_1015 : i32 to vector<16xi32>
    %broadcast_in_dim3A_1032 = arith.constant 0 : i32
    %broadcast_in_dim3A_1033 = vector.broadcast %broadcast_in_dim3A_1032 : i32 to vector<16xi32>
    %add3A_1034 = arith.constant 0 : i32
    %add3A_1035 = vector.broadcast %add3A_1034 : i32 to vector<16xi32>
    %add3A_1036 = arith.addi %iota3A, %add3A_1035 : vector<16xi32>
    %gather3A_1037 = tpu.vector_load_idx %arg7[%broadcast_in_dim3A_1033, %add3A_1036, %broadcast_in_dim3A_1031] : memref<8x64x128xf32, #tpu.memory_space<vmem>>[vector<16xi32>, vector<16xi32>, vector<16xi32>], vector<16xf32>,
    %get3A_1038 = arith.constant 248 : i32
    %get3A_1039 = arith.index_cast %get3A_1038 : i32 to index
    %get3A_1040 = arith.constant 0 : index
    %get3A_1041 = tpu.vector_load %arg8[%get3A_1039, %get3A_1040] {strides = array<i32>} : memref<256x64xf32, #tpu.memory_space<vmem>>, vector<16xf32>,
    %add3A_1042 = arith.addf %gather3A_1037, %get3A_1041 : vector<16xf32>
    %swap3A_1043 = arith.constant 1 : i32
    %swap3A_1044 = arith.constant 0 : i32
    %swap3A_1045 = arith.index_cast %swap3A_1043 : i32 to index
    %swap3A_1046 = arith.index_cast %swap3A_1044 : i32 to index
    %swap3A_1047 = arith.constant 0 : index
    %swap3A_1048 = tpu.vector_load %arg9[%swap3A_1045, %swap3A_1046, %swap3A_1047] {strides = array<i32>} : memref<2x8x64xf32, #tpu.memory_space<vmem>>, vector<16xf32>,
    tpu.vector_store %arg9[%swap3A_1045, %swap3A_1046, %swap3A_1047], %add3A_1042 {strides = array<i32>} : memref<2x8x64xf32, #tpu.memory_space<vmem>>, vector<16xf32>,
    %add3A_1049 = arith.constant 16 : i32
    %add3A_1050 = vector.broadcast %add3A_1049 : i32 to vector<16xi32>
    %add3A_1051 = arith.addi %iota3A, %add3A_1050 : vector<16xi32>
    %gather3A_1052 = tpu.vector_load_idx %arg7[%broadcast_in_dim3A_1033, %add3A_1051, %broadcast_in_dim3A_1031] : memref<8x64x128xf32, #tpu.memory_space<vmem>>[vector<16xi32>, vector<16xi32>, vector<16xi32>], vector<16xf32>,
    %get3A_1053 = arith.constant 248 : i32
    %get3A_1054 = arith.index_cast %get3A_1053 : i32 to index
    %get3A_1055 = arith.constant 16 : index
    %get3A_1056 = tpu.vector_load %arg8[%get3A_1054, %get3A_1055] {strides = array<i32>} : memref<256x64xf32, #tpu.memory_space<vmem>>, vector<16xf32>,
    %add3A_1057 = arith.addf %gather3A_1052, %get3A_1056 : vector<16xf32>
    %swap3A_1058 = arith.constant 1 : i32
    %swap3A_1059 = arith.constant 0 : i32
    %swap3A_1060 = arith.index_cast %swap3A_1058 : i32 to index
    %swap3A_1061 = arith.index_cast %swap3A_1059 : i32 to index
    %swap3A_1062 = arith.constant 16 : index
    %swap3A_1063 = tpu.vector_load %arg9[%swap3A_1060, %swap3A_1061, %swap3A_1062] {strides = array<i32>} : memref<2x8x64xf32, #tpu.memory_space<vmem>>, vector<16xf32>,
    tpu.vector_store %arg9[%swap3A_1060, %swap3A_1061, %swap3A_1062], %add3A_1057 {strides = array<i32>} : memref<2x8x64xf32, #tpu.memory_space<vmem>>, vector<16xf32>,
    %add3A_1064 = arith.constant 32 : i32
    %add3A_1065 = vector.broadcast %add3A_1064 : i32 to vector<16xi32>
    %add3A_1066 = arith.addi %iota3A, %add3A_1065 : vector<16xi32>
    %gather3A_1067 = tpu.vector_load_idx %arg7[%broadcast_in_dim3A_1033, %add3A_1066, %broadcast_in_dim3A_1031] : memref<8x64x128xf32, #tpu.memory_space<vmem>>[vector<16xi32>, vector<16xi32>, vector<16xi32>], vector<16xf32>,
    %get3A_1068 = arith.constant 248 : i32
    %get3A_1069 = arith.index_cast %get3A_1068 : i32 to index
    %get3A_1070 = arith.constant 32 : index
    %get3A_1071 = tpu.vector_load %arg8[%get3A_1069, %get3A_1070] {strides = array<i32>} : memref<256x64xf32, #tpu.memory_space<vmem>>, vector<16xf32>,
    %add3A_1072 = arith.addf %gather3A_1067, %get3A_1071 : vector<16xf32>
    %swap3A_1073 = arith.constant 1 : i32
    %swap3A_1074 = arith.constant 0 : i32
    %swap3A_1075 = arith.index_cast %swap3A_1073 : i32 to index
    %swap3A_1076 = arith.index_cast %swap3A_1074 : i32 to index
    %swap3A_1077 = arith.constant 32 : index
    %swap3A_1078 = tpu.vector_load %arg9[%swap3A_1075, %swap3A_1076, %swap3A_1077] {strides = array<i32>} : memref<2x8x64xf32, #tpu.memory_space<vmem>>, vector<16xf32>,
    tpu.vector_store %arg9[%swap3A_1075, %swap3A_1076, %swap3A_1077], %add3A_1072 {strides = array<i32>} : memref<2x8x64xf32, #tpu.memory_space<vmem>>, vector<16xf32>,
    %add3A_1079 = arith.constant 48 : i32
    %add3A_1080 = vector.broadcast %add3A_1079 : i32 to vector<16xi32>
    %add3A_1081 = arith.addi %iota3A, %add3A_1080 : vector<16xi32>
    %gather3A_1082 = tpu.vector_load_idx %arg7[%broadcast_in_dim3A_1033, %add3A_1081, %broadcast_in_dim3A_1031] : memref<8x64x128xf32, #tpu.memory_space<vmem>>[vector<16xi32>, vector<16xi32>, vector<16xi32>], vector<16xf32>,
    %get3A_1083 = arith.constant 248 : i32
    %get3A_1084 = arith.index_cast %get3A_1083 : i32 to index
    %get3A_1085 = arith.constant 48 : index
    %get3A_1086 = tpu.vector_load %arg8[%get3A_1084, %get3A_1085] {strides = array<i32>} : memref<256x64xf32, #tpu.memory_space<vmem>>, vector<16xf32>,
    %add3A_1087 = arith.addf %gather3A_1082, %get3A_1086 : vector<16xf32>
    %swap3A_1088 = arith.constant 1 : i32
    %swap3A_1089 = arith.constant 0 : i32
    %swap3A_1090 = arith.index_cast %swap3A_1088 : i32 to index
    %swap3A_1091 = arith.index_cast %swap3A_1089 : i32 to index
    %swap3A_1092 = arith.constant 48 : index
    %swap3A_1093 = tpu.vector_load %arg9[%swap3A_1090, %swap3A_1091, %swap3A_1092] {strides = array<i32>} : memref<2x8x64xf32, #tpu.memory_space<vmem>>, vector<16xf32>,
    tpu.vector_store %arg9[%swap3A_1090, %swap3A_1091, %swap3A_1092], %add3A_1087 {strides = array<i32>} : memref<2x8x64xf32, #tpu.memory_space<vmem>>, vector<16xf32>,
    %slice3A_1094 = vector.extract_strided_slice %get3A_996 {offsets = [1], sizes = [1], strides = [1]} : vector<16xi32> to vector<1xi32>
    %squeeze3A_1095 = vector.extract %slice3A_1094[0] : i32 from vector<1xi32>
    %and3A_1096 = arith.constant 127 : i32
    %and3A_1097 = arith.andi %squeeze3A_1095, %and3A_1096 : i32
    %dma_wait3A_1098 = arith.constant 1 : i32
    %dma_wait3A_1099 = arith.constant 0 : i32
    %dma_wait3A_1100 = arith.constant 0 : i32
    %dma_wait3A_1101 = tpu.memref_slice %arg7[%dma_wait3A_1098, %dma_wait3A_1099, %dma_wait3A_1100] : memref<8x64x128xf32, #tpu.memory_space<vmem>> -> memref<1x64x128xf32, #tpu.memory_space<vmem>>
    %dma_wait3A_1102 = tpu.memref_squeeze %dma_wait3A_1101 : memref<1x64x128xf32, #tpu.memory_space<vmem>> -> memref<64x128xf32, #tpu.memory_space<vmem>>
    %dma_wait3A_1103 = arith.constant 0 : i32
    %dma_wait3A_1104 = arith.constant 0 : i32
    %dma_wait3A_1105 = tpu.memref_slice %arg3[%dma_wait3A_1103, %dma_wait3A_1104] : memref<64x1000000xf32, #tpu.memory_space<hbm>> -> memref<64x128xf32, #tpu.memory_space<hbm>>
    %dma_wait3A_1106 = arith.constant 0 : i32
    %dma_wait3A_1107 = arith.constant 0 : i32
    %dma_wait3A_1108 = tpu.memref_slice %arg7[%dma_wait3A_1098, %dma_wait3A_1106, %dma_wait3A_1107] : memref<8x64x128xf32, #tpu.memory_space<vmem>> -> memref<1x64x128xf32, #tpu.memory_space<vmem>>
    %dma_wait3A_1109 = tpu.memref_squeeze %dma_wait3A_1108 : memref<1x64x128xf32, #tpu.memory_space<vmem>> -> memref<64x128xf32, #tpu.memory_space<vmem>>
    %dma_wait3A_1110 = arith.constant 0 : i32
    %dma_wait3A_1111 = arith.constant 0 : i32
    %dma_wait3A_1112 = tpu.memref_slice %arg3[%dma_wait3A_1110, %dma_wait3A_1111] : memref<64x1000000xf32, #tpu.memory_space<hbm>> -> memref<64x128xf32, #tpu.memory_space<hbm>>
    tpu.wait_dma2 semaphore(%arg11 : memref<!tpu.dma_semaphore, #tpu.memory_space<semaphore_mem>>) src(%dma_wait3A_1112 : memref<64x128xf32, #tpu.memory_space<hbm>>) dst(%dma_wait3A_1109 : memref<64x128xf32, #tpu.memory_space<vmem>>)
    %broadcast_in_dim3A_1113 = vector.broadcast %and3A_1097 : i32 to vector<16xi32>
    %broadcast_in_dim3A_1114 = arith.constant 1 : i32
    %broadcast_in_dim3A_1115 = vector.broadcast %broadcast_in_dim3A_1114 : i32 to vector<16xi32>
    %add3A_1116 = arith.constant 0 : i32
    %add3A_1117 = vector.broadcast %add3A_1116 : i32 to vector<16xi32>
    %add3A_1118 = arith.addi %iota3A, %add3A_1117 : vector<16xi32>
    %gather3A_1119 = tpu.vector_load_idx %arg7[%broadcast_in_dim3A_1115, %add3A_1118, %broadcast_in_dim3A_1113] : memref<8x64x128xf32, #tpu.memory_space<vmem>>[vector<16xi32>, vector<16xi32>, vector<16xi32>], vector<16xf32>,
    %get3A_1120 = arith.constant 249 : i32
    %get3A_1121 = arith.index_cast %get3A_1120 : i32 to index
    %get3A_1122 = arith.constant 0 : index
    %get3A_1123 = tpu.vector_load %arg8[%get3A_1121, %get3A_1122] {strides = array<i32>} : memref<256x64xf32, #tpu.memory_space<vmem>>, vector<16xf32>,
    %add3A_1124 = arith.addf %gather3A_1119, %get3A_1123 : vector<16xf32>
    %swap3A_1125 = arith.constant 1 : i32
    %swap3A_1126 = arith.constant 1 : i32
    %swap3A_1127 = arith.index_cast %swap3A_1125 : i32 to index
    %swap3A_1128 = arith.index_cast %swap3A_1126 : i32 to index
    %swap3A_1129 = arith.constant 0 : index
    %swap3A_1130 = tpu.vector_load %arg9[%swap3A_1127, %swap3A_1128, %swap3A_1129] {strides = array<i32>} : memref<2x8x64xf32, #tpu.memory_space<vmem>>, vector<16xf32>,
    tpu.vector_store %arg9[%swap3A_1127, %swap3A_1128, %swap3A_1129], %add3A_1124 {strides = array<i32>} : memref<2x8x64xf32, #tpu.memory_space<vmem>>, vector<16xf32>,
    %add3A_1131 = arith.constant 16 : i32
    %add3A_1132 = vector.broadcast %add3A_1131 : i32 to vector<16xi32>
    %add3A_1133 = arith.addi %iota3A, %add3A_1132 : vector<16xi32>
    %gather3A_1134 = tpu.vector_load_idx %arg7[%broadcast_in_dim3A_1115, %add3A_1133, %broadcast_in_dim3A_1113] : memref<8x64x128xf32, #tpu.memory_space<vmem>>[vector<16xi32>, vector<16xi32>, vector<16xi32>], vector<16xf32>,
    %get3A_1135 = arith.constant 249 : i32
    %get3A_1136 = arith.index_cast %get3A_1135 : i32 to index
    %get3A_1137 = arith.constant 16 : index
    %get3A_1138 = tpu.vector_load %arg8[%get3A_1136, %get3A_1137] {strides = array<i32>} : memref<256x64xf32, #tpu.memory_space<vmem>>, vector<16xf32>,
    %add3A_1139 = arith.addf %gather3A_1134, %get3A_1138 : vector<16xf32>
    %swap3A_1140 = arith.constant 1 : i32
    %swap3A_1141 = arith.constant 1 : i32
    %swap3A_1142 = arith.index_cast %swap3A_1140 : i32 to index
    %swap3A_1143 = arith.index_cast %swap3A_1141 : i32 to index
    %swap3A_1144 = arith.constant 16 : index
    %swap3A_1145 = tpu.vector_load %arg9[%swap3A_1142, %swap3A_1143, %swap3A_1144] {strides = array<i32>} : memref<2x8x64xf32, #tpu.memory_space<vmem>>, vector<16xf32>,
    tpu.vector_store %arg9[%swap3A_1142, %swap3A_1143, %swap3A_1144], %add3A_1139 {strides = array<i32>} : memref<2x8x64xf32, #tpu.memory_space<vmem>>, vector<16xf32>,
    %add3A_1146 = arith.constant 32 : i32
    %add3A_1147 = vector.broadcast %add3A_1146 : i32 to vector<16xi32>
    %add3A_1148 = arith.addi %iota3A, %add3A_1147 : vector<16xi32>
    %gather3A_1149 = tpu.vector_load_idx %arg7[%broadcast_in_dim3A_1115, %add3A_1148, %broadcast_in_dim3A_1113] : memref<8x64x128xf32, #tpu.memory_space<vmem>>[vector<16xi32>, vector<16xi32>, vector<16xi32>], vector<16xf32>,
    %get3A_1150 = arith.constant 249 : i32
    %get3A_1151 = arith.index_cast %get3A_1150 : i32 to index
    %get3A_1152 = arith.constant 32 : index
    %get3A_1153 = tpu.vector_load %arg8[%get3A_1151, %get3A_1152] {strides = array<i32>} : memref<256x64xf32, #tpu.memory_space<vmem>>, vector<16xf32>,
    %add3A_1154 = arith.addf %gather3A_1149, %get3A_1153 : vector<16xf32>
    %swap3A_1155 = arith.constant 1 : i32
    %swap3A_1156 = arith.constant 1 : i32
    %swap3A_1157 = arith.index_cast %swap3A_1155 : i32 to index
    %swap3A_1158 = arith.index_cast %swap3A_1156 : i32 to index
    %swap3A_1159 = arith.constant 32 : index
    %swap3A_1160 = tpu.vector_load %arg9[%swap3A_1157, %swap3A_1158, %swap3A_1159] {strides = array<i32>} : memref<2x8x64xf32, #tpu.memory_space<vmem>>, vector<16xf32>,
    tpu.vector_store %arg9[%swap3A_1157, %swap3A_1158, %swap3A_1159], %add3A_1154 {strides = array<i32>} : memref<2x8x64xf32, #tpu.memory_space<vmem>>, vector<16xf32>,
    %add3A_1161 = arith.constant 48 : i32
    %add3A_1162 = vector.broadcast %add3A_1161 : i32 to vector<16xi32>
    %add3A_1163 = arith.addi %iota3A, %add3A_1162 : vector<16xi32>
    %gather3A_1164 = tpu.vector_load_idx %arg7[%broadcast_in_dim3A_1115, %add3A_1163, %broadcast_in_dim3A_1113] : memref<8x64x128xf32, #tpu.memory_space<vmem>>[vector<16xi32>, vector<16xi32>, vector<16xi32>], vector<16xf32>,
    %get3A_1165 = arith.constant 249 : i32
    %get3A_1166 = arith.index_cast %get3A_1165 : i32 to index
    %get3A_1167 = arith.constant 48 : index
    %get3A_1168 = tpu.vector_load %arg8[%get3A_1166, %get3A_1167] {strides = array<i32>} : memref<256x64xf32, #tpu.memory_space<vmem>>, vector<16xf32>,
    %add3A_1169 = arith.addf %gather3A_1164, %get3A_1168 : vector<16xf32>
    %swap3A_1170 = arith.constant 1 : i32
    %swap3A_1171 = arith.constant 1 : i32
    %swap3A_1172 = arith.index_cast %swap3A_1170 : i32 to index
    %swap3A_1173 = arith.index_cast %swap3A_1171 : i32 to index
    %swap3A_1174 = arith.constant 48 : index
    %swap3A_1175 = tpu.vector_load %arg9[%swap3A_1172, %swap3A_1173, %swap3A_1174] {strides = array<i32>} : memref<2x8x64xf32, #tpu.memory_space<vmem>>, vector<16xf32>,
    tpu.vector_store %arg9[%swap3A_1172, %swap3A_1173, %swap3A_1174], %add3A_1169 {strides = array<i32>} : memref<2x8x64xf32, #tpu.memory_space<vmem>>, vector<16xf32>,
    %slice3A_1176 = vector.extract_strided_slice %get3A_996 {offsets = [2], sizes = [1], strides = [1]} : vector<16xi32> to vector<1xi32>
    %squeeze3A_1177 = vector.extract %slice3A_1176[0] : i32 from vector<1xi32>
    %and3A_1178 = arith.constant 127 : i32
    %and3A_1179 = arith.andi %squeeze3A_1177, %and3A_1178 : i32
    %dma_wait3A_1180 = arith.constant 2 : i32
    %dma_wait3A_1181 = arith.constant 0 : i32
    %dma_wait3A_1182 = arith.constant 0 : i32
    %dma_wait3A_1183 = tpu.memref_slice %arg7[%dma_wait3A_1180, %dma_wait3A_1181, %dma_wait3A_1182] : memref<8x64x128xf32, #tpu.memory_space<vmem>> -> memref<1x64x128xf32, #tpu.memory_space<vmem>>
    %dma_wait3A_1184 = tpu.memref_squeeze %dma_wait3A_1183 : memref<1x64x128xf32, #tpu.memory_space<vmem>> -> memref<64x128xf32, #tpu.memory_space<vmem>>
    %dma_wait3A_1185 = arith.constant 0 : i32
    %dma_wait3A_1186 = arith.constant 0 : i32
    %dma_wait3A_1187 = tpu.memref_slice %arg3[%dma_wait3A_1185, %dma_wait3A_1186] : memref<64x1000000xf32, #tpu.memory_space<hbm>> -> memref<64x128xf32, #tpu.memory_space<hbm>>
    %dma_wait3A_1188 = arith.constant 0 : i32
    %dma_wait3A_1189 = arith.constant 0 : i32
    %dma_wait3A_1190 = tpu.memref_slice %arg7[%dma_wait3A_1180, %dma_wait3A_1188, %dma_wait3A_1189] : memref<8x64x128xf32, #tpu.memory_space<vmem>> -> memref<1x64x128xf32, #tpu.memory_space<vmem>>
    %dma_wait3A_1191 = tpu.memref_squeeze %dma_wait3A_1190 : memref<1x64x128xf32, #tpu.memory_space<vmem>> -> memref<64x128xf32, #tpu.memory_space<vmem>>
    %dma_wait3A_1192 = arith.constant 0 : i32
    %dma_wait3A_1193 = arith.constant 0 : i32
    %dma_wait3A_1194 = tpu.memref_slice %arg3[%dma_wait3A_1192, %dma_wait3A_1193] : memref<64x1000000xf32, #tpu.memory_space<hbm>> -> memref<64x128xf32, #tpu.memory_space<hbm>>
    tpu.wait_dma2 semaphore(%arg12 : memref<!tpu.dma_semaphore, #tpu.memory_space<semaphore_mem>>) src(%dma_wait3A_1194 : memref<64x128xf32, #tpu.memory_space<hbm>>) dst(%dma_wait3A_1191 : memref<64x128xf32, #tpu.memory_space<vmem>>)
    %broadcast_in_dim3A_1195 = vector.broadcast %and3A_1179 : i32 to vector<16xi32>
    %broadcast_in_dim3A_1196 = arith.constant 2 : i32
    %broadcast_in_dim3A_1197 = vector.broadcast %broadcast_in_dim3A_1196 : i32 to vector<16xi32>
    %add3A_1198 = arith.constant 0 : i32
    %add3A_1199 = vector.broadcast %add3A_1198 : i32 to vector<16xi32>
    %add3A_1200 = arith.addi %iota3A, %add3A_1199 : vector<16xi32>
    %gather3A_1201 = tpu.vector_load_idx %arg7[%broadcast_in_dim3A_1197, %add3A_1200, %broadcast_in_dim3A_1195] : memref<8x64x128xf32, #tpu.memory_space<vmem>>[vector<16xi32>, vector<16xi32>, vector<16xi32>], vector<16xf32>,
    %get3A_1202 = arith.constant 250 : i32
    %get3A_1203 = arith.index_cast %get3A_1202 : i32 to index
    %get3A_1204 = arith.constant 0 : index
    %get3A_1205 = tpu.vector_load %arg8[%get3A_1203, %get3A_1204] {strides = array<i32>} : memref<256x64xf32, #tpu.memory_space<vmem>>, vector<16xf32>,
    %add3A_1206 = arith.addf %gather3A_1201, %get3A_1205 : vector<16xf32>
    %swap3A_1207 = arith.constant 1 : i32
    %swap3A_1208 = arith.constant 2 : i32
    %swap3A_1209 = arith.index_cast %swap3A_1207 : i32 to index
    %swap3A_1210 = arith.index_cast %swap3A_1208 : i32 to index
    %swap3A_1211 = arith.constant 0 : index
    %swap3A_1212 = tpu.vector_load %arg9[%swap3A_1209, %swap3A_1210, %swap3A_1211] {strides = array<i32>} : memref<2x8x64xf32, #tpu.memory_space<vmem>>, vector<16xf32>,
    tpu.vector_store %arg9[%swap3A_1209, %swap3A_1210, %swap3A_1211], %add3A_1206 {strides = array<i32>} : memref<2x8x64xf32, #tpu.memory_space<vmem>>, vector<16xf32>,
    %add3A_1213 = arith.constant 16 : i32
    %add3A_1214 = vector.broadcast %add3A_1213 : i32 to vector<16xi32>
    %add3A_1215 = arith.addi %iota3A, %add3A_1214 : vector<16xi32>
    %gather3A_1216 = tpu.vector_load_idx %arg7[%broadcast_in_dim3A_1197, %add3A_1215, %broadcast_in_dim3A_1195] : memref<8x64x128xf32, #tpu.memory_space<vmem>>[vector<16xi32>, vector<16xi32>, vector<16xi32>], vector<16xf32>,
    %get3A_1217 = arith.constant 250 : i32
    %get3A_1218 = arith.index_cast %get3A_1217 : i32 to index
    %get3A_1219 = arith.constant 16 : index
    %get3A_1220 = tpu.vector_load %arg8[%get3A_1218, %get3A_1219] {strides = array<i32>} : memref<256x64xf32, #tpu.memory_space<vmem>>, vector<16xf32>,
    %add3A_1221 = arith.addf %gather3A_1216, %get3A_1220 : vector<16xf32>
    %swap3A_1222 = arith.constant 1 : i32
    %swap3A_1223 = arith.constant 2 : i32
    %swap3A_1224 = arith.index_cast %swap3A_1222 : i32 to index
    %swap3A_1225 = arith.index_cast %swap3A_1223 : i32 to index
    %swap3A_1226 = arith.constant 16 : index
    %swap3A_1227 = tpu.vector_load %arg9[%swap3A_1224, %swap3A_1225, %swap3A_1226] {strides = array<i32>} : memref<2x8x64xf32, #tpu.memory_space<vmem>>, vector<16xf32>,
    tpu.vector_store %arg9[%swap3A_1224, %swap3A_1225, %swap3A_1226], %add3A_1221 {strides = array<i32>} : memref<2x8x64xf32, #tpu.memory_space<vmem>>, vector<16xf32>,
    %add3A_1228 = arith.constant 32 : i32
    %add3A_1229 = vector.broadcast %add3A_1228 : i32 to vector<16xi32>
    %add3A_1230 = arith.addi %iota3A, %add3A_1229 : vector<16xi32>
    %gather3A_1231 = tpu.vector_load_idx %arg7[%broadcast_in_dim3A_1197, %add3A_1230, %broadcast_in_dim3A_1195] : memref<8x64x128xf32, #tpu.memory_space<vmem>>[vector<16xi32>, vector<16xi32>, vector<16xi32>], vector<16xf32>,
    %get3A_1232 = arith.constant 250 : i32
    %get3A_1233 = arith.index_cast %get3A_1232 : i32 to index
    %get3A_1234 = arith.constant 32 : index
    %get3A_1235 = tpu.vector_load %arg8[%get3A_1233, %get3A_1234] {strides = array<i32>} : memref<256x64xf32, #tpu.memory_space<vmem>>, vector<16xf32>,
    %add3A_1236 = arith.addf %gather3A_1231, %get3A_1235 : vector<16xf32>
    %swap3A_1237 = arith.constant 1 : i32
    %swap3A_1238 = arith.constant 2 : i32
    %swap3A_1239 = arith.index_cast %swap3A_1237 : i32 to index
    %swap3A_1240 = arith.index_cast %swap3A_1238 : i32 to index
    %swap3A_1241 = arith.constant 32 : index
    %swap3A_1242 = tpu.vector_load %arg9[%swap3A_1239, %swap3A_1240, %swap3A_1241] {strides = array<i32>} : memref<2x8x64xf32, #tpu.memory_space<vmem>>, vector<16xf32>,
    tpu.vector_store %arg9[%swap3A_1239, %swap3A_1240, %swap3A_1241], %add3A_1236 {strides = array<i32>} : memref<2x8x64xf32, #tpu.memory_space<vmem>>, vector<16xf32>,
    %add3A_1243 = arith.constant 48 : i32
    %add3A_1244 = vector.broadcast %add3A_1243 : i32 to vector<16xi32>
    %add3A_1245 = arith.addi %iota3A, %add3A_1244 : vector<16xi32>
    %gather3A_1246 = tpu.vector_load_idx %arg7[%broadcast_in_dim3A_1197, %add3A_1245, %broadcast_in_dim3A_1195] : memref<8x64x128xf32, #tpu.memory_space<vmem>>[vector<16xi32>, vector<16xi32>, vector<16xi32>], vector<16xf32>,
    %get3A_1247 = arith.constant 250 : i32
    %get3A_1248 = arith.index_cast %get3A_1247 : i32 to index
    %get3A_1249 = arith.constant 48 : index
    %get3A_1250 = tpu.vector_load %arg8[%get3A_1248, %get3A_1249] {strides = array<i32>} : memref<256x64xf32, #tpu.memory_space<vmem>>, vector<16xf32>,
    %add3A_1251 = arith.addf %gather3A_1246, %get3A_1250 : vector<16xf32>
    %swap3A_1252 = arith.constant 1 : i32
    %swap3A_1253 = arith.constant 2 : i32
    %swap3A_1254 = arith.index_cast %swap3A_1252 : i32 to index
    %swap3A_1255 = arith.index_cast %swap3A_1253 : i32 to index
    %swap3A_1256 = arith.constant 48 : index
    %swap3A_1257 = tpu.vector_load %arg9[%swap3A_1254, %swap3A_1255, %swap3A_1256] {strides = array<i32>} : memref<2x8x64xf32, #tpu.memory_space<vmem>>, vector<16xf32>,
    tpu.vector_store %arg9[%swap3A_1254, %swap3A_1255, %swap3A_1256], %add3A_1251 {strides = array<i32>} : memref<2x8x64xf32, #tpu.memory_space<vmem>>, vector<16xf32>,
    %slice3A_1258 = vector.extract_strided_slice %get3A_996 {offsets = [3], sizes = [1], strides = [1]} : vector<16xi32> to vector<1xi32>
    %squeeze3A_1259 = vector.extract %slice3A_1258[0] : i32 from vector<1xi32>
    %and3A_1260 = arith.constant 127 : i32
    %and3A_1261 = arith.andi %squeeze3A_1259, %and3A_1260 : i32
    %dma_wait3A_1262 = arith.constant 3 : i32
    %dma_wait3A_1263 = arith.constant 0 : i32
    %dma_wait3A_1264 = arith.constant 0 : i32
    %dma_wait3A_1265 = tpu.memref_slice %arg7[%dma_wait3A_1262, %dma_wait3A_1263, %dma_wait3A_1264] : memref<8x64x128xf32, #tpu.memory_space<vmem>> -> memref<1x64x128xf32, #tpu.memory_space<vmem>>
    %dma_wait3A_1266 = tpu.memref_squeeze %dma_wait3A_1265 : memref<1x64x128xf32, #tpu.memory_space<vmem>> -> memref<64x128xf32, #tpu.memory_space<vmem>>
    %dma_wait3A_1267 = arith.constant 0 : i32
    %dma_wait3A_1268 = arith.constant 0 : i32
    %dma_wait3A_1269 = tpu.memref_slice %arg3[%dma_wait3A_1267, %dma_wait3A_1268] : memref<64x1000000xf32, #tpu.memory_space<hbm>> -> memref<64x128xf32, #tpu.memory_space<hbm>>
    %dma_wait3A_1270 = arith.constant 0 : i32
    %dma_wait3A_1271 = arith.constant 0 : i32
    %dma_wait3A_1272 = tpu.memref_slice %arg7[%dma_wait3A_1262, %dma_wait3A_1270, %dma_wait3A_1271] : memref<8x64x128xf32, #tpu.memory_space<vmem>> -> memref<1x64x128xf32, #tpu.memory_space<vmem>>
    %dma_wait3A_1273 = tpu.memref_squeeze %dma_wait3A_1272 : memref<1x64x128xf32, #tpu.memory_space<vmem>> -> memref<64x128xf32, #tpu.memory_space<vmem>>
    %dma_wait3A_1274 = arith.constant 0 : i32
    %dma_wait3A_1275 = arith.constant 0 : i32
    %dma_wait3A_1276 = tpu.memref_slice %arg3[%dma_wait3A_1274, %dma_wait3A_1275] : memref<64x1000000xf32, #tpu.memory_space<hbm>> -> memref<64x128xf32, #tpu.memory_space<hbm>>
    tpu.wait_dma2 semaphore(%arg13 : memref<!tpu.dma_semaphore, #tpu.memory_space<semaphore_mem>>) src(%dma_wait3A_1276 : memref<64x128xf32, #tpu.memory_space<hbm>>) dst(%dma_wait3A_1273 : memref<64x128xf32, #tpu.memory_space<vmem>>)
    %broadcast_in_dim3A_1277 = vector.broadcast %and3A_1261 : i32 to vector<16xi32>
    %broadcast_in_dim3A_1278 = arith.constant 3 : i32
    %broadcast_in_dim3A_1279 = vector.broadcast %broadcast_in_dim3A_1278 : i32 to vector<16xi32>
    %add3A_1280 = arith.constant 0 : i32
    %add3A_1281 = vector.broadcast %add3A_1280 : i32 to vector<16xi32>
    %add3A_1282 = arith.addi %iota3A, %add3A_1281 : vector<16xi32>
    %gather3A_1283 = tpu.vector_load_idx %arg7[%broadcast_in_dim3A_1279, %add3A_1282, %broadcast_in_dim3A_1277] : memref<8x64x128xf32, #tpu.memory_space<vmem>>[vector<16xi32>, vector<16xi32>, vector<16xi32>], vector<16xf32>,
    %get3A_1284 = arith.constant 251 : i32
    %get3A_1285 = arith.index_cast %get3A_1284 : i32 to index
    %get3A_1286 = arith.constant 0 : index
    %get3A_1287 = tpu.vector_load %arg8[%get3A_1285, %get3A_1286] {strides = array<i32>} : memref<256x64xf32, #tpu.memory_space<vmem>>, vector<16xf32>,
    %add3A_1288 = arith.addf %gather3A_1283, %get3A_1287 : vector<16xf32>
    %swap3A_1289 = arith.constant 1 : i32
    %swap3A_1290 = arith.constant 3 : i32
    %swap3A_1291 = arith.index_cast %swap3A_1289 : i32 to index
    %swap3A_1292 = arith.index_cast %swap3A_1290 : i32 to index
    %swap3A_1293 = arith.constant 0 : index
    %swap3A_1294 = tpu.vector_load %arg9[%swap3A_1291, %swap3A_1292, %swap3A_1293] {strides = array<i32>} : memref<2x8x64xf32, #tpu.memory_space<vmem>>, vector<16xf32>,
    tpu.vector_store %arg9[%swap3A_1291, %swap3A_1292, %swap3A_1293], %add3A_1288 {strides = array<i32>} : memref<2x8x64xf32, #tpu.memory_space<vmem>>, vector<16xf32>,
    %add3A_1295 = arith.constant 16 : i32
    %add3A_1296 = vector.broadcast %add3A_1295 : i32 to vector<16xi32>
    %add3A_1297 = arith.addi %iota3A, %add3A_1296 : vector<16xi32>
    %gather3A_1298 = tpu.vector_load_idx %arg7[%broadcast_in_dim3A_1279, %add3A_1297, %broadcast_in_dim3A_1277] : memref<8x64x128xf32, #tpu.memory_space<vmem>>[vector<16xi32>, vector<16xi32>, vector<16xi32>], vector<16xf32>,
    %get3A_1299 = arith.constant 251 : i32
    %get3A_1300 = arith.index_cast %get3A_1299 : i32 to index
    %get3A_1301 = arith.constant 16 : index
    %get3A_1302 = tpu.vector_load %arg8[%get3A_1300, %get3A_1301] {strides = array<i32>} : memref<256x64xf32, #tpu.memory_space<vmem>>, vector<16xf32>,
    %add3A_1303 = arith.addf %gather3A_1298, %get3A_1302 : vector<16xf32>
    %swap3A_1304 = arith.constant 1 : i32
    %swap3A_1305 = arith.constant 3 : i32
    %swap3A_1306 = arith.index_cast %swap3A_1304 : i32 to index
    %swap3A_1307 = arith.index_cast %swap3A_1305 : i32 to index
    %swap3A_1308 = arith.constant 16 : index
    %swap3A_1309 = tpu.vector_load %arg9[%swap3A_1306, %swap3A_1307, %swap3A_1308] {strides = array<i32>} : memref<2x8x64xf32, #tpu.memory_space<vmem>>, vector<16xf32>,
    tpu.vector_store %arg9[%swap3A_1306, %swap3A_1307, %swap3A_1308], %add3A_1303 {strides = array<i32>} : memref<2x8x64xf32, #tpu.memory_space<vmem>>, vector<16xf32>,
    %add3A_1310 = arith.constant 32 : i32
    %add3A_1311 = vector.broadcast %add3A_1310 : i32 to vector<16xi32>
    %add3A_1312 = arith.addi %iota3A, %add3A_1311 : vector<16xi32>
    %gather3A_1313 = tpu.vector_load_idx %arg7[%broadcast_in_dim3A_1279, %add3A_1312, %broadcast_in_dim3A_1277] : memref<8x64x128xf32, #tpu.memory_space<vmem>>[vector<16xi32>, vector<16xi32>, vector<16xi32>], vector<16xf32>,
    %get3A_1314 = arith.constant 251 : i32
    %get3A_1315 = arith.index_cast %get3A_1314 : i32 to index
    %get3A_1316 = arith.constant 32 : index
    %get3A_1317 = tpu.vector_load %arg8[%get3A_1315, %get3A_1316] {strides = array<i32>} : memref<256x64xf32, #tpu.memory_space<vmem>>, vector<16xf32>,
    %add3A_1318 = arith.addf %gather3A_1313, %get3A_1317 : vector<16xf32>
    %swap3A_1319 = arith.constant 1 : i32
    %swap3A_1320 = arith.constant 3 : i32
    %swap3A_1321 = arith.index_cast %swap3A_1319 : i32 to index
    %swap3A_1322 = arith.index_cast %swap3A_1320 : i32 to index
    %swap3A_1323 = arith.constant 32 : index
    %swap3A_1324 = tpu.vector_load %arg9[%swap3A_1321, %swap3A_1322, %swap3A_1323] {strides = array<i32>} : memref<2x8x64xf32, #tpu.memory_space<vmem>>, vector<16xf32>,
    tpu.vector_store %arg9[%swap3A_1321, %swap3A_1322, %swap3A_1323], %add3A_1318 {strides = array<i32>} : memref<2x8x64xf32, #tpu.memory_space<vmem>>, vector<16xf32>,
    %add3A_1325 = arith.constant 48 : i32
    %add3A_1326 = vector.broadcast %add3A_1325 : i32 to vector<16xi32>
    %add3A_1327 = arith.addi %iota3A, %add3A_1326 : vector<16xi32>
    %gather3A_1328 = tpu.vector_load_idx %arg7[%broadcast_in_dim3A_1279, %add3A_1327, %broadcast_in_dim3A_1277] : memref<8x64x128xf32, #tpu.memory_space<vmem>>[vector<16xi32>, vector<16xi32>, vector<16xi32>], vector<16xf32>,
    %get3A_1329 = arith.constant 251 : i32
    %get3A_1330 = arith.index_cast %get3A_1329 : i32 to index
    %get3A_1331 = arith.constant 48 : index
    %get3A_1332 = tpu.vector_load %arg8[%get3A_1330, %get3A_1331] {strides = array<i32>} : memref<256x64xf32, #tpu.memory_space<vmem>>, vector<16xf32>,
    %add3A_1333 = arith.addf %gather3A_1328, %get3A_1332 : vector<16xf32>
    %swap3A_1334 = arith.constant 1 : i32
    %swap3A_1335 = arith.constant 3 : i32
    %swap3A_1336 = arith.index_cast %swap3A_1334 : i32 to index
    %swap3A_1337 = arith.index_cast %swap3A_1335 : i32 to index
    %swap3A_1338 = arith.constant 48 : index
    %swap3A_1339 = tpu.vector_load %arg9[%swap3A_1336, %swap3A_1337, %swap3A_1338] {strides = array<i32>} : memref<2x8x64xf32, #tpu.memory_space<vmem>>, vector<16xf32>,
    tpu.vector_store %arg9[%swap3A_1336, %swap3A_1337, %swap3A_1338], %add3A_1333 {strides = array<i32>} : memref<2x8x64xf32, #tpu.memory_space<vmem>>, vector<16xf32>,
    %slice3A_1340 = vector.extract_strided_slice %get3A_996 {offsets = [4], sizes = [1], strides = [1]} : vector<16xi32> to vector<1xi32>
    %squeeze3A_1341 = vector.extract %slice3A_1340[0] : i32 from vector<1xi32>
    %and3A_1342 = arith.constant 127 : i32
    %and3A_1343 = arith.andi %squeeze3A_1341, %and3A_1342 : i32
    %dma_wait3A_1344 = arith.constant 4 : i32
    %dma_wait3A_1345 = arith.constant 0 : i32
    %dma_wait3A_1346 = arith.constant 0 : i32
    %dma_wait3A_1347 = tpu.memref_slice %arg7[%dma_wait3A_1344, %dma_wait3A_1345, %dma_wait3A_1346] : memref<8x64x128xf32, #tpu.memory_space<vmem>> -> memref<1x64x128xf32, #tpu.memory_space<vmem>>
    %dma_wait3A_1348 = tpu.memref_squeeze %dma_wait3A_1347 : memref<1x64x128xf32, #tpu.memory_space<vmem>> -> memref<64x128xf32, #tpu.memory_space<vmem>>
    %dma_wait3A_1349 = arith.constant 0 : i32
    %dma_wait3A_1350 = arith.constant 0 : i32
    %dma_wait3A_1351 = tpu.memref_slice %arg3[%dma_wait3A_1349, %dma_wait3A_1350] : memref<64x1000000xf32, #tpu.memory_space<hbm>> -> memref<64x128xf32, #tpu.memory_space<hbm>>
    %dma_wait3A_1352 = arith.constant 0 : i32
    %dma_wait3A_1353 = arith.constant 0 : i32
    %dma_wait3A_1354 = tpu.memref_slice %arg7[%dma_wait3A_1344, %dma_wait3A_1352, %dma_wait3A_1353] : memref<8x64x128xf32, #tpu.memory_space<vmem>> -> memref<1x64x128xf32, #tpu.memory_space<vmem>>
    %dma_wait3A_1355 = tpu.memref_squeeze %dma_wait3A_1354 : memref<1x64x128xf32, #tpu.memory_space<vmem>> -> memref<64x128xf32, #tpu.memory_space<vmem>>
    %dma_wait3A_1356 = arith.constant 0 : i32
    %dma_wait3A_1357 = arith.constant 0 : i32
    %dma_wait3A_1358 = tpu.memref_slice %arg3[%dma_wait3A_1356, %dma_wait3A_1357] : memref<64x1000000xf32, #tpu.memory_space<hbm>> -> memref<64x128xf32, #tpu.memory_space<hbm>>
    tpu.wait_dma2 semaphore(%arg14 : memref<!tpu.dma_semaphore, #tpu.memory_space<semaphore_mem>>) src(%dma_wait3A_1358 : memref<64x128xf32, #tpu.memory_space<hbm>>) dst(%dma_wait3A_1355 : memref<64x128xf32, #tpu.memory_space<vmem>>)
    %broadcast_in_dim3A_1359 = vector.broadcast %and3A_1343 : i32 to vector<16xi32>
    %broadcast_in_dim3A_1360 = arith.constant 4 : i32
    %broadcast_in_dim3A_1361 = vector.broadcast %broadcast_in_dim3A_1360 : i32 to vector<16xi32>
    %add3A_1362 = arith.constant 0 : i32
    %add3A_1363 = vector.broadcast %add3A_1362 : i32 to vector<16xi32>
    %add3A_1364 = arith.addi %iota3A, %add3A_1363 : vector<16xi32>
    %gather3A_1365 = tpu.vector_load_idx %arg7[%broadcast_in_dim3A_1361, %add3A_1364, %broadcast_in_dim3A_1359] : memref<8x64x128xf32, #tpu.memory_space<vmem>>[vector<16xi32>, vector<16xi32>, vector<16xi32>], vector<16xf32>,
    %get3A_1366 = arith.constant 252 : i32
    %get3A_1367 = arith.index_cast %get3A_1366 : i32 to index
    %get3A_1368 = arith.constant 0 : index
    %get3A_1369 = tpu.vector_load %arg8[%get3A_1367, %get3A_1368] {strides = array<i32>} : memref<256x64xf32, #tpu.memory_space<vmem>>, vector<16xf32>,
    %add3A_1370 = arith.addf %gather3A_1365, %get3A_1369 : vector<16xf32>
    %swap3A_1371 = arith.constant 1 : i32
    %swap3A_1372 = arith.constant 4 : i32
    %swap3A_1373 = arith.index_cast %swap3A_1371 : i32 to index
    %swap3A_1374 = arith.index_cast %swap3A_1372 : i32 to index
    %swap3A_1375 = arith.constant 0 : index
    %swap3A_1376 = tpu.vector_load %arg9[%swap3A_1373, %swap3A_1374, %swap3A_1375] {strides = array<i32>} : memref<2x8x64xf32, #tpu.memory_space<vmem>>, vector<16xf32>,
    tpu.vector_store %arg9[%swap3A_1373, %swap3A_1374, %swap3A_1375], %add3A_1370 {strides = array<i32>} : memref<2x8x64xf32, #tpu.memory_space<vmem>>, vector<16xf32>,
    %add3A_1377 = arith.constant 16 : i32
    %add3A_1378 = vector.broadcast %add3A_1377 : i32 to vector<16xi32>
    %add3A_1379 = arith.addi %iota3A, %add3A_1378 : vector<16xi32>
    %gather3A_1380 = tpu.vector_load_idx %arg7[%broadcast_in_dim3A_1361, %add3A_1379, %broadcast_in_dim3A_1359] : memref<8x64x128xf32, #tpu.memory_space<vmem>>[vector<16xi32>, vector<16xi32>, vector<16xi32>], vector<16xf32>,
    %get3A_1381 = arith.constant 252 : i32
    %get3A_1382 = arith.index_cast %get3A_1381 : i32 to index
    %get3A_1383 = arith.constant 16 : index
    %get3A_1384 = tpu.vector_load %arg8[%get3A_1382, %get3A_1383] {strides = array<i32>} : memref<256x64xf32, #tpu.memory_space<vmem>>, vector<16xf32>,
    %add3A_1385 = arith.addf %gather3A_1380, %get3A_1384 : vector<16xf32>
    %swap3A_1386 = arith.constant 1 : i32
    %swap3A_1387 = arith.constant 4 : i32
    %swap3A_1388 = arith.index_cast %swap3A_1386 : i32 to index
    %swap3A_1389 = arith.index_cast %swap3A_1387 : i32 to index
    %swap3A_1390 = arith.constant 16 : index
    %swap3A_1391 = tpu.vector_load %arg9[%swap3A_1388, %swap3A_1389, %swap3A_1390] {strides = array<i32>} : memref<2x8x64xf32, #tpu.memory_space<vmem>>, vector<16xf32>,
    tpu.vector_store %arg9[%swap3A_1388, %swap3A_1389, %swap3A_1390], %add3A_1385 {strides = array<i32>} : memref<2x8x64xf32, #tpu.memory_space<vmem>>, vector<16xf32>,
    %add3A_1392 = arith.constant 32 : i32
    %add3A_1393 = vector.broadcast %add3A_1392 : i32 to vector<16xi32>
    %add3A_1394 = arith.addi %iota3A, %add3A_1393 : vector<16xi32>
    %gather3A_1395 = tpu.vector_load_idx %arg7[%broadcast_in_dim3A_1361, %add3A_1394, %broadcast_in_dim3A_1359] : memref<8x64x128xf32, #tpu.memory_space<vmem>>[vector<16xi32>, vector<16xi32>, vector<16xi32>], vector<16xf32>,
    %get3A_1396 = arith.constant 252 : i32
    %get3A_1397 = arith.index_cast %get3A_1396 : i32 to index
    %get3A_1398 = arith.constant 32 : index
    %get3A_1399 = tpu.vector_load %arg8[%get3A_1397, %get3A_1398] {strides = array<i32>} : memref<256x64xf32, #tpu.memory_space<vmem>>, vector<16xf32>,
    %add3A_1400 = arith.addf %gather3A_1395, %get3A_1399 : vector<16xf32>
    %swap3A_1401 = arith.constant 1 : i32
    %swap3A_1402 = arith.constant 4 : i32
    %swap3A_1403 = arith.index_cast %swap3A_1401 : i32 to index
    %swap3A_1404 = arith.index_cast %swap3A_1402 : i32 to index
    %swap3A_1405 = arith.constant 32 : index
    %swap3A_1406 = tpu.vector_load %arg9[%swap3A_1403, %swap3A_1404, %swap3A_1405] {strides = array<i32>} : memref<2x8x64xf32, #tpu.memory_space<vmem>>, vector<16xf32>,
    tpu.vector_store %arg9[%swap3A_1403, %swap3A_1404, %swap3A_1405], %add3A_1400 {strides = array<i32>} : memref<2x8x64xf32, #tpu.memory_space<vmem>>, vector<16xf32>,
    %add3A_1407 = arith.constant 48 : i32
    %add3A_1408 = vector.broadcast %add3A_1407 : i32 to vector<16xi32>
    %add3A_1409 = arith.addi %iota3A, %add3A_1408 : vector<16xi32>
    %gather3A_1410 = tpu.vector_load_idx %arg7[%broadcast_in_dim3A_1361, %add3A_1409, %broadcast_in_dim3A_1359] : memref<8x64x128xf32, #tpu.memory_space<vmem>>[vector<16xi32>, vector<16xi32>, vector<16xi32>], vector<16xf32>,
    %get3A_1411 = arith.constant 252 : i32
    %get3A_1412 = arith.index_cast %get3A_1411 : i32 to index
    %get3A_1413 = arith.constant 48 : index
    %get3A_1414 = tpu.vector_load %arg8[%get3A_1412, %get3A_1413] {strides = array<i32>} : memref<256x64xf32, #tpu.memory_space<vmem>>, vector<16xf32>,
    %add3A_1415 = arith.addf %gather3A_1410, %get3A_1414 : vector<16xf32>
    %swap3A_1416 = arith.constant 1 : i32
    %swap3A_1417 = arith.constant 4 : i32
    %swap3A_1418 = arith.index_cast %swap3A_1416 : i32 to index
    %swap3A_1419 = arith.index_cast %swap3A_1417 : i32 to index
    %swap3A_1420 = arith.constant 48 : index
    %swap3A_1421 = tpu.vector_load %arg9[%swap3A_1418, %swap3A_1419, %swap3A_1420] {strides = array<i32>} : memref<2x8x64xf32, #tpu.memory_space<vmem>>, vector<16xf32>,
    tpu.vector_store %arg9[%swap3A_1418, %swap3A_1419, %swap3A_1420], %add3A_1415 {strides = array<i32>} : memref<2x8x64xf32, #tpu.memory_space<vmem>>, vector<16xf32>,
    %slice3A_1422 = vector.extract_strided_slice %get3A_996 {offsets = [5], sizes = [1], strides = [1]} : vector<16xi32> to vector<1xi32>
    %squeeze3A_1423 = vector.extract %slice3A_1422[0] : i32 from vector<1xi32>
    %and3A_1424 = arith.constant 127 : i32
    %and3A_1425 = arith.andi %squeeze3A_1423, %and3A_1424 : i32
    %dma_wait3A_1426 = arith.constant 5 : i32
    %dma_wait3A_1427 = arith.constant 0 : i32
    %dma_wait3A_1428 = arith.constant 0 : i32
    %dma_wait3A_1429 = tpu.memref_slice %arg7[%dma_wait3A_1426, %dma_wait3A_1427, %dma_wait3A_1428] : memref<8x64x128xf32, #tpu.memory_space<vmem>> -> memref<1x64x128xf32, #tpu.memory_space<vmem>>
    %dma_wait3A_1430 = tpu.memref_squeeze %dma_wait3A_1429 : memref<1x64x128xf32, #tpu.memory_space<vmem>> -> memref<64x128xf32, #tpu.memory_space<vmem>>
    %dma_wait3A_1431 = arith.constant 0 : i32
    %dma_wait3A_1432 = arith.constant 0 : i32
    %dma_wait3A_1433 = tpu.memref_slice %arg3[%dma_wait3A_1431, %dma_wait3A_1432] : memref<64x1000000xf32, #tpu.memory_space<hbm>> -> memref<64x128xf32, #tpu.memory_space<hbm>>
    %dma_wait3A_1434 = arith.constant 0 : i32
    %dma_wait3A_1435 = arith.constant 0 : i32
    %dma_wait3A_1436 = tpu.memref_slice %arg7[%dma_wait3A_1426, %dma_wait3A_1434, %dma_wait3A_1435] : memref<8x64x128xf32, #tpu.memory_space<vmem>> -> memref<1x64x128xf32, #tpu.memory_space<vmem>>
    %dma_wait3A_1437 = tpu.memref_squeeze %dma_wait3A_1436 : memref<1x64x128xf32, #tpu.memory_space<vmem>> -> memref<64x128xf32, #tpu.memory_space<vmem>>
    %dma_wait3A_1438 = arith.constant 0 : i32
    %dma_wait3A_1439 = arith.constant 0 : i32
    %dma_wait3A_1440 = tpu.memref_slice %arg3[%dma_wait3A_1438, %dma_wait3A_1439] : memref<64x1000000xf32, #tpu.memory_space<hbm>> -> memref<64x128xf32, #tpu.memory_space<hbm>>
    tpu.wait_dma2 semaphore(%arg15 : memref<!tpu.dma_semaphore, #tpu.memory_space<semaphore_mem>>) src(%dma_wait3A_1440 : memref<64x128xf32, #tpu.memory_space<hbm>>) dst(%dma_wait3A_1437 : memref<64x128xf32, #tpu.memory_space<vmem>>)
    %broadcast_in_dim3A_1441 = vector.broadcast %and3A_1425 : i32 to vector<16xi32>
    %broadcast_in_dim3A_1442 = arith.constant 5 : i32
    %broadcast_in_dim3A_1443 = vector.broadcast %broadcast_in_dim3A_1442 : i32 to vector<16xi32>
    %add3A_1444 = arith.constant 0 : i32
    %add3A_1445 = vector.broadcast %add3A_1444 : i32 to vector<16xi32>
    %add3A_1446 = arith.addi %iota3A, %add3A_1445 : vector<16xi32>
    %gather3A_1447 = tpu.vector_load_idx %arg7[%broadcast_in_dim3A_1443, %add3A_1446, %broadcast_in_dim3A_1441] : memref<8x64x128xf32, #tpu.memory_space<vmem>>[vector<16xi32>, vector<16xi32>, vector<16xi32>], vector<16xf32>,
    %get3A_1448 = arith.constant 253 : i32
    %get3A_1449 = arith.index_cast %get3A_1448 : i32 to index
    %get3A_1450 = arith.constant 0 : index
    %get3A_1451 = tpu.vector_load %arg8[%get3A_1449, %get3A_1450] {strides = array<i32>} : memref<256x64xf32, #tpu.memory_space<vmem>>, vector<16xf32>,
    %add3A_1452 = arith.addf %gather3A_1447, %get3A_1451 : vector<16xf32>
    %swap3A_1453 = arith.constant 1 : i32
    %swap3A_1454 = arith.constant 5 : i32
    %swap3A_1455 = arith.index_cast %swap3A_1453 : i32 to index
    %swap3A_1456 = arith.index_cast %swap3A_1454 : i32 to index
    %swap3A_1457 = arith.constant 0 : index
    %swap3A_1458 = tpu.vector_load %arg9[%swap3A_1455, %swap3A_1456, %swap3A_1457] {strides = array<i32>} : memref<2x8x64xf32, #tpu.memory_space<vmem>>, vector<16xf32>,
    tpu.vector_store %arg9[%swap3A_1455, %swap3A_1456, %swap3A_1457], %add3A_1452 {strides = array<i32>} : memref<2x8x64xf32, #tpu.memory_space<vmem>>, vector<16xf32>,
    %add3A_1459 = arith.constant 16 : i32
    %add3A_1460 = vector.broadcast %add3A_1459 : i32 to vector<16xi32>
    %add3A_1461 = arith.addi %iota3A, %add3A_1460 : vector<16xi32>
    %gather3A_1462 = tpu.vector_load_idx %arg7[%broadcast_in_dim3A_1443, %add3A_1461, %broadcast_in_dim3A_1441] : memref<8x64x128xf32, #tpu.memory_space<vmem>>[vector<16xi32>, vector<16xi32>, vector<16xi32>], vector<16xf32>,
    %get3A_1463 = arith.constant 253 : i32
    %get3A_1464 = arith.index_cast %get3A_1463 : i32 to index
    %get3A_1465 = arith.constant 16 : index
    %get3A_1466 = tpu.vector_load %arg8[%get3A_1464, %get3A_1465] {strides = array<i32>} : memref<256x64xf32, #tpu.memory_space<vmem>>, vector<16xf32>,
    %add3A_1467 = arith.addf %gather3A_1462, %get3A_1466 : vector<16xf32>
    %swap3A_1468 = arith.constant 1 : i32
    %swap3A_1469 = arith.constant 5 : i32
    %swap3A_1470 = arith.index_cast %swap3A_1468 : i32 to index
    %swap3A_1471 = arith.index_cast %swap3A_1469 : i32 to index
    %swap3A_1472 = arith.constant 16 : index
    %swap3A_1473 = tpu.vector_load %arg9[%swap3A_1470, %swap3A_1471, %swap3A_1472] {strides = array<i32>} : memref<2x8x64xf32, #tpu.memory_space<vmem>>, vector<16xf32>,
    tpu.vector_store %arg9[%swap3A_1470, %swap3A_1471, %swap3A_1472], %add3A_1467 {strides = array<i32>} : memref<2x8x64xf32, #tpu.memory_space<vmem>>, vector<16xf32>,
    %add3A_1474 = arith.constant 32 : i32
    %add3A_1475 = vector.broadcast %add3A_1474 : i32 to vector<16xi32>
    %add3A_1476 = arith.addi %iota3A, %add3A_1475 : vector<16xi32>
    %gather3A_1477 = tpu.vector_load_idx %arg7[%broadcast_in_dim3A_1443, %add3A_1476, %broadcast_in_dim3A_1441] : memref<8x64x128xf32, #tpu.memory_space<vmem>>[vector<16xi32>, vector<16xi32>, vector<16xi32>], vector<16xf32>,
    %get3A_1478 = arith.constant 253 : i32
    %get3A_1479 = arith.index_cast %get3A_1478 : i32 to index
    %get3A_1480 = arith.constant 32 : index
    %get3A_1481 = tpu.vector_load %arg8[%get3A_1479, %get3A_1480] {strides = array<i32>} : memref<256x64xf32, #tpu.memory_space<vmem>>, vector<16xf32>,
    %add3A_1482 = arith.addf %gather3A_1477, %get3A_1481 : vector<16xf32>
    %swap3A_1483 = arith.constant 1 : i32
    %swap3A_1484 = arith.constant 5 : i32
    %swap3A_1485 = arith.index_cast %swap3A_1483 : i32 to index
    %swap3A_1486 = arith.index_cast %swap3A_1484 : i32 to index
    %swap3A_1487 = arith.constant 32 : index
    %swap3A_1488 = tpu.vector_load %arg9[%swap3A_1485, %swap3A_1486, %swap3A_1487] {strides = array<i32>} : memref<2x8x64xf32, #tpu.memory_space<vmem>>, vector<16xf32>,
    tpu.vector_store %arg9[%swap3A_1485, %swap3A_1486, %swap3A_1487], %add3A_1482 {strides = array<i32>} : memref<2x8x64xf32, #tpu.memory_space<vmem>>, vector<16xf32>,
    %add3A_1489 = arith.constant 48 : i32
    %add3A_1490 = vector.broadcast %add3A_1489 : i32 to vector<16xi32>
    %add3A_1491 = arith.addi %iota3A, %add3A_1490 : vector<16xi32>
    %gather3A_1492 = tpu.vector_load_idx %arg7[%broadcast_in_dim3A_1443, %add3A_1491, %broadcast_in_dim3A_1441] : memref<8x64x128xf32, #tpu.memory_space<vmem>>[vector<16xi32>, vector<16xi32>, vector<16xi32>], vector<16xf32>,
    %get3A_1493 = arith.constant 253 : i32
    %get3A_1494 = arith.index_cast %get3A_1493 : i32 to index
    %get3A_1495 = arith.constant 48 : index
    %get3A_1496 = tpu.vector_load %arg8[%get3A_1494, %get3A_1495] {strides = array<i32>} : memref<256x64xf32, #tpu.memory_space<vmem>>, vector<16xf32>,
    %add3A_1497 = arith.addf %gather3A_1492, %get3A_1496 : vector<16xf32>
    %swap3A_1498 = arith.constant 1 : i32
    %swap3A_1499 = arith.constant 5 : i32
    %swap3A_1500 = arith.index_cast %swap3A_1498 : i32 to index
    %swap3A_1501 = arith.index_cast %swap3A_1499 : i32 to index
    %swap3A_1502 = arith.constant 48 : index
    %swap3A_1503 = tpu.vector_load %arg9[%swap3A_1500, %swap3A_1501, %swap3A_1502] {strides = array<i32>} : memref<2x8x64xf32, #tpu.memory_space<vmem>>, vector<16xf32>,
    tpu.vector_store %arg9[%swap3A_1500, %swap3A_1501, %swap3A_1502], %add3A_1497 {strides = array<i32>} : memref<2x8x64xf32, #tpu.memory_space<vmem>>, vector<16xf32>,
    %slice3A_1504 = vector.extract_strided_slice %get3A_996 {offsets = [6], sizes = [1], strides = [1]} : vector<16xi32> to vector<1xi32>
    %squeeze3A_1505 = vector.extract %slice3A_1504[0] : i32 from vector<1xi32>
    %and3A_1506 = arith.constant 127 : i32
    %and3A_1507 = arith.andi %squeeze3A_1505, %and3A_1506 : i32
    %dma_wait3A_1508 = arith.constant 6 : i32
    %dma_wait3A_1509 = arith.constant 0 : i32
    %dma_wait3A_1510 = arith.constant 0 : i32
    %dma_wait3A_1511 = tpu.memref_slice %arg7[%dma_wait3A_1508, %dma_wait3A_1509, %dma_wait3A_1510] : memref<8x64x128xf32, #tpu.memory_space<vmem>> -> memref<1x64x128xf32, #tpu.memory_space<vmem>>
    %dma_wait3A_1512 = tpu.memref_squeeze %dma_wait3A_1511 : memref<1x64x128xf32, #tpu.memory_space<vmem>> -> memref<64x128xf32, #tpu.memory_space<vmem>>
    %dma_wait3A_1513 = arith.constant 0 : i32
    %dma_wait3A_1514 = arith.constant 0 : i32
    %dma_wait3A_1515 = tpu.memref_slice %arg3[%dma_wait3A_1513, %dma_wait3A_1514] : memref<64x1000000xf32, #tpu.memory_space<hbm>> -> memref<64x128xf32, #tpu.memory_space<hbm>>
    %dma_wait3A_1516 = arith.constant 0 : i32
    %dma_wait3A_1517 = arith.constant 0 : i32
    %dma_wait3A_1518 = tpu.memref_slice %arg7[%dma_wait3A_1508, %dma_wait3A_1516, %dma_wait3A_1517] : memref<8x64x128xf32, #tpu.memory_space<vmem>> -> memref<1x64x128xf32, #tpu.memory_space<vmem>>
    %dma_wait3A_1519 = tpu.memref_squeeze %dma_wait3A_1518 : memref<1x64x128xf32, #tpu.memory_space<vmem>> -> memref<64x128xf32, #tpu.memory_space<vmem>>
    %dma_wait3A_1520 = arith.constant 0 : i32
    %dma_wait3A_1521 = arith.constant 0 : i32
    %dma_wait3A_1522 = tpu.memref_slice %arg3[%dma_wait3A_1520, %dma_wait3A_1521] : memref<64x1000000xf32, #tpu.memory_space<hbm>> -> memref<64x128xf32, #tpu.memory_space<hbm>>
    tpu.wait_dma2 semaphore(%arg16 : memref<!tpu.dma_semaphore, #tpu.memory_space<semaphore_mem>>) src(%dma_wait3A_1522 : memref<64x128xf32, #tpu.memory_space<hbm>>) dst(%dma_wait3A_1519 : memref<64x128xf32, #tpu.memory_space<vmem>>)
    %broadcast_in_dim3A_1523 = vector.broadcast %and3A_1507 : i32 to vector<16xi32>
    %broadcast_in_dim3A_1524 = arith.constant 6 : i32
    %broadcast_in_dim3A_1525 = vector.broadcast %broadcast_in_dim3A_1524 : i32 to vector<16xi32>
    %add3A_1526 = arith.constant 0 : i32
    %add3A_1527 = vector.broadcast %add3A_1526 : i32 to vector<16xi32>
    %add3A_1528 = arith.addi %iota3A, %add3A_1527 : vector<16xi32>
    %gather3A_1529 = tpu.vector_load_idx %arg7[%broadcast_in_dim3A_1525, %add3A_1528, %broadcast_in_dim3A_1523] : memref<8x64x128xf32, #tpu.memory_space<vmem>>[vector<16xi32>, vector<16xi32>, vector<16xi32>], vector<16xf32>,
    %get3A_1530 = arith.constant 254 : i32
    %get3A_1531 = arith.index_cast %get3A_1530 : i32 to index
    %get3A_1532 = arith.constant 0 : index
    %get3A_1533 = tpu.vector_load %arg8[%get3A_1531, %get3A_1532] {strides = array<i32>} : memref<256x64xf32, #tpu.memory_space<vmem>>, vector<16xf32>,
    %add3A_1534 = arith.addf %gather3A_1529, %get3A_1533 : vector<16xf32>
    %swap3A_1535 = arith.constant 1 : i32
    %swap3A_1536 = arith.constant 6 : i32
    %swap3A_1537 = arith.index_cast %swap3A_1535 : i32 to index
    %swap3A_1538 = arith.index_cast %swap3A_1536 : i32 to index
    %swap3A_1539 = arith.constant 0 : index
    %swap3A_1540 = tpu.vector_load %arg9[%swap3A_1537, %swap3A_1538, %swap3A_1539] {strides = array<i32>} : memref<2x8x64xf32, #tpu.memory_space<vmem>>, vector<16xf32>,
    tpu.vector_store %arg9[%swap3A_1537, %swap3A_1538, %swap3A_1539], %add3A_1534 {strides = array<i32>} : memref<2x8x64xf32, #tpu.memory_space<vmem>>, vector<16xf32>,
    %add3A_1541 = arith.constant 16 : i32
    %add3A_1542 = vector.broadcast %add3A_1541 : i32 to vector<16xi32>
    %add3A_1543 = arith.addi %iota3A, %add3A_1542 : vector<16xi32>
    %gather3A_1544 = tpu.vector_load_idx %arg7[%broadcast_in_dim3A_1525, %add3A_1543, %broadcast_in_dim3A_1523] : memref<8x64x128xf32, #tpu.memory_space<vmem>>[vector<16xi32>, vector<16xi32>, vector<16xi32>], vector<16xf32>,
    %get3A_1545 = arith.constant 254 : i32
    %get3A_1546 = arith.index_cast %get3A_1545 : i32 to index
    %get3A_1547 = arith.constant 16 : index
    %get3A_1548 = tpu.vector_load %arg8[%get3A_1546, %get3A_1547] {strides = array<i32>} : memref<256x64xf32, #tpu.memory_space<vmem>>, vector<16xf32>,
    %add3A_1549 = arith.addf %gather3A_1544, %get3A_1548 : vector<16xf32>
    %swap3A_1550 = arith.constant 1 : i32
    %swap3A_1551 = arith.constant 6 : i32
    %swap3A_1552 = arith.index_cast %swap3A_1550 : i32 to index
    %swap3A_1553 = arith.index_cast %swap3A_1551 : i32 to index
    %swap3A_1554 = arith.constant 16 : index
    %swap3A_1555 = tpu.vector_load %arg9[%swap3A_1552, %swap3A_1553, %swap3A_1554] {strides = array<i32>} : memref<2x8x64xf32, #tpu.memory_space<vmem>>, vector<16xf32>,
    tpu.vector_store %arg9[%swap3A_1552, %swap3A_1553, %swap3A_1554], %add3A_1549 {strides = array<i32>} : memref<2x8x64xf32, #tpu.memory_space<vmem>>, vector<16xf32>,
    %add3A_1556 = arith.constant 32 : i32
    %add3A_1557 = vector.broadcast %add3A_1556 : i32 to vector<16xi32>
    %add3A_1558 = arith.addi %iota3A, %add3A_1557 : vector<16xi32>
    %gather3A_1559 = tpu.vector_load_idx %arg7[%broadcast_in_dim3A_1525, %add3A_1558, %broadcast_in_dim3A_1523] : memref<8x64x128xf32, #tpu.memory_space<vmem>>[vector<16xi32>, vector<16xi32>, vector<16xi32>], vector<16xf32>,
    %get3A_1560 = arith.constant 254 : i32
    %get3A_1561 = arith.index_cast %get3A_1560 : i32 to index
    %get3A_1562 = arith.constant 32 : index
    %get3A_1563 = tpu.vector_load %arg8[%get3A_1561, %get3A_1562] {strides = array<i32>} : memref<256x64xf32, #tpu.memory_space<vmem>>, vector<16xf32>,
    %add3A_1564 = arith.addf %gather3A_1559, %get3A_1563 : vector<16xf32>
    %swap3A_1565 = arith.constant 1 : i32
    %swap3A_1566 = arith.constant 6 : i32
    %swap3A_1567 = arith.index_cast %swap3A_1565 : i32 to index
    %swap3A_1568 = arith.index_cast %swap3A_1566 : i32 to index
    %swap3A_1569 = arith.constant 32 : index
    %swap3A_1570 = tpu.vector_load %arg9[%swap3A_1567, %swap3A_1568, %swap3A_1569] {strides = array<i32>} : memref<2x8x64xf32, #tpu.memory_space<vmem>>, vector<16xf32>,
    tpu.vector_store %arg9[%swap3A_1567, %swap3A_1568, %swap3A_1569], %add3A_1564 {strides = array<i32>} : memref<2x8x64xf32, #tpu.memory_space<vmem>>, vector<16xf32>,
    %add3A_1571 = arith.constant 48 : i32
    %add3A_1572 = vector.broadcast %add3A_1571 : i32 to vector<16xi32>
    %add3A_1573 = arith.addi %iota3A, %add3A_1572 : vector<16xi32>
    %gather3A_1574 = tpu.vector_load_idx %arg7[%broadcast_in_dim3A_1525, %add3A_1573, %broadcast_in_dim3A_1523] : memref<8x64x128xf32, #tpu.memory_space<vmem>>[vector<16xi32>, vector<16xi32>, vector<16xi32>], vector<16xf32>,
    %get3A_1575 = arith.constant 254 : i32
    %get3A_1576 = arith.index_cast %get3A_1575 : i32 to index
    %get3A_1577 = arith.constant 48 : index
    %get3A_1578 = tpu.vector_load %arg8[%get3A_1576, %get3A_1577] {strides = array<i32>} : memref<256x64xf32, #tpu.memory_space<vmem>>, vector<16xf32>,
    %add3A_1579 = arith.addf %gather3A_1574, %get3A_1578 : vector<16xf32>
    %swap3A_1580 = arith.constant 1 : i32
    %swap3A_1581 = arith.constant 6 : i32
    %swap3A_1582 = arith.index_cast %swap3A_1580 : i32 to index
    %swap3A_1583 = arith.index_cast %swap3A_1581 : i32 to index
    %swap3A_1584 = arith.constant 48 : index
    %swap3A_1585 = tpu.vector_load %arg9[%swap3A_1582, %swap3A_1583, %swap3A_1584] {strides = array<i32>} : memref<2x8x64xf32, #tpu.memory_space<vmem>>, vector<16xf32>,
    tpu.vector_store %arg9[%swap3A_1582, %swap3A_1583, %swap3A_1584], %add3A_1579 {strides = array<i32>} : memref<2x8x64xf32, #tpu.memory_space<vmem>>, vector<16xf32>,
    %slice3A_1586 = vector.extract_strided_slice %get3A_996 {offsets = [7], sizes = [1], strides = [1]} : vector<16xi32> to vector<1xi32>
    %squeeze3A_1587 = vector.extract %slice3A_1586[0] : i32 from vector<1xi32>
    %and3A_1588 = arith.constant 127 : i32
    %and3A_1589 = arith.andi %squeeze3A_1587, %and3A_1588 : i32
    %dma_wait3A_1590 = arith.constant 7 : i32
    %dma_wait3A_1591 = arith.constant 0 : i32
    %dma_wait3A_1592 = arith.constant 0 : i32
    %dma_wait3A_1593 = tpu.memref_slice %arg7[%dma_wait3A_1590, %dma_wait3A_1591, %dma_wait3A_1592] : memref<8x64x128xf32, #tpu.memory_space<vmem>> -> memref<1x64x128xf32, #tpu.memory_space<vmem>>
    %dma_wait3A_1594 = tpu.memref_squeeze %dma_wait3A_1593 : memref<1x64x128xf32, #tpu.memory_space<vmem>> -> memref<64x128xf32, #tpu.memory_space<vmem>>
    %dma_wait3A_1595 = arith.constant 0 : i32
    %dma_wait3A_1596 = arith.constant 0 : i32
    %dma_wait3A_1597 = tpu.memref_slice %arg3[%dma_wait3A_1595, %dma_wait3A_1596] : memref<64x1000000xf32, #tpu.memory_space<hbm>> -> memref<64x128xf32, #tpu.memory_space<hbm>>
    %dma_wait3A_1598 = arith.constant 0 : i32
    %dma_wait3A_1599 = arith.constant 0 : i32
    %dma_wait3A_1600 = tpu.memref_slice %arg7[%dma_wait3A_1590, %dma_wait3A_1598, %dma_wait3A_1599] : memref<8x64x128xf32, #tpu.memory_space<vmem>> -> memref<1x64x128xf32, #tpu.memory_space<vmem>>
    %dma_wait3A_1601 = tpu.memref_squeeze %dma_wait3A_1600 : memref<1x64x128xf32, #tpu.memory_space<vmem>> -> memref<64x128xf32, #tpu.memory_space<vmem>>
    %dma_wait3A_1602 = arith.constant 0 : i32
    %dma_wait3A_1603 = arith.constant 0 : i32
    %dma_wait3A_1604 = tpu.memref_slice %arg3[%dma_wait3A_1602, %dma_wait3A_1603] : memref<64x1000000xf32, #tpu.memory_space<hbm>> -> memref<64x128xf32, #tpu.memory_space<hbm>>
    tpu.wait_dma2 semaphore(%arg17 : memref<!tpu.dma_semaphore, #tpu.memory_space<semaphore_mem>>) src(%dma_wait3A_1604 : memref<64x128xf32, #tpu.memory_space<hbm>>) dst(%dma_wait3A_1601 : memref<64x128xf32, #tpu.memory_space<vmem>>)
    %broadcast_in_dim3A_1605 = vector.broadcast %and3A_1589 : i32 to vector<16xi32>
    %broadcast_in_dim3A_1606 = arith.constant 7 : i32
    %broadcast_in_dim3A_1607 = vector.broadcast %broadcast_in_dim3A_1606 : i32 to vector<16xi32>
    %add3A_1608 = arith.constant 0 : i32
    %add3A_1609 = vector.broadcast %add3A_1608 : i32 to vector<16xi32>
    %add3A_1610 = arith.addi %iota3A, %add3A_1609 : vector<16xi32>
    %gather3A_1611 = tpu.vector_load_idx %arg7[%broadcast_in_dim3A_1607, %add3A_1610, %broadcast_in_dim3A_1605] : memref<8x64x128xf32, #tpu.memory_space<vmem>>[vector<16xi32>, vector<16xi32>, vector<16xi32>], vector<16xf32>,
    %get3A_1612 = arith.constant 255 : i32
    %get3A_1613 = arith.index_cast %get3A_1612 : i32 to index
    %get3A_1614 = arith.constant 0 : index
    %get3A_1615 = tpu.vector_load %arg8[%get3A_1613, %get3A_1614] {strides = array<i32>} : memref<256x64xf32, #tpu.memory_space<vmem>>, vector<16xf32>,
    %add3A_1616 = arith.addf %gather3A_1611, %get3A_1615 : vector<16xf32>
    %swap3A_1617 = arith.constant 1 : i32
    %swap3A_1618 = arith.constant 7 : i32
    %swap3A_1619 = arith.index_cast %swap3A_1617 : i32 to index
    %swap3A_1620 = arith.index_cast %swap3A_1618 : i32 to index
    %swap3A_1621 = arith.constant 0 : index
    %swap3A_1622 = tpu.vector_load %arg9[%swap3A_1619, %swap3A_1620, %swap3A_1621] {strides = array<i32>} : memref<2x8x64xf32, #tpu.memory_space<vmem>>, vector<16xf32>,
    tpu.vector_store %arg9[%swap3A_1619, %swap3A_1620, %swap3A_1621], %add3A_1616 {strides = array<i32>} : memref<2x8x64xf32, #tpu.memory_space<vmem>>, vector<16xf32>,
    %add3A_1623 = arith.constant 16 : i32
    %add3A_1624 = vector.broadcast %add3A_1623 : i32 to vector<16xi32>
    %add3A_1625 = arith.addi %iota3A, %add3A_1624 : vector<16xi32>
    %gather3A_1626 = tpu.vector_load_idx %arg7[%broadcast_in_dim3A_1607, %add3A_1625, %broadcast_in_dim3A_1605] : memref<8x64x128xf32, #tpu.memory_space<vmem>>[vector<16xi32>, vector<16xi32>, vector<16xi32>], vector<16xf32>,
    %get3A_1627 = arith.constant 255 : i32
    %get3A_1628 = arith.index_cast %get3A_1627 : i32 to index
    %get3A_1629 = arith.constant 16 : index
    %get3A_1630 = tpu.vector_load %arg8[%get3A_1628, %get3A_1629] {strides = array<i32>} : memref<256x64xf32, #tpu.memory_space<vmem>>, vector<16xf32>,
    %add3A_1631 = arith.addf %gather3A_1626, %get3A_1630 : vector<16xf32>
    %swap3A_1632 = arith.constant 1 : i32
    %swap3A_1633 = arith.constant 7 : i32
    %swap3A_1634 = arith.index_cast %swap3A_1632 : i32 to index
    %swap3A_1635 = arith.index_cast %swap3A_1633 : i32 to index
    %swap3A_1636 = arith.constant 16 : index
    %swap3A_1637 = tpu.vector_load %arg9[%swap3A_1634, %swap3A_1635, %swap3A_1636] {strides = array<i32>} : memref<2x8x64xf32, #tpu.memory_space<vmem>>, vector<16xf32>,
    tpu.vector_store %arg9[%swap3A_1634, %swap3A_1635, %swap3A_1636], %add3A_1631 {strides = array<i32>} : memref<2x8x64xf32, #tpu.memory_space<vmem>>, vector<16xf32>,
    %add3A_1638 = arith.constant 32 : i32
    %add3A_1639 = vector.broadcast %add3A_1638 : i32 to vector<16xi32>
    %add3A_1640 = arith.addi %iota3A, %add3A_1639 : vector<16xi32>
    %gather3A_1641 = tpu.vector_load_idx %arg7[%broadcast_in_dim3A_1607, %add3A_1640, %broadcast_in_dim3A_1605] : memref<8x64x128xf32, #tpu.memory_space<vmem>>[vector<16xi32>, vector<16xi32>, vector<16xi32>], vector<16xf32>,
    %get3A_1642 = arith.constant 255 : i32
    %get3A_1643 = arith.index_cast %get3A_1642 : i32 to index
    %get3A_1644 = arith.constant 32 : index
    %get3A_1645 = tpu.vector_load %arg8[%get3A_1643, %get3A_1644] {strides = array<i32>} : memref<256x64xf32, #tpu.memory_space<vmem>>, vector<16xf32>,
    %add3A_1646 = arith.addf %gather3A_1641, %get3A_1645 : vector<16xf32>
    %swap3A_1647 = arith.constant 1 : i32
    %swap3A_1648 = arith.constant 7 : i32
    %swap3A_1649 = arith.index_cast %swap3A_1647 : i32 to index
    %swap3A_1650 = arith.index_cast %swap3A_1648 : i32 to index
    %swap3A_1651 = arith.constant 32 : index
    %swap3A_1652 = tpu.vector_load %arg9[%swap3A_1649, %swap3A_1650, %swap3A_1651] {strides = array<i32>} : memref<2x8x64xf32, #tpu.memory_space<vmem>>, vector<16xf32>,
    tpu.vector_store %arg9[%swap3A_1649, %swap3A_1650, %swap3A_1651], %add3A_1646 {strides = array<i32>} : memref<2x8x64xf32, #tpu.memory_space<vmem>>, vector<16xf32>,
    %add3A_1653 = arith.constant 48 : i32
    %add3A_1654 = vector.broadcast %add3A_1653 : i32 to vector<16xi32>
    %add3A_1655 = arith.addi %iota3A, %add3A_1654 : vector<16xi32>
    %gather3A_1656 = tpu.vector_load_idx %arg7[%broadcast_in_dim3A_1607, %add3A_1655, %broadcast_in_dim3A_1605] : memref<8x64x128xf32, #tpu.memory_space<vmem>>[vector<16xi32>, vector<16xi32>, vector<16xi32>], vector<16xf32>,
    %get3A_1657 = arith.constant 255 : i32
    %get3A_1658 = arith.index_cast %get3A_1657 : i32 to index
    %get3A_1659 = arith.constant 48 : index
    %get3A_1660 = tpu.vector_load %arg8[%get3A_1658, %get3A_1659] {strides = array<i32>} : memref<256x64xf32, #tpu.memory_space<vmem>>, vector<16xf32>,
    %add3A_1661 = arith.addf %gather3A_1656, %get3A_1660 : vector<16xf32>
    %swap3A_1662 = arith.constant 1 : i32
    %swap3A_1663 = arith.constant 7 : i32
    %swap3A_1664 = arith.index_cast %swap3A_1662 : i32 to index
    %swap3A_1665 = arith.index_cast %swap3A_1663 : i32 to index
    %swap3A_1666 = arith.constant 48 : index
    %swap3A_1667 = tpu.vector_load %arg9[%swap3A_1664, %swap3A_1665, %swap3A_1666] {strides = array<i32>} : memref<2x8x64xf32, #tpu.memory_space<vmem>>, vector<16xf32>,
    tpu.vector_store %arg9[%swap3A_1664, %swap3A_1665, %swap3A_1666], %add3A_1661 {strides = array<i32>} : memref<2x8x64xf32, #tpu.memory_space<vmem>>, vector<16xf32>,
    %add3A_1668 = arith.constant 248 : i32
    %add3A_1669 = arith.addi %mul3A_2, %add3A_1668 : i32
    %dma_start3A_1670 = arith.constant 1 : i32
    %dma_start3A_1671 = arith.constant 0 : i32
    %dma_start3A_1672 = arith.constant 0 : i32
    %dma_start3A_1673 = tpu.memref_slice %arg9[%dma_start3A_1670, %dma_start3A_1671, %dma_start3A_1672] : memref<2x8x64xf32, #tpu.memory_space<vmem>> -> memref<1x8x64xf32, #tpu.memory_space<vmem>>
    %dma_start3A_1674 = tpu.memref_squeeze %dma_start3A_1673 : memref<1x8x64xf32, #tpu.memory_space<vmem>> -> memref<8x64xf32, #tpu.memory_space<vmem>>
    %dma_start3A_1675 = arith.constant 0 : i32
    %dma_start3A_1676 = tpu.memref_slice %arg5[%add3A_1669, %dma_start3A_1675] : memref<8192x64xf32, #tpu.memory_space<hbm>> -> memref<8x64xf32, #tpu.memory_space<hbm>>
    %dma_start3A_1677 = arith.constant 0 : i32
    %dma_start3A_1678 = tpu.memref_slice %arg5[%add3A_1669, %dma_start3A_1677] : memref<8192x64xf32, #tpu.memory_space<hbm>> -> memref<8x64xf32, #tpu.memory_space<hbm>>
    %dma_start3A_1679 = arith.constant 0 : i32
    %dma_start3A_1680 = arith.constant 0 : i32
    %dma_start3A_1681 = tpu.memref_slice %arg9[%dma_start3A_1670, %dma_start3A_1679, %dma_start3A_1680] : memref<2x8x64xf32, #tpu.memory_space<vmem>> -> memref<1x8x64xf32, #tpu.memory_space<vmem>>
    %dma_start3A_1682 = tpu.memref_squeeze %dma_start3A_1681 : memref<1x8x64xf32, #tpu.memory_space<vmem>> -> memref<8x64xf32, #tpu.memory_space<vmem>>
    tpu.enqueue_dma source(%dma_start3A_1682 : memref<8x64xf32, #tpu.memory_space<vmem>>) target(%dma_start3A_1678 : memref<8x64xf32, #tpu.memory_space<hbm>>) target_semaphore(%arg19 : memref<!tpu.dma_semaphore, #tpu.memory_space<semaphore_mem>>)
    %dma_wait3A_1683 = arith.constant 0 : i32
    %dma_wait3A_1684 = arith.constant 0 : i32
    %dma_wait3A_1685 = arith.constant 0 : i32
    %dma_wait3A_1686 = tpu.memref_slice %arg9[%dma_wait3A_1683, %dma_wait3A_1684, %dma_wait3A_1685] : memref<2x8x64xf32, #tpu.memory_space<vmem>> -> memref<1x8x64xf32, #tpu.memory_space<vmem>>
    %dma_wait3A_1687 = tpu.memref_squeeze %dma_wait3A_1686 : memref<1x8x64xf32, #tpu.memory_space<vmem>> -> memref<8x64xf32, #tpu.memory_space<vmem>>
    %dma_wait3A_1688 = arith.constant 0 : i32
    %dma_wait3A_1689 = arith.constant 0 : i32
    %dma_wait3A_1690 = tpu.memref_slice %arg5[%dma_wait3A_1688, %dma_wait3A_1689] : memref<8192x64xf32, #tpu.memory_space<hbm>> -> memref<8x64xf32, #tpu.memory_space<hbm>>
    %dma_wait3A_1691 = arith.constant 0 : i32
    %dma_wait3A_1692 = arith.constant 0 : i32
    %dma_wait3A_1693 = tpu.memref_slice %arg5[%dma_wait3A_1691, %dma_wait3A_1692] : memref<8192x64xf32, #tpu.memory_space<hbm>> -> memref<8x64xf32, #tpu.memory_space<hbm>>
    %dma_wait3A_1694 = arith.constant 0 : i32
    %dma_wait3A_1695 = arith.constant 0 : i32
    %dma_wait3A_1696 = tpu.memref_slice %arg9[%dma_wait3A_1683, %dma_wait3A_1694, %dma_wait3A_1695] : memref<2x8x64xf32, #tpu.memory_space<vmem>> -> memref<1x8x64xf32, #tpu.memory_space<vmem>>
    %dma_wait3A_1697 = tpu.memref_squeeze %dma_wait3A_1696 : memref<1x8x64xf32, #tpu.memory_space<vmem>> -> memref<8x64xf32, #tpu.memory_space<vmem>>
    tpu.wait_dma2 semaphore(%arg18 : memref<!tpu.dma_semaphore, #tpu.memory_space<semaphore_mem>>) src(%dma_wait3A_1697 : memref<8x64xf32, #tpu.memory_space<vmem>>) dst(%dma_wait3A_1693 : memref<8x64xf32, #tpu.memory_space<hbm>>)
    %dma_wait3A_1698 = arith.constant 1 : i32
    %dma_wait3A_1699 = arith.constant 0 : i32
    %dma_wait3A_1700 = arith.constant 0 : i32
    %dma_wait3A_1701 = tpu.memref_slice %arg9[%dma_wait3A_1698, %dma_wait3A_1699, %dma_wait3A_1700] : memref<2x8x64xf32, #tpu.memory_space<vmem>> -> memref<1x8x64xf32, #tpu.memory_space<vmem>>
    %dma_wait3A_1702 = tpu.memref_squeeze %dma_wait3A_1701 : memref<1x8x64xf32, #tpu.memory_space<vmem>> -> memref<8x64xf32, #tpu.memory_space<vmem>>
    %dma_wait3A_1703 = arith.constant 0 : i32
    %dma_wait3A_1704 = arith.constant 0 : i32
    %dma_wait3A_1705 = tpu.memref_slice %arg5[%dma_wait3A_1703, %dma_wait3A_1704] : memref<8192x64xf32, #tpu.memory_space<hbm>> -> memref<8x64xf32, #tpu.memory_space<hbm>>
    %dma_wait3A_1706 = arith.constant 0 : i32
    %dma_wait3A_1707 = arith.constant 0 : i32
    %dma_wait3A_1708 = tpu.memref_slice %arg5[%dma_wait3A_1706, %dma_wait3A_1707] : memref<8192x64xf32, #tpu.memory_space<hbm>> -> memref<8x64xf32, #tpu.memory_space<hbm>>
    %dma_wait3A_1709 = arith.constant 0 : i32
    %dma_wait3A_1710 = arith.constant 0 : i32
    %dma_wait3A_1711 = tpu.memref_slice %arg9[%dma_wait3A_1698, %dma_wait3A_1709, %dma_wait3A_1710] : memref<2x8x64xf32, #tpu.memory_space<vmem>> -> memref<1x8x64xf32, #tpu.memory_space<vmem>>
    %dma_wait3A_1712 = tpu.memref_squeeze %dma_wait3A_1711 : memref<1x8x64xf32, #tpu.memory_space<vmem>> -> memref<8x64xf32, #tpu.memory_space<vmem>>
    tpu.wait_dma2 semaphore(%arg19 : memref<!tpu.dma_semaphore, #tpu.memory_space<semaphore_mem>>) src(%dma_wait3A_1712 : memref<8x64xf32, #tpu.memory_space<vmem>>) dst(%dma_wait3A_1708 : memref<8x64xf32, #tpu.memory_space<hbm>>)
    return
  }
}

</mosaic_0001>

<sc_bundles>
// kernel: _run.3.cloned.1.call-start
scs
__scs_entry_jumppad:
0x0: {  	(pc) =	sbr.rel $0x88, $3  }
0x1: {  	(tag) =	ssettag $0x0;
	lr =	simm.s32 $0x1  }
0x2: {  	[smem:$0x3F9E] =	sst lr;
	_ =	strace $0xD0000000  }
0x3: {  	_ = 	snop  }
0x4: {  	_ = 	snop  }
0x5: {  	_ = 	snop  }
0x6: {  	_ = 	snop  }
0x7: {  	_ = 	snop  }
__scs_overlays_trampoline_lowered:
0x8: {  	[smem:$0x3FAD] =	sst s0  }
0x9: {  	[smem:$0x3FAE] =	sst s1  }
0xa: {  	[smem:$0x3FAF] =	sst s2  }
0xb: {  	[smem:$0x3FB0] =	sst s3  }
0xc: {  	[smem:$0x3FB1] =	sst s4  }
0xd: {  	[smem:$0x3FB2] =	sst s5  }
0xe: {  	[smem:$0x3FB3] =	sst s6  }
0xf: {  	[smem:$0x3FB4] =	sst s7  }
0x10: {  	[smem:$0x3FB5] =	sst s8  }
0x11: {  	[smem:$0x3FB6] =	sst s9;
	s0 =	simm.s32 @!p0 $0x0  }
0x12: {  	s1 =	sld [smem:$0x3F9C];
	s0 =	simm.s32 @p0 $0x1  }
0x13: {  	[smem:$0x3FB7] =	sst s0;
	s0 =	simm.s32 @!p1 $0x0  }
0x14: {  	s2 =	sld [smem:$0x3F9B];
	s0 =	simm.s32 @p1 $0x1  }
0x15: {  	[smem:$0x3FB8] =	sst s0;
	s0 =	simm.s32 @!p2 $0x0  }
0x16: {  	s3 =	sld [smem:$0x3FDB];
	s0 =	simm.s32 @p2 $0x1  }
0x17: {  	s4 =	simm.s32 $0x1BF5;
	[smem:$0x3FBA] =	sst s0  }
0x18: {  	s0 =	sld [smem:$0x3F9D];
	_ =	swait.ge [sflag:s4], $0x0  }
0x19: {  	s7 =	sld [smem:$0x3F9E]  }
0x1a: {  	s8 =	sadd.s32 $0xFFFFE003, lr  }
0x1b: {  	s9 =	sadd.s32 $0xFFFFFEF7, lr;
	s5 =	simm.s32 $0xFFFFFFFF;
	p2 =	slt.u32 s8, $0xFFFFF086  }
0x1c: {  	p1 =	slt.u32 s9, $0xF7A;
	s5 =	simm.s32 @!p2 $0x0  }
0x1d: {  	s5 =	simm.s32 @p1 $0x1;
	p0 =	seq.s32 s7, s2  }
0x1e: {  	s7 =	smul.u32 @!p0 $0xF7A, s2;
	p2 =	seq.s32 @!p0 s5, $0x0  }
0x1f: {  	s9 =	smul.u32 $0xF7A, s1;
	s8 =	simm.s32 @!p0 $0x1BF5;
	p2 =	por !p2, p0  }
0x20: {  	[sflag:s8] =	ssyncset.s32 @!p0 $0xFFFFF086;
	s6 =	sadd.s32 @!p0 s3, s7;
	s7 =	simm.s32 @!p0 $0x108  }
0x21: {  	s3 =	sadd.s32 s3, s9;
	s6 =	sadd.s32 @!p0 $0x88, s6;
	s7 =	simm.s32 @p2 $0x1082  }
0x22: {  	[simem:s7], [sflag:s8] =	dma.local @!p0 [hbm:s6], $0xF7A  }
0x23: {  	s9 =	sor.u32 $0xD0000000, s2;
	s6 =	simm.s32 $0x108;
	_ =	swait.ge @!p0 [sflag:s8], $0x0  }
0x24: {  	s3 =	sadd.s32 $0x88, s3;
	s6 =	simm.s32 @!p1 $0x1082;
	[sflag:s4] =	ssyncset.s32 $0xFFFFF086  }
0x25: {  	[simem:s6], [sflag:s4] =	dma.local [hbm:s3], $0xF7A  }
0x26: {  	[smem:$0x3F9E] =	sst s1;
	(tag) =	ssettag s2;
	_ =	strace s9  }
0x27: {  	s1 =	sld [smem:$0x3FAE]  }
0x28: {  	s2 =	sld [smem:$0x3FAF]  }
0x29: {  	s4 =	sld [smem:$0x3FB1]  }
0x2a: {  	p0 =	seq.s32 s5, $0x0;
	s5 =	sld [smem:$0x3FB2]  }
0x2b: {  	s6 =	sld [smem:$0x3FB3]  }
0x2c: {  	s7 =	sld [smem:$0x3FB4]  }
0x2d: {  	s3 =	simm.s32 $0x108;
	s8 =	sld [smem:$0x3FB5]  }
0x2e: {  	s3 =	simm.s32 @!p0 $0x1082;
	s9 =	sld [smem:$0x3FB6]  }
0x2f: {  	lr =	sadd.s32 s0, s3;
	s0 =	sld [smem:$0x3FAD]  }
0x30: {  	s3 =	sld [smem:$0x3FB0]  }
0x31: {  	[smem:$0x3FB9] =	sst s10  }
0x32: {  	s10 =	sld [smem:$0x3FB7];
	_ =	sdelay $0x3  }
0x33: {  	p0 =	seq.s32 s10, $0x1;
	s10 =	sld [smem:$0x3FB9];
	_ =	sdelay $0x3  }
0x34: {  	[smem:$0x3FB9] =	sst s10  }
0x35: {  	s10 =	sld [smem:$0x3FB8];
	_ =	sdelay $0x3  }
0x36: {  	p1 =	seq.s32 s10, $0x1;
	s10 =	sld [smem:$0x3FB9];
	_ =	sdelay $0x3  }
0x37: {  	[smem:$0x3FB9] =	sst s10  }
0x38: {  	s10 =	sld [smem:$0x3FBA]  }
0x39: {  	_ = 	snop;
	(pc) =	sbr.ind lr, $3  }
0x3a: {  	_ = 	snop  }
0x3b: {  	_ = 	snop  }
0x3c: {  	p2 =	seq.s32 s10, $0x1;
	s10 =	sld [smem:$0x3FB9]  }
0x3d: {  	_ =	shalt  }
0x3e: {  	_ =	shalt  }
0x3f: {  	_ =	shalt  }
0x40: {  	_ =	shalt  }
0x41: {  	_ =	shalt  }
0x42: {  	_ =	shalt  }
0x43: {  	_ =	shalt  }
0x44: {  	_ =	shalt  }
0x45: {  	_ =	shalt  }
0x46: {  	_ =	shalt  }
0x47: {  	_ =	shalt  }
0x48: {  	_ =	shalt  }
0x49: {  	_ =	shalt  }
0x4a: {  	_ =	shalt  }
0x4b: {  	_ =	shalt  }
0x4c: {  	_ =	shalt  }
0x4d: {  	_ =	shalt  }
0x4e: {  	_ =	shalt  }
0x4f: {  	_ =	shalt  }
0x50: {  	_ =	shalt  }
0x51: {  	_ =	shalt  }
0x52: {  	_ =	shalt  }
0x53: {  	_ =	shalt  }
0x54: {  	_ =	shalt  }
0x55: {  	_ =	shalt  }
0x56: {  	_ =	shalt  }
0x57: {  	_ =	shalt  }
0x58: {  	_ =	shalt  }
0x59: {  	_ =	shalt  }
0x5a: {  	_ =	shalt  }
0x5b: {  	_ =	shalt  }
0x5c: {  	_ =	shalt  }
0x5d: {  	_ =	shalt  }
0x5e: {  	_ =	shalt  }
0x5f: {  	_ =	shalt  }
0x60: {  	_ =	shalt  }
0x61: {  	_ =	shalt  }
0x62: {  	_ =	shalt  }
0x63: {  	_ =	shalt  }
0x64: {  	_ =	shalt  }
0x65: {  	_ =	shalt  }
0x66: {  	_ =	shalt  }
0x67: {  	_ =	shalt  }
0x68: {  	_ =	shalt  }
0x69: {  	_ =	shalt  }
0x6a: {  	_ =	shalt  }
0x6b: {  	_ =	shalt  }
0x6c: {  	_ =	shalt  }
0x6d: {  	_ =	shalt  }
0x6e: {  	_ =	shalt  }
0x6f: {  	_ =	shalt  }
0x70: {  	_ =	shalt  }
0x71: {  	_ =	shalt  }
0x72: {  	_ =	shalt  }
0x73: {  	_ =	shalt  }
0x74: {  	_ =	shalt  }
0x75: {  	_ =	shalt  }
0x76: {  	_ =	shalt  }
0x77: {  	_ =	shalt  }
0x78: {  	_ =	shalt  }
0x79: {  	_ =	shalt  }
0x7a: {  	_ =	shalt  }
0x7b: {  	_ =	shalt  }
0x7c: {  	_ =	shalt  }
0x7d: {  	_ =	shalt  }
0x7e: {  	_ =	shalt  }
0x7f: {  	_ =	shalt  }
0x80: {  	_ =	shalt  }
0x81: {  	_ =	shalt  }
0x82: {  	_ =	shalt  }
0x83: {  	_ =	shalt  }
0x84: {  	_ =	shalt  }
0x85: {  	_ =	shalt  }
0x86: {  	_ =	shalt  }
0x87: {  	_ =	shalt  }
.Lfunc_end0:
.L_simem_size_0:
called_computation_lowered:
.L_overlay_start_0:
0x88: {  	s2 =	sld [smem:$0x3FD9]  }
0x89: {  	s3 =	sld [smem:$0x3FFE];
	_ =	sdelay $0x1  }
0x8a: {  	s1 =	srdreg.scid  }
0x8b: {  	s0 =	sand.u32 $0x1, s1  }
0x8c: {  	s17 =	sshll.u32 s0, $0xA;
	s2 =	sadd.s32 s3, s2  }
0x8d: {  	s2 =	sadd.s32 s2, s17  }
0x8e: {  	[smem:$0x3FC5] =	sst s2  }
0x8f: {  	_ = 	snop  }
0x90: {  	s2 =	sld [smem:$0x3FC9]  }
0x91: {  	s18 =	sld [smem:$0x3FC8]  }
0x92: {  	s4 =	sld [smem:$0x3FD0];
	(tm) =	ssettm $0x1  }
0x93: {  	s5 =	sld [smem:$0x3FFB];
	_ =	sdelay $0x3  }
0x94: {  	_ =	strace s5  }
0x95: {  	s5 =	sld [smem:$0x3FFC];
	_ =	sdelay $0x3  }
0x96: {  	_ =	strace s5  }
0x97: {  	s5 =	sld [smem:$0x3FFD];
	_ =	sdelay $0x3  }
0x98: {  	_ =	strace s5  }
0x99: {  	_ =	strace $0x8FFFFFFF  }
0x9a: {  	s19 =	sld [smem:$0x3FDB];
	_ =	sdelay $0x1  }
0x9b: {  	s6 =	simm.s32 $_scs_section_size  }
0x9c: {  	s7 =	simm.s32 $_size__tile_overlayer_lowered;
	s8 =	simm.s32 $_tile_overlayer_lowered  }
0x9d: {  	s22 =	simm.s32 $0x1BFF;
	s21 =	sshll.u32 s8, $0x1;
	s5 =	sadd.s32 s6, s19  }
0x9e: {  	s9 =	simm.s32 $0x0;
	s20 =	sshll.u32 s7, $0x1;
	s7 =	sadd.s32 s21, s5  }
0x9f: {  	[timem:s9], [sflag:s22] =	dma.local [hbm:s7], s20  }
0xa0: {  	_ =	swait.ge [sflag:s22], s20  }
0xa1: {  	s6 =	ssub.s32 $0x0, s20;
	[sflag:s22] =	ssyncset.done $0x0  }
0xa2: {  	[sflag:s22] =	ssyncadd.s32 s6;
	_ =	sdelay $0x1  }
0xa3: {  	s23 =	simm.s32 $0x1B8B  }
0xa4: {  	_ =	swait.ge [sflag:s23], $0x1  }
0xa5: {  	[sflag:s23] =	ssyncset.done $0x0  }
0xa6: {  	s25 =	simm.s32 $0x1B8E;
	s24 =	sld [smem:$0x3FFE];
	[sflag:s23] =	ssyncadd.s32 $0xFFFFFFFF  }
0xa7: {  	s26 =	simm.s32 $execute0_lowered;
	[smem:$0x3FD2] =	sst s25  }
0xa8: {  	s7 =	sshll.u32 s26, $0x1;
	_ =	strace $0x80000046;
	[dreg:$0x1] =	wrdreg $0xFFFFFFFF  }
0xa9: {  	s28 =	simm.s32 $_size_execute0_lowered;
	s5 =	sadd.s32 s5, s7;
	[dreg:$0x0] =	wrdreg $0x0  }
0xaa: {  	s7 =	sshll.u32 s28, $0x1;
	[dreg:$0x2] =	wrdreg s5  }
0xab: {  	[dreg:$0x3] =	wrdreg s7  }
0xac: {  	[dreg:$0x4] =	wrdreg $0xC0  }
0xad: {  	_ =	task [dreg:s9], $0x5FFFF  }
0xae: {  	[dreg:$0x1] =	wrdreg $0xFFFFFFFF  }
0xaf: {  	[dreg:$0x0] =	wrdreg $0x60  }
0xb0: {  	[dreg:$0x2] =	wrdreg s2  }
0xb1: {  	[dreg:$0x3] =	wrdreg s18  }
0xb2: {  	[dreg:$0x4] =	wrdreg s4  }
0xb3: {  	[dreg:$0x5] =	wrdreg s24  }
0xb4: {  	[dreg:$0x6] =	wrdreg $0x9  }
0xb5: {  	_ =	task.clear_ibuf [dreg:s9], $0x7FFFF;
	_ =	strace $0x90000046  }
0xb6: {  	s29 =	simm.s32 $0x9;
	_ =	strace $0x80000048  }
0xb7: {  	_ =	swait.ge [sflag:s29], $0x1  }
0xb8: {  	[sflag:s29] =	ssyncadd.s32 $0xFFFFFFFF  }
0xb9: {  	_ =	strace $0x90000048  }
0xba: {  	_ =	sfence  }
0xbb: {  	s30 =	sld [smem:$0x0];
	_ =	sdelay $0x2  }
0xbc: {  	s31 =	sshll.u32 s1, $0xD;
	s1 =	sshrl.u32 s1, $0x2  }
0xbd: {  	s3 =	sand.u32 $0x4000, s31;
	s1 =	sadd.s32 s1, s30  }
0xbe: {  	s0 =	sor.u32 s3, s0;
	s1 =	sshll.u32 s1, $0x11  }
0xbf: {  	s0 =	sor.u32 s1, s0  }
0xc0: {  	s0 =	sadd.s32 $0x8F2B, s0  }
0xc1: {  	[sflag:s0] =	ssyncadd.remote.s32 $0x1  }
0xc2: {  	_ =	sfence.sel $0xFFFF  }
0xc3: {  	[dreg:$0x0] =	wrdreg $0xFFFFFFFF;
	(pc) =	sbr.abs _section_cstart, $3  }
0xc4: {  	[dreg:$0x1] =	wrdreg $0xFFFFFFFF  }
0xc5: {  	_ =	task.clear_ibuf [dreg:s9], $0x2FFFF;
	_ =	strace $0x9FFFFFFF  }
0xc6: {  	(tm) =	ssettm $0x7FFFFFFF  }
0xc7: {  	_ =	shalt  }
tec
execute0_lowered:
.L_overlay_start_1:
0x0: {  	(tag) =	ssettag $0x1  }
0x1: {  	s0 =	rddreg [dreg:$0x0]  }
0x2: {  	s1 =	rddreg [dreg:$0x1]  }
0x3: {  	s2 =	rddreg [dreg:$0x2]  }
0x4: {  	s4 =	rddreg [dreg:$0x3];
	s5 =	srdreg.scid  }
0x5: {  	s3 =	simm.s32 $0x0;
	s10 =	stileid.u32;
	s11 =	simm.s32 $0x400  }
0x6: {  	s12 =	simm.s32 $0x7A1400;
	s13 =	simm.s32 $0x180;
	s14 =	simm.s32 $0x2180  }
0x7: {  	s15 =	simm.s32 $0x4180;
	s16 =	simm.s32 $0x6180;
	s17 =	simm.s32 $0x8180  }
0x8: {  	s18 =	simm.s32 $0xA180;
	s28 =	simm.s32 $0x7;
	s29 =	simm.s32 $0x8  }
0x9: {  	v0 =	vlaneseq.u32;
	s30 =	simm.s32 $0x18180;
	s31 =	simm.s32 $0x18580;
	s5 =	sand.u32 $0x1, s5  }
0xa: {  	[smem:$0x7FF] =	sst s3;
	s6 =	sshll.u32 s10, $0x9;
	s4 =	sadd.s32 $0x400, s4;
	v0 =	vmul.u32 $0x80, v0  }
0xb: {  	s24 =	sshll.u32 s10, $0xD;
	s10 =	simm.s32 $0x0;
	s7 =	sshll.u32 s5, $0x8  }
0xc: {  	_ =	strace $0x80000047;
	s8 =	ssub.s32 $0x2, s5;
	s6 =	sor.u32 s7, s6;
	v1 =	vor.u32 $0x800, v0  }
0xd: {  	s26 =	sshll.u32 s5, $0xC;
	s19 =	sshrl.u32 s8, $0x1;
	v2 =	vor.u32 $0x1000, v0;
	v3 =	vor.u32 $0x1800, v0;
	v4 =	vor.u32 $0x2000, v0;
	s9 =	sshll.u32 s6, $0x4  }
0xe: {  	v5 =	vor.u32 $0x2800, v0;
	v6 =	vor.u32 $0x3000, v0;
	v7 =	vor.u32 $0x3800, v0;
	s7 =	ssub.s32 s8, s19;
	s6 =	sshrl.u32 s6, $0x3;
	s19 =	simm.s32 $0xC180  }
0xf: {  	v8 =	vor.u32 $0x4000, v0;
	v9 =	vor.u32 $0x4800, v0;
	v10 =	vor.u32 $0x5000, v0;
	s20 =	sand.u32 $0x7000, s9;
	s0 =	sadd.s32 s0, s6;
	s22 =	sadd.s32 s9, s4  }
0x10: {  	v11 =	vor.u32 $0x5800, v0;
	v12 =	vor.u32 $0x6000, v0;
	v13 =	vor.u32 $0x6800, v0;
	s25 =	smax.u32 s7, $0x1;
	[dreg:$0x6] =	wrdreg s0;
	s21 =	sadd.s32 s2, s20  }
0x11: {  	v14 =	vor.u32 $0x7000, v0;
	v15 =	vor.u32 $0x7800, v0;
	v16 =	vor.u32 $0x8000, v0;
	s23 =	sadd.s32 $0xF00, s22;
	s0 =	sadd.s32 $0xF80, s22;
	[dreg:$0xa] =	wrdreg s25  }
0x12: {  	v17 =	vor.u32 $0x8800, v0;
	v18 =	vor.u32 $0x9000, v0;
	v19 =	vor.u32 $0x9800, v0;
	s20 =	simm.s32 $0xE180;
	s22 =	simm.s32 $0x2;
	[dreg:$0x7] =	wrdreg s21  }
0x13: {  	v20 =	vor.u32 $0xA000, v0;
	v21 =	vor.u32 $0xA800, v0;
	v22 =	vor.u32 $0xB000, v0;
	s25 =	simm.s32 $0x5;
	s2 =	simm.s32 $0xA;
	[dreg:$0x8] =	wrdreg s23  }
0x14: {  	v23 =	vor.u32 $0xB800, v0;
	v24 =	vor.u32 $0xC000, v0;
	v25 =	vor.u32 $0xC800, v0;
	[dreg:$0x9] =	wrdreg s0;
	s0 =	sadd.s32 s24, s4;
	s21 =	simm.s32 $0x1  }
0x15: {  	v26 =	vor.u32 $0xD000, v0;
	v27 =	vor.u32 $0xD800, v0;
	v28 =	vor.u32 $0xE000, v0;
	s23 =	simm.s32 $0x3;
	s24 =	simm.s32 $0x4;
	s0 =	sadd.s32 s26, s0  }
0x16: {  	v29 =	vor.u32 $0xE800, v0;
	v30 =	vor.u32 $0xF000, v0;
	v31 =	vor.u32 $0xF800, v0;
	s26 =	simm.s32 $0x6;
	[dreg:$0x5] =	wrdreg s0;
	s0 =	simm.s32 $0x9  }
.LBB2_1:
0x17: {  	s4 =	rddreg [dreg:$0x6];
	s5 =	simm.s32 $0xB  }
0x18: {  	[tilespmem:s3], [sflag:$0xB] =	stream.linear.gather [hbm4b:s4+s3], $0x100, $0x38;
	[tilespmem:$0x18980] =	vst v63  }
0x19: {  	_ =	swait.ge [sflag:s5], $0x100  }
0x1a: {  	[sflag:s5] =	ssyncset.done $0x0  }
0x1b: {  	s6 =	simm.s32 $0x10180;
	s9 =	rddreg [dreg:$0x7];
	[sflag:s5] =	ssyncadd.s32 $0xFFFFFF00  }
0x1c: {  	[tilespmem:s6], [sflag:$0xB] =	stream.linear.gather [hbm4b:s9+s3], $0x8000, $0x38;
	[tilespmem:$0x18980] =	vst v63  }
0x1d: {  	_ =	swait.ge [sflag:s5], $0x8000  }
0x1e: {  	[sflag:s5] =	ssyncset.done $0x0  }
0x1f: {  	[sflag:s5] =	ssyncadd.s32 $0xFFFF8000  }
0x20: {  	v32 =	vld [tilespmem:$0x0];
	_ =	sdelay $0x4  }
0x21: {  	(v2sf) =	vpush v32, $0x0  }
0x22: {  	(v2sf) =	vpush v32, $0x1;
	_ =	sdelay $0x1  }
0x23: {  	(v2sf) =	vpush v32, $0x2;
	_ =	sdelay $0x4  }
0x24: {  	(v2sf) =	vpush v32, $0x3  }
0x25: {  	(v2sf) =	vpush v32, $0x4;
	_ =	sdelay $0x5  }
0x26: {  	s6 =	spop (v2sf);
	(v2sf) =	vpush v32, $0x5  }
0x27: {  	s7 =	spop (v2sf);
	(v2sf) =	vpush v32, $0x6  }
0x28: {  	s4 =	sand.u32 $0xFFFFF80, s6  }
0x29: {  	s4 =	sadd.s32 s1, s4;
	s8 =	spop (v2sf)  }
0x2a: {  	(v2sf) =	vpush v32, $0x7;
	[tilespmem:s13], [sflag:$0x1] =	stream.strided.gather [hbm4b:s4+s11], $0x2000, s12, s11, $0x38;
	[tilespmem:$0x18980] =	vst v63  }
0x2b: {  	s4 =	sand.u32 $0xFFFFF80, s7  }
0x2c: {  	s4 =	sadd.s32 s1, s4  }
0x2d: {  	[tilespmem:s14], [sflag:$0x2] =	stream.strided.gather [hbm4b:s4+s11], $0x2000, s12, s11, $0x38;
	[tilespmem:$0x18980] =	vst v63  }
0x2e: {  	s9 =	spop (v2sf);
	s4 =	sand.u32 $0xFFFFF80, s8  }
0x2f: {  	s6 =	sand.u32 $0xFFFFF80, s9;
	s7 =	spop (v2sf);
	s4 =	sadd.s32 s1, s4  }
0x30: {  	[tilespmem:s15], [sflag:$0x3] =	stream.strided.gather [hbm4b:s4+s11], $0x2000, s12, s11, $0x38;
	[tilespmem:$0x18980] =	vst v63  }
0x31: {  	s8 =	sand.u32 $0xFFFFF80, s7;
	s4 =	sadd.s32 s1, s6  }
0x32: {  	[tilespmem:s16], [sflag:$0x4] =	stream.strided.gather [hbm4b:s4+s11], $0x2000, s12, s11, $0x38;
	[tilespmem:$0x18980] =	vst v63  }
0x33: {  	s4 =	sadd.s32 s1, s8  }
0x34: {  	[tilespmem:s17], [sflag:$0x5] =	stream.strided.gather [hbm4b:s4+s11], $0x2000, s12, s11, $0x38;
	[tilespmem:$0x18980] =	vst v63  }
0x35: {  	s9 =	spop (v2sf)  }
0x36: {  	s6 =	sand.u32 $0xFFFFF80, s9;
	s7 =	spop (v2sf)  }
0x37: {  	s4 =	sadd.s32 s1, s6;
	s8 =	sand.u32 $0xFFFFF80, s7  }
0x38: {  	[tilespmem:s18], [sflag:$0x6] =	stream.strided.gather [hbm4b:s4+s11], $0x2000, s12, s11, $0x38;
	[tilespmem:$0x18980] =	vst v63  }
0x39: {  	s9 =	spop (v2sf);
	s4 =	sadd.s32 s1, s8  }
0x3a: {  	[tilespmem:s19], [sflag:$0x7] =	stream.strided.gather [hbm4b:s4+s11], $0x2000, s12, s11, $0x38;
	[tilespmem:$0x18980] =	vst v63  }
0x3b: {  	s4 =	sand.u32 $0xFFFFF80, s9  }
0x3c: {  	s4 =	sadd.s32 s1, s4  }
0x3d: {  	[tilespmem:s20], [sflag:$0x8] =	stream.strided.gather [hbm4b:s4+s11], $0x2000, s12, s11, $0x38;
	[tilespmem:$0x18980] =	vst v63  }
0x3e: {  	s5 =	simm.s32 $0x8;
	s6 =	simm.s32 $0x0;
	s4 =	simm.s32 $0x10580  }
.LBB2_2:
0x3f: {  	p0 =	seq.s32 s6, $0x0  }
0x40: {  	s7 =	simm.s32 @!p0 $0x9  }
0x41: {  	_ =	swait.ge @!p0 [sflag:s7], $0x400  }
0x42: {  	[sflag:s7] =	ssyncset.done @!p0 $0x0  }
0x43: {  	[sflag:s7] =	ssyncadd.s32 @!p0 $0xFFFFFC00  }
0x44: {  	v33 =	vld [tilespmem:s5+$0xFFFFFFF8];
	_ =	sdelay $0x4  }
0x45: {  	(v2sf) =	vpush v33, $0x0;
	_ =	sdelay $0xe  }
0x46: {  	s8 =	spop (v2sf)  }
0x47: {  	s7 =	sand.u32 $0x7F, s8  }
0x48: {  	v34 =	vor.u32 s7, v0  }
0x49: {  	v32 =	vld [tilespmem:s5+$0x0];
	_ =	swait.ge [sflag:s21], $0x2000  }
0x4a: {  	[sflag:s21] =	ssyncset.done $0x0  }
0x4b: {  	[sflag:s21] =	ssyncadd.s32 $0xFFFFE000  }
0x4c: {  	v35 =	vld [tilespmem:s4+$0xFFFFFC00]  }
0x4d: {  	v34 =	vld.idx.msk [tilespmem:v34+s13+$0x0], $0xffff;
	_ =	sdelay $0x2  }
0x4e: {  	v36 =	vor.u32 s7, v1;
	_ =	sdelay $0x1  }
0x4f: {  	v34 =	vadd.f32 v35, v34;
	_ =	sdelay $0x1  }
0x50: {  	[tilespmem:$0x18180] =	vst v34  }
0x51: {  	v34 =	vld.idx.msk [tilespmem:v36+s13+$0x0], $0xffff  }
0x52: {  	v62 =	vld [tilespmem:s4+$0xFFFFFC10];
	_ =	sdelay $0x2  }
0x53: {  	v63 =	vor.u32 s7, v2;
	_ =	sdelay $0x1  }
0x54: {  	v34 =	vadd.f32 v62, v34;
	_ =	sdelay $0x1  }
0x55: {  	(v2sf) =	vpush v32, $0x0;
	[tilespmem:$0x18190] =	vst v34  }
0x56: {  	(v2sf) =	vpush v33, $0x1;
	v34 =	vld.idx.msk [tilespmem:v63+s13+$0x0], $0xffff  }
0x57: {  	v40 =	vld [tilespmem:s4+$0xFFFFFC20];
	_ =	sdelay $0x2  }
0x58: {  	v41 =	vor.u32 s7, v3;
	_ =	sdelay $0x1  }
0x59: {  	v34 =	vadd.f32 v40, v34;
	_ =	sdelay $0x1  }
0x5a: {  	[tilespmem:$0x181A0] =	vst v34  }
0x5b: {  	v34 =	vld.idx.msk [tilespmem:v41+s13+$0x0], $0xffff  }
0x5c: {  	v42 =	vld [tilespmem:s4+$0xFFFFFC30];
	_ =	sdelay $0x3  }
0x5d: {  	s9 =	spop (v2sf)  }
0x5e: {  	s8 =	spop (v2sf);
	v34 =	vadd.f32 v42, v34  }
0x5f: {  	s7 =	sand.u32 $0xFFFFF80, s9;
	s8 =	sand.u32 $0x7F, s8  }
0x60: {  	s7 =	sadd.s32 s1, s7;
	v43 =	vor.u32 s8, v4;
	[tilespmem:$0x181B0] =	vst v34  }
0x61: {  	[tilespmem:s13], [sflag:$0x1] =	stream.strided.gather [hbm4b:s7+s11], $0x2000, s12, s11, $0x38;
	[tilespmem:$0x18980] =	vst v63  }
0x62: {  	_ =	swait.ge [sflag:s22], $0x2000  }
0x63: {  	[sflag:s22] =	ssyncset.done $0x0  }
0x64: {  	[sflag:s22] =	ssyncadd.s32 $0xFFFFE000  }
0x65: {  	v34 =	vld.idx.msk [tilespmem:v43+s13+$0x0], $0xffff  }
0x66: {  	v44 =	vld [tilespmem:s4+$0xFFFFFC80];
	_ =	sdelay $0x2  }
0x67: {  	v45 =	vor.u32 s8, v5;
	_ =	sdelay $0x1  }
0x68: {  	v34 =	vadd.f32 v44, v34;
	_ =	sdelay $0x1  }
0x69: {  	[tilespmem:$0x18200] =	vst v34  }
0x6a: {  	v34 =	vld.idx.msk [tilespmem:v45+s13+$0x0], $0xffff  }
0x6b: {  	v46 =	vld [tilespmem:s4+$0xFFFFFC90];
	_ =	sdelay $0x2  }
0x6c: {  	v47 =	vor.u32 s8, v6;
	_ =	sdelay $0x1  }
0x6d: {  	v34 =	vadd.f32 v46, v34;
	_ =	sdelay $0x1  }
0x6e: {  	(v2sf) =	vpush v32, $0x1;
	[tilespmem:$0x18210] =	vst v34  }
0x6f: {  	(v2sf) =	vpush v33, $0x2;
	v34 =	vld.idx.msk [tilespmem:v47+s13+$0x0], $0xffff  }
0x70: {  	v48 =	vld [tilespmem:s4+$0xFFFFFCA0];
	_ =	sdelay $0x2  }
0x71: {  	v49 =	vor.u32 s8, v7;
	_ =	sdelay $0x1  }
0x72: {  	v34 =	vadd.f32 v48, v34;
	_ =	sdelay $0x1  }
0x73: {  	[tilespmem:$0x18220] =	vst v34  }
0x74: {  	v34 =	vld.idx.msk [tilespmem:v49+s13+$0x0], $0xffff  }
0x75: {  	v50 =	vld [tilespmem:s4+$0xFFFFFCB0];
	_ =	sdelay $0x3  }
0x76: {  	s8 =	spop (v2sf)  }
0x77: {  	s9 =	spop (v2sf);
	v34 =	vadd.f32 v50, v34  }
0x78: {  	s7 =	sand.u32 $0xFFFFF80, s8;
	s8 =	sand.u32 $0x7F, s9  }
0x79: {  	s7 =	sadd.s32 s1, s7;
	v51 =	vor.u32 s8, v8;
	[tilespmem:$0x18230] =	vst v34  }
0x7a: {  	[tilespmem:s14], [sflag:$0x2] =	stream.strided.gather [hbm4b:s7+s11], $0x2000, s12, s11, $0x38;
	[tilespmem:$0x18980] =	vst v63  }
0x7b: {  	_ =	swait.ge [sflag:s23], $0x2000  }
0x7c: {  	[sflag:s23] =	ssyncset.done $0x0  }
0x7d: {  	[sflag:s23] =	ssyncadd.s32 $0xFFFFE000  }
0x7e: {  	v34 =	vld.idx.msk [tilespmem:v51+s13+$0x0], $0xffff  }
0x7f: {  	v52 =	vld [tilespmem:s4+$0xFFFFFD00];
	_ =	sdelay $0x2  }
0x80: {  	v53 =	vor.u32 s8, v9;
	_ =	sdelay $0x1  }
0x81: {  	v34 =	vadd.f32 v52, v34;
	_ =	sdelay $0x1  }
0x82: {  	[tilespmem:$0x18280] =	vst v34  }
0x83: {  	v34 =	vld.idx.msk [tilespmem:v53+s13+$0x0], $0xffff  }
0x84: {  	v54 =	vld [tilespmem:s4+$0xFFFFFD10];
	_ =	sdelay $0x2  }
0x85: {  	v55 =	vor.u32 s8, v10;
	_ =	sdelay $0x1  }
0x86: {  	v34 =	vadd.f32 v54, v34;
	_ =	sdelay $0x1  }
0x87: {  	(v2sf) =	vpush v32, $0x2;
	[tilespmem:$0x18290] =	vst v34  }
0x88: {  	(v2sf) =	vpush v33, $0x3;
	v34 =	vld.idx.msk [tilespmem:v55+s13+$0x0], $0xffff  }
0x89: {  	v56 =	vld [tilespmem:s4+$0xFFFFFD20];
	_ =	sdelay $0x2  }
0x8a: {  	v57 =	vor.u32 s8, v11;
	_ =	sdelay $0x1  }
0x8b: {  	v34 =	vadd.f32 v56, v34;
	_ =	sdelay $0x1  }
0x8c: {  	[tilespmem:$0x182A0] =	vst v34  }
0x8d: {  	v34 =	vld.idx.msk [tilespmem:v57+s13+$0x0], $0xffff  }
0x8e: {  	v58 =	vld [tilespmem:s4+$0xFFFFFD30];
	_ =	sdelay $0x3  }
0x8f: {  	s8 =	spop (v2sf)  }
0x90: {  	s9 =	spop (v2sf);
	v34 =	vadd.f32 v58, v34  }
0x91: {  	s7 =	sand.u32 $0xFFFFF80, s8;
	s8 =	sand.u32 $0x7F, s9  }
0x92: {  	s7 =	sadd.s32 s1, s7;
	v59 =	vor.u32 s8, v12;
	[tilespmem:$0x182B0] =	vst v34  }
0x93: {  	[tilespmem:s15], [sflag:$0x3] =	stream.strided.gather [hbm4b:s7+s11], $0x2000, s12, s11, $0x38;
	[tilespmem:$0x18980] =	vst v63  }
0x94: {  	_ =	swait.ge [sflag:s24], $0x2000  }
0x95: {  	[sflag:s24] =	ssyncset.done $0x0  }
0x96: {  	[sflag:s24] =	ssyncadd.s32 $0xFFFFE000  }
0x97: {  	v34 =	vld.idx.msk [tilespmem:v59+s13+$0x0], $0xffff  }
0x98: {  	v60 =	vld [tilespmem:s4+$0xFFFFFD80];
	_ =	sdelay $0x2  }
0x99: {  	v61 =	vor.u32 s8, v13;
	_ =	sdelay $0x1  }
0x9a: {  	v34 =	vadd.f32 v60, v34;
	_ =	sdelay $0x1  }
0x9b: {  	[tilespmem:$0x18300] =	vst v34  }
0x9c: {  	v34 =	vld.idx.msk [tilespmem:v61+s13+$0x0], $0xffff  }
0x9d: {  	v62 =	vld [tilespmem:s4+$0xFFFFFD90];
	_ =	sdelay $0x2  }
0x9e: {  	v63 =	vor.u32 s8, v14;
	_ =	sdelay $0x1  }
0x9f: {  	v34 =	vadd.f32 v62, v34;
	_ =	sdelay $0x1  }
0xa0: {  	(v2sf) =	vpush v32, $0x3;
	[tilespmem:$0x18310] =	vst v34  }
0xa1: {  	(v2sf) =	vpush v33, $0x4;
	v34 =	vld.idx.msk [tilespmem:v63+s13+$0x0], $0xffff  }
0xa2: {  	v40 =	vld [tilespmem:s4+$0xFFFFFDA0];
	_ =	sdelay $0x2  }
0xa3: {  	v41 =	vor.u32 s8, v15;
	_ =	sdelay $0x1  }
0xa4: {  	v34 =	vadd.f32 v40, v34;
	_ =	sdelay $0x1  }
0xa5: {  	[tilespmem:$0x18320] =	vst v34  }
0xa6: {  	v34 =	vld.idx.msk [tilespmem:v41+s13+$0x0], $0xffff  }
0xa7: {  	v42 =	vld [tilespmem:s4+$0xFFFFFDB0];
	_ =	sdelay $0x3  }
0xa8: {  	s8 =	spop (v2sf)  }
0xa9: {  	s9 =	spop (v2sf);
	v34 =	vadd.f32 v42, v34  }
0xaa: {  	s7 =	sand.u32 $0xFFFFF80, s8;
	s8 =	sand.u32 $0x7F, s9  }
0xab: {  	s7 =	sadd.s32 s1, s7;
	v43 =	vor.u32 s8, v16;
	[tilespmem:$0x18330] =	vst v34  }
0xac: {  	[tilespmem:s16], [sflag:$0x4] =	stream.strided.gather [hbm4b:s7+s11], $0x2000, s12, s11, $0x38;
	[tilespmem:$0x18980] =	vst v63  }
0xad: {  	_ =	swait.ge [sflag:s25], $0x2000  }
0xae: {  	[sflag:s25] =	ssyncset.done $0x0  }
0xaf: {  	[sflag:s25] =	ssyncadd.s32 $0xFFFFE000  }
0xb0: {  	v34 =	vld.idx.msk [tilespmem:v43+s13+$0x0], $0xffff  }
0xb1: {  	v44 =	vld [tilespmem:s4+$0xFFFFFE00];
	_ =	sdelay $0x2  }
0xb2: {  	v45 =	vor.u32 s8, v17;
	_ =	sdelay $0x1  }
0xb3: {  	v34 =	vadd.f32 v44, v34;
	_ =	sdelay $0x1  }
0xb4: {  	[tilespmem:$0x18380] =	vst v34  }
0xb5: {  	v34 =	vld.idx.msk [tilespmem:v45+s13+$0x0], $0xffff  }
0xb6: {  	v46 =	vld [tilespmem:s4+$0xFFFFFE10];
	_ =	sdelay $0x2  }
0xb7: {  	v47 =	vor.u32 s8, v18;
	_ =	sdelay $0x1  }
0xb8: {  	v34 =	vadd.f32 v46, v34;
	_ =	sdelay $0x1  }
0xb9: {  	(v2sf) =	vpush v32, $0x4;
	[tilespmem:$0x18390] =	vst v34  }
0xba: {  	(v2sf) =	vpush v33, $0x5;
	v34 =	vld.idx.msk [tilespmem:v47+s13+$0x0], $0xffff  }
0xbb: {  	v48 =	vld [tilespmem:s4+$0xFFFFFE20];
	_ =	sdelay $0x2  }
0xbc: {  	v49 =	vor.u32 s8, v19;
	_ =	sdelay $0x1  }
0xbd: {  	v34 =	vadd.f32 v48, v34;
	_ =	sdelay $0x1  }
0xbe: {  	[tilespmem:$0x183A0] =	vst v34  }
0xbf: {  	v34 =	vld.idx.msk [tilespmem:v49+s13+$0x0], $0xffff  }
0xc0: {  	v50 =	vld [tilespmem:s4+$0xFFFFFE30];
	_ =	sdelay $0x3  }
0xc1: {  	s8 =	spop (v2sf)  }
0xc2: {  	s9 =	spop (v2sf);
	v34 =	vadd.f32 v50, v34  }
0xc3: {  	s7 =	sand.u32 $0xFFFFF80, s8;
	s8 =	sand.u32 $0x7F, s9  }
0xc4: {  	s7 =	sadd.s32 s1, s7;
	v51 =	vor.u32 s8, v20;
	[tilespmem:$0x183B0] =	vst v34  }
0xc5: {  	[tilespmem:s17], [sflag:$0x5] =	stream.strided.gather [hbm4b:s7+s11], $0x2000, s12, s11, $0x38;
	[tilespmem:$0x18980] =	vst v63  }
0xc6: {  	_ =	swait.ge [sflag:s26], $0x2000  }
0xc7: {  	[sflag:s26] =	ssyncset.done $0x0  }
0xc8: {  	[sflag:s26] =	ssyncadd.s32 $0xFFFFE000  }
0xc9: {  	v34 =	vld.idx.msk [tilespmem:v51+s13+$0x0], $0xffff  }
0xca: {  	v52 =	vld [tilespmem:s4+$0xFFFFFE80];
	_ =	sdelay $0x2  }
0xcb: {  	v53 =	vor.u32 s8, v21;
	_ =	sdelay $0x1  }
0xcc: {  	v34 =	vadd.f32 v52, v34;
	_ =	sdelay $0x1  }
0xcd: {  	[tilespmem:$0x18400] =	vst v34  }
0xce: {  	v34 =	vld.idx.msk [tilespmem:v53+s13+$0x0], $0xffff  }
0xcf: {  	v54 =	vld [tilespmem:s4+$0xFFFFFE90];
	_ =	sdelay $0x2  }
0xd0: {  	v55 =	vor.u32 s8, v22;
	_ =	sdelay $0x1  }
0xd1: {  	v34 =	vadd.f32 v54, v34;
	_ =	sdelay $0x1  }
0xd2: {  	(v2sf) =	vpush v32, $0x5;
	[tilespmem:$0x18410] =	vst v34  }
0xd3: {  	(v2sf) =	vpush v33, $0x6;
	v34 =	vld.idx.msk [tilespmem:v55+s13+$0x0], $0xffff  }
0xd4: {  	v56 =	vld [tilespmem:s4+$0xFFFFFEA0];
	_ =	sdelay $0x2  }
0xd5: {  	v57 =	vor.u32 s8, v23;
	_ =	sdelay $0x1  }
0xd6: {  	v34 =	vadd.f32 v56, v34;
	_ =	sdelay $0x1  }
0xd7: {  	[tilespmem:$0x18420] =	vst v34  }
0xd8: {  	v34 =	vld.idx.msk [tilespmem:v57+s13+$0x0], $0xffff  }
0xd9: {  	v58 =	vld [tilespmem:s4+$0xFFFFFEB0];
	_ =	sdelay $0x3  }
0xda: {  	s8 =	spop (v2sf)  }
0xdb: {  	s9 =	spop (v2sf);
	v34 =	vadd.f32 v58, v34  }
0xdc: {  	s7 =	sand.u32 $0xFFFFF80, s8;
	s8 =	sand.u32 $0x7F, s9  }
0xdd: {  	s7 =	sadd.s32 s1, s7;
	v59 =	vor.u32 s8, v24;
	[tilespmem:$0x18430] =	vst v34  }
0xde: {  	[tilespmem:s18], [sflag:$0x6] =	stream.strided.gather [hbm4b:s7+s11], $0x2000, s12, s11, $0x38;
	[tilespmem:$0x18980] =	vst v63  }
0xdf: {  	_ =	swait.ge [sflag:s28], $0x2000  }
0xe0: {  	[sflag:s28] =	ssyncset.done $0x0  }
0xe1: {  	[sflag:s28] =	ssyncadd.s32 $0xFFFFE000  }
0xe2: {  	v34 =	vld.idx.msk [tilespmem:v59+s13+$0x0], $0xffff  }
0xe3: {  	v60 =	vld [tilespmem:s4+$0xFFFFFF00];
	_ =	sdelay $0x2  }
0xe4: {  	v61 =	vor.u32 s8, v25;
	_ =	sdelay $0x1  }
0xe5: {  	v34 =	vadd.f32 v60, v34;
	_ =	sdelay $0x1  }
0xe6: {  	[tilespmem:$0x18480] =	vst v34  }
0xe7: {  	v34 =	vld.idx.msk [tilespmem:v61+s13+$0x0], $0xffff  }
0xe8: {  	v62 =	vld [tilespmem:s4+$0xFFFFFF10];
	_ =	sdelay $0x2  }
0xe9: {  	v63 =	vor.u32 s8, v26;
	_ =	sdelay $0x1  }
0xea: {  	v34 =	vadd.f32 v62, v34;
	_ =	sdelay $0x1  }
0xeb: {  	(v2sf) =	vpush v32, $0x6;
	[tilespmem:$0x18490] =	vst v34  }
0xec: {  	(v2sf) =	vpush v33, $0x7;
	v34 =	vld.idx.msk [tilespmem:v63+s13+$0x0], $0xffff  }
0xed: {  	v38 =	vld [tilespmem:s4+$0xFFFFFF20];
	_ =	sdelay $0x2  }
0xee: {  	v39 =	vor.u32 s8, v27;
	_ =	sdelay $0x1  }
0xef: {  	v33 =	vadd.f32 v38, v34;
	_ =	sdelay $0x1  }
0xf0: {  	[tilespmem:$0x184A0] =	vst v33  }
0xf1: {  	v33 =	vld.idx.msk [tilespmem:v39+s13+$0x0], $0xffff  }
0xf2: {  	v40 =	vld [tilespmem:s4+$0xFFFFFF30];
	_ =	sdelay $0x3  }
0xf3: {  	s8 =	spop (v2sf)  }
0xf4: {  	s9 =	spop (v2sf);
	v33 =	vadd.f32 v40, v33  }
0xf5: {  	s7 =	sand.u32 $0xFFFFF80, s8;
	s8 =	sand.u32 $0x7F, s9  }
0xf6: {  	s7 =	sadd.s32 s1, s7;
	v41 =	vor.u32 s8, v28;
	[tilespmem:$0x184B0] =	vst v33  }
0xf7: {  	[tilespmem:s19], [sflag:$0x7] =	stream.strided.gather [hbm4b:s7+s11], $0x2000, s12, s11, $0x38;
	[tilespmem:$0x18980] =	vst v63  }
0xf8: {  	_ =	swait.ge [sflag:s29], $0x2000  }
0xf9: {  	[sflag:s29] =	ssyncset.done $0x0  }
0xfa: {  	[sflag:s29] =	ssyncadd.s32 $0xFFFFE000  }
0xfb: {  	v33 =	vld.idx.msk [tilespmem:v41+s13+$0x0], $0xffff  }
0xfc: {  	v42 =	vld [tilespmem:s4+$0xFFFFFF80];
	_ =	sdelay $0x2  }
0xfd: {  	v43 =	vor.u32 s8, v29;
	_ =	sdelay $0x1  }
0xfe: {  	v33 =	vadd.f32 v42, v33;
	_ =	sdelay $0x1  }
0xff: {  	[tilespmem:$0x18500] =	vst v33  }
0x100: {  	v33 =	vld.idx.msk [tilespmem:v43+s13+$0x0], $0xffff  }
0x101: {  	v44 =	vld [tilespmem:s4+$0xFFFFFF90];
	_ =	sdelay $0x2  }
0x102: {  	v45 =	vor.u32 s8, v30;
	_ =	sdelay $0x1  }
0x103: {  	v33 =	vadd.f32 v44, v33;
	_ =	sdelay $0x1  }
0x104: {  	[tilespmem:$0x18510] =	vst v33  }
0x105: {  	(v2sf) =	vpush v32, $0x7;
	v33 =	vld.idx.msk [tilespmem:v45+s13+$0x0], $0xffff  }
0x106: {  	v46 =	vld [tilespmem:s4+$0xFFFFFFA0];
	_ =	sdelay $0x2  }
0x107: {  	v47 =	vor.u32 s8, v31;
	_ =	sdelay $0x1  }
0x108: {  	v32 =	vadd.f32 v46, v33;
	_ =	sdelay $0x1  }
0x109: {  	[tilespmem:$0x18520] =	vst v32  }
0x10a: {  	v32 =	vld.idx.msk [tilespmem:v47+s13+$0x0], $0xffff  }
0x10b: {  	v48 =	vld [tilespmem:s4+$0xFFFFFFB0];
	_ =	sdelay $0x4  }
0x10c: {  	s8 =	spop (v2sf);
	v32 =	vadd.f32 v48, v32  }
0x10d: {  	s7 =	sand.u32 $0xFFFFF80, s8  }
0x10e: {  	s9 =	rddreg [dreg:$0x5];
	s7 =	sadd.s32 s1, s7;
	[tilespmem:$0x18530] =	vst v32  }
0x10f: {  	[tilespmem:s20], [sflag:$0x8] =	stream.strided.gather [hbm4b:s7+s11], $0x2000, s12, s11, $0x38;
	[tilespmem:$0x18980] =	vst v63  }
0x110: {  	s8 =	simm.s32 @!p0 $0xA;
	s7 =	sadd.s32 s6, s9  }
0x111: {  	[hbm4b:s7+s3] =	stream.linear.scatter [tilespmem:s30], [sflag:$0x9], $0x400, $0x38;
	[tilespmem:$0x18980] =	vst v63  }
0x112: {  	_ =	swait.ge @!p0 [sflag:s8], $0x400  }
0x113: {  	[sflag:s8] =	ssyncset.done @!p0 $0x0  }
0x114: {  	[sflag:s8] =	ssyncadd.s32 @!p0 $0xFFFFFC00  }
0x115: {  	v33 =	vld [tilespmem:s5+$0x0];
	_ =	sdelay $0x4  }
0x116: {  	(v2sf) =	vpush v33, $0x0;
	_ =	sdelay $0xe  }
0x117: {  	s9 =	spop (v2sf)  }
0x118: {  	s8 =	sand.u32 $0x7F, s9  }
0x119: {  	v49 =	vor.u32 s8, v0  }
0x11a: {  	v32 =	vld [tilespmem:s5+$0x8];
	_ =	swait.ge [sflag:s21], $0x2000  }
0x11b: {  	[sflag:s21] =	ssyncset.done $0x0  }
0x11c: {  	[sflag:s21] =	ssyncadd.s32 $0xFFFFE000  }
0x11d: {  	v50 =	vld [tilespmem:s4+$0x0]  }
0x11e: {  	v34 =	vld.idx.msk [tilespmem:v49+s13+$0x0], $0xffff;
	_ =	sdelay $0x2  }
0x11f: {  	v51 =	vor.u32 s8, v1;
	_ =	sdelay $0x1  }
0x120: {  	v34 =	vadd.f32 v50, v34;
	_ =	sdelay $0x1  }
0x121: {  	[tilespmem:$0x18580] =	vst v34  }
0x122: {  	v34 =	vld.idx.msk [tilespmem:v51+s13+$0x0], $0xffff  }
0x123: {  	v52 =	vld [tilespmem:s4+$0x10];
	_ =	sdelay $0x2  }
0x124: {  	v53 =	vor.u32 s8, v2;
	_ =	sdelay $0x1  }
0x125: {  	v34 =	vadd.f32 v52, v34;
	_ =	sdelay $0x1  }
0x126: {  	(v2sf) =	vpush v32, $0x0;
	[tilespmem:$0x18590] =	vst v34  }
0x127: {  	(v2sf) =	vpush v33, $0x1;
	v34 =	vld.idx.msk [tilespmem:v53+s13+$0x0], $0xffff  }
0x128: {  	v54 =	vld [tilespmem:s4+$0x20];
	_ =	sdelay $0x2  }
0x129: {  	v55 =	vor.u32 s8, v3;
	_ =	sdelay $0x1  }
0x12a: {  	v34 =	vadd.f32 v54, v34;
	_ =	sdelay $0x1  }
0x12b: {  	[tilespmem:$0x185A0] =	vst v34  }
0x12c: {  	v34 =	vld.idx.msk [tilespmem:v55+s13+$0x0], $0xffff  }
0x12d: {  	v56 =	vld [tilespmem:s4+$0x30];
	_ =	sdelay $0x3  }
0x12e: {  	s8 =	spop (v2sf)  }
0x12f: {  	s9 =	spop (v2sf);
	v34 =	vadd.f32 v56, v34  }
0x130: {  	s8 =	sand.u32 $0xFFFFF80, s8;
	s9 =	sand.u32 $0x7F, s9  }
0x131: {  	s8 =	sadd.s32 s1, s8;
	v57 =	vor.u32 s9, v4;
	[tilespmem:$0x185B0] =	vst v34  }
0x132: {  	[tilespmem:s13], [sflag:$0x1] =	stream.strided.gather [hbm4b:s8+s11], $0x2000, s12, s11, $0x38;
	[tilespmem:$0x18980] =	vst v63  }
0x133: {  	_ =	swait.ge [sflag:s22], $0x2000  }
0x134: {  	[sflag:s22] =	ssyncset.done $0x0  }
0x135: {  	[sflag:s22] =	ssyncadd.s32 $0xFFFFE000  }
0x136: {  	v34 =	vld.idx.msk [tilespmem:v57+s13+$0x0], $0xffff  }
0x137: {  	v58 =	vld [tilespmem:s4+$0x80];
	_ =	sdelay $0x2  }
0x138: {  	v59 =	vor.u32 s9, v5;
	_ =	sdelay $0x1  }
0x139: {  	v34 =	vadd.f32 v58, v34;
	_ =	sdelay $0x1  }
0x13a: {  	[tilespmem:$0x18600] =	vst v34  }
0x13b: {  	v34 =	vld.idx.msk [tilespmem:v59+s13+$0x0], $0xffff  }
0x13c: {  	v60 =	vld [tilespmem:s4+$0x90];
	_ =	sdelay $0x2  }
0x13d: {  	v61 =	vor.u32 s9, v6;
	_ =	sdelay $0x1  }
0x13e: {  	v34 =	vadd.f32 v60, v34;
	_ =	sdelay $0x1  }
0x13f: {  	(v2sf) =	vpush v32, $0x1;
	[tilespmem:$0x18610] =	vst v34  }
0x140: {  	(v2sf) =	vpush v33, $0x2;
	v34 =	vld.idx.msk [tilespmem:v61+s13+$0x0], $0xffff  }
0x141: {  	v62 =	vld [tilespmem:s4+$0xA0];
	_ =	sdelay $0x2  }
0x142: {  	v63 =	vor.u32 s9, v7;
	_ =	sdelay $0x1  }
0x143: {  	v34 =	vadd.f32 v62, v34;
	_ =	sdelay $0x1  }
0x144: {  	[tilespmem:$0x18620] =	vst v34  }
0x145: {  	v34 =	vld.idx.msk [tilespmem:v63+s13+$0x0], $0xffff  }
0x146: {  	v40 =	vld [tilespmem:s4+$0xB0];
	_ =	sdelay $0x3  }
0x147: {  	s8 =	spop (v2sf)  }
0x148: {  	s9 =	spop (v2sf);
	v34 =	vadd.f32 v40, v34  }
0x149: {  	s8 =	sand.u32 $0xFFFFF80, s8;
	s9 =	sand.u32 $0x7F, s9  }
0x14a: {  	s8 =	sadd.s32 s1, s8;
	v41 =	vor.u32 s9, v8;
	[tilespmem:$0x18630] =	vst v34  }
0x14b: {  	[tilespmem:s14], [sflag:$0x2] =	stream.strided.gather [hbm4b:s8+s11], $0x2000, s12, s11, $0x38;
	[tilespmem:$0x18980] =	vst v63  }
0x14c: {  	_ =	swait.ge [sflag:s23], $0x2000  }
0x14d: {  	[sflag:s23] =	ssyncset.done $0x0  }
0x14e: {  	[sflag:s23] =	ssyncadd.s32 $0xFFFFE000  }
0x14f: {  	v34 =	vld.idx.msk [tilespmem:v41+s13+$0x0], $0xffff  }
0x150: {  	v42 =	vld [tilespmem:s4+$0x100];
	_ =	sdelay $0x2  }
0x151: {  	v43 =	vor.u32 s9, v9;
	_ =	sdelay $0x1  }
0x152: {  	v34 =	vadd.f32 v42, v34;
	_ =	sdelay $0x1  }
0x153: {  	[tilespmem:$0x18680] =	vst v34  }
0x154: {  	v34 =	vld.idx.msk [tilespmem:v43+s13+$0x0], $0xffff  }
0x155: {  	v44 =	vld [tilespmem:s4+$0x110];
	_ =	sdelay $0x2  }
0x156: {  	v45 =	vor.u32 s9, v10;
	_ =	sdelay $0x1  }
0x157: {  	v34 =	vadd.f32 v44, v34;
	_ =	sdelay $0x1  }
0x158: {  	(v2sf) =	vpush v32, $0x2;
	[tilespmem:$0x18690] =	vst v34  }
0x159: {  	(v2sf) =	vpush v33, $0x3;
	v34 =	vld.idx.msk [tilespmem:v45+s13+$0x0], $0xffff  }
0x15a: {  	v46 =	vld [tilespmem:s4+$0x120];
	_ =	sdelay $0x2  }
0x15b: {  	v47 =	vor.u32 s9, v11;
	_ =	sdelay $0x1  }
0x15c: {  	v34 =	vadd.f32 v46, v34;
	_ =	sdelay $0x1  }
0x15d: {  	[tilespmem:$0x186A0] =	vst v34  }
0x15e: {  	v34 =	vld.idx.msk [tilespmem:v47+s13+$0x0], $0xffff  }
0x15f: {  	v48 =	vld [tilespmem:s4+$0x130];
	_ =	sdelay $0x3  }
0x160: {  	s8 =	spop (v2sf)  }
0x161: {  	s9 =	spop (v2sf);
	v34 =	vadd.f32 v48, v34  }
0x162: {  	s8 =	sand.u32 $0xFFFFF80, s8;
	s9 =	sand.u32 $0x7F, s9  }
0x163: {  	s8 =	sadd.s32 s1, s8;
	v49 =	vor.u32 s9, v12;
	[tilespmem:$0x186B0] =	vst v34  }
0x164: {  	[tilespmem:s15], [sflag:$0x3] =	stream.strided.gather [hbm4b:s8+s11], $0x2000, s12, s11, $0x38;
	[tilespmem:$0x18980] =	vst v63  }
0x165: {  	_ =	swait.ge [sflag:s24], $0x2000  }
0x166: {  	[sflag:s24] =	ssyncset.done $0x0  }
0x167: {  	[sflag:s24] =	ssyncadd.s32 $0xFFFFE000  }
0x168: {  	v34 =	vld.idx.msk [tilespmem:v49+s13+$0x0], $0xffff  }
0x169: {  	v50 =	vld [tilespmem:s4+$0x180];
	_ =	sdelay $0x2  }
0x16a: {  	v51 =	vor.u32 s9, v13;
	_ =	sdelay $0x1  }
0x16b: {  	v34 =	vadd.f32 v50, v34;
	_ =	sdelay $0x1  }
0x16c: {  	[tilespmem:$0x18700] =	vst v34  }
0x16d: {  	v34 =	vld.idx.msk [tilespmem:v51+s13+$0x0], $0xffff  }
0x16e: {  	v52 =	vld [tilespmem:s4+$0x190];
	_ =	sdelay $0x2  }
0x16f: {  	v53 =	vor.u32 s9, v14;
	_ =	sdelay $0x1  }
0x170: {  	v34 =	vadd.f32 v52, v34;
	_ =	sdelay $0x1  }
0x171: {  	(v2sf) =	vpush v32, $0x3;
	[tilespmem:$0x18710] =	vst v34  }
0x172: {  	(v2sf) =	vpush v33, $0x4;
	v34 =	vld.idx.msk [tilespmem:v53+s13+$0x0], $0xffff  }
0x173: {  	v54 =	vld [tilespmem:s4+$0x1A0];
	_ =	sdelay $0x2  }
0x174: {  	v55 =	vor.u32 s9, v15;
	_ =	sdelay $0x1  }
0x175: {  	v34 =	vadd.f32 v54, v34;
	_ =	sdelay $0x1  }
0x176: {  	[tilespmem:$0x18720] =	vst v34  }
0x177: {  	v34 =	vld.idx.msk [tilespmem:v55+s13+$0x0], $0xffff  }
0x178: {  	v56 =	vld [tilespmem:s4+$0x1B0];
	_ =	sdelay $0x3  }
0x179: {  	s8 =	spop (v2sf)  }
0x17a: {  	s9 =	spop (v2sf);
	v34 =	vadd.f32 v56, v34  }
0x17b: {  	s8 =	sand.u32 $0xFFFFF80, s8;
	s9 =	sand.u32 $0x7F, s9  }
0x17c: {  	s8 =	sadd.s32 s1, s8;
	v57 =	vor.u32 s9, v16;
	[tilespmem:$0x18730] =	vst v34  }
0x17d: {  	[tilespmem:s16], [sflag:$0x4] =	stream.strided.gather [hbm4b:s8+s11], $0x2000, s12, s11, $0x38;
	[tilespmem:$0x18980] =	vst v63  }
0x17e: {  	_ =	swait.ge [sflag:s25], $0x2000  }
0x17f: {  	[sflag:s25] =	ssyncset.done $0x0  }
0x180: {  	[sflag:s25] =	ssyncadd.s32 $0xFFFFE000  }
0x181: {  	v34 =	vld.idx.msk [tilespmem:v57+s13+$0x0], $0xffff  }
0x182: {  	v58 =	vld [tilespmem:s4+$0x200];
	_ =	sdelay $0x2  }
0x183: {  	v59 =	vor.u32 s9, v17;
	_ =	sdelay $0x1  }
0x184: {  	v34 =	vadd.f32 v58, v34;
	_ =	sdelay $0x1  }
0x185: {  	[tilespmem:$0x18780] =	vst v34  }
0x186: {  	v34 =	vld.idx.msk [tilespmem:v59+s13+$0x0], $0xffff  }
0x187: {  	v60 =	vld [tilespmem:s4+$0x210];
	_ =	sdelay $0x2  }
0x188: {  	v61 =	vor.u32 s9, v18;
	_ =	sdelay $0x1  }
0x189: {  	v34 =	vadd.f32 v60, v34;
	_ =	sdelay $0x1  }
0x18a: {  	(v2sf) =	vpush v32, $0x4;
	[tilespmem:$0x18790] =	vst v34  }
0x18b: {  	(v2sf) =	vpush v33, $0x5;
	v34 =	vld.idx.msk [tilespmem:v61+s13+$0x0], $0xffff  }
0x18c: {  	v62 =	vld [tilespmem:s4+$0x220];
	_ =	sdelay $0x2  }
0x18d: {  	v63 =	vor.u32 s9, v19;
	_ =	sdelay $0x1  }
0x18e: {  	v34 =	vadd.f32 v62, v34;
	_ =	sdelay $0x1  }
0x18f: {  	[tilespmem:$0x187A0] =	vst v34  }
0x190: {  	v34 =	vld.idx.msk [tilespmem:v63+s13+$0x0], $0xffff  }
0x191: {  	v39 =	vld [tilespmem:s4+$0x230];
	_ =	sdelay $0x3  }
0x192: {  	s8 =	spop (v2sf)  }
0x193: {  	s9 =	spop (v2sf);
	v34 =	vadd.f32 v39, v34  }
0x194: {  	s8 =	sand.u32 $0xFFFFF80, s8;
	s9 =	sand.u32 $0x7F, s9  }
0x195: {  	s8 =	sadd.s32 s1, s8;
	v40 =	vor.u32 s9, v20;
	[tilespmem:$0x187B0] =	vst v34  }
0x196: {  	[tilespmem:s17], [sflag:$0x5] =	stream.strided.gather [hbm4b:s8+s11], $0x2000, s12, s11, $0x38;
	[tilespmem:$0x18980] =	vst v63  }
0x197: {  	_ =	swait.ge [sflag:s26], $0x2000  }
0x198: {  	[sflag:s26] =	ssyncset.done $0x0  }
0x199: {  	[sflag:s26] =	ssyncadd.s32 $0xFFFFE000  }
0x19a: {  	v34 =	vld.idx.msk [tilespmem:v40+s13+$0x0], $0xffff  }
0x19b: {  	v41 =	vld [tilespmem:s4+$0x280];
	_ =	sdelay $0x2  }
0x19c: {  	v42 =	vor.u32 s9, v21;
	_ =	sdelay $0x1  }
0x19d: {  	v34 =	vadd.f32 v41, v34;
	_ =	sdelay $0x1  }
0x19e: {  	[tilespmem:$0x18800] =	vst v34  }
0x19f: {  	v34 =	vld.idx.msk [tilespmem:v42+s13+$0x0], $0xffff  }
0x1a0: {  	v43 =	vld [tilespmem:s4+$0x290];
	_ =	sdelay $0x2  }
0x1a1: {  	v44 =	vor.u32 s9, v22;
	_ =	sdelay $0x1  }
0x1a2: {  	v34 =	vadd.f32 v43, v34;
	_ =	sdelay $0x1  }
0x1a3: {  	(v2sf) =	vpush v32, $0x5;
	[tilespmem:$0x18810] =	vst v34  }
0x1a4: {  	(v2sf) =	vpush v33, $0x6;
	v34 =	vld.idx.msk [tilespmem:v44+s13+$0x0], $0xffff  }
0x1a5: {  	v45 =	vld [tilespmem:s4+$0x2A0];
	_ =	sdelay $0x2  }
0x1a6: {  	v46 =	vor.u32 s9, v23;
	_ =	sdelay $0x1  }
0x1a7: {  	v34 =	vadd.f32 v45, v34;
	_ =	sdelay $0x1  }
0x1a8: {  	[tilespmem:$0x18820] =	vst v34  }
0x1a9: {  	v34 =	vld.idx.msk [tilespmem:v46+s13+$0x0], $0xffff  }
0x1aa: {  	v47 =	vld [tilespmem:s4+$0x2B0];
	_ =	sdelay $0x3  }
0x1ab: {  	s8 =	spop (v2sf)  }
0x1ac: {  	s9 =	spop (v2sf);
	v34 =	vadd.f32 v47, v34  }
0x1ad: {  	s8 =	sand.u32 $0xFFFFF80, s8;
	s9 =	sand.u32 $0x7F, s9  }
0x1ae: {  	s8 =	sadd.s32 s1, s8;
	v48 =	vor.u32 s9, v24;
	[tilespmem:$0x18830] =	vst v34  }
0x1af: {  	[tilespmem:s18], [sflag:$0x6] =	stream.strided.gather [hbm4b:s8+s11], $0x2000, s12, s11, $0x38;
	[tilespmem:$0x18980] =	vst v63  }
0x1b0: {  	_ =	swait.ge [sflag:s28], $0x2000  }
0x1b1: {  	[sflag:s28] =	ssyncset.done $0x0  }
0x1b2: {  	[sflag:s28] =	ssyncadd.s32 $0xFFFFE000  }
0x1b3: {  	v34 =	vld.idx.msk [tilespmem:v48+s13+$0x0], $0xffff  }
0x1b4: {  	v49 =	vld [tilespmem:s4+$0x300];
	_ =	sdelay $0x2  }
0x1b5: {  	v50 =	vor.u32 s9, v25;
	_ =	sdelay $0x1  }
0x1b6: {  	v34 =	vadd.f32 v49, v34;
	_ =	sdelay $0x1  }
0x1b7: {  	[tilespmem:$0x18880] =	vst v34  }
0x1b8: {  	v34 =	vld.idx.msk [tilespmem:v50+s13+$0x0], $0xffff  }
0x1b9: {  	v51 =	vld [tilespmem:s4+$0x310];
	_ =	sdelay $0x2  }
0x1ba: {  	v52 =	vor.u32 s9, v26;
	_ =	sdelay $0x1  }
0x1bb: {  	v34 =	vadd.f32 v51, v34;
	_ =	sdelay $0x1  }
0x1bc: {  	(v2sf) =	vpush v32, $0x6;
	[tilespmem:$0x18890] =	vst v34  }
0x1bd: {  	(v2sf) =	vpush v33, $0x7;
	v34 =	vld.idx.msk [tilespmem:v52+s13+$0x0], $0xffff  }
0x1be: {  	v53 =	vld [tilespmem:s4+$0x320];
	_ =	sdelay $0x2  }
0x1bf: {  	v54 =	vor.u32 s9, v27;
	_ =	sdelay $0x1  }
0x1c0: {  	v33 =	vadd.f32 v53, v34;
	_ =	sdelay $0x1  }
0x1c1: {  	[tilespmem:$0x188A0] =	vst v33  }
0x1c2: {  	v33 =	vld.idx.msk [tilespmem:v54+s13+$0x0], $0xffff  }
0x1c3: {  	v55 =	vld [tilespmem:s4+$0x330];
	_ =	sdelay $0x3  }
0x1c4: {  	s8 =	spop (v2sf)  }
0x1c5: {  	s9 =	spop (v2sf);
	v33 =	vadd.f32 v55, v33  }
0x1c6: {  	s8 =	sand.u32 $0xFFFFF80, s8;
	s9 =	sand.u32 $0x7F, s9  }
0x1c7: {  	s8 =	sadd.s32 s1, s8;
	v56 =	vor.u32 s9, v28;
	[tilespmem:$0x188B0] =	vst v33  }
0x1c8: {  	[tilespmem:s19], [sflag:$0x7] =	stream.strided.gather [hbm4b:s8+s11], $0x2000, s12, s11, $0x38;
	[tilespmem:$0x18980] =	vst v63  }
0x1c9: {  	_ =	swait.ge [sflag:s29], $0x2000  }
0x1ca: {  	[sflag:s29] =	ssyncset.done $0x0  }
0x1cb: {  	[sflag:s29] =	ssyncadd.s32 $0xFFFFE000  }
0x1cc: {  	v33 =	vld.idx.msk [tilespmem:v56+s13+$0x0], $0xffff  }
0x1cd: {  	v57 =	vld [tilespmem:s4+$0x380];
	_ =	sdelay $0x2  }
0x1ce: {  	v58 =	vor.u32 s9, v29;
	_ =	sdelay $0x1  }
0x1cf: {  	v33 =	vadd.f32 v57, v33;
	_ =	sdelay $0x1  }
0x1d0: {  	[tilespmem:$0x18900] =	vst v33  }
0x1d1: {  	v33 =	vld.idx.msk [tilespmem:v58+s13+$0x0], $0xffff  }
0x1d2: {  	v59 =	vld [tilespmem:s4+$0x390];
	_ =	sdelay $0x2  }
0x1d3: {  	v60 =	vor.u32 s9, v30;
	_ =	sdelay $0x1  }
0x1d4: {  	v33 =	vadd.f32 v59, v33;
	_ =	sdelay $0x1  }
0x1d5: {  	[tilespmem:$0x18910] =	vst v33  }
0x1d6: {  	(v2sf) =	vpush v32, $0x7;
	v33 =	vld.idx.msk [tilespmem:v60+s13+$0x0], $0xffff  }
0x1d7: {  	v61 =	vld [tilespmem:s4+$0x3A0];
	_ =	sdelay $0x2  }
0x1d8: {  	v62 =	vor.u32 s9, v31;
	_ =	sdelay $0x1  }
0x1d9: {  	v32 =	vadd.f32 v61, v33;
	_ =	sdelay $0x1  }
0x1da: {  	[tilespmem:$0x18920] =	vst v32  }
0x1db: {  	v32 =	vld.idx.msk [tilespmem:v62+s13+$0x0], $0xffff  }
0x1dc: {  	v63 =	vld [tilespmem:s4+$0x3B0];
	_ =	sdelay $0x3  }
0x1dd: {  	s6 =	sadd.s32 $0x100, s6  }
0x1de: {  	p0 =	sne.s32 s6, $0xF00;
	s9 =	spop (v2sf);
	v32 =	vadd.f32 v63, v32  }
.Ltmp0:
0x1df: {  	s8 =	sand.u32 $0xFFFFF80, s9;
	(pc) =	sbr.rel @p0 .LBB2_2-.Ltmp0, $4  }
0x1e0: {  	s8 =	sadd.s32 s1, s8;
	[tilespmem:$0x18930] =	vst v32  }
0x1e1: {  	[tilespmem:s20], [sflag:$0x8] =	stream.strided.gather [hbm4b:s8+s11], $0x2000, s12, s11, $0x38;
	[tilespmem:$0x18980] =	vst v63  }
0x1e2: {  	s7 =	sadd.s32 $0x80, s7;
	s5 =	sadd.s32 $0x10, s5;
	s4 =	sadd.s32 $0x800, s4  }
0x1e3: {  	[hbm4b:s7+s3] =	stream.linear.scatter [tilespmem:s31], [sflag:$0xA], $0x400, $0x38;
	[tilespmem:$0x18980] =	vst v63  }
0x1e4: {  	_ =	swait.ge [sflag:s0], $0x400  }
0x1e5: {  	[sflag:s0] =	ssyncset.done $0x0  }
0x1e6: {  	[sflag:s0] =	ssyncadd.s32 $0xFFFFFC00  }
0x1e7: {  	v33 =	vld [tilespmem:$0xF0];
	_ =	sdelay $0x4  }
0x1e8: {  	(v2sf) =	vpush v33, $0x0;
	_ =	sdelay $0xe  }
0x1e9: {  	s4 =	spop (v2sf)  }
0x1ea: {  	s4 =	sand.u32 $0x7F, s4  }
0x1eb: {  	v34 =	vor.u32 s4, v0  }
0x1ec: {  	v32 =	vld [tilespmem:$0xF8];
	_ =	swait.ge [sflag:s21], $0x2000  }
0x1ed: {  	[sflag:s21] =	ssyncset.done $0x0  }
0x1ee: {  	[sflag:s21] =	ssyncadd.s32 $0xFFFFE000  }
0x1ef: {  	v35 =	vld [tilespmem:$0x17980]  }
0x1f0: {  	v34 =	vld.idx.msk [tilespmem:v34+s13+$0x0], $0xffff;
	_ =	sdelay $0x2  }
0x1f1: {  	v36 =	vor.u32 s4, v1;
	_ =	sdelay $0x1  }
0x1f2: {  	v34 =	vadd.f32 v35, v34;
	_ =	sdelay $0x1  }
0x1f3: {  	v62 =	vld [tilespmem:$0x17990];
	[tilespmem:$0x18180] =	vst v34  }
0x1f4: {  	v34 =	vld.idx.msk [tilespmem:v36+s13+$0x0], $0xffff;
	_ =	sdelay $0x2  }
0x1f5: {  	v63 =	vor.u32 s4, v2;
	_ =	sdelay $0x1  }
0x1f6: {  	(v2sf) =	vpush v32, $0x0;
	v34 =	vadd.f32 v62, v34  }
0x1f7: {  	(v2sf) =	vpush v33, $0x1  }
0x1f8: {  	v40 =	vld [tilespmem:$0x179A0];
	[tilespmem:$0x18190] =	vst v34  }
0x1f9: {  	v34 =	vld.idx.msk [tilespmem:v63+s13+$0x0], $0xffff;
	_ =	sdelay $0x2  }
0x1fa: {  	v41 =	vor.u32 s4, v3;
	_ =	sdelay $0x1  }
0x1fb: {  	v34 =	vadd.f32 v40, v34;
	_ =	sdelay $0x1  }
0x1fc: {  	v42 =	vld [tilespmem:$0x179B0];
	[tilespmem:$0x181A0] =	vst v34  }
0x1fd: {  	v34 =	vld.idx.msk [tilespmem:v41+s13+$0x0], $0xffff;
	_ =	sdelay $0x3  }
0x1fe: {  	s7 =	spop (v2sf)  }
0x1ff: {  	s5 =	spop (v2sf);
	v34 =	vadd.f32 v42, v34  }
0x200: {  	s4 =	sand.u32 $0xFFFFF80, s7;
	s5 =	sand.u32 $0x7F, s5  }
0x201: {  	s4 =	sadd.s32 s1, s4;
	v43 =	vor.u32 s5, v4;
	[tilespmem:$0x181B0] =	vst v34  }
0x202: {  	[tilespmem:s13], [sflag:$0x1] =	stream.strided.gather [hbm4b:s4+s11], $0x2000, s12, s11, $0x38;
	[tilespmem:$0x18980] =	vst v63  }
0x203: {  	_ =	swait.ge [sflag:s22], $0x2000  }
0x204: {  	[sflag:s22] =	ssyncset.done $0x0  }
0x205: {  	[sflag:s22] =	ssyncadd.s32 $0xFFFFE000  }
0x206: {  	v34 =	vld.idx.msk [tilespmem:v43+s13+$0x0], $0xffff  }
0x207: {  	v44 =	vld [tilespmem:$0x17A00];
	_ =	sdelay $0x2  }
0x208: {  	v45 =	vor.u32 s5, v5;
	_ =	sdelay $0x1  }
0x209: {  	v34 =	vadd.f32 v44, v34;
	_ =	sdelay $0x1  }
0x20a: {  	v46 =	vld [tilespmem:$0x17A10];
	[tilespmem:$0x18200] =	vst v34  }
0x20b: {  	v34 =	vld.idx.msk [tilespmem:v45+s13+$0x0], $0xffff;
	_ =	sdelay $0x2  }
0x20c: {  	v47 =	vor.u32 s5, v6;
	_ =	sdelay $0x1  }
0x20d: {  	(v2sf) =	vpush v32, $0x1;
	v34 =	vadd.f32 v46, v34  }
0x20e: {  	(v2sf) =	vpush v33, $0x2  }
0x20f: {  	v48 =	vld [tilespmem:$0x17A20];
	[tilespmem:$0x18210] =	vst v34  }
0x210: {  	v34 =	vld.idx.msk [tilespmem:v47+s13+$0x0], $0xffff;
	_ =	sdelay $0x2  }
0x211: {  	v49 =	vor.u32 s5, v7;
	_ =	sdelay $0x1  }
0x212: {  	v34 =	vadd.f32 v48, v34;
	_ =	sdelay $0x1  }
0x213: {  	v50 =	vld [tilespmem:$0x17A30];
	[tilespmem:$0x18220] =	vst v34  }
0x214: {  	v34 =	vld.idx.msk [tilespmem:v49+s13+$0x0], $0xffff;
	_ =	sdelay $0x3  }
0x215: {  	s8 =	spop (v2sf)  }
0x216: {  	s9 =	spop (v2sf);
	v34 =	vadd.f32 v50, v34  }
0x217: {  	s4 =	sand.u32 $0xFFFFF80, s8;
	s5 =	sand.u32 $0x7F, s9  }
0x218: {  	s4 =	sadd.s32 s1, s4;
	v51 =	vor.u32 s5, v8;
	[tilespmem:$0x18230] =	vst v34  }
0x219: {  	[tilespmem:s14], [sflag:$0x2] =	stream.strided.gather [hbm4b:s4+s11], $0x2000, s12, s11, $0x38;
	[tilespmem:$0x18980] =	vst v63  }
0x21a: {  	_ =	swait.ge [sflag:s23], $0x2000  }
0x21b: {  	[sflag:s23] =	ssyncset.done $0x0  }
0x21c: {  	[sflag:s23] =	ssyncadd.s32 $0xFFFFE000  }
0x21d: {  	v34 =	vld.idx.msk [tilespmem:v51+s13+$0x0], $0xffff  }
0x21e: {  	v52 =	vld [tilespmem:$0x17A80];
	_ =	sdelay $0x2  }
0x21f: {  	v53 =	vor.u32 s5, v9;
	_ =	sdelay $0x1  }
0x220: {  	v34 =	vadd.f32 v52, v34;
	_ =	sdelay $0x1  }
0x221: {  	v54 =	vld [tilespmem:$0x17A90];
	[tilespmem:$0x18280] =	vst v34  }
0x222: {  	v34 =	vld.idx.msk [tilespmem:v53+s13+$0x0], $0xffff;
	_ =	sdelay $0x2  }
0x223: {  	v55 =	vor.u32 s5, v10;
	_ =	sdelay $0x1  }
0x224: {  	(v2sf) =	vpush v32, $0x2;
	v34 =	vadd.f32 v54, v34  }
0x225: {  	(v2sf) =	vpush v33, $0x3  }
0x226: {  	v56 =	vld [tilespmem:$0x17AA0];
	[tilespmem:$0x18290] =	vst v34  }
0x227: {  	v34 =	vld.idx.msk [tilespmem:v55+s13+$0x0], $0xffff;
	_ =	sdelay $0x2  }
0x228: {  	v57 =	vor.u32 s5, v11;
	_ =	sdelay $0x1  }
0x229: {  	v34 =	vadd.f32 v56, v34;
	_ =	sdelay $0x1  }
0x22a: {  	v58 =	vld [tilespmem:$0x17AB0];
	[tilespmem:$0x182A0] =	vst v34  }
0x22b: {  	v34 =	vld.idx.msk [tilespmem:v57+s13+$0x0], $0xffff;
	_ =	sdelay $0x3  }
0x22c: {  	s6 =	spop (v2sf)  }
0x22d: {  	s7 =	spop (v2sf);
	v34 =	vadd.f32 v58, v34  }
0x22e: {  	s4 =	sand.u32 $0xFFFFF80, s6;
	s5 =	sand.u32 $0x7F, s7  }
0x22f: {  	s4 =	sadd.s32 s1, s4;
	v59 =	vor.u32 s5, v12;
	[tilespmem:$0x182B0] =	vst v34  }
0x230: {  	[tilespmem:s15], [sflag:$0x3] =	stream.strided.gather [hbm4b:s4+s11], $0x2000, s12, s11, $0x38;
	[tilespmem:$0x18980] =	vst v63  }
0x231: {  	_ =	swait.ge [sflag:s24], $0x2000  }
0x232: {  	[sflag:s24] =	ssyncset.done $0x0  }
0x233: {  	[sflag:s24] =	ssyncadd.s32 $0xFFFFE000  }
0x234: {  	v34 =	vld.idx.msk [tilespmem:v59+s13+$0x0], $0xffff  }
0x235: {  	v60 =	vld [tilespmem:$0x17B00];
	_ =	sdelay $0x2  }
0x236: {  	v61 =	vor.u32 s5, v13;
	_ =	sdelay $0x1  }
0x237: {  	v34 =	vadd.f32 v60, v34;
	_ =	sdelay $0x1  }
0x238: {  	v62 =	vld [tilespmem:$0x17B10];
	[tilespmem:$0x18300] =	vst v34  }
0x239: {  	v34 =	vld.idx.msk [tilespmem:v61+s13+$0x0], $0xffff;
	_ =	sdelay $0x2  }
0x23a: {  	v63 =	vor.u32 s5, v14;
	_ =	sdelay $0x1  }
0x23b: {  	(v2sf) =	vpush v32, $0x3;
	v34 =	vadd.f32 v62, v34  }
0x23c: {  	(v2sf) =	vpush v33, $0x4  }
0x23d: {  	v40 =	vld [tilespmem:$0x17B20];
	[tilespmem:$0x18310] =	vst v34  }
0x23e: {  	v34 =	vld.idx.msk [tilespmem:v63+s13+$0x0], $0xffff;
	_ =	sdelay $0x2  }
0x23f: {  	v41 =	vor.u32 s5, v15;
	_ =	sdelay $0x1  }
0x240: {  	v34 =	vadd.f32 v40, v34;
	_ =	sdelay $0x1  }
0x241: {  	v42 =	vld [tilespmem:$0x17B30];
	[tilespmem:$0x18320] =	vst v34  }
0x242: {  	v34 =	vld.idx.msk [tilespmem:v41+s13+$0x0], $0xffff;
	_ =	sdelay $0x3  }
0x243: {  	s8 =	spop (v2sf)  }
0x244: {  	s9 =	spop (v2sf);
	v34 =	vadd.f32 v42, v34  }
0x245: {  	s4 =	sand.u32 $0xFFFFF80, s8;
	s5 =	sand.u32 $0x7F, s9  }
0x246: {  	s4 =	sadd.s32 s1, s4;
	v43 =	vor.u32 s5, v16;
	[tilespmem:$0x18330] =	vst v34  }
0x247: {  	[tilespmem:s16], [sflag:$0x4] =	stream.strided.gather [hbm4b:s4+s11], $0x2000, s12, s11, $0x38;
	[tilespmem:$0x18980] =	vst v63  }
0x248: {  	_ =	swait.ge [sflag:s25], $0x2000  }
0x249: {  	[sflag:s25] =	ssyncset.done $0x0  }
0x24a: {  	[sflag:s25] =	ssyncadd.s32 $0xFFFFE000  }
0x24b: {  	v34 =	vld.idx.msk [tilespmem:v43+s13+$0x0], $0xffff  }
0x24c: {  	v44 =	vld [tilespmem:$0x17B80];
	_ =	sdelay $0x2  }
0x24d: {  	v45 =	vor.u32 s5, v17;
	_ =	sdelay $0x1  }
0x24e: {  	v34 =	vadd.f32 v44, v34;
	_ =	sdelay $0x1  }
0x24f: {  	v46 =	vld [tilespmem:$0x17B90];
	[tilespmem:$0x18380] =	vst v34  }
0x250: {  	v34 =	vld.idx.msk [tilespmem:v45+s13+$0x0], $0xffff;
	_ =	sdelay $0x2  }
0x251: {  	v47 =	vor.u32 s5, v18;
	_ =	sdelay $0x1  }
0x252: {  	(v2sf) =	vpush v32, $0x4;
	v34 =	vadd.f32 v46, v34  }
0x253: {  	(v2sf) =	vpush v33, $0x5  }
0x254: {  	v48 =	vld [tilespmem:$0x17BA0];
	[tilespmem:$0x18390] =	vst v34  }
0x255: {  	v34 =	vld.idx.msk [tilespmem:v47+s13+$0x0], $0xffff;
	_ =	sdelay $0x2  }
0x256: {  	v49 =	vor.u32 s5, v19;
	_ =	sdelay $0x1  }
0x257: {  	v34 =	vadd.f32 v48, v34;
	_ =	sdelay $0x1  }
0x258: {  	v50 =	vld [tilespmem:$0x17BB0];
	[tilespmem:$0x183A0] =	vst v34  }
0x259: {  	v34 =	vld.idx.msk [tilespmem:v49+s13+$0x0], $0xffff;
	_ =	sdelay $0x3  }
0x25a: {  	s6 =	spop (v2sf)  }
0x25b: {  	s7 =	spop (v2sf);
	v34 =	vadd.f32 v50, v34  }
0x25c: {  	s4 =	sand.u32 $0xFFFFF80, s6;
	s5 =	sand.u32 $0x7F, s7  }
0x25d: {  	s4 =	sadd.s32 s1, s4;
	v51 =	vor.u32 s5, v20;
	[tilespmem:$0x183B0] =	vst v34  }
0x25e: {  	[tilespmem:s17], [sflag:$0x5] =	stream.strided.gather [hbm4b:s4+s11], $0x2000, s12, s11, $0x38;
	[tilespmem:$0x18980] =	vst v63  }
0x25f: {  	_ =	swait.ge [sflag:s26], $0x2000  }
0x260: {  	[sflag:s26] =	ssyncset.done $0x0  }
0x261: {  	[sflag:s26] =	ssyncadd.s32 $0xFFFFE000  }
0x262: {  	v34 =	vld.idx.msk [tilespmem:v51+s13+$0x0], $0xffff  }
0x263: {  	v52 =	vld [tilespmem:$0x17C00];
	_ =	sdelay $0x2  }
0x264: {  	v53 =	vor.u32 s5, v21;
	_ =	sdelay $0x1  }
0x265: {  	v34 =	vadd.f32 v52, v34;
	_ =	sdelay $0x1  }
0x266: {  	v54 =	vld [tilespmem:$0x17C10];
	[tilespmem:$0x18400] =	vst v34  }
0x267: {  	v34 =	vld.idx.msk [tilespmem:v53+s13+$0x0], $0xffff;
	_ =	sdelay $0x2  }
0x268: {  	v55 =	vor.u32 s5, v22;
	_ =	sdelay $0x1  }
0x269: {  	(v2sf) =	vpush v32, $0x5;
	v34 =	vadd.f32 v54, v34  }
0x26a: {  	(v2sf) =	vpush v33, $0x6  }
0x26b: {  	v56 =	vld [tilespmem:$0x17C20];
	[tilespmem:$0x18410] =	vst v34  }
0x26c: {  	v34 =	vld.idx.msk [tilespmem:v55+s13+$0x0], $0xffff;
	_ =	sdelay $0x2  }
0x26d: {  	v57 =	vor.u32 s5, v23;
	_ =	sdelay $0x1  }
0x26e: {  	v34 =	vadd.f32 v56, v34;
	_ =	sdelay $0x1  }
0x26f: {  	v58 =	vld [tilespmem:$0x17C30];
	[tilespmem:$0x18420] =	vst v34  }
0x270: {  	v34 =	vld.idx.msk [tilespmem:v57+s13+$0x0], $0xffff;
	_ =	sdelay $0x3  }
0x271: {  	s8 =	spop (v2sf)  }
0x272: {  	s9 =	spop (v2sf);
	v34 =	vadd.f32 v58, v34  }
0x273: {  	s4 =	sand.u32 $0xFFFFF80, s8;
	s5 =	sand.u32 $0x7F, s9  }
0x274: {  	s4 =	sadd.s32 s1, s4;
	v59 =	vor.u32 s5, v24;
	[tilespmem:$0x18430] =	vst v34  }
0x275: {  	[tilespmem:s18], [sflag:$0x6] =	stream.strided.gather [hbm4b:s4+s11], $0x2000, s12, s11, $0x38;
	[tilespmem:$0x18980] =	vst v63  }
0x276: {  	_ =	swait.ge [sflag:s28], $0x2000  }
0x277: {  	[sflag:s28] =	ssyncset.done $0x0  }
0x278: {  	[sflag:s28] =	ssyncadd.s32 $0xFFFFE000  }
0x279: {  	v34 =	vld.idx.msk [tilespmem:v59+s13+$0x0], $0xffff  }
0x27a: {  	v60 =	vld [tilespmem:$0x17C80];
	_ =	sdelay $0x2  }
0x27b: {  	v61 =	vor.u32 s5, v25;
	_ =	sdelay $0x1  }
0x27c: {  	v34 =	vadd.f32 v60, v34;
	_ =	sdelay $0x1  }
0x27d: {  	v62 =	vld [tilespmem:$0x17C90];
	[tilespmem:$0x18480] =	vst v34  }
0x27e: {  	v34 =	vld.idx.msk [tilespmem:v61+s13+$0x0], $0xffff;
	_ =	sdelay $0x2  }
0x27f: {  	v63 =	vor.u32 s5, v26;
	_ =	sdelay $0x1  }
0x280: {  	(v2sf) =	vpush v32, $0x6;
	v34 =	vadd.f32 v62, v34  }
0x281: {  	(v2sf) =	vpush v33, $0x7  }
0x282: {  	v37 =	vld [tilespmem:$0x17CA0];
	[tilespmem:$0x18490] =	vst v34  }
0x283: {  	v34 =	vld.idx.msk [tilespmem:v63+s13+$0x0], $0xffff;
	_ =	sdelay $0x2  }
0x284: {  	v38 =	vor.u32 s5, v27;
	_ =	sdelay $0x1  }
0x285: {  	v33 =	vadd.f32 v37, v34;
	_ =	sdelay $0x1  }
0x286: {  	v39 =	vld [tilespmem:$0x17CB0];
	[tilespmem:$0x184A0] =	vst v33  }
0x287: {  	v33 =	vld.idx.msk [tilespmem:v38+s13+$0x0], $0xffff;
	_ =	sdelay $0x3  }
0x288: {  	s6 =	spop (v2sf)  }
0x289: {  	s7 =	spop (v2sf);
	v33 =	vadd.f32 v39, v33  }
0x28a: {  	s4 =	sand.u32 $0xFFFFF80, s6;
	s5 =	sand.u32 $0x7F, s7  }
0x28b: {  	s4 =	sadd.s32 s1, s4;
	v40 =	vor.u32 s5, v28;
	[tilespmem:$0x184B0] =	vst v33  }
0x28c: {  	[tilespmem:s19], [sflag:$0x7] =	stream.strided.gather [hbm4b:s4+s11], $0x2000, s12, s11, $0x38;
	[tilespmem:$0x18980] =	vst v63  }
0x28d: {  	_ =	swait.ge [sflag:s29], $0x2000  }
0x28e: {  	[sflag:s29] =	ssyncset.done $0x0  }
0x28f: {  	[sflag:s29] =	ssyncadd.s32 $0xFFFFE000  }
0x290: {  	v33 =	vld.idx.msk [tilespmem:v40+s13+$0x0], $0xffff  }
0x291: {  	v41 =	vld [tilespmem:$0x17D00];
	_ =	sdelay $0x2  }
0x292: {  	v42 =	vor.u32 s5, v29;
	_ =	sdelay $0x1  }
0x293: {  	v33 =	vadd.f32 v41, v33;
	_ =	sdelay $0x1  }
0x294: {  	v43 =	vld [tilespmem:$0x17D10];
	[tilespmem:$0x18500] =	vst v33  }
0x295: {  	v33 =	vld.idx.msk [tilespmem:v42+s13+$0x0], $0xffff;
	_ =	sdelay $0x2  }
0x296: {  	v44 =	vor.u32 s5, v30;
	_ =	sdelay $0x1  }
0x297: {  	v33 =	vadd.f32 v43, v33  }
0x298: {  	(v2sf) =	vpush v32, $0x7  }
0x299: {  	v45 =	vld [tilespmem:$0x17D20];
	[tilespmem:$0x18510] =	vst v33  }
0x29a: {  	v33 =	vld.idx.msk [tilespmem:v44+s13+$0x0], $0xffff;
	_ =	sdelay $0x2  }
0x29b: {  	v46 =	vor.u32 s5, v31;
	_ =	sdelay $0x1  }
0x29c: {  	v32 =	vadd.f32 v45, v33;
	_ =	sdelay $0x1  }
0x29d: {  	v47 =	vld [tilespmem:$0x17D30];
	[tilespmem:$0x18520] =	vst v32  }
0x29e: {  	v32 =	vld.idx.msk [tilespmem:v46+s13+$0x0], $0xffff;
	_ =	sdelay $0x4  }
0x29f: {  	s8 =	spop (v2sf);
	v32 =	vadd.f32 v47, v32  }
0x2a0: {  	s4 =	sand.u32 $0xFFFFF80, s8  }
0x2a1: {  	s4 =	sadd.s32 s1, s4;
	[tilespmem:$0x18530] =	vst v32  }
0x2a2: {  	[tilespmem:s20], [sflag:$0x8] =	stream.strided.gather [hbm4b:s4+s11], $0x2000, s12, s11, $0x38;
	[tilespmem:$0x18980] =	vst v63  }
0x2a3: {  	s9 =	rddreg [dreg:$0x8]  }
0x2a4: {  	[hbm4b:s9+s3] =	stream.linear.scatter [tilespmem:s30], [sflag:$0x9], $0x400, $0x38;
	[tilespmem:$0x18980] =	vst v63  }
0x2a5: {  	v32 =	vld [tilespmem:$0xF8];
	_ =	sdelay $0x3  }
0x2a6: {  	_ =	swait.ge [sflag:s2], $0x400  }
0x2a7: {  	(v2sf) =	vpush v32, $0x0;
	_ =	sdelay $0xe  }
0x2a8: {  	s5 =	spop (v2sf)  }
0x2a9: {  	[sflag:s2] =	ssyncset.done $0x0;
	s4 =	sand.u32 $0x7F, s5  }
0x2aa: {  	[sflag:s2] =	ssyncadd.s32 $0xFFFFFC00;
	v48 =	vor.u32 s4, v0  }
0x2ab: {  	_ =	swait.ge [sflag:s21], $0x2000  }
0x2ac: {  	[sflag:s21] =	ssyncset.done $0x0  }
0x2ad: {  	[sflag:s21] =	ssyncadd.s32 $0xFFFFE000  }
0x2ae: {  	v49 =	vld [tilespmem:$0x17D80]  }
0x2af: {  	v33 =	vld.idx.msk [tilespmem:v48+s13+$0x0], $0xffff;
	_ =	sdelay $0x2  }
0x2b0: {  	v50 =	vor.u32 s4, v1;
	_ =	sdelay $0x1  }
0x2b1: {  	v33 =	vadd.f32 v49, v33;
	_ =	sdelay $0x1  }
0x2b2: {  	v51 =	vld [tilespmem:$0x17D90];
	[tilespmem:$0x18580] =	vst v33  }
0x2b3: {  	v33 =	vld.idx.msk [tilespmem:v50+s13+$0x0], $0xffff;
	_ =	sdelay $0x2  }
0x2b4: {  	v52 =	vor.u32 s4, v2;
	_ =	sdelay $0x1  }
0x2b5: {  	(v2sf) =	vpush v32, $0x1;
	v33 =	vadd.f32 v51, v33;
	_ =	sdelay $0x1  }
0x2b6: {  	v53 =	vld [tilespmem:$0x17DA0];
	[tilespmem:$0x18590] =	vst v33  }
0x2b7: {  	v33 =	vld.idx.msk [tilespmem:v52+s13+$0x0], $0xffff;
	_ =	sdelay $0x2  }
0x2b8: {  	v54 =	vor.u32 s4, v3;
	_ =	sdelay $0x1  }
0x2b9: {  	v33 =	vadd.f32 v53, v33;
	_ =	sdelay $0x1  }
0x2ba: {  	v55 =	vld [tilespmem:$0x17DB0];
	[tilespmem:$0x185A0] =	vst v33  }
0x2bb: {  	v33 =	vld.idx.msk [tilespmem:v54+s13+$0x0], $0xffff;
	_ =	sdelay $0x3  }
0x2bc: {  	s6 =	spop (v2sf)  }
0x2bd: {  	s4 =	sand.u32 $0x7F, s6;
	v33 =	vadd.f32 v55, v33  }
0x2be: {  	v56 =	vor.u32 s4, v4  }
0x2bf: {  	[tilespmem:$0x185B0] =	vst v33  }
0x2c0: {  	_ =	swait.ge [sflag:s22], $0x2000  }
0x2c1: {  	[sflag:s22] =	ssyncset.done $0x0  }
0x2c2: {  	[sflag:s22] =	ssyncadd.s32 $0xFFFFE000  }
0x2c3: {  	v57 =	vld.idx.msk [tilespmem:v56+s13+$0x0], $0xffff  }
0x2c4: {  	v58 =	vld [tilespmem:$0x17E00];
	_ =	sdelay $0x2  }
0x2c5: {  	v59 =	vor.u32 s4, v5;
	_ =	sdelay $0x1  }
0x2c6: {  	v33 =	vadd.f32 v58, v57;
	_ =	sdelay $0x1  }
0x2c7: {  	v60 =	vld [tilespmem:$0x17E10];
	[tilespmem:$0x18600] =	vst v33  }
0x2c8: {  	v33 =	vld.idx.msk [tilespmem:v59+s13+$0x0], $0xffff;
	_ =	sdelay $0x2  }
0x2c9: {  	v61 =	vor.u32 s4, v6;
	_ =	sdelay $0x1  }
0x2ca: {  	(v2sf) =	vpush v32, $0x2;
	v33 =	vadd.f32 v60, v33;
	_ =	sdelay $0x1  }
0x2cb: {  	v62 =	vld [tilespmem:$0x17E20];
	[tilespmem:$0x18610] =	vst v33  }
0x2cc: {  	v33 =	vld.idx.msk [tilespmem:v61+s13+$0x0], $0xffff;
	_ =	sdelay $0x2  }
0x2cd: {  	v63 =	vor.u32 s4, v7;
	_ =	sdelay $0x1  }
0x2ce: {  	v33 =	vadd.f32 v62, v33;
	_ =	sdelay $0x1  }
0x2cf: {  	v36 =	vld [tilespmem:$0x17E30];
	[tilespmem:$0x18620] =	vst v33  }
0x2d0: {  	v33 =	vld.idx.msk [tilespmem:v63+s13+$0x0], $0xffff;
	_ =	sdelay $0x3  }
0x2d1: {  	s7 =	spop (v2sf)  }
0x2d2: {  	s4 =	sand.u32 $0x7F, s7;
	v33 =	vadd.f32 v36, v33  }
0x2d3: {  	v37 =	vor.u32 s4, v8  }
0x2d4: {  	[tilespmem:$0x18630] =	vst v33  }
0x2d5: {  	_ =	swait.ge [sflag:s23], $0x2000  }
0x2d6: {  	[sflag:s23] =	ssyncset.done $0x0  }
0x2d7: {  	[sflag:s23] =	ssyncadd.s32 $0xFFFFE000  }
0x2d8: {  	v38 =	vld.idx.msk [tilespmem:v37+s13+$0x0], $0xffff  }
0x2d9: {  	v39 =	vld [tilespmem:$0x17E80];
	_ =	sdelay $0x2  }
0x2da: {  	v40 =	vor.u32 s4, v9;
	_ =	sdelay $0x1  }
0x2db: {  	v33 =	vadd.f32 v39, v38;
	_ =	sdelay $0x1  }
0x2dc: {  	v41 =	vld [tilespmem:$0x17E90];
	[tilespmem:$0x18680] =	vst v33  }
0x2dd: {  	v33 =	vld.idx.msk [tilespmem:v40+s13+$0x0], $0xffff;
	_ =	sdelay $0x2  }
0x2de: {  	v42 =	vor.u32 s4, v10;
	_ =	sdelay $0x1  }
0x2df: {  	(v2sf) =	vpush v32, $0x3;
	v33 =	vadd.f32 v41, v33;
	_ =	sdelay $0x1  }
0x2e0: {  	v43 =	vld [tilespmem:$0x17EA0];
	[tilespmem:$0x18690] =	vst v33  }
0x2e1: {  	v33 =	vld.idx.msk [tilespmem:v42+s13+$0x0], $0xffff;
	_ =	sdelay $0x2  }
0x2e2: {  	v44 =	vor.u32 s4, v11;
	_ =	sdelay $0x1  }
0x2e3: {  	v33 =	vadd.f32 v43, v33;
	_ =	sdelay $0x1  }
0x2e4: {  	v45 =	vld [tilespmem:$0x17EB0];
	[tilespmem:$0x186A0] =	vst v33  }
0x2e5: {  	v33 =	vld.idx.msk [tilespmem:v44+s13+$0x0], $0xffff;
	_ =	sdelay $0x3  }
0x2e6: {  	s8 =	spop (v2sf)  }
0x2e7: {  	s4 =	sand.u32 $0x7F, s8;
	v33 =	vadd.f32 v45, v33  }
0x2e8: {  	v46 =	vor.u32 s4, v12  }
0x2e9: {  	[tilespmem:$0x186B0] =	vst v33  }
0x2ea: {  	_ =	swait.ge [sflag:s24], $0x2000  }
0x2eb: {  	[sflag:s24] =	ssyncset.done $0x0  }
0x2ec: {  	[sflag:s24] =	ssyncadd.s32 $0xFFFFE000  }
0x2ed: {  	v47 =	vld.idx.msk [tilespmem:v46+s13+$0x0], $0xffff  }
0x2ee: {  	v48 =	vld [tilespmem:$0x17F00];
	_ =	sdelay $0x2  }
0x2ef: {  	v49 =	vor.u32 s4, v13;
	_ =	sdelay $0x1  }
0x2f0: {  	v33 =	vadd.f32 v48, v47;
	_ =	sdelay $0x1  }
0x2f1: {  	v50 =	vld [tilespmem:$0x17F10];
	[tilespmem:$0x18700] =	vst v33  }
0x2f2: {  	v33 =	vld.idx.msk [tilespmem:v49+s13+$0x0], $0xffff;
	_ =	sdelay $0x2  }
0x2f3: {  	v51 =	vor.u32 s4, v14;
	_ =	sdelay $0x1  }
0x2f4: {  	(v2sf) =	vpush v32, $0x4;
	v33 =	vadd.f32 v50, v33;
	_ =	sdelay $0x1  }
0x2f5: {  	v52 =	vld [tilespmem:$0x17F20];
	[tilespmem:$0x18710] =	vst v33  }
0x2f6: {  	v33 =	vld.idx.msk [tilespmem:v51+s13+$0x0], $0xffff;
	_ =	sdelay $0x2  }
0x2f7: {  	v53 =	vor.u32 s4, v15;
	_ =	sdelay $0x1  }
0x2f8: {  	v33 =	vadd.f32 v52, v33;
	_ =	sdelay $0x1  }
0x2f9: {  	v54 =	vld [tilespmem:$0x17F30];
	[tilespmem:$0x18720] =	vst v33  }
0x2fa: {  	v33 =	vld.idx.msk [tilespmem:v53+s13+$0x0], $0xffff;
	_ =	sdelay $0x3  }
0x2fb: {  	s9 =	spop (v2sf)  }
0x2fc: {  	s4 =	sand.u32 $0x7F, s9;
	v33 =	vadd.f32 v54, v33  }
0x2fd: {  	v55 =	vor.u32 s4, v16  }
0x2fe: {  	[tilespmem:$0x18730] =	vst v33  }
0x2ff: {  	_ =	swait.ge [sflag:s25], $0x2000  }
0x300: {  	[sflag:s25] =	ssyncset.done $0x0  }
0x301: {  	[sflag:s25] =	ssyncadd.s32 $0xFFFFE000  }
0x302: {  	v56 =	vld.idx.msk [tilespmem:v55+s13+$0x0], $0xffff  }
0x303: {  	v57 =	vld [tilespmem:$0x17F80];
	_ =	sdelay $0x2  }
0x304: {  	v58 =	vor.u32 s4, v17;
	_ =	sdelay $0x1  }
0x305: {  	v33 =	vadd.f32 v57, v56;
	_ =	sdelay $0x1  }
0x306: {  	v59 =	vld [tilespmem:$0x17F90];
	[tilespmem:$0x18780] =	vst v33  }
0x307: {  	v33 =	vld.idx.msk [tilespmem:v58+s13+$0x0], $0xffff;
	_ =	sdelay $0x2  }
0x308: {  	v60 =	vor.u32 s4, v18;
	_ =	sdelay $0x1  }
0x309: {  	(v2sf) =	vpush v32, $0x5;
	v33 =	vadd.f32 v59, v33;
	_ =	sdelay $0x1  }
0x30a: {  	v61 =	vld [tilespmem:$0x17FA0];
	[tilespmem:$0x18790] =	vst v33  }
0x30b: {  	v33 =	vld.idx.msk [tilespmem:v60+s13+$0x0], $0xffff;
	_ =	sdelay $0x2  }
0x30c: {  	v62 =	vor.u32 s4, v19;
	_ =	sdelay $0x1  }
0x30d: {  	v33 =	vadd.f32 v61, v33;
	_ =	sdelay $0x1  }
0x30e: {  	v63 =	vld [tilespmem:$0x17FB0];
	[tilespmem:$0x187A0] =	vst v33  }
0x30f: {  	v33 =	vld.idx.msk [tilespmem:v62+s13+$0x0], $0xffff;
	_ =	sdelay $0x3  }
0x310: {  	s5 =	spop (v2sf)  }
0x311: {  	s4 =	sand.u32 $0x7F, s5;
	v33 =	vadd.f32 v63, v33  }
0x312: {  	v36 =	vor.u32 s4, v20  }
0x313: {  	[tilespmem:$0x187B0] =	vst v33  }
0x314: {  	_ =	swait.ge [sflag:s26], $0x2000  }
0x315: {  	[sflag:s26] =	ssyncset.done $0x0  }
0x316: {  	[sflag:s26] =	ssyncadd.s32 $0xFFFFE000  }
0x317: {  	v37 =	vld.idx.msk [tilespmem:v36+s13+$0x0], $0xffff  }
0x318: {  	v38 =	vld [tilespmem:$0x18000];
	_ =	sdelay $0x2  }
0x319: {  	v39 =	vor.u32 s4, v21;
	_ =	sdelay $0x1  }
0x31a: {  	v33 =	vadd.f32 v38, v37;
	_ =	sdelay $0x1  }
0x31b: {  	v40 =	vld [tilespmem:$0x18010];
	[tilespmem:$0x18800] =	vst v33  }
0x31c: {  	v33 =	vld.idx.msk [tilespmem:v39+s13+$0x0], $0xffff;
	_ =	sdelay $0x2  }
0x31d: {  	v41 =	vor.u32 s4, v22;
	_ =	sdelay $0x1  }
0x31e: {  	(v2sf) =	vpush v32, $0x6;
	v33 =	vadd.f32 v40, v33;
	_ =	sdelay $0x1  }
0x31f: {  	v42 =	vld [tilespmem:$0x18020];
	[tilespmem:$0x18810] =	vst v33  }
0x320: {  	v33 =	vld.idx.msk [tilespmem:v41+s13+$0x0], $0xffff;
	_ =	sdelay $0x2  }
0x321: {  	v43 =	vor.u32 s4, v23;
	_ =	sdelay $0x1  }
0x322: {  	v33 =	vadd.f32 v42, v33;
	_ =	sdelay $0x1  }
0x323: {  	v44 =	vld [tilespmem:$0x18030];
	[tilespmem:$0x18820] =	vst v33  }
0x324: {  	v33 =	vld.idx.msk [tilespmem:v43+s13+$0x0], $0xffff;
	_ =	sdelay $0x3  }
0x325: {  	s6 =	spop (v2sf)  }
0x326: {  	s4 =	sand.u32 $0x7F, s6;
	v33 =	vadd.f32 v44, v33  }
0x327: {  	v45 =	vor.u32 s4, v24  }
0x328: {  	[tilespmem:$0x18830] =	vst v33  }
0x329: {  	_ =	swait.ge [sflag:s28], $0x2000  }
0x32a: {  	[sflag:s28] =	ssyncset.done $0x0  }
0x32b: {  	[sflag:s28] =	ssyncadd.s32 $0xFFFFE000  }
0x32c: {  	v46 =	vld.idx.msk [tilespmem:v45+s13+$0x0], $0xffff  }
0x32d: {  	v47 =	vld [tilespmem:$0x18080];
	_ =	sdelay $0x2  }
0x32e: {  	v48 =	vor.u32 s4, v25;
	_ =	sdelay $0x1  }
0x32f: {  	v33 =	vadd.f32 v47, v46;
	_ =	sdelay $0x1  }
0x330: {  	v49 =	vld [tilespmem:$0x18090];
	[tilespmem:$0x18880] =	vst v33  }
0x331: {  	v33 =	vld.idx.msk [tilespmem:v48+s13+$0x0], $0xffff;
	_ =	sdelay $0x2  }
0x332: {  	v50 =	vor.u32 s4, v26;
	_ =	sdelay $0x1  }
0x333: {  	(v2sf) =	vpush v32, $0x7;
	v33 =	vadd.f32 v49, v33;
	_ =	sdelay $0x1  }
0x334: {  	v52 =	vld [tilespmem:$0x180A0];
	[tilespmem:$0x18890] =	vst v33  }
0x335: {  	v51 =	vld.idx.msk [tilespmem:v50+s13+$0x0], $0xffff;
	_ =	sdelay $0x2  }
0x336: {  	v53 =	vor.u32 s4, v27;
	_ =	sdelay $0x1  }
0x337: {  	v32 =	vadd.f32 v52, v51;
	_ =	sdelay $0x1  }
0x338: {  	v54 =	vld [tilespmem:$0x180B0];
	[tilespmem:$0x188A0] =	vst v32  }
0x339: {  	v32 =	vld.idx.msk [tilespmem:v53+s13+$0x0], $0xffff;
	_ =	sdelay $0x3  }
0x33a: {  	s7 =	spop (v2sf)  }
0x33b: {  	s4 =	sand.u32 $0x7F, s7;
	v32 =	vadd.f32 v54, v32  }
0x33c: {  	v55 =	vor.u32 s4, v28  }
0x33d: {  	[tilespmem:$0x188B0] =	vst v32  }
0x33e: {  	_ =	swait.ge [sflag:s29], $0x2000  }
0x33f: {  	[sflag:s29] =	ssyncset.done $0x0  }
0x340: {  	[sflag:s29] =	ssyncadd.s32 $0xFFFFE000  }
0x341: {  	v56 =	vld.idx.msk [tilespmem:v55+s13+$0x0], $0xffff  }
0x342: {  	v57 =	vld [tilespmem:$0x18100];
	_ =	sdelay $0x2  }
0x343: {  	v58 =	vor.u32 s4, v29;
	_ =	sdelay $0x1  }
0x344: {  	v32 =	vadd.f32 v57, v56;
	_ =	sdelay $0x1  }
0x345: {  	v59 =	vld [tilespmem:$0x18110];
	[tilespmem:$0x18900] =	vst v32  }
0x346: {  	v32 =	vld.idx.msk [tilespmem:v58+s13+$0x0], $0xffff;
	_ =	sdelay $0x2  }
0x347: {  	v60 =	vor.u32 s4, v30;
	_ =	sdelay $0x1  }
0x348: {  	v32 =	vadd.f32 v59, v32;
	_ =	sdelay $0x1  }
0x349: {  	v61 =	vld [tilespmem:$0x18120];
	[tilespmem:$0x18910] =	vst v32  }
0x34a: {  	v32 =	vld.idx.msk [tilespmem:v60+s13+$0x0], $0xffff;
	_ =	sdelay $0x2  }
0x34b: {  	v62 =	vor.u32 s4, v31;
	_ =	sdelay $0x1  }
0x34c: {  	v32 =	vadd.f32 v61, v32;
	_ =	sdelay $0x1  }
0x34d: {  	v63 =	vld [tilespmem:$0x18130];
	[tilespmem:$0x18920] =	vst v32  }
0x34e: {  	v32 =	vld.idx.msk [tilespmem:v62+s13+$0x0], $0xffff;
	_ =	sdelay $0x4  }
0x34f: {  	v32 =	vadd.f32 v63, v32;
	_ =	sdelay $0x1  }
0x350: {  	s8 =	rddreg [dreg:$0x9];
	[tilespmem:$0x18930] =	vst v32  }
0x351: {  	[hbm4b:s8+s3] =	stream.linear.scatter [tilespmem:s31], [sflag:$0xA], $0x400, $0x38;
	[tilespmem:$0x18980] =	vst v63  }
0x352: {  	_ =	swait.ge [sflag:s0], $0x400  }
0x353: {  	[sflag:s0] =	ssyncset.done $0x0  }
0x354: {  	[sflag:s0] =	ssyncadd.s32 $0xFFFFFC00  }
0x355: {  	_ =	swait.ge [sflag:s2], $0x400  }
0x356: {  	s10 =	sadd.s32 $0x1, s10;
	s9 =	rddreg [dreg:$0xa]  }
0x357: {  	p0 =	sne.s32 s10, s9  }
.Ltmp1:
0x358: {  	_ = 	snop;
	(pc) =	sbr.rel @p0 .LBB2_1-.Ltmp1, $3  }
0x359: {  	_ =	sdelay $0x1  }
0x35a: {  	[sflag:s2] =	ssyncset.done $0x0  }
0x35b: {  	[sflag:s2] =	ssyncadd.s32 $0xFFFFFC00  }
0x35c: {  	_ =	sfence.sel $0x180000  }
0x35d: {  	[bflag:$0x0] =	sbarrier.arrive $0xFFFF  }
0x35e: {  	_ =	strace $0x90000047  }
0x35f: {  	s0 =	stileid.u32;
	[bflag:$0x2] =	sbarrier.arrive $0xFFFF  }
0x360: {  	p0 =	sne.s32 s0, $0x0;
	s0 =	rddreg [dreg:$0x4]  }
0x361: {  	s0 =	sadd.s32 @!p0 $0x100000, s0  }
0x362: {  	[sflag:s0] =	ssyncadd.tile.s32 @!p0 $0x1;
	_ =	shalt  }
.Lfunc_end2:
_tile_overlayer_lowered:
.L_overlay_start_2:
0x363: {  	(tag) =	ssettag $0x2  }
0x364: {  	s0 =	rddreg [dreg:$0x0];
	s2 =	stileid.u32  }
0x365: {  	s1 =	rddreg [dreg:$0x1];
	p0 =	sne.s32 s2, $0x0  }
0x366: {  	s3 =	rddreg [dreg:$0x2];
	[bflag:$0x3] =	sbarrier.arrive $0xFFFF;
	s2 =	simm.s32 @!p0 $0x1C0B  }
0x367: {  	[timem:s3], [sflag:s2] =	dma.local @!p0 [hbm:s0], s1  }
0x368: {  	s0 =	simm.s32 @!p0 $0xB  }
0x369: {  	_ =	swait.ge @!p0 [sflag:s0], s1  }
0x36a: {  	s1 =	ssub.s32 @!p0 $0x0, s1;
	[sflag:s0] =	ssyncset.done @!p0 $0x0  }
0x36b: {  	[sflag:s0] =	ssyncadd.s32 @!p0 s1  }
0x36c: {  	[bflag:$0x3] =	sbarrier.arrive $0xFFFF  }
0x36d: {  	_ =	shalt  }

</sc_bundles>
